<compile_context>
chip_gen: v7x
topology: tpu7x:2x2x1
jax: 0.10.2.dev20260603
libtpu: 0.0.44.dev20260713+nightly
codegen_flags: <defaults>
</compile_context>

<pallas_src>
import functools

import jax
import jax.numpy as jnp
from jax import lax
from jax.experimental import pallas as pl
from jax.experimental.pallas import tpu as pltpu, tpu_sc as plsc

NW = 32


def _mesh_wid():
    info = plsc.get_sparse_core_info()
    wid = lax.axis_index("s") * info.num_cores + lax.axis_index("c")
    return wid


def _transpose_call(D, V):
    NP = (V - 1) // 2
    NBLK = (V - 1) // 128
    TAIL = (V - 1) - NBLK * 128
    per_w = NBLK // NW
    extras = NBLK - per_w * NW
    n_pairs_iters = per_w // 2
    mesh = plsc.VectorSubcoreMesh(core_axis_name="c", subcore_axis_name="s")

    @functools.partial(
        pl.kernel,
        mesh=mesh,
        out_type=jax.ShapeDtypeStruct((NP, 2 * D), jnp.float32),
        compiler_params=pltpu.CompilerParams(needs_layout_passes=False),
        scratch_types=[
            pltpu.VMEM((2, D, 128), jnp.float32),
            pltpu.VMEM((2, 64, 128), jnp.float32),
            pltpu.SemaphoreType.DMA,
            pltpu.SemaphoreType.DMA,
            pltpu.SemaphoreType.DMA,
            pltpu.SemaphoreType.DMA,
        ],
    )
    def ka(tabT, tailT, I, Sg, T, r0, r1, w0, w1):
        rsem = (r0, r1)
        wsem = (w0, w1)
        wid = _mesh_wid()
        j0 = wid * per_w

        def fire_read(j, b):
            pltpu.async_copy(tabT.at[:, pl.ds(j * 128, 128)], Sg.at[b], rsem[b])

        def wait_read(b):
            pltpu.make_async_copy(
                tabT.at[:, pl.ds(0, 128)], Sg.at[b], rsem[b]
            ).wait()

        def fire_write(j, b):
            pltpu.async_copy(T.at[b], I.at[pl.ds(j * 64, 64)], wsem[b])

        def wait_write(b):
            pltpu.make_async_copy(
                T.at[b], I.at[pl.ds(0, 64)], wsem[b]
            ).wait()

        def transpose(b, npairs):
            @plsc.parallel_loop(0, npairs, 1, unroll=8)
            def _(p):
                c0 = jnp.broadcast_to(2 * p, (16,)).astype(jnp.int32)
                c1 = c0 + 1
                for g in range(8):
                    rows = lax.iota(jnp.int32, 16) + (g % 4) * 16
                    vals = plsc.load_gather(
                        Sg.at[b], [rows, c0 if g < 4 else c1]
                    )
                    T[b, p, pl.ds(g * 16, 16)] = vals

        fire_read(j0, 0)
        fire_read(j0 + 1, 1)
        for b in range(2):
            wait_read(b)
            transpose(b, 64)
            fire_write(j0 + b, b)
            fire_read(j0 + b + 2, b)

        def body(q, carry):
            for b in range(2):
                t = 2 * q + b
                wait_read(b)
                wait_write(b)
                transpose(b, 64)
                fire_write(j0 + t, b)
                fire_read(j0 + t + 2, b)
            return carry

        lax.fori_loop(1, n_pairs_iters - 1, body, 0)

        for b in range(2):
            t = per_w - 2 + b
            wait_read(b)
            wait_write(b)
            transpose(b, 64)
            fire_write(j0 + t, b)
        for b in range(2):
            wait_write(b)

        @pl.when(wid < extras)
        def _():
            j = NW * per_w + wid
            pltpu.sync_copy(tabT.at[:, pl.ds(j * 128, 128)], Sg.at[0])
            transpose(0, 64)
            pltpu.sync_copy(T.at[0], I.at[pl.ds(j * 64, 64)])

        @pl.when(wid == NW - 1)
        def _():
            pltpu.sync_copy(tailT, Sg.at[0])
            transpose(0, TAIL // 2)
            pltpu.sync_copy(
                T.at[0, pl.ds(0, TAIL // 2)],
                I.at[pl.ds(NBLK * 64, TAIL // 2)],
            )

    return ka



def _gather_call(B, D, NP):
    IDXW = 128
    rows_per_w = B // (NW * IDXW)
    K = 5
    n_chunks = rows_per_w // K
    C = K * IDXW
    mesh = plsc.VectorSubcoreMesh(core_axis_name="c", subcore_axis_name="s")

    @functools.partial(
        pl.kernel,
        mesh=mesh,
        out_type=jax.ShapeDtypeStruct((B, 2 * D), jnp.float32),
        compiler_params=pltpu.CompilerParams(use_tc_tiling_on_sc=False),
        scratch_types=[
            pltpu.VMEM((rows_per_w, IDXW), jnp.int32),
            pltpu.VMEM((2, C, D), jnp.float32),
            pltpu.SemaphoreType.DMA,
            pltpu.SemaphoreType.DMA,
            pltpu.SemaphoreType.DMA,
            pltpu.SemaphoreType.DMA,
        ],
    )
    def kb(IR, idx_hbm, out, idx_v, G, g0, g1, o0, o1):
        gsem = (g0, g1)
        osem = (o0, o1)
        wid = _mesh_wid()
        row0 = wid * rows_per_w

        pltpu.sync_copy(idx_hbm.at[pl.ds(row0, rows_per_w)], idx_v)

        def fire(t, b):
            for j in range(K):
                pltpu.async_copy(
                    IR.at[idx_v.at[t * K + j]],
                    G.at[b, pl.ds(j * IDXW, IDXW)],
                    gsem[b],
                )

        def drain_gather(b):
            for _ in range(K):
                pltpu.make_async_copy(
                    IR.at[idx_v.at[0]], G.at[b, pl.ds(0, IDXW)], gsem[b]
                ).wait()

        def start_out(t, b):
            pltpu.async_copy(
                G.at[b],
                out.at[pl.ds((row0 + t * K) * IDXW, C), pl.ds(0, D)],
                osem[b],
            )

        def drain_out(b):
            pltpu.make_async_copy(
                G.at[b], out.at[pl.ds(0, C), pl.ds(0, D)], osem[b]
            ).wait()

        fire(0, 0)
        fire(1, 1)

        def body(q, carry):
            t0 = 2 * q
            for b in range(2):
                drain_gather(b)
                start_out(t0 + b, b)
            for b in range(2):
                drain_out(b)
                fire(t0 + 2 + b, b)
            return carry

        lax.fori_loop(0, n_chunks // 2 - 1, body, 0)

        t0 = n_chunks - 2
        for b in range(2):
            drain_gather(b)
            start_out(t0 + b, b)
        for b in range(2):
            drain_out(b)

    return kb


def kernel(data, table):
    B0, S = data.shape
    V, D = table.shape
    B = B0 * S
    NP = (V - 1) // 2
    NBLK = (V - 1) // 128
    tailT = jnp.pad(table.T[:, NBLK * 128:], ((0, 0), (0, 128 - (V - NBLK * 128))))
    I = _transpose_call(D, V)(table.T, tailT)
    IR = I.reshape(2 * NP, D)
    outP = _gather_call(B, D, NP)(IR, data.reshape(B // 128, 128))
    return outP[:, :D].reshape(B0, S, D)

# --- scband reference (transcript-rebuilt; emitter-appended) ---
"""Pipeline reference for scband-my-embedding-8710193676734 (READ-ONLY COPY).

The authoritative reference and input builder live on the scoring server;
editing this copy changes nothing except your own understanding.
"""

import jax, jax.numpy as jnp
import numpy as np

VOCAB = 1000000
EMB = 64
PAD = VOCAB  # padding_idx = vocab length l


def setup_inputs(seed: int = 0) -> dict:
    key = jax.random.key(seed)
    k1, k2 = jax.random.split(key)
    data = jax.random.randint(k1, (4096, 200), 0, VOCAB, dtype=jnp.int32)
    # embedding table has VOCAB + 1 rows; last row is the padding row (zeros)
    table = jax.random.normal(k2, (VOCAB + 1, EMB), dtype=jnp.float32)
    table = table.at[PAD].set(0.0)
    return {"data": data, "table": table}


def reference(data, table):
    # nn.Embedding forward: simple row gather
    return jnp.take(table, data, axis=0)

if __name__ == "__main__":
    import jax
    _d = setup_inputs()
    print(jax.jit(kernel)(*tuple(_d.values())))

</pallas_src>

<mosaic_0001>
#map = affine_map<(d0, d1) -> (0, 0)>
module attributes {stable_mosaic.version = 14 : i64} {
  func.func @ka(%arg0: i32, %arg1: i32, %arg2: memref<64x1000001xf32, #tpu.memory_space<hbm>>, %arg3: memref<64x128xf32, #tpu.memory_space<hbm>>, %arg4: memref<500000x128xf32, #tpu.memory_space<hbm>>, %arg5: memref<2x64x128xf32, #tpu.memory_space<vmem>>, %arg6: memref<2x64x128xf32, #tpu.memory_space<vmem>>, %arg7: memref<!tpu.dma_semaphore, #tpu.memory_space<semaphore_mem>>, %arg8: memref<!tpu.dma_semaphore, #tpu.memory_space<semaphore_mem>>, %arg9: memref<!tpu.dma_semaphore, #tpu.memory_space<semaphore_mem>>, %arg10: memref<!tpu.dma_semaphore, #tpu.memory_space<semaphore_mem>>) attributes {dimension_semantics = [#tpu.dimension_semantics<core_parallel>, #tpu.dimension_semantics<subcore_parallel>], iteration_bounds = array<i64: 2, 16>, scalar_prefetch = 0 : i64, scratch_operands = 6 : i64, tpu.core_type = #tpu.core_type<sc_vector_subcore>, window_params = [{transform_indices = #map}, {transform_indices = #map}, {transform_indices = #map}]} {
    %mul3A = arith.constant 2 : i32
    %mul3A_0 = arith.muli %arg1, %mul3A : i32
    %add3A = arith.addi %mul3A_0, %arg0 : i32
    %mul3A_1 = arith.constant 244 : i32
    %mul3A_2 = arith.muli %add3A, %mul3A_1 : i32
    %mul3A_3 = arith.constant 128 : i32
    %mul3A_4 = arith.muli %mul3A_2, %mul3A_3 : i32
    %dma_start3A = arith.constant 0 : i32
    %dma_start3A_5 = arith.constant 0 : i32
    %dma_start3A_6 = arith.constant 0 : i32
    %dma_start3A_7 = tpu.memref_slice %arg5[%dma_start3A, %dma_start3A_5, %dma_start3A_6] : memref<2x64x128xf32, #tpu.memory_space<vmem>> -> memref<1x64x128xf32, #tpu.memory_space<vmem>>
    %dma_start3A_8 = tpu.memref_squeeze %dma_start3A_7 : memref<1x64x128xf32, #tpu.memory_space<vmem>> -> memref<64x128xf32, #tpu.memory_space<vmem>>
    %dma_start3A_9 = arith.constant 0 : i32
    %dma_start3A_10 = tpu.memref_slice %arg2[%dma_start3A_9, %mul3A_4] : memref<64x1000001xf32, #tpu.memory_space<hbm>> -> memref<64x128xf32, #tpu.memory_space<hbm>>
    %dma_start3A_11 = arith.constant 0 : i32
    %dma_start3A_12 = arith.constant 0 : i32
    %dma_start3A_13 = tpu.memref_slice %arg5[%dma_start3A, %dma_start3A_11, %dma_start3A_12] : memref<2x64x128xf32, #tpu.memory_space<vmem>> -> memref<1x64x128xf32, #tpu.memory_space<vmem>>
    %dma_start3A_14 = tpu.memref_squeeze %dma_start3A_13 : memref<1x64x128xf32, #tpu.memory_space<vmem>> -> memref<64x128xf32, #tpu.memory_space<vmem>>
    %dma_start3A_15 = arith.constant 0 : i32
    %dma_start3A_16 = tpu.memref_slice %arg2[%dma_start3A_15, %mul3A_4] : memref<64x1000001xf32, #tpu.memory_space<hbm>> -> memref<64x128xf32, #tpu.memory_space<hbm>>
    tpu.enqueue_dma source(%dma_start3A_16 : memref<64x128xf32, #tpu.memory_space<hbm>>) target(%dma_start3A_14 : memref<64x128xf32, #tpu.memory_space<vmem>>) target_semaphore(%arg7 : memref<!tpu.dma_semaphore, #tpu.memory_space<semaphore_mem>>)
    %add3A_17 = arith.constant 1 : i32
    %add3A_18 = arith.addi %mul3A_2, %add3A_17 : i32
    %mul3A_19 = arith.constant 128 : i32
    %mul3A_20 = arith.muli %add3A_18, %mul3A_19 : i32
    %dma_start3A_21 = arith.constant 1 : i32
    %dma_start3A_22 = arith.constant 0 : i32
    %dma_start3A_23 = arith.constant 0 : i32
    %dma_start3A_24 = tpu.memref_slice %arg5[%dma_start3A_21, %dma_start3A_22, %dma_start3A_23] : memref<2x64x128xf32, #tpu.memory_space<vmem>> -> memref<1x64x128xf32, #tpu.memory_space<vmem>>
    %dma_start3A_25 = tpu.memref_squeeze %dma_start3A_24 : memref<1x64x128xf32, #tpu.memory_space<vmem>> -> memref<64x128xf32, #tpu.memory_space<vmem>>
    %dma_start3A_26 = arith.constant 0 : i32
    %dma_start3A_27 = tpu.memref_slice %arg2[%dma_start3A_26, %mul3A_20] : memref<64x1000001xf32, #tpu.memory_space<hbm>> -> memref<64x128xf32, #tpu.memory_space<hbm>>
    %dma_start3A_28 = arith.constant 0 : i32
    %dma_start3A_29 = arith.constant 0 : i32
    %dma_start3A_30 = tpu.memref_slice %arg5[%dma_start3A_21, %dma_start3A_28, %dma_start3A_29] : memref<2x64x128xf32, #tpu.memory_space<vmem>> -> memref<1x64x128xf32, #tpu.memory_space<vmem>>
    %dma_start3A_31 = tpu.memref_squeeze %dma_start3A_30 : memref<1x64x128xf32, #tpu.memory_space<vmem>> -> memref<64x128xf32, #tpu.memory_space<vmem>>
    %dma_start3A_32 = arith.constant 0 : i32
    %dma_start3A_33 = tpu.memref_slice %arg2[%dma_start3A_32, %mul3A_20] : memref<64x1000001xf32, #tpu.memory_space<hbm>> -> memref<64x128xf32, #tpu.memory_space<hbm>>
    tpu.enqueue_dma source(%dma_start3A_33 : memref<64x128xf32, #tpu.memory_space<hbm>>) target(%dma_start3A_31 : memref<64x128xf32, #tpu.memory_space<vmem>>) target_semaphore(%arg8 : memref<!tpu.dma_semaphore, #tpu.memory_space<semaphore_mem>>)
    %dma_wait3A = arith.constant 0 : i32
    %dma_wait3A_34 = arith.constant 0 : i32
    %dma_wait3A_35 = arith.constant 0 : i32
    %dma_wait3A_36 = tpu.memref_slice %arg5[%dma_wait3A, %dma_wait3A_34, %dma_wait3A_35] : memref<2x64x128xf32, #tpu.memory_space<vmem>> -> memref<1x64x128xf32, #tpu.memory_space<vmem>>
    %dma_wait3A_37 = tpu.memref_squeeze %dma_wait3A_36 : memref<1x64x128xf32, #tpu.memory_space<vmem>> -> memref<64x128xf32, #tpu.memory_space<vmem>>
    %dma_wait3A_38 = arith.constant 0 : i32
    %dma_wait3A_39 = arith.constant 0 : i32
    %dma_wait3A_40 = tpu.memref_slice %arg2[%dma_wait3A_38, %dma_wait3A_39] : memref<64x1000001xf32, #tpu.memory_space<hbm>> -> memref<64x128xf32, #tpu.memory_space<hbm>>
    %dma_wait3A_41 = arith.constant 0 : i32
    %dma_wait3A_42 = arith.constant 0 : i32
    %dma_wait3A_43 = tpu.memref_slice %arg5[%dma_wait3A, %dma_wait3A_41, %dma_wait3A_42] : memref<2x64x128xf32, #tpu.memory_space<vmem>> -> memref<1x64x128xf32, #tpu.memory_space<vmem>>
    %dma_wait3A_44 = tpu.memref_squeeze %dma_wait3A_43 : memref<1x64x128xf32, #tpu.memory_space<vmem>> -> memref<64x128xf32, #tpu.memory_space<vmem>>
    %dma_wait3A_45 = arith.constant 0 : i32
    %dma_wait3A_46 = arith.constant 0 : i32
    %dma_wait3A_47 = tpu.memref_slice %arg2[%dma_wait3A_45, %dma_wait3A_46] : memref<64x1000001xf32, #tpu.memory_space<hbm>> -> memref<64x128xf32, #tpu.memory_space<hbm>>
    tpu.wait_dma2 semaphore(%arg7 : memref<!tpu.dma_semaphore, #tpu.memory_space<semaphore_mem>>) src(%dma_wait3A_47 : memref<64x128xf32, #tpu.memory_space<hbm>>) dst(%dma_wait3A_44 : memref<64x128xf32, #tpu.memory_space<vmem>>)
    %parallel_loop3A = arith.constant 0 : i32
    %parallel_loop3A_48 = arith.constant 64 : i32
    %parallel_loop3A_49 = arith.constant 1 : i32
    scf.for %parallel_loop3A_281 = %parallel_loop3A to %parallel_loop3A_48 step %parallel_loop3A_49  : i32 {
      %parallel_loop3A_282 = arith.constant 2 : i32
      %parallel_loop3A_283 = arith.muli %parallel_loop3A_282, %parallel_loop3A_281 : i32
      %parallel_loop3A_284 = vector.broadcast %parallel_loop3A_283 : i32 to vector<16xi32>
      %parallel_loop3A_285 = arith.constant 1 : i32
      %parallel_loop3A_286 = vector.broadcast %parallel_loop3A_285 : i32 to vector<16xi32>
      %parallel_loop3A_287 = arith.addi %parallel_loop3A_284, %parallel_loop3A_286 : vector<16xi32>
      %parallel_loop3A_288 = tpu.iota {dimensions = array<i32: 0>} : vector<16xi32>
      %parallel_loop3A_289 = arith.constant 0 : i32
      %parallel_loop3A_290 = vector.broadcast %parallel_loop3A_289 : i32 to vector<16xi32>
      %parallel_loop3A_291 = arith.addi %parallel_loop3A_288, %parallel_loop3A_290 : vector<16xi32>
      %parallel_loop3A_292 = arith.constant 0 : i32
      %parallel_loop3A_293 = arith.constant 0 : i32
      %parallel_loop3A_294 = arith.constant 0 : i32
      %parallel_loop3A_295 = tpu.memref_slice %arg5[%parallel_loop3A_292, %parallel_loop3A_293, %parallel_loop3A_294] : memref<2x64x128xf32, #tpu.memory_space<vmem>> -> memref<1x64x128xf32, #tpu.memory_space<vmem>>
      %parallel_loop3A_296 = tpu.memref_squeeze %parallel_loop3A_295 : memref<1x64x128xf32, #tpu.memory_space<vmem>> -> memref<64x128xf32, #tpu.memory_space<vmem>>
      %parallel_loop3A_297 = tpu.vector_load_idx %parallel_loop3A_296[%parallel_loop3A_291, %parallel_loop3A_284] : memref<64x128xf32, #tpu.memory_space<vmem>>[vector<16xi32>, vector<16xi32>], vector<16xf32>,
      %parallel_loop3A_298 = arith.constant 0 : i32
      %parallel_loop3A_299 = arith.index_cast %parallel_loop3A_298 : i32 to index
      %parallel_loop3A_300 = arith.index_cast %parallel_loop3A_281 : i32 to index
      %parallel_loop3A_301 = arith.constant 0 : index
      %parallel_loop3A_302 = tpu.vector_load %arg6[%parallel_loop3A_299, %parallel_loop3A_300, %parallel_loop3A_301] {strides = array<i32>} : memref<2x64x128xf32, #tpu.memory_space<vmem>>, vector<16xf32>,
      tpu.vector_store %arg6[%parallel_loop3A_299, %parallel_loop3A_300, %parallel_loop3A_301], %parallel_loop3A_297 {strides = array<i32>} : memref<2x64x128xf32, #tpu.memory_space<vmem>>, vector<16xf32>,
      %parallel_loop3A_303 = tpu.iota {dimensions = array<i32: 0>} : vector<16xi32>
      %parallel_loop3A_304 = arith.constant 16 : i32
      %parallel_loop3A_305 = vector.broadcast %parallel_loop3A_304 : i32 to vector<16xi32>
      %parallel_loop3A_306 = arith.addi %parallel_loop3A_303, %parallel_loop3A_305 : vector<16xi32>
      %parallel_loop3A_307 = arith.constant 0 : i32
      %parallel_loop3A_308 = arith.constant 0 : i32
      %parallel_loop3A_309 = arith.constant 0 : i32
      %parallel_loop3A_310 = tpu.memref_slice %arg5[%parallel_loop3A_307, %parallel_loop3A_308, %parallel_loop3A_309] : memref<2x64x128xf32, #tpu.memory_space<vmem>> -> memref<1x64x128xf32, #tpu.memory_space<vmem>>
      %parallel_loop3A_311 = tpu.memref_squeeze %parallel_loop3A_310 : memref<1x64x128xf32, #tpu.memory_space<vmem>> -> memref<64x128xf32, #tpu.memory_space<vmem>>
      %parallel_loop3A_312 = tpu.vector_load_idx %parallel_loop3A_311[%parallel_loop3A_306, %parallel_loop3A_284] : memref<64x128xf32, #tpu.memory_space<vmem>>[vector<16xi32>, vector<16xi32>], vector<16xf32>,
      %parallel_loop3A_313 = arith.constant 0 : i32
      %parallel_loop3A_314 = arith.index_cast %parallel_loop3A_313 : i32 to index
      %parallel_loop3A_315 = arith.index_cast %parallel_loop3A_281 : i32 to index
      %parallel_loop3A_316 = arith.constant 16 : index
      %parallel_loop3A_317 = tpu.vector_load %arg6[%parallel_loop3A_314, %parallel_loop3A_315, %parallel_loop3A_316] {strides = array<i32>} : memref<2x64x128xf32, #tpu.memory_space<vmem>>, vector<16xf32>,
      tpu.vector_store %arg6[%parallel_loop3A_314, %parallel_loop3A_315, %parallel_loop3A_316], %parallel_loop3A_312 {strides = array<i32>} : memref<2x64x128xf32, #tpu.memory_space<vmem>>, vector<16xf32>,
      %parallel_loop3A_318 = tpu.iota {dimensions = array<i32: 0>} : vector<16xi32>
      %parallel_loop3A_319 = arith.constant 32 : i32
      %parallel_loop3A_320 = vector.broadcast %parallel_loop3A_319 : i32 to vector<16xi32>
      %parallel_loop3A_321 = arith.addi %parallel_loop3A_318, %parallel_loop3A_320 : vector<16xi32>
      %parallel_loop3A_322 = arith.constant 0 : i32
      %parallel_loop3A_323 = arith.constant 0 : i32
      %parallel_loop3A_324 = arith.constant 0 : i32
      %parallel_loop3A_325 = tpu.memref_slice %arg5[%parallel_loop3A_322, %parallel_loop3A_323, %parallel_loop3A_324] : memref<2x64x128xf32, #tpu.memory_space<vmem>> -> memref<1x64x128xf32, #tpu.memory_space<vmem>>
      %parallel_loop3A_326 = tpu.memref_squeeze %parallel_loop3A_325 : memref<1x64x128xf32, #tpu.memory_space<vmem>> -> memref<64x128xf32, #tpu.memory_space<vmem>>
      %parallel_loop3A_327 = tpu.vector_load_idx %parallel_loop3A_326[%parallel_loop3A_321, %parallel_loop3A_284] : memref<64x128xf32, #tpu.memory_space<vmem>>[vector<16xi32>, vector<16xi32>], vector<16xf32>,
      %parallel_loop3A_328 = arith.constant 0 : i32
      %parallel_loop3A_329 = arith.index_cast %parallel_loop3A_328 : i32 to index
      %parallel_loop3A_330 = arith.index_cast %parallel_loop3A_281 : i32 to index
      %parallel_loop3A_331 = arith.constant 32 : index
      %parallel_loop3A_332 = tpu.vector_load %arg6[%parallel_loop3A_329, %parallel_loop3A_330, %parallel_loop3A_331] {strides = array<i32>} : memref<2x64x128xf32, #tpu.memory_space<vmem>>, vector<16xf32>,
      tpu.vector_store %arg6[%parallel_loop3A_329, %parallel_loop3A_330, %parallel_loop3A_331], %parallel_loop3A_327 {strides = array<i32>} : memref<2x64x128xf32, #tpu.memory_space<vmem>>, vector<16xf32>,
      %parallel_loop3A_333 = tpu.iota {dimensions = array<i32: 0>} : vector<16xi32>
      %parallel_loop3A_334 = arith.constant 48 : i32
      %parallel_loop3A_335 = vector.broadcast %parallel_loop3A_334 : i32 to vector<16xi32>
      %parallel_loop3A_336 = arith.addi %parallel_loop3A_333, %parallel_loop3A_335 : vector<16xi32>
      %parallel_loop3A_337 = arith.constant 0 : i32
      %parallel_loop3A_338 = arith.constant 0 : i32
      %parallel_loop3A_339 = arith.constant 0 : i32
      %parallel_loop3A_340 = tpu.memref_slice %arg5[%parallel_loop3A_337, %parallel_loop3A_338, %parallel_loop3A_339] : memref<2x64x128xf32, #tpu.memory_space<vmem>> -> memref<1x64x128xf32, #tpu.memory_space<vmem>>
      %parallel_loop3A_341 = tpu.memref_squeeze %parallel_loop3A_340 : memref<1x64x128xf32, #tpu.memory_space<vmem>> -> memref<64x128xf32, #tpu.memory_space<vmem>>
      %parallel_loop3A_342 = tpu.vector_load_idx %parallel_loop3A_341[%parallel_loop3A_336, %parallel_loop3A_284] : memref<64x128xf32, #tpu.memory_space<vmem>>[vector<16xi32>, vector<16xi32>], vector<16xf32>,
      %parallel_loop3A_343 = arith.constant 0 : i32
      %parallel_loop3A_344 = arith.index_cast %parallel_loop3A_343 : i32 to index
      %parallel_loop3A_345 = arith.index_cast %parallel_loop3A_281 : i32 to index
      %parallel_loop3A_346 = arith.constant 48 : index
      %parallel_loop3A_347 = tpu.vector_load %arg6[%parallel_loop3A_344, %parallel_loop3A_345, %parallel_loop3A_346] {strides = array<i32>} : memref<2x64x128xf32, #tpu.memory_space<vmem>>, vector<16xf32>,
      tpu.vector_store %arg6[%parallel_loop3A_344, %parallel_loop3A_345, %parallel_loop3A_346], %parallel_loop3A_342 {strides = array<i32>} : memref<2x64x128xf32, #tpu.memory_space<vmem>>, vector<16xf32>,
      %parallel_loop3A_348 = tpu.iota {dimensions = array<i32: 0>} : vector<16xi32>
      %parallel_loop3A_349 = arith.constant 0 : i32
      %parallel_loop3A_350 = vector.broadcast %parallel_loop3A_349 : i32 to vector<16xi32>
      %parallel_loop3A_351 = arith.addi %parallel_loop3A_348, %parallel_loop3A_350 : vector<16xi32>
      %parallel_loop3A_352 = arith.constant 0 : i32
      %parallel_loop3A_353 = arith.constant 0 : i32
      %parallel_loop3A_354 = arith.constant 0 : i32
      %parallel_loop3A_355 = tpu.memref_slice %arg5[%parallel_loop3A_352, %parallel_loop3A_353, %parallel_loop3A_354] : memref<2x64x128xf32, #tpu.memory_space<vmem>> -> memref<1x64x128xf32, #tpu.memory_space<vmem>>
      %parallel_loop3A_356 = tpu.memref_squeeze %parallel_loop3A_355 : memref<1x64x128xf32, #tpu.memory_space<vmem>> -> memref<64x128xf32, #tpu.memory_space<vmem>>
      %parallel_loop3A_357 = tpu.vector_load_idx %parallel_loop3A_356[%parallel_loop3A_351, %parallel_loop3A_287] : memref<64x128xf32, #tpu.memory_space<vmem>>[vector<16xi32>, vector<16xi32>], vector<16xf32>,
      %parallel_loop3A_358 = arith.constant 0 : i32
      %parallel_loop3A_359 = arith.index_cast %parallel_loop3A_358 : i32 to index
      %parallel_loop3A_360 = arith.index_cast %parallel_loop3A_281 : i32 to index
      %parallel_loop3A_361 = arith.constant 64 : index
      %parallel_loop3A_362 = tpu.vector_load %arg6[%parallel_loop3A_359, %parallel_loop3A_360, %parallel_loop3A_361] {strides = array<i32>} : memref<2x64x128xf32, #tpu.memory_space<vmem>>, vector<16xf32>,
      tpu.vector_store %arg6[%parallel_loop3A_359, %parallel_loop3A_360, %parallel_loop3A_361], %parallel_loop3A_357 {strides = array<i32>} : memref<2x64x128xf32, #tpu.memory_space<vmem>>, vector<16xf32>,
      %parallel_loop3A_363 = tpu.iota {dimensions = array<i32: 0>} : vector<16xi32>
      %parallel_loop3A_364 = arith.constant 16 : i32
      %parallel_loop3A_365 = vector.broadcast %parallel_loop3A_364 : i32 to vector<16xi32>
      %parallel_loop3A_366 = arith.addi %parallel_loop3A_363, %parallel_loop3A_365 : vector<16xi32>
      %parallel_loop3A_367 = arith.constant 0 : i32
      %parallel_loop3A_368 = arith.constant 0 : i32
      %parallel_loop3A_369 = arith.constant 0 : i32
      %parallel_loop3A_370 = tpu.memref_slice %arg5[%parallel_loop3A_367, %parallel_loop3A_368, %parallel_loop3A_369] : memref<2x64x128xf32, #tpu.memory_space<vmem>> -> memref<1x64x128xf32, #tpu.memory_space<vmem>>
      %parallel_loop3A_371 = tpu.memref_squeeze %parallel_loop3A_370 : memref<1x64x128xf32, #tpu.memory_space<vmem>> -> memref<64x128xf32, #tpu.memory_space<vmem>>
      %parallel_loop3A_372 = tpu.vector_load_idx %parallel_loop3A_371[%parallel_loop3A_366, %parallel_loop3A_287] : memref<64x128xf32, #tpu.memory_space<vmem>>[vector<16xi32>, vector<16xi32>], vector<16xf32>,
      %parallel_loop3A_373 = arith.constant 0 : i32
      %parallel_loop3A_374 = arith.index_cast %parallel_loop3A_373 : i32 to index
      %parallel_loop3A_375 = arith.index_cast %parallel_loop3A_281 : i32 to index
      %parallel_loop3A_376 = arith.constant 80 : index
      %parallel_loop3A_377 = tpu.vector_load %arg6[%parallel_loop3A_374, %parallel_loop3A_375, %parallel_loop3A_376] {strides = array<i32>} : memref<2x64x128xf32, #tpu.memory_space<vmem>>, vector<16xf32>,
      tpu.vector_store %arg6[%parallel_loop3A_374, %parallel_loop3A_375, %parallel_loop3A_376], %parallel_loop3A_372 {strides = array<i32>} : memref<2x64x128xf32, #tpu.memory_space<vmem>>, vector<16xf32>,
      %parallel_loop3A_378 = tpu.iota {dimensions = array<i32: 0>} : vector<16xi32>
      %parallel_loop3A_379 = arith.constant 32 : i32
      %parallel_loop3A_380 = vector.broadcast %parallel_loop3A_379 : i32 to vector<16xi32>
      %parallel_loop3A_381 = arith.addi %parallel_loop3A_378, %parallel_loop3A_380 : vector<16xi32>
      %parallel_loop3A_382 = arith.constant 0 : i32
      %parallel_loop3A_383 = arith.constant 0 : i32
      %parallel_loop3A_384 = arith.constant 0 : i32
      %parallel_loop3A_385 = tpu.memref_slice %arg5[%parallel_loop3A_382, %parallel_loop3A_383, %parallel_loop3A_384] : memref<2x64x128xf32, #tpu.memory_space<vmem>> -> memref<1x64x128xf32, #tpu.memory_space<vmem>>
      %parallel_loop3A_386 = tpu.memref_squeeze %parallel_loop3A_385 : memref<1x64x128xf32, #tpu.memory_space<vmem>> -> memref<64x128xf32, #tpu.memory_space<vmem>>
      %parallel_loop3A_387 = tpu.vector_load_idx %parallel_loop3A_386[%parallel_loop3A_381, %parallel_loop3A_287] : memref<64x128xf32, #tpu.memory_space<vmem>>[vector<16xi32>, vector<16xi32>], vector<16xf32>,
      %parallel_loop3A_388 = arith.constant 0 : i32
      %parallel_loop3A_389 = arith.index_cast %parallel_loop3A_388 : i32 to index
      %parallel_loop3A_390 = arith.index_cast %parallel_loop3A_281 : i32 to index
      %parallel_loop3A_391 = arith.constant 96 : index
      %parallel_loop3A_392 = tpu.vector_load %arg6[%parallel_loop3A_389, %parallel_loop3A_390, %parallel_loop3A_391] {strides = array<i32>} : memref<2x64x128xf32, #tpu.memory_space<vmem>>, vector<16xf32>,
      tpu.vector_store %arg6[%parallel_loop3A_389, %parallel_loop3A_390, %parallel_loop3A_391], %parallel_loop3A_387 {strides = array<i32>} : memref<2x64x128xf32, #tpu.memory_space<vmem>>, vector<16xf32>,
      %parallel_loop3A_393 = tpu.iota {dimensions = array<i32: 0>} : vector<16xi32>
      %parallel_loop3A_394 = arith.constant 48 : i32
      %parallel_loop3A_395 = vector.broadcast %parallel_loop3A_394 : i32 to vector<16xi32>
      %parallel_loop3A_396 = arith.addi %parallel_loop3A_393, %parallel_loop3A_395 : vector<16xi32>
      %parallel_loop3A_397 = arith.constant 0 : i32
      %parallel_loop3A_398 = arith.constant 0 : i32
      %parallel_loop3A_399 = arith.constant 0 : i32
      %parallel_loop3A_400 = tpu.memref_slice %arg5[%parallel_loop3A_397, %parallel_loop3A_398, %parallel_loop3A_399] : memref<2x64x128xf32, #tpu.memory_space<vmem>> -> memref<1x64x128xf32, #tpu.memory_space<vmem>>
      %parallel_loop3A_401 = tpu.memref_squeeze %parallel_loop3A_400 : memref<1x64x128xf32, #tpu.memory_space<vmem>> -> memref<64x128xf32, #tpu.memory_space<vmem>>
      %parallel_loop3A_402 = tpu.vector_load_idx %parallel_loop3A_401[%parallel_loop3A_396, %parallel_loop3A_287] : memref<64x128xf32, #tpu.memory_space<vmem>>[vector<16xi32>, vector<16xi32>], vector<16xf32>,
      %parallel_loop3A_403 = arith.constant 0 : i32
      %parallel_loop3A_404 = arith.index_cast %parallel_loop3A_403 : i32 to index
      %parallel_loop3A_405 = arith.index_cast %parallel_loop3A_281 : i32 to index
      %parallel_loop3A_406 = arith.constant 112 : index
      %parallel_loop3A_407 = tpu.vector_load %arg6[%parallel_loop3A_404, %parallel_loop3A_405, %parallel_loop3A_406] {strides = array<i32>} : memref<2x64x128xf32, #tpu.memory_space<vmem>>, vector<16xf32>,
      tpu.vector_store %arg6[%parallel_loop3A_404, %parallel_loop3A_405, %parallel_loop3A_406], %parallel_loop3A_402 {strides = array<i32>} : memref<2x64x128xf32, #tpu.memory_space<vmem>>, vector<16xf32>,
    } {sc.loop_unroll_factor = 8 : i64, sc.parallel_access}
    %add3A_50 = arith.constant 0 : i32
    %add3A_51 = arith.addi %mul3A_2, %add3A_50 : i32
    %mul3A_52 = arith.constant 64 : i32
    %mul3A_53 = arith.muli %add3A_51, %mul3A_52 : i32
    %dma_start3A_54 = arith.constant 0 : i32
    %dma_start3A_55 = arith.constant 0 : i32
    %dma_start3A_56 = arith.constant 0 : i32
    %dma_start3A_57 = tpu.memref_slice %arg6[%dma_start3A_54, %dma_start3A_55, %dma_start3A_56] : memref<2x64x128xf32, #tpu.memory_space<vmem>> -> memref<1x64x128xf32, #tpu.memory_space<vmem>>
    %dma_start3A_58 = tpu.memref_squeeze %dma_start3A_57 : memref<1x64x128xf32, #tpu.memory_space<vmem>> -> memref<64x128xf32, #tpu.memory_space<vmem>>
    %dma_start3A_59 = arith.constant 0 : i32
    %dma_start3A_60 = tpu.memref_slice %arg4[%mul3A_53, %dma_start3A_59] : memref<500000x128xf32, #tpu.memory_space<hbm>> -> memref<64x128xf32, #tpu.memory_space<hbm>>
    %dma_start3A_61 = arith.constant 0 : i32
    %dma_start3A_62 = tpu.memref_slice %arg4[%mul3A_53, %dma_start3A_61] : memref<500000x128xf32, #tpu.memory_space<hbm>> -> memref<64x128xf32, #tpu.memory_space<hbm>>
    %dma_start3A_63 = arith.constant 0 : i32
    %dma_start3A_64 = arith.constant 0 : i32
    %dma_start3A_65 = tpu.memref_slice %arg6[%dma_start3A_54, %dma_start3A_63, %dma_start3A_64] : memref<2x64x128xf32, #tpu.memory_space<vmem>> -> memref<1x64x128xf32, #tpu.memory_space<vmem>>
    %dma_start3A_66 = tpu.memref_squeeze %dma_start3A_65 : memref<1x64x128xf32, #tpu.memory_space<vmem>> -> memref<64x128xf32, #tpu.memory_space<vmem>>
    tpu.enqueue_dma source(%dma_start3A_66 : memref<64x128xf32, #tpu.memory_space<vmem>>) target(%dma_start3A_62 : memref<64x128xf32, #tpu.memory_space<hbm>>) target_semaphore(%arg9 : memref<!tpu.dma_semaphore, #tpu.memory_space<semaphore_mem>>)
    %add3A_67 = arith.constant 0 : i32
    %add3A_68 = arith.addi %mul3A_2, %add3A_67 : i32
    %add3A_69 = arith.constant 2 : i32
    %add3A_70 = arith.addi %add3A_68, %add3A_69 : i32
    %mul3A_71 = arith.constant 128 : i32
    %mul3A_72 = arith.muli %add3A_70, %mul3A_71 : i32
    %dma_start3A_73 = arith.constant 0 : i32
    %dma_start3A_74 = arith.constant 0 : i32
    %dma_start3A_75 = arith.constant 0 : i32
    %dma_start3A_76 = tpu.memref_slice %arg5[%dma_start3A_73, %dma_start3A_74, %dma_start3A_75] : memref<2x64x128xf32, #tpu.memory_space<vmem>> -> memref<1x64x128xf32, #tpu.memory_space<vmem>>
    %dma_start3A_77 = tpu.memref_squeeze %dma_start3A_76 : memref<1x64x128xf32, #tpu.memory_space<vmem>> -> memref<64x128xf32, #tpu.memory_space<vmem>>
    %dma_start3A_78 = arith.constant 0 : i32
    %dma_start3A_79 = tpu.memref_slice %arg2[%dma_start3A_78, %mul3A_72] : memref<64x1000001xf32, #tpu.memory_space<hbm>> -> memref<64x128xf32, #tpu.memory_space<hbm>>
    %dma_start3A_80 = arith.constant 0 : i32
    %dma_start3A_81 = arith.constant 0 : i32
    %dma_start3A_82 = tpu.memref_slice %arg5[%dma_start3A_73, %dma_start3A_80, %dma_start3A_81] : memref<2x64x128xf32, #tpu.memory_space<vmem>> -> memref<1x64x128xf32, #tpu.memory_space<vmem>>
    %dma_start3A_83 = tpu.memref_squeeze %dma_start3A_82 : memref<1x64x128xf32, #tpu.memory_space<vmem>> -> memref<64x128xf32, #tpu.memory_space<vmem>>
    %dma_start3A_84 = arith.constant 0 : i32
    %dma_start3A_85 = tpu.memref_slice %arg2[%dma_start3A_84, %mul3A_72] : memref<64x1000001xf32, #tpu.memory_space<hbm>> -> memref<64x128xf32, #tpu.memory_space<hbm>>
    tpu.enqueue_dma source(%dma_start3A_85 : memref<64x128xf32, #tpu.memory_space<hbm>>) target(%dma_start3A_83 : memref<64x128xf32, #tpu.memory_space<vmem>>) target_semaphore(%arg7 : memref<!tpu.dma_semaphore, #tpu.memory_space<semaphore_mem>>)
    %dma_wait3A_86 = arith.constant 1 : i32
    %dma_wait3A_87 = arith.constant 0 : i32
    %dma_wait3A_88 = arith.constant 0 : i32
    %dma_wait3A_89 = tpu.memref_slice %arg5[%dma_wait3A_86, %dma_wait3A_87, %dma_wait3A_88] : memref<2x64x128xf32, #tpu.memory_space<vmem>> -> memref<1x64x128xf32, #tpu.memory_space<vmem>>
    %dma_wait3A_90 = tpu.memref_squeeze %dma_wait3A_89 : memref<1x64x128xf32, #tpu.memory_space<vmem>> -> memref<64x128xf32, #tpu.memory_space<vmem>>
    %dma_wait3A_91 = arith.constant 0 : i32
    %dma_wait3A_92 = arith.constant 0 : i32
    %dma_wait3A_93 = tpu.memref_slice %arg2[%dma_wait3A_91, %dma_wait3A_92] : memref<64x1000001xf32, #tpu.memory_space<hbm>> -> memref<64x128xf32, #tpu.memory_space<hbm>>
    %dma_wait3A_94 = arith.constant 0 : i32
    %dma_wait3A_95 = arith.constant 0 : i32
    %dma_wait3A_96 = tpu.memref_slice %arg5[%dma_wait3A_86, %dma_wait3A_94, %dma_wait3A_95] : memref<2x64x128xf32, #tpu.memory_space<vmem>> -> memref<1x64x128xf32, #tpu.memory_space<vmem>>
    %dma_wait3A_97 = tpu.memref_squeeze %dma_wait3A_96 : memref<1x64x128xf32, #tpu.memory_space<vmem>> -> memref<64x128xf32, #tpu.memory_space<vmem>>
    %dma_wait3A_98 = arith.constant 0 : i32
    %dma_wait3A_99 = arith.constant 0 : i32
    %dma_wait3A_100 = tpu.memref_slice %arg2[%dma_wait3A_98, %dma_wait3A_99] : memref<64x1000001xf32, #tpu.memory_space<hbm>> -> memref<64x128xf32, #tpu.memory_space<hbm>>
    tpu.wait_dma2 semaphore(%arg8 : memref<!tpu.dma_semaphore, #tpu.memory_space<semaphore_mem>>) src(%dma_wait3A_100 : memref<64x128xf32, #tpu.memory_space<hbm>>) dst(%dma_wait3A_97 : memref<64x128xf32, #tpu.memory_space<vmem>>)
    %parallel_loop3A_101 = arith.constant 0 : i32
    %parallel_loop3A_102 = arith.constant 64 : i32
    %parallel_loop3A_103 = arith.constant 1 : i32
    scf.for %parallel_loop3A_281 = %parallel_loop3A_101 to %parallel_loop3A_102 step %parallel_loop3A_103  : i32 {
      %parallel_loop3A_282 = arith.constant 2 : i32
      %parallel_loop3A_283 = arith.muli %parallel_loop3A_282, %parallel_loop3A_281 : i32
      %parallel_loop3A_284 = vector.broadcast %parallel_loop3A_283 : i32 to vector<16xi32>
      %parallel_loop3A_285 = arith.constant 1 : i32
      %parallel_loop3A_286 = vector.broadcast %parallel_loop3A_285 : i32 to vector<16xi32>
      %parallel_loop3A_287 = arith.addi %parallel_loop3A_284, %parallel_loop3A_286 : vector<16xi32>
      %parallel_loop3A_288 = tpu.iota {dimensions = array<i32: 0>} : vector<16xi32>
      %parallel_loop3A_289 = arith.constant 0 : i32
      %parallel_loop3A_290 = vector.broadcast %parallel_loop3A_289 : i32 to vector<16xi32>
      %parallel_loop3A_291 = arith.addi %parallel_loop3A_288, %parallel_loop3A_290 : vector<16xi32>
      %parallel_loop3A_292 = arith.constant 1 : i32
      %parallel_loop3A_293 = arith.constant 0 : i32
      %parallel_loop3A_294 = arith.constant 0 : i32
      %parallel_loop3A_295 = tpu.memref_slice %arg5[%parallel_loop3A_292, %parallel_loop3A_293, %parallel_loop3A_294] : memref<2x64x128xf32, #tpu.memory_space<vmem>> -> memref<1x64x128xf32, #tpu.memory_space<vmem>>
      %parallel_loop3A_296 = tpu.memref_squeeze %parallel_loop3A_295 : memref<1x64x128xf32, #tpu.memory_space<vmem>> -> memref<64x128xf32, #tpu.memory_space<vmem>>
      %parallel_loop3A_297 = tpu.vector_load_idx %parallel_loop3A_296[%parallel_loop3A_291, %parallel_loop3A_284] : memref<64x128xf32, #tpu.memory_space<vmem>>[vector<16xi32>, vector<16xi32>], vector<16xf32>,
      %parallel_loop3A_298 = arith.constant 1 : i32
      %parallel_loop3A_299 = arith.index_cast %parallel_loop3A_298 : i32 to index
      %parallel_loop3A_300 = arith.index_cast %parallel_loop3A_281 : i32 to index
      %parallel_loop3A_301 = arith.constant 0 : index
      %parallel_loop3A_302 = tpu.vector_load %arg6[%parallel_loop3A_299, %parallel_loop3A_300, %parallel_loop3A_301] {strides = array<i32>} : memref<2x64x128xf32, #tpu.memory_space<vmem>>, vector<16xf32>,
      tpu.vector_store %arg6[%parallel_loop3A_299, %parallel_loop3A_300, %parallel_loop3A_301], %parallel_loop3A_297 {strides = array<i32>} : memref<2x64x128xf32, #tpu.memory_space<vmem>>, vector<16xf32>,
      %parallel_loop3A_303 = tpu.iota {dimensions = array<i32: 0>} : vector<16xi32>
      %parallel_loop3A_304 = arith.constant 16 : i32
      %parallel_loop3A_305 = vector.broadcast %parallel_loop3A_304 : i32 to vector<16xi32>
      %parallel_loop3A_306 = arith.addi %parallel_loop3A_303, %parallel_loop3A_305 : vector<16xi32>
      %parallel_loop3A_307 = arith.constant 1 : i32
      %parallel_loop3A_308 = arith.constant 0 : i32
      %parallel_loop3A_309 = arith.constant 0 : i32
      %parallel_loop3A_310 = tpu.memref_slice %arg5[%parallel_loop3A_307, %parallel_loop3A_308, %parallel_loop3A_309] : memref<2x64x128xf32, #tpu.memory_space<vmem>> -> memref<1x64x128xf32, #tpu.memory_space<vmem>>
      %parallel_loop3A_311 = tpu.memref_squeeze %parallel_loop3A_310 : memref<1x64x128xf32, #tpu.memory_space<vmem>> -> memref<64x128xf32, #tpu.memory_space<vmem>>
      %parallel_loop3A_312 = tpu.vector_load_idx %parallel_loop3A_311[%parallel_loop3A_306, %parallel_loop3A_284] : memref<64x128xf32, #tpu.memory_space<vmem>>[vector<16xi32>, vector<16xi32>], vector<16xf32>,
      %parallel_loop3A_313 = arith.constant 1 : i32
      %parallel_loop3A_314 = arith.index_cast %parallel_loop3A_313 : i32 to index
      %parallel_loop3A_315 = arith.index_cast %parallel_loop3A_281 : i32 to index
      %parallel_loop3A_316 = arith.constant 16 : index
      %parallel_loop3A_317 = tpu.vector_load %arg6[%parallel_loop3A_314, %parallel_loop3A_315, %parallel_loop3A_316] {strides = array<i32>} : memref<2x64x128xf32, #tpu.memory_space<vmem>>, vector<16xf32>,
      tpu.vector_store %arg6[%parallel_loop3A_314, %parallel_loop3A_315, %parallel_loop3A_316], %parallel_loop3A_312 {strides = array<i32>} : memref<2x64x128xf32, #tpu.memory_space<vmem>>, vector<16xf32>,
      %parallel_loop3A_318 = tpu.iota {dimensions = array<i32: 0>} : vector<16xi32>
      %parallel_loop3A_319 = arith.constant 32 : i32
      %parallel_loop3A_320 = vector.broadcast %parallel_loop3A_319 : i32 to vector<16xi32>
      %parallel_loop3A_321 = arith.addi %parallel_loop3A_318, %parallel_loop3A_320 : vector<16xi32>
      %parallel_loop3A_322 = arith.constant 1 : i32
      %parallel_loop3A_323 = arith.constant 0 : i32
      %parallel_loop3A_324 = arith.constant 0 : i32
      %parallel_loop3A_325 = tpu.memref_slice %arg5[%parallel_loop3A_322, %parallel_loop3A_323, %parallel_loop3A_324] : memref<2x64x128xf32, #tpu.memory_space<vmem>> -> memref<1x64x128xf32, #tpu.memory_space<vmem>>
      %parallel_loop3A_326 = tpu.memref_squeeze %parallel_loop3A_325 : memref<1x64x128xf32, #tpu.memory_space<vmem>> -> memref<64x128xf32, #tpu.memory_space<vmem>>
      %parallel_loop3A_327 = tpu.vector_load_idx %parallel_loop3A_326[%parallel_loop3A_321, %parallel_loop3A_284] : memref<64x128xf32, #tpu.memory_space<vmem>>[vector<16xi32>, vector<16xi32>], vector<16xf32>,
      %parallel_loop3A_328 = arith.constant 1 : i32
      %parallel_loop3A_329 = arith.index_cast %parallel_loop3A_328 : i32 to index
      %parallel_loop3A_330 = arith.index_cast %parallel_loop3A_281 : i32 to index
      %parallel_loop3A_331 = arith.constant 32 : index
      %parallel_loop3A_332 = tpu.vector_load %arg6[%parallel_loop3A_329, %parallel_loop3A_330, %parallel_loop3A_331] {strides = array<i32>} : memref<2x64x128xf32, #tpu.memory_space<vmem>>, vector<16xf32>,
      tpu.vector_store %arg6[%parallel_loop3A_329, %parallel_loop3A_330, %parallel_loop3A_331], %parallel_loop3A_327 {strides = array<i32>} : memref<2x64x128xf32, #tpu.memory_space<vmem>>, vector<16xf32>,
      %parallel_loop3A_333 = tpu.iota {dimensions = array<i32: 0>} : vector<16xi32>
      %parallel_loop3A_334 = arith.constant 48 : i32
      %parallel_loop3A_335 = vector.broadcast %parallel_loop3A_334 : i32 to vector<16xi32>
      %parallel_loop3A_336 = arith.addi %parallel_loop3A_333, %parallel_loop3A_335 : vector<16xi32>
      %parallel_loop3A_337 = arith.constant 1 : i32
      %parallel_loop3A_338 = arith.constant 0 : i32
      %parallel_loop3A_339 = arith.constant 0 : i32
      %parallel_loop3A_340 = tpu.memref_slice %arg5[%parallel_loop3A_337, %parallel_loop3A_338, %parallel_loop3A_339] : memref<2x64x128xf32, #tpu.memory_space<vmem>> -> memref<1x64x128xf32, #tpu.memory_space<vmem>>
      %parallel_loop3A_341 = tpu.memref_squeeze %parallel_loop3A_340 : memref<1x64x128xf32, #tpu.memory_space<vmem>> -> memref<64x128xf32, #tpu.memory_space<vmem>>
      %parallel_loop3A_342 = tpu.vector_load_idx %parallel_loop3A_341[%parallel_loop3A_336, %parallel_loop3A_284] : memref<64x128xf32, #tpu.memory_space<vmem>>[vector<16xi32>, vector<16xi32>], vector<16xf32>,
      %parallel_loop3A_343 = arith.constant 1 : i32
      %parallel_loop3A_344 = arith.index_cast %parallel_loop3A_343 : i32 to index
      %parallel_loop3A_345 = arith.index_cast %parallel_loop3A_281 : i32 to index
      %parallel_loop3A_346 = arith.constant 48 : index
      %parallel_loop3A_347 = tpu.vector_load %arg6[%parallel_loop3A_344, %parallel_loop3A_345, %parallel_loop3A_346] {strides = array<i32>} : memref<2x64x128xf32, #tpu.memory_space<vmem>>, vector<16xf32>,
      tpu.vector_store %arg6[%parallel_loop3A_344, %parallel_loop3A_345, %parallel_loop3A_346], %parallel_loop3A_342 {strides = array<i32>} : memref<2x64x128xf32, #tpu.memory_space<vmem>>, vector<16xf32>,
      %parallel_loop3A_348 = tpu.iota {dimensions = array<i32: 0>} : vector<16xi32>
      %parallel_loop3A_349 = arith.constant 0 : i32
      %parallel_loop3A_350 = vector.broadcast %parallel_loop3A_349 : i32 to vector<16xi32>
      %parallel_loop3A_351 = arith.addi %parallel_loop3A_348, %parallel_loop3A_350 : vector<16xi32>
      %parallel_loop3A_352 = arith.constant 1 : i32
      %parallel_loop3A_353 = arith.constant 0 : i32
      %parallel_loop3A_354 = arith.constant 0 : i32
      %parallel_loop3A_355 = tpu.memref_slice %arg5[%parallel_loop3A_352, %parallel_loop3A_353, %parallel_loop3A_354] : memref<2x64x128xf32, #tpu.memory_space<vmem>> -> memref<1x64x128xf32, #tpu.memory_space<vmem>>
      %parallel_loop3A_356 = tpu.memref_squeeze %parallel_loop3A_355 : memref<1x64x128xf32, #tpu.memory_space<vmem>> -> memref<64x128xf32, #tpu.memory_space<vmem>>
      %parallel_loop3A_357 = tpu.vector_load_idx %parallel_loop3A_356[%parallel_loop3A_351, %parallel_loop3A_287] : memref<64x128xf32, #tpu.memory_space<vmem>>[vector<16xi32>, vector<16xi32>], vector<16xf32>,
      %parallel_loop3A_358 = arith.constant 1 : i32
      %parallel_loop3A_359 = arith.index_cast %parallel_loop3A_358 : i32 to index
      %parallel_loop3A_360 = arith.index_cast %parallel_loop3A_281 : i32 to index
      %parallel_loop3A_361 = arith.constant 64 : index
      %parallel_loop3A_362 = tpu.vector_load %arg6[%parallel_loop3A_359, %parallel_loop3A_360, %parallel_loop3A_361] {strides = array<i32>} : memref<2x64x128xf32, #tpu.memory_space<vmem>>, vector<16xf32>,
      tpu.vector_store %arg6[%parallel_loop3A_359, %parallel_loop3A_360, %parallel_loop3A_361], %parallel_loop3A_357 {strides = array<i32>} : memref<2x64x128xf32, #tpu.memory_space<vmem>>, vector<16xf32>,
      %parallel_loop3A_363 = tpu.iota {dimensions = array<i32: 0>} : vector<16xi32>
      %parallel_loop3A_364 = arith.constant 16 : i32
      %parallel_loop3A_365 = vector.broadcast %parallel_loop3A_364 : i32 to vector<16xi32>
      %parallel_loop3A_366 = arith.addi %parallel_loop3A_363, %parallel_loop3A_365 : vector<16xi32>
      %parallel_loop3A_367 = arith.constant 1 : i32
      %parallel_loop3A_368 = arith.constant 0 : i32
      %parallel_loop3A_369 = arith.constant 0 : i32
      %parallel_loop3A_370 = tpu.memref_slice %arg5[%parallel_loop3A_367, %parallel_loop3A_368, %parallel_loop3A_369] : memref<2x64x128xf32, #tpu.memory_space<vmem>> -> memref<1x64x128xf32, #tpu.memory_space<vmem>>
      %parallel_loop3A_371 = tpu.memref_squeeze %parallel_loop3A_370 : memref<1x64x128xf32, #tpu.memory_space<vmem>> -> memref<64x128xf32, #tpu.memory_space<vmem>>
      %parallel_loop3A_372 = tpu.vector_load_idx %parallel_loop3A_371[%parallel_loop3A_366, %parallel_loop3A_287] : memref<64x128xf32, #tpu.memory_space<vmem>>[vector<16xi32>, vector<16xi32>], vector<16xf32>,
      %parallel_loop3A_373 = arith.constant 1 : i32
      %parallel_loop3A_374 = arith.index_cast %parallel_loop3A_373 : i32 to index
      %parallel_loop3A_375 = arith.index_cast %parallel_loop3A_281 : i32 to index
      %parallel_loop3A_376 = arith.constant 80 : index
      %parallel_loop3A_377 = tpu.vector_load %arg6[%parallel_loop3A_374, %parallel_loop3A_375, %parallel_loop3A_376] {strides = array<i32>} : memref<2x64x128xf32, #tpu.memory_space<vmem>>, vector<16xf32>,
      tpu.vector_store %arg6[%parallel_loop3A_374, %parallel_loop3A_375, %parallel_loop3A_376], %parallel_loop3A_372 {strides = array<i32>} : memref<2x64x128xf32, #tpu.memory_space<vmem>>, vector<16xf32>,
      %parallel_loop3A_378 = tpu.iota {dimensions = array<i32: 0>} : vector<16xi32>
      %parallel_loop3A_379 = arith.constant 32 : i32
      %parallel_loop3A_380 = vector.broadcast %parallel_loop3A_379 : i32 to vector<16xi32>
      %parallel_loop3A_381 = arith.addi %parallel_loop3A_378, %parallel_loop3A_380 : vector<16xi32>
      %parallel_loop3A_382 = arith.constant 1 : i32
      %parallel_loop3A_383 = arith.constant 0 : i32
      %parallel_loop3A_384 = arith.constant 0 : i32
      %parallel_loop3A_385 = tpu.memref_slice %arg5[%parallel_loop3A_382, %parallel_loop3A_383, %parallel_loop3A_384] : memref<2x64x128xf32, #tpu.memory_space<vmem>> -> memref<1x64x128xf32, #tpu.memory_space<vmem>>
      %parallel_loop3A_386 = tpu.memref_squeeze %parallel_loop3A_385 : memref<1x64x128xf32, #tpu.memory_space<vmem>> -> memref<64x128xf32, #tpu.memory_space<vmem>>
      %parallel_loop3A_387 = tpu.vector_load_idx %parallel_loop3A_386[%parallel_loop3A_381, %parallel_loop3A_287] : memref<64x128xf32, #tpu.memory_space<vmem>>[vector<16xi32>, vector<16xi32>], vector<16xf32>,
      %parallel_loop3A_388 = arith.constant 1 : i32
      %parallel_loop3A_389 = arith.index_cast %parallel_loop3A_388 : i32 to index
      %parallel_loop3A_390 = arith.index_cast %parallel_loop3A_281 : i32 to index
      %parallel_loop3A_391 = arith.constant 96 : index
      %parallel_loop3A_392 = tpu.vector_load %arg6[%parallel_loop3A_389, %parallel_loop3A_390, %parallel_loop3A_391] {strides = array<i32>} : memref<2x64x128xf32, #tpu.memory_space<vmem>>, vector<16xf32>,
      tpu.vector_store %arg6[%parallel_loop3A_389, %parallel_loop3A_390, %parallel_loop3A_391], %parallel_loop3A_387 {strides = array<i32>} : memref<2x64x128xf32, #tpu.memory_space<vmem>>, vector<16xf32>,
      %parallel_loop3A_393 = tpu.iota {dimensions = array<i32: 0>} : vector<16xi32>
      %parallel_loop3A_394 = arith.constant 48 : i32
      %parallel_loop3A_395 = vector.broadcast %parallel_loop3A_394 : i32 to vector<16xi32>
      %parallel_loop3A_396 = arith.addi %parallel_loop3A_393, %parallel_loop3A_395 : vector<16xi32>
      %parallel_loop3A_397 = arith.constant 1 : i32
      %parallel_loop3A_398 = arith.constant 0 : i32
      %parallel_loop3A_399 = arith.constant 0 : i32
      %parallel_loop3A_400 = tpu.memref_slice %arg5[%parallel_loop3A_397, %parallel_loop3A_398, %parallel_loop3A_399] : memref<2x64x128xf32, #tpu.memory_space<vmem>> -> memref<1x64x128xf32, #tpu.memory_space<vmem>>
      %parallel_loop3A_401 = tpu.memref_squeeze %parallel_loop3A_400 : memref<1x64x128xf32, #tpu.memory_space<vmem>> -> memref<64x128xf32, #tpu.memory_space<vmem>>
      %parallel_loop3A_402 = tpu.vector_load_idx %parallel_loop3A_401[%parallel_loop3A_396, %parallel_loop3A_287] : memref<64x128xf32, #tpu.memory_space<vmem>>[vector<16xi32>, vector<16xi32>], vector<16xf32>,
      %parallel_loop3A_403 = arith.constant 1 : i32
      %parallel_loop3A_404 = arith.index_cast %parallel_loop3A_403 : i32 to index
      %parallel_loop3A_405 = arith.index_cast %parallel_loop3A_281 : i32 to index
      %parallel_loop3A_406 = arith.constant 112 : index
      %parallel_loop3A_407 = tpu.vector_load %arg6[%parallel_loop3A_404, %parallel_loop3A_405, %parallel_loop3A_406] {strides = array<i32>} : memref<2x64x128xf32, #tpu.memory_space<vmem>>, vector<16xf32>,
      tpu.vector_store %arg6[%parallel_loop3A_404, %parallel_loop3A_405, %parallel_loop3A_406], %parallel_loop3A_402 {strides = array<i32>} : memref<2x64x128xf32, #tpu.memory_space<vmem>>, vector<16xf32>,
    } {sc.loop_unroll_factor = 8 : i64, sc.parallel_access}
    %add3A_104 = arith.constant 1 : i32
    %add3A_105 = arith.addi %mul3A_2, %add3A_104 : i32
    %mul3A_106 = arith.constant 64 : i32
    %mul3A_107 = arith.muli %add3A_105, %mul3A_106 : i32
    %dma_start3A_108 = arith.constant 1 : i32
    %dma_start3A_109 = arith.constant 0 : i32
    %dma_start3A_110 = arith.constant 0 : i32
    %dma_start3A_111 = tpu.memref_slice %arg6[%dma_start3A_108, %dma_start3A_109, %dma_start3A_110] : memref<2x64x128xf32, #tpu.memory_space<vmem>> -> memref<1x64x128xf32, #tpu.memory_space<vmem>>
    %dma_start3A_112 = tpu.memref_squeeze %dma_start3A_111 : memref<1x64x128xf32, #tpu.memory_space<vmem>> -> memref<64x128xf32, #tpu.memory_space<vmem>>
    %dma_start3A_113 = arith.constant 0 : i32
    %dma_start3A_114 = tpu.memref_slice %arg4[%mul3A_107, %dma_start3A_113] : memref<500000x128xf32, #tpu.memory_space<hbm>> -> memref<64x128xf32, #tpu.memory_space<hbm>>
    %dma_start3A_115 = arith.constant 0 : i32
    %dma_start3A_116 = tpu.memref_slice %arg4[%mul3A_107, %dma_start3A_115] : memref<500000x128xf32, #tpu.memory_space<hbm>> -> memref<64x128xf32, #tpu.memory_space<hbm>>
    %dma_start3A_117 = arith.constant 0 : i32
    %dma_start3A_118 = arith.constant 0 : i32
    %dma_start3A_119 = tpu.memref_slice %arg6[%dma_start3A_108, %dma_start3A_117, %dma_start3A_118] : memref<2x64x128xf32, #tpu.memory_space<vmem>> -> memref<1x64x128xf32, #tpu.memory_space<vmem>>
    %dma_start3A_120 = tpu.memref_squeeze %dma_start3A_119 : memref<1x64x128xf32, #tpu.memory_space<vmem>> -> memref<64x128xf32, #tpu.memory_space<vmem>>
    tpu.enqueue_dma source(%dma_start3A_120 : memref<64x128xf32, #tpu.memory_space<vmem>>) target(%dma_start3A_116 : memref<64x128xf32, #tpu.memory_space<hbm>>) target_semaphore(%arg10 : memref<!tpu.dma_semaphore, #tpu.memory_space<semaphore_mem>>)
    %add3A_121 = arith.constant 1 : i32
    %add3A_122 = arith.addi %mul3A_2, %add3A_121 : i32
    %add3A_123 = arith.constant 2 : i32
    %add3A_124 = arith.addi %add3A_122, %add3A_123 : i32
    %mul3A_125 = arith.constant 128 : i32
    %mul3A_126 = arith.muli %add3A_124, %mul3A_125 : i32
    %dma_start3A_127 = arith.constant 1 : i32
    %dma_start3A_128 = arith.constant 0 : i32
    %dma_start3A_129 = arith.constant 0 : i32
    %dma_start3A_130 = tpu.memref_slice %arg5[%dma_start3A_127, %dma_start3A_128, %dma_start3A_129] : memref<2x64x128xf32, #tpu.memory_space<vmem>> -> memref<1x64x128xf32, #tpu.memory_space<vmem>>
    %dma_start3A_131 = tpu.memref_squeeze %dma_start3A_130 : memref<1x64x128xf32, #tpu.memory_space<vmem>> -> memref<64x128xf32, #tpu.memory_space<vmem>>
    %dma_start3A_132 = arith.constant 0 : i32
    %dma_start3A_133 = tpu.memref_slice %arg2[%dma_start3A_132, %mul3A_126] : memref<64x1000001xf32, #tpu.memory_space<hbm>> -> memref<64x128xf32, #tpu.memory_space<hbm>>
    %dma_start3A_134 = arith.constant 0 : i32
    %dma_start3A_135 = arith.constant 0 : i32
    %dma_start3A_136 = tpu.memref_slice %arg5[%dma_start3A_127, %dma_start3A_134, %dma_start3A_135] : memref<2x64x128xf32, #tpu.memory_space<vmem>> -> memref<1x64x128xf32, #tpu.memory_space<vmem>>
    %dma_start3A_137 = tpu.memref_squeeze %dma_start3A_136 : memref<1x64x128xf32, #tpu.memory_space<vmem>> -> memref<64x128xf32, #tpu.memory_space<vmem>>
    %dma_start3A_138 = arith.constant 0 : i32
    %dma_start3A_139 = tpu.memref_slice %arg2[%dma_start3A_138, %mul3A_126] : memref<64x1000001xf32, #tpu.memory_space<hbm>> -> memref<64x128xf32, #tpu.memory_space<hbm>>
    tpu.enqueue_dma source(%dma_start3A_139 : memref<64x128xf32, #tpu.memory_space<hbm>>) target(%dma_start3A_137 : memref<64x128xf32, #tpu.memory_space<vmem>>) target_semaphore(%arg8 : memref<!tpu.dma_semaphore, #tpu.memory_space<semaphore_mem>>)
    %scan3A = arith.constant 0 : i32
    %scan3A_140 = arith.constant 1 : i32
    %scan3A_141 = arith.constant 120 : i32
    %scan3A_142 = arith.addi %scan3A_140, %scan3A_141 : i32
    %scan3A_143 = arith.constant 1 : i32
    scf.for %scan3A_281 = %scan3A_140 to %scan3A_142 step %scan3A_143  : i32 {
      %mul3A_282 = arith.constant 2 : i32
      %mul3A_283 = arith.muli %mul3A_282, %scan3A_281 : i32
      %add3A_284 = arith.constant 0 : i32
      %add3A_285 = arith.addi %mul3A_283, %add3A_284 : i32
      %dma_wait3A_286 = arith.constant 0 : i32
      %dma_wait3A_287 = arith.constant 0 : i32
      %dma_wait3A_288 = arith.constant 0 : i32
      %dma_wait3A_289 = tpu.memref_slice %arg5[%dma_wait3A_286, %dma_wait3A_287, %dma_wait3A_288] : memref<2x64x128xf32, #tpu.memory_space<vmem>> -> memref<1x64x128xf32, #tpu.memory_space<vmem>>
      %dma_wait3A_290 = tpu.memref_squeeze %dma_wait3A_289 : memref<1x64x128xf32, #tpu.memory_space<vmem>> -> memref<64x128xf32, #tpu.memory_space<vmem>>
      %dma_wait3A_291 = arith.constant 0 : i32
      %dma_wait3A_292 = arith.constant 0 : i32
      %dma_wait3A_293 = tpu.memref_slice %arg2[%dma_wait3A_291, %dma_wait3A_292] : memref<64x1000001xf32, #tpu.memory_space<hbm>> -> memref<64x128xf32, #tpu.memory_space<hbm>>
      %dma_wait3A_294 = arith.constant 0 : i32
      %dma_wait3A_295 = arith.constant 0 : i32
      %dma_wait3A_296 = tpu.memref_slice %arg5[%dma_wait3A_286, %dma_wait3A_294, %dma_wait3A_295] : memref<2x64x128xf32, #tpu.memory_space<vmem>> -> memref<1x64x128xf32, #tpu.memory_space<vmem>>
      %dma_wait3A_297 = tpu.memref_squeeze %dma_wait3A_296 : memref<1x64x128xf32, #tpu.memory_space<vmem>> -> memref<64x128xf32, #tpu.memory_space<vmem>>
      %dma_wait3A_298 = arith.constant 0 : i32
      %dma_wait3A_299 = arith.constant 0 : i32
      %dma_wait3A_300 = tpu.memref_slice %arg2[%dma_wait3A_298, %dma_wait3A_299] : memref<64x1000001xf32, #tpu.memory_space<hbm>> -> memref<64x128xf32, #tpu.memory_space<hbm>>
      tpu.wait_dma2 semaphore(%arg7 : memref<!tpu.dma_semaphore, #tpu.memory_space<semaphore_mem>>) src(%dma_wait3A_300 : memref<64x128xf32, #tpu.memory_space<hbm>>) dst(%dma_wait3A_297 : memref<64x128xf32, #tpu.memory_space<vmem>>)
      %dma_wait3A_301 = arith.constant 0 : i32
      %dma_wait3A_302 = arith.constant 0 : i32
      %dma_wait3A_303 = arith.constant 0 : i32
      %dma_wait3A_304 = tpu.memref_slice %arg6[%dma_wait3A_301, %dma_wait3A_302, %dma_wait3A_303] : memref<2x64x128xf32, #tpu.memory_space<vmem>> -> memref<1x64x128xf32, #tpu.memory_space<vmem>>
      %dma_wait3A_305 = tpu.memref_squeeze %dma_wait3A_304 : memref<1x64x128xf32, #tpu.memory_space<vmem>> -> memref<64x128xf32, #tpu.memory_space<vmem>>
      %dma_wait3A_306 = arith.constant 0 : i32
      %dma_wait3A_307 = arith.constant 0 : i32
      %dma_wait3A_308 = tpu.memref_slice %arg4[%dma_wait3A_306, %dma_wait3A_307] : memref<500000x128xf32, #tpu.memory_space<hbm>> -> memref<64x128xf32, #tpu.memory_space<hbm>>
      %dma_wait3A_309 = arith.constant 0 : i32
      %dma_wait3A_310 = arith.constant 0 : i32
      %dma_wait3A_311 = tpu.memref_slice %arg4[%dma_wait3A_309, %dma_wait3A_310] : memref<500000x128xf32, #tpu.memory_space<hbm>> -> memref<64x128xf32, #tpu.memory_space<hbm>>
      %dma_wait3A_312 = arith.constant 0 : i32
      %dma_wait3A_313 = arith.constant 0 : i32
      %dma_wait3A_314 = tpu.memref_slice %arg6[%dma_wait3A_301, %dma_wait3A_312, %dma_wait3A_313] : memref<2x64x128xf32, #tpu.memory_space<vmem>> -> memref<1x64x128xf32, #tpu.memory_space<vmem>>
      %dma_wait3A_315 = tpu.memref_squeeze %dma_wait3A_314 : memref<1x64x128xf32, #tpu.memory_space<vmem>> -> memref<64x128xf32, #tpu.memory_space<vmem>>
      tpu.wait_dma2 semaphore(%arg9 : memref<!tpu.dma_semaphore, #tpu.memory_space<semaphore_mem>>) src(%dma_wait3A_315 : memref<64x128xf32, #tpu.memory_space<vmem>>) dst(%dma_wait3A_311 : memref<64x128xf32, #tpu.memory_space<hbm>>)
      %parallel_loop3A_316 = arith.constant 0 : i32
      %parallel_loop3A_317 = arith.constant 64 : i32
      %parallel_loop3A_318 = arith.constant 1 : i32
      scf.for %parallel_loop3A_424 = %parallel_loop3A_316 to %parallel_loop3A_317 step %parallel_loop3A_318  : i32 {
        %parallel_loop3A_425 = arith.constant 2 : i32
        %parallel_loop3A_426 = arith.muli %parallel_loop3A_425, %parallel_loop3A_424 : i32
        %parallel_loop3A_427 = vector.broadcast %parallel_loop3A_426 : i32 to vector<16xi32>
        %parallel_loop3A_428 = arith.constant 1 : i32
        %parallel_loop3A_429 = vector.broadcast %parallel_loop3A_428 : i32 to vector<16xi32>
        %parallel_loop3A_430 = arith.addi %parallel_loop3A_427, %parallel_loop3A_429 : vector<16xi32>
        %parallel_loop3A_431 = tpu.iota {dimensions = array<i32: 0>} : vector<16xi32>
        %parallel_loop3A_432 = arith.constant 0 : i32
        %parallel_loop3A_433 = vector.broadcast %parallel_loop3A_432 : i32 to vector<16xi32>
        %parallel_loop3A_434 = arith.addi %parallel_loop3A_431, %parallel_loop3A_433 : vector<16xi32>
        %parallel_loop3A_435 = arith.constant 0 : i32
        %parallel_loop3A_436 = arith.constant 0 : i32
        %parallel_loop3A_437 = arith.constant 0 : i32
        %parallel_loop3A_438 = tpu.memref_slice %arg5[%parallel_loop3A_435, %parallel_loop3A_436, %parallel_loop3A_437] : memref<2x64x128xf32, #tpu.memory_space<vmem>> -> memref<1x64x128xf32, #tpu.memory_space<vmem>>
        %parallel_loop3A_439 = tpu.memref_squeeze %parallel_loop3A_438 : memref<1x64x128xf32, #tpu.memory_space<vmem>> -> memref<64x128xf32, #tpu.memory_space<vmem>>
        %parallel_loop3A_440 = tpu.vector_load_idx %parallel_loop3A_439[%parallel_loop3A_434, %parallel_loop3A_427] : memref<64x128xf32, #tpu.memory_space<vmem>>[vector<16xi32>, vector<16xi32>], vector<16xf32>,
        %parallel_loop3A_441 = arith.constant 0 : i32
        %parallel_loop3A_442 = arith.index_cast %parallel_loop3A_441 : i32 to index
        %parallel_loop3A_443 = arith.index_cast %parallel_loop3A_424 : i32 to index
        %parallel_loop3A_444 = arith.constant 0 : index
        %parallel_loop3A_445 = tpu.vector_load %arg6[%parallel_loop3A_442, %parallel_loop3A_443, %parallel_loop3A_444] {strides = array<i32>} : memref<2x64x128xf32, #tpu.memory_space<vmem>>, vector<16xf32>,
        tpu.vector_store %arg6[%parallel_loop3A_442, %parallel_loop3A_443, %parallel_loop3A_444], %parallel_loop3A_440 {strides = array<i32>} : memref<2x64x128xf32, #tpu.memory_space<vmem>>, vector<16xf32>,
        %parallel_loop3A_446 = tpu.iota {dimensions = array<i32: 0>} : vector<16xi32>
        %parallel_loop3A_447 = arith.constant 16 : i32
        %parallel_loop3A_448 = vector.broadcast %parallel_loop3A_447 : i32 to vector<16xi32>
        %parallel_loop3A_449 = arith.addi %parallel_loop3A_446, %parallel_loop3A_448 : vector<16xi32>
        %parallel_loop3A_450 = arith.constant 0 : i32
        %parallel_loop3A_451 = arith.constant 0 : i32
        %parallel_loop3A_452 = arith.constant 0 : i32
        %parallel_loop3A_453 = tpu.memref_slice %arg5[%parallel_loop3A_450, %parallel_loop3A_451, %parallel_loop3A_452] : memref<2x64x128xf32, #tpu.memory_space<vmem>> -> memref<1x64x128xf32, #tpu.memory_space<vmem>>
        %parallel_loop3A_454 = tpu.memref_squeeze %parallel_loop3A_453 : memref<1x64x128xf32, #tpu.memory_space<vmem>> -> memref<64x128xf32, #tpu.memory_space<vmem>>
        %parallel_loop3A_455 = tpu.vector_load_idx %parallel_loop3A_454[%parallel_loop3A_449, %parallel_loop3A_427] : memref<64x128xf32, #tpu.memory_space<vmem>>[vector<16xi32>, vector<16xi32>], vector<16xf32>,
        %parallel_loop3A_456 = arith.constant 0 : i32
        %parallel_loop3A_457 = arith.index_cast %parallel_loop3A_456 : i32 to index
        %parallel_loop3A_458 = arith.index_cast %parallel_loop3A_424 : i32 to index
        %parallel_loop3A_459 = arith.constant 16 : index
        %parallel_loop3A_460 = tpu.vector_load %arg6[%parallel_loop3A_457, %parallel_loop3A_458, %parallel_loop3A_459] {strides = array<i32>} : memref<2x64x128xf32, #tpu.memory_space<vmem>>, vector<16xf32>,
        tpu.vector_store %arg6[%parallel_loop3A_457, %parallel_loop3A_458, %parallel_loop3A_459], %parallel_loop3A_455 {strides = array<i32>} : memref<2x64x128xf32, #tpu.memory_space<vmem>>, vector<16xf32>,
        %parallel_loop3A_461 = tpu.iota {dimensions = array<i32: 0>} : vector<16xi32>
        %parallel_loop3A_462 = arith.constant 32 : i32
        %parallel_loop3A_463 = vector.broadcast %parallel_loop3A_462 : i32 to vector<16xi32>
        %parallel_loop3A_464 = arith.addi %parallel_loop3A_461, %parallel_loop3A_463 : vector<16xi32>
        %parallel_loop3A_465 = arith.constant 0 : i32
        %parallel_loop3A_466 = arith.constant 0 : i32
        %parallel_loop3A_467 = arith.constant 0 : i32
        %parallel_loop3A_468 = tpu.memref_slice %arg5[%parallel_loop3A_465, %parallel_loop3A_466, %parallel_loop3A_467] : memref<2x64x128xf32, #tpu.memory_space<vmem>> -> memref<1x64x128xf32, #tpu.memory_space<vmem>>
        %parallel_loop3A_469 = tpu.memref_squeeze %parallel_loop3A_468 : memref<1x64x128xf32, #tpu.memory_space<vmem>> -> memref<64x128xf32, #tpu.memory_space<vmem>>
        %parallel_loop3A_470 = tpu.vector_load_idx %parallel_loop3A_469[%parallel_loop3A_464, %parallel_loop3A_427] : memref<64x128xf32, #tpu.memory_space<vmem>>[vector<16xi32>, vector<16xi32>], vector<16xf32>,
        %parallel_loop3A_471 = arith.constant 0 : i32
        %parallel_loop3A_472 = arith.index_cast %parallel_loop3A_471 : i32 to index
        %parallel_loop3A_473 = arith.index_cast %parallel_loop3A_424 : i32 to index
        %parallel_loop3A_474 = arith.constant 32 : index
        %parallel_loop3A_475 = tpu.vector_load %arg6[%parallel_loop3A_472, %parallel_loop3A_473, %parallel_loop3A_474] {strides = array<i32>} : memref<2x64x128xf32, #tpu.memory_space<vmem>>, vector<16xf32>,
        tpu.vector_store %arg6[%parallel_loop3A_472, %parallel_loop3A_473, %parallel_loop3A_474], %parallel_loop3A_470 {strides = array<i32>} : memref<2x64x128xf32, #tpu.memory_space<vmem>>, vector<16xf32>,
        %parallel_loop3A_476 = tpu.iota {dimensions = array<i32: 0>} : vector<16xi32>
        %parallel_loop3A_477 = arith.constant 48 : i32
        %parallel_loop3A_478 = vector.broadcast %parallel_loop3A_477 : i32 to vector<16xi32>
        %parallel_loop3A_479 = arith.addi %parallel_loop3A_476, %parallel_loop3A_478 : vector<16xi32>
        %parallel_loop3A_480 = arith.constant 0 : i32
        %parallel_loop3A_481 = arith.constant 0 : i32
        %parallel_loop3A_482 = arith.constant 0 : i32
        %parallel_loop3A_483 = tpu.memref_slice %arg5[%parallel_loop3A_480, %parallel_loop3A_481, %parallel_loop3A_482] : memref<2x64x128xf32, #tpu.memory_space<vmem>> -> memref<1x64x128xf32, #tpu.memory_space<vmem>>
        %parallel_loop3A_484 = tpu.memref_squeeze %parallel_loop3A_483 : memref<1x64x128xf32, #tpu.memory_space<vmem>> -> memref<64x128xf32, #tpu.memory_space<vmem>>
        %parallel_loop3A_485 = tpu.vector_load_idx %parallel_loop3A_484[%parallel_loop3A_479, %parallel_loop3A_427] : memref<64x128xf32, #tpu.memory_space<vmem>>[vector<16xi32>, vector<16xi32>], vector<16xf32>,
        %parallel_loop3A_486 = arith.constant 0 : i32
        %parallel_loop3A_487 = arith.index_cast %parallel_loop3A_486 : i32 to index
        %parallel_loop3A_488 = arith.index_cast %parallel_loop3A_424 : i32 to index
        %parallel_loop3A_489 = arith.constant 48 : index
        %parallel_loop3A_490 = tpu.vector_load %arg6[%parallel_loop3A_487, %parallel_loop3A_488, %parallel_loop3A_489] {strides = array<i32>} : memref<2x64x128xf32, #tpu.memory_space<vmem>>, vector<16xf32>,
        tpu.vector_store %arg6[%parallel_loop3A_487, %parallel_loop3A_488, %parallel_loop3A_489], %parallel_loop3A_485 {strides = array<i32>} : memref<2x64x128xf32, #tpu.memory_space<vmem>>, vector<16xf32>,
        %parallel_loop3A_491 = tpu.iota {dimensions = array<i32: 0>} : vector<16xi32>
        %parallel_loop3A_492 = arith.constant 0 : i32
        %parallel_loop3A_493 = vector.broadcast %parallel_loop3A_492 : i32 to vector<16xi32>
        %parallel_loop3A_494 = arith.addi %parallel_loop3A_491, %parallel_loop3A_493 : vector<16xi32>
        %parallel_loop3A_495 = arith.constant 0 : i32
        %parallel_loop3A_496 = arith.constant 0 : i32
        %parallel_loop3A_497 = arith.constant 0 : i32
        %parallel_loop3A_498 = tpu.memref_slice %arg5[%parallel_loop3A_495, %parallel_loop3A_496, %parallel_loop3A_497] : memref<2x64x128xf32, #tpu.memory_space<vmem>> -> memref<1x64x128xf32, #tpu.memory_space<vmem>>
        %parallel_loop3A_499 = tpu.memref_squeeze %parallel_loop3A_498 : memref<1x64x128xf32, #tpu.memory_space<vmem>> -> memref<64x128xf32, #tpu.memory_space<vmem>>
        %parallel_loop3A_500 = tpu.vector_load_idx %parallel_loop3A_499[%parallel_loop3A_494, %parallel_loop3A_430] : memref<64x128xf32, #tpu.memory_space<vmem>>[vector<16xi32>, vector<16xi32>], vector<16xf32>,
        %parallel_loop3A_501 = arith.constant 0 : i32
        %parallel_loop3A_502 = arith.index_cast %parallel_loop3A_501 : i32 to index
        %parallel_loop3A_503 = arith.index_cast %parallel_loop3A_424 : i32 to index
        %parallel_loop3A_504 = arith.constant 64 : index
        %parallel_loop3A_505 = tpu.vector_load %arg6[%parallel_loop3A_502, %parallel_loop3A_503, %parallel_loop3A_504] {strides = array<i32>} : memref<2x64x128xf32, #tpu.memory_space<vmem>>, vector<16xf32>,
        tpu.vector_store %arg6[%parallel_loop3A_502, %parallel_loop3A_503, %parallel_loop3A_504], %parallel_loop3A_500 {strides = array<i32>} : memref<2x64x128xf32, #tpu.memory_space<vmem>>, vector<16xf32>,
        %parallel_loop3A_506 = tpu.iota {dimensions = array<i32: 0>} : vector<16xi32>
        %parallel_loop3A_507 = arith.constant 16 : i32
        %parallel_loop3A_508 = vector.broadcast %parallel_loop3A_507 : i32 to vector<16xi32>
        %parallel_loop3A_509 = arith.addi %parallel_loop3A_506, %parallel_loop3A_508 : vector<16xi32>
        %parallel_loop3A_510 = arith.constant 0 : i32
        %parallel_loop3A_511 = arith.constant 0 : i32
        %parallel_loop3A_512 = arith.constant 0 : i32
        %parallel_loop3A_513 = tpu.memref_slice %arg5[%parallel_loop3A_510, %parallel_loop3A_511, %parallel_loop3A_512] : memref<2x64x128xf32, #tpu.memory_space<vmem>> -> memref<1x64x128xf32, #tpu.memory_space<vmem>>
        %parallel_loop3A_514 = tpu.memref_squeeze %parallel_loop3A_513 : memref<1x64x128xf32, #tpu.memory_space<vmem>> -> memref<64x128xf32, #tpu.memory_space<vmem>>
        %parallel_loop3A_515 = tpu.vector_load_idx %parallel_loop3A_514[%parallel_loop3A_509, %parallel_loop3A_430] : memref<64x128xf32, #tpu.memory_space<vmem>>[vector<16xi32>, vector<16xi32>], vector<16xf32>,
        %parallel_loop3A_516 = arith.constant 0 : i32
        %parallel_loop3A_517 = arith.index_cast %parallel_loop3A_516 : i32 to index
        %parallel_loop3A_518 = arith.index_cast %parallel_loop3A_424 : i32 to index
        %parallel_loop3A_519 = arith.constant 80 : index
        %parallel_loop3A_520 = tpu.vector_load %arg6[%parallel_loop3A_517, %parallel_loop3A_518, %parallel_loop3A_519] {strides = array<i32>} : memref<2x64x128xf32, #tpu.memory_space<vmem>>, vector<16xf32>,
        tpu.vector_store %arg6[%parallel_loop3A_517, %parallel_loop3A_518, %parallel_loop3A_519], %parallel_loop3A_515 {strides = array<i32>} : memref<2x64x128xf32, #tpu.memory_space<vmem>>, vector<16xf32>,
        %parallel_loop3A_521 = tpu.iota {dimensions = array<i32: 0>} : vector<16xi32>
        %parallel_loop3A_522 = arith.constant 32 : i32
        %parallel_loop3A_523 = vector.broadcast %parallel_loop3A_522 : i32 to vector<16xi32>
        %parallel_loop3A_524 = arith.addi %parallel_loop3A_521, %parallel_loop3A_523 : vector<16xi32>
        %parallel_loop3A_525 = arith.constant 0 : i32
        %parallel_loop3A_526 = arith.constant 0 : i32
        %parallel_loop3A_527 = arith.constant 0 : i32
        %parallel_loop3A_528 = tpu.memref_slice %arg5[%parallel_loop3A_525, %parallel_loop3A_526, %parallel_loop3A_527] : memref<2x64x128xf32, #tpu.memory_space<vmem>> -> memref<1x64x128xf32, #tpu.memory_space<vmem>>
        %parallel_loop3A_529 = tpu.memref_squeeze %parallel_loop3A_528 : memref<1x64x128xf32, #tpu.memory_space<vmem>> -> memref<64x128xf32, #tpu.memory_space<vmem>>
        %parallel_loop3A_530 = tpu.vector_load_idx %parallel_loop3A_529[%parallel_loop3A_524, %parallel_loop3A_430] : memref<64x128xf32, #tpu.memory_space<vmem>>[vector<16xi32>, vector<16xi32>], vector<16xf32>,
        %parallel_loop3A_531 = arith.constant 0 : i32
        %parallel_loop3A_532 = arith.index_cast %parallel_loop3A_531 : i32 to index
        %parallel_loop3A_533 = arith.index_cast %parallel_loop3A_424 : i32 to index
        %parallel_loop3A_534 = arith.constant 96 : index
        %parallel_loop3A_535 = tpu.vector_load %arg6[%parallel_loop3A_532, %parallel_loop3A_533, %parallel_loop3A_534] {strides = array<i32>} : memref<2x64x128xf32, #tpu.memory_space<vmem>>, vector<16xf32>,
        tpu.vector_store %arg6[%parallel_loop3A_532, %parallel_loop3A_533, %parallel_loop3A_534], %parallel_loop3A_530 {strides = array<i32>} : memref<2x64x128xf32, #tpu.memory_space<vmem>>, vector<16xf32>,
        %parallel_loop3A_536 = tpu.iota {dimensions = array<i32: 0>} : vector<16xi32>
        %parallel_loop3A_537 = arith.constant 48 : i32
        %parallel_loop3A_538 = vector.broadcast %parallel_loop3A_537 : i32 to vector<16xi32>
        %parallel_loop3A_539 = arith.addi %parallel_loop3A_536, %parallel_loop3A_538 : vector<16xi32>
        %parallel_loop3A_540 = arith.constant 0 : i32
        %parallel_loop3A_541 = arith.constant 0 : i32
        %parallel_loop3A_542 = arith.constant 0 : i32
        %parallel_loop3A_543 = tpu.memref_slice %arg5[%parallel_loop3A_540, %parallel_loop3A_541, %parallel_loop3A_542] : memref<2x64x128xf32, #tpu.memory_space<vmem>> -> memref<1x64x128xf32, #tpu.memory_space<vmem>>
        %parallel_loop3A_544 = tpu.memref_squeeze %parallel_loop3A_543 : memref<1x64x128xf32, #tpu.memory_space<vmem>> -> memref<64x128xf32, #tpu.memory_space<vmem>>
        %parallel_loop3A_545 = tpu.vector_load_idx %parallel_loop3A_544[%parallel_loop3A_539, %parallel_loop3A_430] : memref<64x128xf32, #tpu.memory_space<vmem>>[vector<16xi32>, vector<16xi32>], vector<16xf32>,
        %parallel_loop3A_546 = arith.constant 0 : i32
        %parallel_loop3A_547 = arith.index_cast %parallel_loop3A_546 : i32 to index
        %parallel_loop3A_548 = arith.index_cast %parallel_loop3A_424 : i32 to index
        %parallel_loop3A_549 = arith.constant 112 : index
        %parallel_loop3A_550 = tpu.vector_load %arg6[%parallel_loop3A_547, %parallel_loop3A_548, %parallel_loop3A_549] {strides = array<i32>} : memref<2x64x128xf32, #tpu.memory_space<vmem>>, vector<16xf32>,
        tpu.vector_store %arg6[%parallel_loop3A_547, %parallel_loop3A_548, %parallel_loop3A_549], %parallel_loop3A_545 {strides = array<i32>} : memref<2x64x128xf32, #tpu.memory_space<vmem>>, vector<16xf32>,
      } {sc.loop_unroll_factor = 8 : i64, sc.parallel_access}
      %add3A_319 = arith.addi %mul3A_2, %add3A_285 : i32
      %mul3A_320 = arith.constant 64 : i32
      %mul3A_321 = arith.muli %add3A_319, %mul3A_320 : i32
      %dma_start3A_322 = arith.constant 0 : i32
      %dma_start3A_323 = arith.constant 0 : i32
      %dma_start3A_324 = arith.constant 0 : i32
      %dma_start3A_325 = tpu.memref_slice %arg6[%dma_start3A_322, %dma_start3A_323, %dma_start3A_324] : memref<2x64x128xf32, #tpu.memory_space<vmem>> -> memref<1x64x128xf32, #tpu.memory_space<vmem>>
      %dma_start3A_326 = tpu.memref_squeeze %dma_start3A_325 : memref<1x64x128xf32, #tpu.memory_space<vmem>> -> memref<64x128xf32, #tpu.memory_space<vmem>>
      %dma_start3A_327 = arith.constant 0 : i32
      %dma_start3A_328 = tpu.memref_slice %arg4[%mul3A_321, %dma_start3A_327] : memref<500000x128xf32, #tpu.memory_space<hbm>> -> memref<64x128xf32, #tpu.memory_space<hbm>>
      %dma_start3A_329 = arith.constant 0 : i32
      %dma_start3A_330 = tpu.memref_slice %arg4[%mul3A_321, %dma_start3A_329] : memref<500000x128xf32, #tpu.memory_space<hbm>> -> memref<64x128xf32, #tpu.memory_space<hbm>>
      %dma_start3A_331 = arith.constant 0 : i32
      %dma_start3A_332 = arith.constant 0 : i32
      %dma_start3A_333 = tpu.memref_slice %arg6[%dma_start3A_322, %dma_start3A_331, %dma_start3A_332] : memref<2x64x128xf32, #tpu.memory_space<vmem>> -> memref<1x64x128xf32, #tpu.memory_space<vmem>>
      %dma_start3A_334 = tpu.memref_squeeze %dma_start3A_333 : memref<1x64x128xf32, #tpu.memory_space<vmem>> -> memref<64x128xf32, #tpu.memory_space<vmem>>
      tpu.enqueue_dma source(%dma_start3A_334 : memref<64x128xf32, #tpu.memory_space<vmem>>) target(%dma_start3A_330 : memref<64x128xf32, #tpu.memory_space<hbm>>) target_semaphore(%arg9 : memref<!tpu.dma_semaphore, #tpu.memory_space<semaphore_mem>>)
      %add3A_335 = arith.addi %mul3A_2, %add3A_285 : i32
      %add3A_336 = arith.constant 2 : i32
      %add3A_337 = arith.addi %add3A_335, %add3A_336 : i32
      %mul3A_338 = arith.constant 128 : i32
      %mul3A_339 = arith.muli %add3A_337, %mul3A_338 : i32
      %dma_start3A_340 = arith.constant 0 : i32
      %dma_start3A_341 = arith.constant 0 : i32
      %dma_start3A_342 = arith.constant 0 : i32
      %dma_start3A_343 = tpu.memref_slice %arg5[%dma_start3A_340, %dma_start3A_341, %dma_start3A_342] : memref<2x64x128xf32, #tpu.memory_space<vmem>> -> memref<1x64x128xf32, #tpu.memory_space<vmem>>
      %dma_start3A_344 = tpu.memref_squeeze %dma_start3A_343 : memref<1x64x128xf32, #tpu.memory_space<vmem>> -> memref<64x128xf32, #tpu.memory_space<vmem>>
      %dma_start3A_345 = arith.constant 0 : i32
      %dma_start3A_346 = tpu.memref_slice %arg2[%dma_start3A_345, %mul3A_339] : memref<64x1000001xf32, #tpu.memory_space<hbm>> -> memref<64x128xf32, #tpu.memory_space<hbm>>
      %dma_start3A_347 = arith.constant 0 : i32
      %dma_start3A_348 = arith.constant 0 : i32
      %dma_start3A_349 = tpu.memref_slice %arg5[%dma_start3A_340, %dma_start3A_347, %dma_start3A_348] : memref<2x64x128xf32, #tpu.memory_space<vmem>> -> memref<1x64x128xf32, #tpu.memory_space<vmem>>
      %dma_start3A_350 = tpu.memref_squeeze %dma_start3A_349 : memref<1x64x128xf32, #tpu.memory_space<vmem>> -> memref<64x128xf32, #tpu.memory_space<vmem>>
      %dma_start3A_351 = arith.constant 0 : i32
      %dma_start3A_352 = tpu.memref_slice %arg2[%dma_start3A_351, %mul3A_339] : memref<64x1000001xf32, #tpu.memory_space<hbm>> -> memref<64x128xf32, #tpu.memory_space<hbm>>
      tpu.enqueue_dma source(%dma_start3A_352 : memref<64x128xf32, #tpu.memory_space<hbm>>) target(%dma_start3A_350 : memref<64x128xf32, #tpu.memory_space<vmem>>) target_semaphore(%arg7 : memref<!tpu.dma_semaphore, #tpu.memory_space<semaphore_mem>>)
      %mul3A_353 = arith.constant 2 : i32
      %mul3A_354 = arith.muli %mul3A_353, %scan3A_281 : i32
      %add3A_355 = arith.constant 1 : i32
      %add3A_356 = arith.addi %mul3A_354, %add3A_355 : i32
      %dma_wait3A_357 = arith.constant 1 : i32
      %dma_wait3A_358 = arith.constant 0 : i32
      %dma_wait3A_359 = arith.constant 0 : i32
      %dma_wait3A_360 = tpu.memref_slice %arg5[%dma_wait3A_357, %dma_wait3A_358, %dma_wait3A_359] : memref<2x64x128xf32, #tpu.memory_space<vmem>> -> memref<1x64x128xf32, #tpu.memory_space<vmem>>
      %dma_wait3A_361 = tpu.memref_squeeze %dma_wait3A_360 : memref<1x64x128xf32, #tpu.memory_space<vmem>> -> memref<64x128xf32, #tpu.memory_space<vmem>>
      %dma_wait3A_362 = arith.constant 0 : i32
      %dma_wait3A_363 = arith.constant 0 : i32
      %dma_wait3A_364 = tpu.memref_slice %arg2[%dma_wait3A_362, %dma_wait3A_363] : memref<64x1000001xf32, #tpu.memory_space<hbm>> -> memref<64x128xf32, #tpu.memory_space<hbm>>
      %dma_wait3A_365 = arith.constant 0 : i32
      %dma_wait3A_366 = arith.constant 0 : i32
      %dma_wait3A_367 = tpu.memref_slice %arg5[%dma_wait3A_357, %dma_wait3A_365, %dma_wait3A_366] : memref<2x64x128xf32, #tpu.memory_space<vmem>> -> memref<1x64x128xf32, #tpu.memory_space<vmem>>
      %dma_wait3A_368 = tpu.memref_squeeze %dma_wait3A_367 : memref<1x64x128xf32, #tpu.memory_space<vmem>> -> memref<64x128xf32, #tpu.memory_space<vmem>>
      %dma_wait3A_369 = arith.constant 0 : i32
      %dma_wait3A_370 = arith.constant 0 : i32
      %dma_wait3A_371 = tpu.memref_slice %arg2[%dma_wait3A_369, %dma_wait3A_370] : memref<64x1000001xf32, #tpu.memory_space<hbm>> -> memref<64x128xf32, #tpu.memory_space<hbm>>
      tpu.wait_dma2 semaphore(%arg8 : memref<!tpu.dma_semaphore, #tpu.memory_space<semaphore_mem>>) src(%dma_wait3A_371 : memref<64x128xf32, #tpu.memory_space<hbm>>) dst(%dma_wait3A_368 : memref<64x128xf32, #tpu.memory_space<vmem>>)
      %dma_wait3A_372 = arith.constant 1 : i32
      %dma_wait3A_373 = arith.constant 0 : i32
      %dma_wait3A_374 = arith.constant 0 : i32
      %dma_wait3A_375 = tpu.memref_slice %arg6[%dma_wait3A_372, %dma_wait3A_373, %dma_wait3A_374] : memref<2x64x128xf32, #tpu.memory_space<vmem>> -> memref<1x64x128xf32, #tpu.memory_space<vmem>>
      %dma_wait3A_376 = tpu.memref_squeeze %dma_wait3A_375 : memref<1x64x128xf32, #tpu.memory_space<vmem>> -> memref<64x128xf32, #tpu.memory_space<vmem>>
      %dma_wait3A_377 = arith.constant 0 : i32
      %dma_wait3A_378 = arith.constant 0 : i32
      %dma_wait3A_379 = tpu.memref_slice %arg4[%dma_wait3A_377, %dma_wait3A_378] : memref<500000x128xf32, #tpu.memory_space<hbm>> -> memref<64x128xf32, #tpu.memory_space<hbm>>
      %dma_wait3A_380 = arith.constant 0 : i32
      %dma_wait3A_381 = arith.constant 0 : i32
      %dma_wait3A_382 = tpu.memref_slice %arg4[%dma_wait3A_380, %dma_wait3A_381] : memref<500000x128xf32, #tpu.memory_space<hbm>> -> memref<64x128xf32, #tpu.memory_space<hbm>>
      %dma_wait3A_383 = arith.constant 0 : i32
      %dma_wait3A_384 = arith.constant 0 : i32
      %dma_wait3A_385 = tpu.memref_slice %arg6[%dma_wait3A_372, %dma_wait3A_383, %dma_wait3A_384] : memref<2x64x128xf32, #tpu.memory_space<vmem>> -> memref<1x64x128xf32, #tpu.memory_space<vmem>>
      %dma_wait3A_386 = tpu.memref_squeeze %dma_wait3A_385 : memref<1x64x128xf32, #tpu.memory_space<vmem>> -> memref<64x128xf32, #tpu.memory_space<vmem>>
      tpu.wait_dma2 semaphore(%arg10 : memref<!tpu.dma_semaphore, #tpu.memory_space<semaphore_mem>>) src(%dma_wait3A_386 : memref<64x128xf32, #tpu.memory_space<vmem>>) dst(%dma_wait3A_382 : memref<64x128xf32, #tpu.memory_space<hbm>>)
      %parallel_loop3A_387 = arith.constant 0 : i32
      %parallel_loop3A_388 = arith.constant 64 : i32
      %parallel_loop3A_389 = arith.constant 1 : i32
      scf.for %parallel_loop3A_424 = %parallel_loop3A_387 to %parallel_loop3A_388 step %parallel_loop3A_389  : i32 {
        %parallel_loop3A_425 = arith.constant 2 : i32
        %parallel_loop3A_426 = arith.muli %parallel_loop3A_425, %parallel_loop3A_424 : i32
        %parallel_loop3A_427 = vector.broadcast %parallel_loop3A_426 : i32 to vector<16xi32>
        %parallel_loop3A_428 = arith.constant 1 : i32
        %parallel_loop3A_429 = vector.broadcast %parallel_loop3A_428 : i32 to vector<16xi32>
        %parallel_loop3A_430 = arith.addi %parallel_loop3A_427, %parallel_loop3A_429 : vector<16xi32>
        %parallel_loop3A_431 = tpu.iota {dimensions = array<i32: 0>} : vector<16xi32>
        %parallel_loop3A_432 = arith.constant 0 : i32
        %parallel_loop3A_433 = vector.broadcast %parallel_loop3A_432 : i32 to vector<16xi32>
        %parallel_loop3A_434 = arith.addi %parallel_loop3A_431, %parallel_loop3A_433 : vector<16xi32>
        %parallel_loop3A_435 = arith.constant 1 : i32
        %parallel_loop3A_436 = arith.constant 0 : i32
        %parallel_loop3A_437 = arith.constant 0 : i32
        %parallel_loop3A_438 = tpu.memref_slice %arg5[%parallel_loop3A_435, %parallel_loop3A_436, %parallel_loop3A_437] : memref<2x64x128xf32, #tpu.memory_space<vmem>> -> memref<1x64x128xf32, #tpu.memory_space<vmem>>
        %parallel_loop3A_439 = tpu.memref_squeeze %parallel_loop3A_438 : memref<1x64x128xf32, #tpu.memory_space<vmem>> -> memref<64x128xf32, #tpu.memory_space<vmem>>
        %parallel_loop3A_440 = tpu.vector_load_idx %parallel_loop3A_439[%parallel_loop3A_434, %parallel_loop3A_427] : memref<64x128xf32, #tpu.memory_space<vmem>>[vector<16xi32>, vector<16xi32>], vector<16xf32>,
        %parallel_loop3A_441 = arith.constant 1 : i32
        %parallel_loop3A_442 = arith.index_cast %parallel_loop3A_441 : i32 to index
        %parallel_loop3A_443 = arith.index_cast %parallel_loop3A_424 : i32 to index
        %parallel_loop3A_444 = arith.constant 0 : index
        %parallel_loop3A_445 = tpu.vector_load %arg6[%parallel_loop3A_442, %parallel_loop3A_443, %parallel_loop3A_444] {strides = array<i32>} : memref<2x64x128xf32, #tpu.memory_space<vmem>>, vector<16xf32>,
        tpu.vector_store %arg6[%parallel_loop3A_442, %parallel_loop3A_443, %parallel_loop3A_444], %parallel_loop3A_440 {strides = array<i32>} : memref<2x64x128xf32, #tpu.memory_space<vmem>>, vector<16xf32>,
        %parallel_loop3A_446 = tpu.iota {dimensions = array<i32: 0>} : vector<16xi32>
        %parallel_loop3A_447 = arith.constant 16 : i32
        %parallel_loop3A_448 = vector.broadcast %parallel_loop3A_447 : i32 to vector<16xi32>
        %parallel_loop3A_449 = arith.addi %parallel_loop3A_446, %parallel_loop3A_448 : vector<16xi32>
        %parallel_loop3A_450 = arith.constant 1 : i32
        %parallel_loop3A_451 = arith.constant 0 : i32
        %parallel_loop3A_452 = arith.constant 0 : i32
        %parallel_loop3A_453 = tpu.memref_slice %arg5[%parallel_loop3A_450, %parallel_loop3A_451, %parallel_loop3A_452] : memref<2x64x128xf32, #tpu.memory_space<vmem>> -> memref<1x64x128xf32, #tpu.memory_space<vmem>>
        %parallel_loop3A_454 = tpu.memref_squeeze %parallel_loop3A_453 : memref<1x64x128xf32, #tpu.memory_space<vmem>> -> memref<64x128xf32, #tpu.memory_space<vmem>>
        %parallel_loop3A_455 = tpu.vector_load_idx %parallel_loop3A_454[%parallel_loop3A_449, %parallel_loop3A_427] : memref<64x128xf32, #tpu.memory_space<vmem>>[vector<16xi32>, vector<16xi32>], vector<16xf32>,
        %parallel_loop3A_456 = arith.constant 1 : i32
        %parallel_loop3A_457 = arith.index_cast %parallel_loop3A_456 : i32 to index
        %parallel_loop3A_458 = arith.index_cast %parallel_loop3A_424 : i32 to index
        %parallel_loop3A_459 = arith.constant 16 : index
        %parallel_loop3A_460 = tpu.vector_load %arg6[%parallel_loop3A_457, %parallel_loop3A_458, %parallel_loop3A_459] {strides = array<i32>} : memref<2x64x128xf32, #tpu.memory_space<vmem>>, vector<16xf32>,
        tpu.vector_store %arg6[%parallel_loop3A_457, %parallel_loop3A_458, %parallel_loop3A_459], %parallel_loop3A_455 {strides = array<i32>} : memref<2x64x128xf32, #tpu.memory_space<vmem>>, vector<16xf32>,
        %parallel_loop3A_461 = tpu.iota {dimensions = array<i32: 0>} : vector<16xi32>
        %parallel_loop3A_462 = arith.constant 32 : i32
        %parallel_loop3A_463 = vector.broadcast %parallel_loop3A_462 : i32 to vector<16xi32>
        %parallel_loop3A_464 = arith.addi %parallel_loop3A_461, %parallel_loop3A_463 : vector<16xi32>
        %parallel_loop3A_465 = arith.constant 1 : i32
        %parallel_loop3A_466 = arith.constant 0 : i32
        %parallel_loop3A_467 = arith.constant 0 : i32
        %parallel_loop3A_468 = tpu.memref_slice %arg5[%parallel_loop3A_465, %parallel_loop3A_466, %parallel_loop3A_467] : memref<2x64x128xf32, #tpu.memory_space<vmem>> -> memref<1x64x128xf32, #tpu.memory_space<vmem>>
        %parallel_loop3A_469 = tpu.memref_squeeze %parallel_loop3A_468 : memref<1x64x128xf32, #tpu.memory_space<vmem>> -> memref<64x128xf32, #tpu.memory_space<vmem>>
        %parallel_loop3A_470 = tpu.vector_load_idx %parallel_loop3A_469[%parallel_loop3A_464, %parallel_loop3A_427] : memref<64x128xf32, #tpu.memory_space<vmem>>[vector<16xi32>, vector<16xi32>], vector<16xf32>,
        %parallel_loop3A_471 = arith.constant 1 : i32
        %parallel_loop3A_472 = arith.index_cast %parallel_loop3A_471 : i32 to index
        %parallel_loop3A_473 = arith.index_cast %parallel_loop3A_424 : i32 to index
        %parallel_loop3A_474 = arith.constant 32 : index
        %parallel_loop3A_475 = tpu.vector_load %arg6[%parallel_loop3A_472, %parallel_loop3A_473, %parallel_loop3A_474] {strides = array<i32>} : memref<2x64x128xf32, #tpu.memory_space<vmem>>, vector<16xf32>,
        tpu.vector_store %arg6[%parallel_loop3A_472, %parallel_loop3A_473, %parallel_loop3A_474], %parallel_loop3A_470 {strides = array<i32>} : memref<2x64x128xf32, #tpu.memory_space<vmem>>, vector<16xf32>,
        %parallel_loop3A_476 = tpu.iota {dimensions = array<i32: 0>} : vector<16xi32>
        %parallel_loop3A_477 = arith.constant 48 : i32
        %parallel_loop3A_478 = vector.broadcast %parallel_loop3A_477 : i32 to vector<16xi32>
        %parallel_loop3A_479 = arith.addi %parallel_loop3A_476, %parallel_loop3A_478 : vector<16xi32>
        %parallel_loop3A_480 = arith.constant 1 : i32
        %parallel_loop3A_481 = arith.constant 0 : i32
        %parallel_loop3A_482 = arith.constant 0 : i32
        %parallel_loop3A_483 = tpu.memref_slice %arg5[%parallel_loop3A_480, %parallel_loop3A_481, %parallel_loop3A_482] : memref<2x64x128xf32, #tpu.memory_space<vmem>> -> memref<1x64x128xf32, #tpu.memory_space<vmem>>
        %parallel_loop3A_484 = tpu.memref_squeeze %parallel_loop3A_483 : memref<1x64x128xf32, #tpu.memory_space<vmem>> -> memref<64x128xf32, #tpu.memory_space<vmem>>
        %parallel_loop3A_485 = tpu.vector_load_idx %parallel_loop3A_484[%parallel_loop3A_479, %parallel_loop3A_427] : memref<64x128xf32, #tpu.memory_space<vmem>>[vector<16xi32>, vector<16xi32>], vector<16xf32>,
        %parallel_loop3A_486 = arith.constant 1 : i32
        %parallel_loop3A_487 = arith.index_cast %parallel_loop3A_486 : i32 to index
        %parallel_loop3A_488 = arith.index_cast %parallel_loop3A_424 : i32 to index
        %parallel_loop3A_489 = arith.constant 48 : index
        %parallel_loop3A_490 = tpu.vector_load %arg6[%parallel_loop3A_487, %parallel_loop3A_488, %parallel_loop3A_489] {strides = array<i32>} : memref<2x64x128xf32, #tpu.memory_space<vmem>>, vector<16xf32>,
        tpu.vector_store %arg6[%parallel_loop3A_487, %parallel_loop3A_488, %parallel_loop3A_489], %parallel_loop3A_485 {strides = array<i32>} : memref<2x64x128xf32, #tpu.memory_space<vmem>>, vector<16xf32>,
        %parallel_loop3A_491 = tpu.iota {dimensions = array<i32: 0>} : vector<16xi32>
        %parallel_loop3A_492 = arith.constant 0 : i32
        %parallel_loop3A_493 = vector.broadcast %parallel_loop3A_492 : i32 to vector<16xi32>
        %parallel_loop3A_494 = arith.addi %parallel_loop3A_491, %parallel_loop3A_493 : vector<16xi32>
        %parallel_loop3A_495 = arith.constant 1 : i32
        %parallel_loop3A_496 = arith.constant 0 : i32
        %parallel_loop3A_497 = arith.constant 0 : i32
        %parallel_loop3A_498 = tpu.memref_slice %arg5[%parallel_loop3A_495, %parallel_loop3A_496, %parallel_loop3A_497] : memref<2x64x128xf32, #tpu.memory_space<vmem>> -> memref<1x64x128xf32, #tpu.memory_space<vmem>>
        %parallel_loop3A_499 = tpu.memref_squeeze %parallel_loop3A_498 : memref<1x64x128xf32, #tpu.memory_space<vmem>> -> memref<64x128xf32, #tpu.memory_space<vmem>>
        %parallel_loop3A_500 = tpu.vector_load_idx %parallel_loop3A_499[%parallel_loop3A_494, %parallel_loop3A_430] : memref<64x128xf32, #tpu.memory_space<vmem>>[vector<16xi32>, vector<16xi32>], vector<16xf32>,
        %parallel_loop3A_501 = arith.constant 1 : i32
        %parallel_loop3A_502 = arith.index_cast %parallel_loop3A_501 : i32 to index
        %parallel_loop3A_503 = arith.index_cast %parallel_loop3A_424 : i32 to index
        %parallel_loop3A_504 = arith.constant 64 : index
        %parallel_loop3A_505 = tpu.vector_load %arg6[%parallel_loop3A_502, %parallel_loop3A_503, %parallel_loop3A_504] {strides = array<i32>} : memref<2x64x128xf32, #tpu.memory_space<vmem>>, vector<16xf32>,
        tpu.vector_store %arg6[%parallel_loop3A_502, %parallel_loop3A_503, %parallel_loop3A_504], %parallel_loop3A_500 {strides = array<i32>} : memref<2x64x128xf32, #tpu.memory_space<vmem>>, vector<16xf32>,
        %parallel_loop3A_506 = tpu.iota {dimensions = array<i32: 0>} : vector<16xi32>
        %parallel_loop3A_507 = arith.constant 16 : i32
        %parallel_loop3A_508 = vector.broadcast %parallel_loop3A_507 : i32 to vector<16xi32>
        %parallel_loop3A_509 = arith.addi %parallel_loop3A_506, %parallel_loop3A_508 : vector<16xi32>
        %parallel_loop3A_510 = arith.constant 1 : i32
        %parallel_loop3A_511 = arith.constant 0 : i32
        %parallel_loop3A_512 = arith.constant 0 : i32
        %parallel_loop3A_513 = tpu.memref_slice %arg5[%parallel_loop3A_510, %parallel_loop3A_511, %parallel_loop3A_512] : memref<2x64x128xf32, #tpu.memory_space<vmem>> -> memref<1x64x128xf32, #tpu.memory_space<vmem>>
        %parallel_loop3A_514 = tpu.memref_squeeze %parallel_loop3A_513 : memref<1x64x128xf32, #tpu.memory_space<vmem>> -> memref<64x128xf32, #tpu.memory_space<vmem>>
        %parallel_loop3A_515 = tpu.vector_load_idx %parallel_loop3A_514[%parallel_loop3A_509, %parallel_loop3A_430] : memref<64x128xf32, #tpu.memory_space<vmem>>[vector<16xi32>, vector<16xi32>], vector<16xf32>,
        %parallel_loop3A_516 = arith.constant 1 : i32
        %parallel_loop3A_517 = arith.index_cast %parallel_loop3A_516 : i32 to index
        %parallel_loop3A_518 = arith.index_cast %parallel_loop3A_424 : i32 to index
        %parallel_loop3A_519 = arith.constant 80 : index
        %parallel_loop3A_520 = tpu.vector_load %arg6[%parallel_loop3A_517, %parallel_loop3A_518, %parallel_loop3A_519] {strides = array<i32>} : memref<2x64x128xf32, #tpu.memory_space<vmem>>, vector<16xf32>,
        tpu.vector_store %arg6[%parallel_loop3A_517, %parallel_loop3A_518, %parallel_loop3A_519], %parallel_loop3A_515 {strides = array<i32>} : memref<2x64x128xf32, #tpu.memory_space<vmem>>, vector<16xf32>,
        %parallel_loop3A_521 = tpu.iota {dimensions = array<i32: 0>} : vector<16xi32>
        %parallel_loop3A_522 = arith.constant 32 : i32
        %parallel_loop3A_523 = vector.broadcast %parallel_loop3A_522 : i32 to vector<16xi32>
        %parallel_loop3A_524 = arith.addi %parallel_loop3A_521, %parallel_loop3A_523 : vector<16xi32>
        %parallel_loop3A_525 = arith.constant 1 : i32
        %parallel_loop3A_526 = arith.constant 0 : i32
        %parallel_loop3A_527 = arith.constant 0 : i32
        %parallel_loop3A_528 = tpu.memref_slice %arg5[%parallel_loop3A_525, %parallel_loop3A_526, %parallel_loop3A_527] : memref<2x64x128xf32, #tpu.memory_space<vmem>> -> memref<1x64x128xf32, #tpu.memory_space<vmem>>
        %parallel_loop3A_529 = tpu.memref_squeeze %parallel_loop3A_528 : memref<1x64x128xf32, #tpu.memory_space<vmem>> -> memref<64x128xf32, #tpu.memory_space<vmem>>
        %parallel_loop3A_530 = tpu.vector_load_idx %parallel_loop3A_529[%parallel_loop3A_524, %parallel_loop3A_430] : memref<64x128xf32, #tpu.memory_space<vmem>>[vector<16xi32>, vector<16xi32>], vector<16xf32>,
        %parallel_loop3A_531 = arith.constant 1 : i32
        %parallel_loop3A_532 = arith.index_cast %parallel_loop3A_531 : i32 to index
        %parallel_loop3A_533 = arith.index_cast %parallel_loop3A_424 : i32 to index
        %parallel_loop3A_534 = arith.constant 96 : index
        %parallel_loop3A_535 = tpu.vector_load %arg6[%parallel_loop3A_532, %parallel_loop3A_533, %parallel_loop3A_534] {strides = array<i32>} : memref<2x64x128xf32, #tpu.memory_space<vmem>>, vector<16xf32>,
        tpu.vector_store %arg6[%parallel_loop3A_532, %parallel_loop3A_533, %parallel_loop3A_534], %parallel_loop3A_530 {strides = array<i32>} : memref<2x64x128xf32, #tpu.memory_space<vmem>>, vector<16xf32>,
        %parallel_loop3A_536 = tpu.iota {dimensions = array<i32: 0>} : vector<16xi32>
        %parallel_loop3A_537 = arith.constant 48 : i32
        %parallel_loop3A_538 = vector.broadcast %parallel_loop3A_537 : i32 to vector<16xi32>
        %parallel_loop3A_539 = arith.addi %parallel_loop3A_536, %parallel_loop3A_538 : vector<16xi32>
        %parallel_loop3A_540 = arith.constant 1 : i32
        %parallel_loop3A_541 = arith.constant 0 : i32
        %parallel_loop3A_542 = arith.constant 0 : i32
        %parallel_loop3A_543 = tpu.memref_slice %arg5[%parallel_loop3A_540, %parallel_loop3A_541, %parallel_loop3A_542] : memref<2x64x128xf32, #tpu.memory_space<vmem>> -> memref<1x64x128xf32, #tpu.memory_space<vmem>>
        %parallel_loop3A_544 = tpu.memref_squeeze %parallel_loop3A_543 : memref<1x64x128xf32, #tpu.memory_space<vmem>> -> memref<64x128xf32, #tpu.memory_space<vmem>>
        %parallel_loop3A_545 = tpu.vector_load_idx %parallel_loop3A_544[%parallel_loop3A_539, %parallel_loop3A_430] : memref<64x128xf32, #tpu.memory_space<vmem>>[vector<16xi32>, vector<16xi32>], vector<16xf32>,
        %parallel_loop3A_546 = arith.constant 1 : i32
        %parallel_loop3A_547 = arith.index_cast %parallel_loop3A_546 : i32 to index
        %parallel_loop3A_548 = arith.index_cast %parallel_loop3A_424 : i32 to index
        %parallel_loop3A_549 = arith.constant 112 : index
        %parallel_loop3A_550 = tpu.vector_load %arg6[%parallel_loop3A_547, %parallel_loop3A_548, %parallel_loop3A_549] {strides = array<i32>} : memref<2x64x128xf32, #tpu.memory_space<vmem>>, vector<16xf32>,
        tpu.vector_store %arg6[%parallel_loop3A_547, %parallel_loop3A_548, %parallel_loop3A_549], %parallel_loop3A_545 {strides = array<i32>} : memref<2x64x128xf32, #tpu.memory_space<vmem>>, vector<16xf32>,
      } {sc.loop_unroll_factor = 8 : i64, sc.parallel_access}
      %add3A_390 = arith.addi %mul3A_2, %add3A_356 : i32
      %mul3A_391 = arith.constant 64 : i32
      %mul3A_392 = arith.muli %add3A_390, %mul3A_391 : i32
      %dma_start3A_393 = arith.constant 1 : i32
      %dma_start3A_394 = arith.constant 0 : i32
      %dma_start3A_395 = arith.constant 0 : i32
      %dma_start3A_396 = tpu.memref_slice %arg6[%dma_start3A_393, %dma_start3A_394, %dma_start3A_395] : memref<2x64x128xf32, #tpu.memory_space<vmem>> -> memref<1x64x128xf32, #tpu.memory_space<vmem>>
      %dma_start3A_397 = tpu.memref_squeeze %dma_start3A_396 : memref<1x64x128xf32, #tpu.memory_space<vmem>> -> memref<64x128xf32, #tpu.memory_space<vmem>>
      %dma_start3A_398 = arith.constant 0 : i32
      %dma_start3A_399 = tpu.memref_slice %arg4[%mul3A_392, %dma_start3A_398] : memref<500000x128xf32, #tpu.memory_space<hbm>> -> memref<64x128xf32, #tpu.memory_space<hbm>>
      %dma_start3A_400 = arith.constant 0 : i32
      %dma_start3A_401 = tpu.memref_slice %arg4[%mul3A_392, %dma_start3A_400] : memref<500000x128xf32, #tpu.memory_space<hbm>> -> memref<64x128xf32, #tpu.memory_space<hbm>>
      %dma_start3A_402 = arith.constant 0 : i32
      %dma_start3A_403 = arith.constant 0 : i32
      %dma_start3A_404 = tpu.memref_slice %arg6[%dma_start3A_393, %dma_start3A_402, %dma_start3A_403] : memref<2x64x128xf32, #tpu.memory_space<vmem>> -> memref<1x64x128xf32, #tpu.memory_space<vmem>>
      %dma_start3A_405 = tpu.memref_squeeze %dma_start3A_404 : memref<1x64x128xf32, #tpu.memory_space<vmem>> -> memref<64x128xf32, #tpu.memory_space<vmem>>
      tpu.enqueue_dma source(%dma_start3A_405 : memref<64x128xf32, #tpu.memory_space<vmem>>) target(%dma_start3A_401 : memref<64x128xf32, #tpu.memory_space<hbm>>) target_semaphore(%arg10 : memref<!tpu.dma_semaphore, #tpu.memory_space<semaphore_mem>>)
      %add3A_406 = arith.addi %mul3A_2, %add3A_356 : i32
      %add3A_407 = arith.constant 2 : i32
      %add3A_408 = arith.addi %add3A_406, %add3A_407 : i32
      %mul3A_409 = arith.constant 128 : i32
      %mul3A_410 = arith.muli %add3A_408, %mul3A_409 : i32
      %dma_start3A_411 = arith.constant 1 : i32
      %dma_start3A_412 = arith.constant 0 : i32
      %dma_start3A_413 = arith.constant 0 : i32
      %dma_start3A_414 = tpu.memref_slice %arg5[%dma_start3A_411, %dma_start3A_412, %dma_start3A_413] : memref<2x64x128xf32, #tpu.memory_space<vmem>> -> memref<1x64x128xf32, #tpu.memory_space<vmem>>
      %dma_start3A_415 = tpu.memref_squeeze %dma_start3A_414 : memref<1x64x128xf32, #tpu.memory_space<vmem>> -> memref<64x128xf32, #tpu.memory_space<vmem>>
      %dma_start3A_416 = arith.constant 0 : i32
      %dma_start3A_417 = tpu.memref_slice %arg2[%dma_start3A_416, %mul3A_410] : memref<64x1000001xf32, #tpu.memory_space<hbm>> -> memref<64x128xf32, #tpu.memory_space<hbm>>
      %dma_start3A_418 = arith.constant 0 : i32
      %dma_start3A_419 = arith.constant 0 : i32
      %dma_start3A_420 = tpu.memref_slice %arg5[%dma_start3A_411, %dma_start3A_418, %dma_start3A_419] : memref<2x64x128xf32, #tpu.memory_space<vmem>> -> memref<1x64x128xf32, #tpu.memory_space<vmem>>
      %dma_start3A_421 = tpu.memref_squeeze %dma_start3A_420 : memref<1x64x128xf32, #tpu.memory_space<vmem>> -> memref<64x128xf32, #tpu.memory_space<vmem>>
      %dma_start3A_422 = arith.constant 0 : i32
      %dma_start3A_423 = tpu.memref_slice %arg2[%dma_start3A_422, %mul3A_410] : memref<64x1000001xf32, #tpu.memory_space<hbm>> -> memref<64x128xf32, #tpu.memory_space<hbm>>
      tpu.enqueue_dma source(%dma_start3A_423 : memref<64x128xf32, #tpu.memory_space<hbm>>) target(%dma_start3A_421 : memref<64x128xf32, #tpu.memory_space<vmem>>) target_semaphore(%arg8 : memref<!tpu.dma_semaphore, #tpu.memory_space<semaphore_mem>>)
    }
    %scan3A_144 = arith.constant 120 : i32
    %dma_wait3A_145 = arith.constant 0 : i32
    %dma_wait3A_146 = arith.constant 0 : i32
    %dma_wait3A_147 = arith.constant 0 : i32
    %dma_wait3A_148 = tpu.memref_slice %arg5[%dma_wait3A_145, %dma_wait3A_146, %dma_wait3A_147] : memref<2x64x128xf32, #tpu.memory_space<vmem>> -> memref<1x64x128xf32, #tpu.memory_space<vmem>>
    %dma_wait3A_149 = tpu.memref_squeeze %dma_wait3A_148 : memref<1x64x128xf32, #tpu.memory_space<vmem>> -> memref<64x128xf32, #tpu.memory_space<vmem>>
    %dma_wait3A_150 = arith.constant 0 : i32
    %dma_wait3A_151 = arith.constant 0 : i32
    %dma_wait3A_152 = tpu.memref_slice %arg2[%dma_wait3A_150, %dma_wait3A_151] : memref<64x1000001xf32, #tpu.memory_space<hbm>> -> memref<64x128xf32, #tpu.memory_space<hbm>>
    %dma_wait3A_153 = arith.constant 0 : i32
    %dma_wait3A_154 = arith.constant 0 : i32
    %dma_wait3A_155 = tpu.memref_slice %arg5[%dma_wait3A_145, %dma_wait3A_153, %dma_wait3A_154] : memref<2x64x128xf32, #tpu.memory_space<vmem>> -> memref<1x64x128xf32, #tpu.memory_space<vmem>>
    %dma_wait3A_156 = tpu.memref_squeeze %dma_wait3A_155 : memref<1x64x128xf32, #tpu.memory_space<vmem>> -> memref<64x128xf32, #tpu.memory_space<vmem>>
    %dma_wait3A_157 = arith.constant 0 : i32
    %dma_wait3A_158 = arith.constant 0 : i32
    %dma_wait3A_159 = tpu.memref_slice %arg2[%dma_wait3A_157, %dma_wait3A_158] : memref<64x1000001xf32, #tpu.memory_space<hbm>> -> memref<64x128xf32, #tpu.memory_space<hbm>>
    tpu.wait_dma2 semaphore(%arg7 : memref<!tpu.dma_semaphore, #tpu.memory_space<semaphore_mem>>) src(%dma_wait3A_159 : memref<64x128xf32, #tpu.memory_space<hbm>>) dst(%dma_wait3A_156 : memref<64x128xf32, #tpu.memory_space<vmem>>)
    %dma_wait3A_160 = arith.constant 0 : i32
    %dma_wait3A_161 = arith.constant 0 : i32
    %dma_wait3A_162 = arith.constant 0 : i32
    %dma_wait3A_163 = tpu.memref_slice %arg6[%dma_wait3A_160, %dma_wait3A_161, %dma_wait3A_162] : memref<2x64x128xf32, #tpu.memory_space<vmem>> -> memref<1x64x128xf32, #tpu.memory_space<vmem>>
    %dma_wait3A_164 = tpu.memref_squeeze %dma_wait3A_163 : memref<1x64x128xf32, #tpu.memory_space<vmem>> -> memref<64x128xf32, #tpu.memory_space<vmem>>
    %dma_wait3A_165 = arith.constant 0 : i32
    %dma_wait3A_166 = arith.constant 0 : i32
    %dma_wait3A_167 = tpu.memref_slice %arg4[%dma_wait3A_165, %dma_wait3A_166] : memref<500000x128xf32, #tpu.memory_space<hbm>> -> memref<64x128xf32, #tpu.memory_space<hbm>>
    %dma_wait3A_168 = arith.constant 0 : i32
    %dma_wait3A_169 = arith.constant 0 : i32
    %dma_wait3A_170 = tpu.memref_slice %arg4[%dma_wait3A_168, %dma_wait3A_169] : memref<500000x128xf32, #tpu.memory_space<hbm>> -> memref<64x128xf32, #tpu.memory_space<hbm>>
    %dma_wait3A_171 = arith.constant 0 : i32
    %dma_wait3A_172 = arith.constant 0 : i32
    %dma_wait3A_173 = tpu.memref_slice %arg6[%dma_wait3A_160, %dma_wait3A_171, %dma_wait3A_172] : memref<2x64x128xf32, #tpu.memory_space<vmem>> -> memref<1x64x128xf32, #tpu.memory_space<vmem>>
    %dma_wait3A_174 = tpu.memref_squeeze %dma_wait3A_173 : memref<1x64x128xf32, #tpu.memory_space<vmem>> -> memref<64x128xf32, #tpu.memory_space<vmem>>
    tpu.wait_dma2 semaphore(%arg9 : memref<!tpu.dma_semaphore, #tpu.memory_space<semaphore_mem>>) src(%dma_wait3A_174 : memref<64x128xf32, #tpu.memory_space<vmem>>) dst(%dma_wait3A_170 : memref<64x128xf32, #tpu.memory_space<hbm>>)
    %parallel_loop3A_175 = arith.constant 0 : i32
    %parallel_loop3A_176 = arith.constant 64 : i32
    %parallel_loop3A_177 = arith.constant 1 : i32
    scf.for %parallel_loop3A_281 = %parallel_loop3A_175 to %parallel_loop3A_176 step %parallel_loop3A_177  : i32 {
      %parallel_loop3A_282 = arith.constant 2 : i32
      %parallel_loop3A_283 = arith.muli %parallel_loop3A_282, %parallel_loop3A_281 : i32
      %parallel_loop3A_284 = vector.broadcast %parallel_loop3A_283 : i32 to vector<16xi32>
      %parallel_loop3A_285 = arith.constant 1 : i32
      %parallel_loop3A_286 = vector.broadcast %parallel_loop3A_285 : i32 to vector<16xi32>
      %parallel_loop3A_287 = arith.addi %parallel_loop3A_284, %parallel_loop3A_286 : vector<16xi32>
      %parallel_loop3A_288 = tpu.iota {dimensions = array<i32: 0>} : vector<16xi32>
      %parallel_loop3A_289 = arith.constant 0 : i32
      %parallel_loop3A_290 = vector.broadcast %parallel_loop3A_289 : i32 to vector<16xi32>
      %parallel_loop3A_291 = arith.addi %parallel_loop3A_288, %parallel_loop3A_290 : vector<16xi32>
      %parallel_loop3A_292 = arith.constant 0 : i32
      %parallel_loop3A_293 = arith.constant 0 : i32
      %parallel_loop3A_294 = arith.constant 0 : i32
      %parallel_loop3A_295 = tpu.memref_slice %arg5[%parallel_loop3A_292, %parallel_loop3A_293, %parallel_loop3A_294] : memref<2x64x128xf32, #tpu.memory_space<vmem>> -> memref<1x64x128xf32, #tpu.memory_space<vmem>>
      %parallel_loop3A_296 = tpu.memref_squeeze %parallel_loop3A_295 : memref<1x64x128xf32, #tpu.memory_space<vmem>> -> memref<64x128xf32, #tpu.memory_space<vmem>>
      %parallel_loop3A_297 = tpu.vector_load_idx %parallel_loop3A_296[%parallel_loop3A_291, %parallel_loop3A_284] : memref<64x128xf32, #tpu.memory_space<vmem>>[vector<16xi32>, vector<16xi32>], vector<16xf32>,
      %parallel_loop3A_298 = arith.constant 0 : i32
      %parallel_loop3A_299 = arith.index_cast %parallel_loop3A_298 : i32 to index
      %parallel_loop3A_300 = arith.index_cast %parallel_loop3A_281 : i32 to index
      %parallel_loop3A_301 = arith.constant 0 : index
      %parallel_loop3A_302 = tpu.vector_load %arg6[%parallel_loop3A_299, %parallel_loop3A_300, %parallel_loop3A_301] {strides = array<i32>} : memref<2x64x128xf32, #tpu.memory_space<vmem>>, vector<16xf32>,
      tpu.vector_store %arg6[%parallel_loop3A_299, %parallel_loop3A_300, %parallel_loop3A_301], %parallel_loop3A_297 {strides = array<i32>} : memref<2x64x128xf32, #tpu.memory_space<vmem>>, vector<16xf32>,
      %parallel_loop3A_303 = tpu.iota {dimensions = array<i32: 0>} : vector<16xi32>
      %parallel_loop3A_304 = arith.constant 16 : i32
      %parallel_loop3A_305 = vector.broadcast %parallel_loop3A_304 : i32 to vector<16xi32>
      %parallel_loop3A_306 = arith.addi %parallel_loop3A_303, %parallel_loop3A_305 : vector<16xi32>
      %parallel_loop3A_307 = arith.constant 0 : i32
      %parallel_loop3A_308 = arith.constant 0 : i32
      %parallel_loop3A_309 = arith.constant 0 : i32
      %parallel_loop3A_310 = tpu.memref_slice %arg5[%parallel_loop3A_307, %parallel_loop3A_308, %parallel_loop3A_309] : memref<2x64x128xf32, #tpu.memory_space<vmem>> -> memref<1x64x128xf32, #tpu.memory_space<vmem>>
      %parallel_loop3A_311 = tpu.memref_squeeze %parallel_loop3A_310 : memref<1x64x128xf32, #tpu.memory_space<vmem>> -> memref<64x128xf32, #tpu.memory_space<vmem>>
      %parallel_loop3A_312 = tpu.vector_load_idx %parallel_loop3A_311[%parallel_loop3A_306, %parallel_loop3A_284] : memref<64x128xf32, #tpu.memory_space<vmem>>[vector<16xi32>, vector<16xi32>], vector<16xf32>,
      %parallel_loop3A_313 = arith.constant 0 : i32
      %parallel_loop3A_314 = arith.index_cast %parallel_loop3A_313 : i32 to index
      %parallel_loop3A_315 = arith.index_cast %parallel_loop3A_281 : i32 to index
      %parallel_loop3A_316 = arith.constant 16 : index
      %parallel_loop3A_317 = tpu.vector_load %arg6[%parallel_loop3A_314, %parallel_loop3A_315, %parallel_loop3A_316] {strides = array<i32>} : memref<2x64x128xf32, #tpu.memory_space<vmem>>, vector<16xf32>,
      tpu.vector_store %arg6[%parallel_loop3A_314, %parallel_loop3A_315, %parallel_loop3A_316], %parallel_loop3A_312 {strides = array<i32>} : memref<2x64x128xf32, #tpu.memory_space<vmem>>, vector<16xf32>,
      %parallel_loop3A_318 = tpu.iota {dimensions = array<i32: 0>} : vector<16xi32>
      %parallel_loop3A_319 = arith.constant 32 : i32
      %parallel_loop3A_320 = vector.broadcast %parallel_loop3A_319 : i32 to vector<16xi32>
      %parallel_loop3A_321 = arith.addi %parallel_loop3A_318, %parallel_loop3A_320 : vector<16xi32>
      %parallel_loop3A_322 = arith.constant 0 : i32
      %parallel_loop3A_323 = arith.constant 0 : i32
      %parallel_loop3A_324 = arith.constant 0 : i32
      %parallel_loop3A_325 = tpu.memref_slice %arg5[%parallel_loop3A_322, %parallel_loop3A_323, %parallel_loop3A_324] : memref<2x64x128xf32, #tpu.memory_space<vmem>> -> memref<1x64x128xf32, #tpu.memory_space<vmem>>
      %parallel_loop3A_326 = tpu.memref_squeeze %parallel_loop3A_325 : memref<1x64x128xf32, #tpu.memory_space<vmem>> -> memref<64x128xf32, #tpu.memory_space<vmem>>
      %parallel_loop3A_327 = tpu.vector_load_idx %parallel_loop3A_326[%parallel_loop3A_321, %parallel_loop3A_284] : memref<64x128xf32, #tpu.memory_space<vmem>>[vector<16xi32>, vector<16xi32>], vector<16xf32>,
      %parallel_loop3A_328 = arith.constant 0 : i32
      %parallel_loop3A_329 = arith.index_cast %parallel_loop3A_328 : i32 to index
      %parallel_loop3A_330 = arith.index_cast %parallel_loop3A_281 : i32 to index
      %parallel_loop3A_331 = arith.constant 32 : index
      %parallel_loop3A_332 = tpu.vector_load %arg6[%parallel_loop3A_329, %parallel_loop3A_330, %parallel_loop3A_331] {strides = array<i32>} : memref<2x64x128xf32, #tpu.memory_space<vmem>>, vector<16xf32>,
      tpu.vector_store %arg6[%parallel_loop3A_329, %parallel_loop3A_330, %parallel_loop3A_331], %parallel_loop3A_327 {strides = array<i32>} : memref<2x64x128xf32, #tpu.memory_space<vmem>>, vector<16xf32>,
      %parallel_loop3A_333 = tpu.iota {dimensions = array<i32: 0>} : vector<16xi32>
      %parallel_loop3A_334 = arith.constant 48 : i32
      %parallel_loop3A_335 = vector.broadcast %parallel_loop3A_334 : i32 to vector<16xi32>
      %parallel_loop3A_336 = arith.addi %parallel_loop3A_333, %parallel_loop3A_335 : vector<16xi32>
      %parallel_loop3A_337 = arith.constant 0 : i32
      %parallel_loop3A_338 = arith.constant 0 : i32
      %parallel_loop3A_339 = arith.constant 0 : i32
      %parallel_loop3A_340 = tpu.memref_slice %arg5[%parallel_loop3A_337, %parallel_loop3A_338, %parallel_loop3A_339] : memref<2x64x128xf32, #tpu.memory_space<vmem>> -> memref<1x64x128xf32, #tpu.memory_space<vmem>>
      %parallel_loop3A_341 = tpu.memref_squeeze %parallel_loop3A_340 : memref<1x64x128xf32, #tpu.memory_space<vmem>> -> memref<64x128xf32, #tpu.memory_space<vmem>>
      %parallel_loop3A_342 = tpu.vector_load_idx %parallel_loop3A_341[%parallel_loop3A_336, %parallel_loop3A_284] : memref<64x128xf32, #tpu.memory_space<vmem>>[vector<16xi32>, vector<16xi32>], vector<16xf32>,
      %parallel_loop3A_343 = arith.constant 0 : i32
      %parallel_loop3A_344 = arith.index_cast %parallel_loop3A_343 : i32 to index
      %parallel_loop3A_345 = arith.index_cast %parallel_loop3A_281 : i32 to index
      %parallel_loop3A_346 = arith.constant 48 : index
      %parallel_loop3A_347 = tpu.vector_load %arg6[%parallel_loop3A_344, %parallel_loop3A_345, %parallel_loop3A_346] {strides = array<i32>} : memref<2x64x128xf32, #tpu.memory_space<vmem>>, vector<16xf32>,
      tpu.vector_store %arg6[%parallel_loop3A_344, %parallel_loop3A_345, %parallel_loop3A_346], %parallel_loop3A_342 {strides = array<i32>} : memref<2x64x128xf32, #tpu.memory_space<vmem>>, vector<16xf32>,
      %parallel_loop3A_348 = tpu.iota {dimensions = array<i32: 0>} : vector<16xi32>
      %parallel_loop3A_349 = arith.constant 0 : i32
      %parallel_loop3A_350 = vector.broadcast %parallel_loop3A_349 : i32 to vector<16xi32>
      %parallel_loop3A_351 = arith.addi %parallel_loop3A_348, %parallel_loop3A_350 : vector<16xi32>
      %parallel_loop3A_352 = arith.constant 0 : i32
      %parallel_loop3A_353 = arith.constant 0 : i32
      %parallel_loop3A_354 = arith.constant 0 : i32
      %parallel_loop3A_355 = tpu.memref_slice %arg5[%parallel_loop3A_352, %parallel_loop3A_353, %parallel_loop3A_354] : memref<2x64x128xf32, #tpu.memory_space<vmem>> -> memref<1x64x128xf32, #tpu.memory_space<vmem>>
      %parallel_loop3A_356 = tpu.memref_squeeze %parallel_loop3A_355 : memref<1x64x128xf32, #tpu.memory_space<vmem>> -> memref<64x128xf32, #tpu.memory_space<vmem>>
      %parallel_loop3A_357 = tpu.vector_load_idx %parallel_loop3A_356[%parallel_loop3A_351, %parallel_loop3A_287] : memref<64x128xf32, #tpu.memory_space<vmem>>[vector<16xi32>, vector<16xi32>], vector<16xf32>,
      %parallel_loop3A_358 = arith.constant 0 : i32
      %parallel_loop3A_359 = arith.index_cast %parallel_loop3A_358 : i32 to index
      %parallel_loop3A_360 = arith.index_cast %parallel_loop3A_281 : i32 to index
      %parallel_loop3A_361 = arith.constant 64 : index
      %parallel_loop3A_362 = tpu.vector_load %arg6[%parallel_loop3A_359, %parallel_loop3A_360, %parallel_loop3A_361] {strides = array<i32>} : memref<2x64x128xf32, #tpu.memory_space<vmem>>, vector<16xf32>,
      tpu.vector_store %arg6[%parallel_loop3A_359, %parallel_loop3A_360, %parallel_loop3A_361], %parallel_loop3A_357 {strides = array<i32>} : memref<2x64x128xf32, #tpu.memory_space<vmem>>, vector<16xf32>,
      %parallel_loop3A_363 = tpu.iota {dimensions = array<i32: 0>} : vector<16xi32>
      %parallel_loop3A_364 = arith.constant 16 : i32
      %parallel_loop3A_365 = vector.broadcast %parallel_loop3A_364 : i32 to vector<16xi32>
      %parallel_loop3A_366 = arith.addi %parallel_loop3A_363, %parallel_loop3A_365 : vector<16xi32>
      %parallel_loop3A_367 = arith.constant 0 : i32
      %parallel_loop3A_368 = arith.constant 0 : i32
      %parallel_loop3A_369 = arith.constant 0 : i32
      %parallel_loop3A_370 = tpu.memref_slice %arg5[%parallel_loop3A_367, %parallel_loop3A_368, %parallel_loop3A_369] : memref<2x64x128xf32, #tpu.memory_space<vmem>> -> memref<1x64x128xf32, #tpu.memory_space<vmem>>
      %parallel_loop3A_371 = tpu.memref_squeeze %parallel_loop3A_370 : memref<1x64x128xf32, #tpu.memory_space<vmem>> -> memref<64x128xf32, #tpu.memory_space<vmem>>
      %parallel_loop3A_372 = tpu.vector_load_idx %parallel_loop3A_371[%parallel_loop3A_366, %parallel_loop3A_287] : memref<64x128xf32, #tpu.memory_space<vmem>>[vector<16xi32>, vector<16xi32>], vector<16xf32>,
      %parallel_loop3A_373 = arith.constant 0 : i32
      %parallel_loop3A_374 = arith.index_cast %parallel_loop3A_373 : i32 to index
      %parallel_loop3A_375 = arith.index_cast %parallel_loop3A_281 : i32 to index
      %parallel_loop3A_376 = arith.constant 80 : index
      %parallel_loop3A_377 = tpu.vector_load %arg6[%parallel_loop3A_374, %parallel_loop3A_375, %parallel_loop3A_376] {strides = array<i32>} : memref<2x64x128xf32, #tpu.memory_space<vmem>>, vector<16xf32>,
      tpu.vector_store %arg6[%parallel_loop3A_374, %parallel_loop3A_375, %parallel_loop3A_376], %parallel_loop3A_372 {strides = array<i32>} : memref<2x64x128xf32, #tpu.memory_space<vmem>>, vector<16xf32>,
      %parallel_loop3A_378 = tpu.iota {dimensions = array<i32: 0>} : vector<16xi32>
      %parallel_loop3A_379 = arith.constant 32 : i32
      %parallel_loop3A_380 = vector.broadcast %parallel_loop3A_379 : i32 to vector<16xi32>
      %parallel_loop3A_381 = arith.addi %parallel_loop3A_378, %parallel_loop3A_380 : vector<16xi32>
      %parallel_loop3A_382 = arith.constant 0 : i32
      %parallel_loop3A_383 = arith.constant 0 : i32
      %parallel_loop3A_384 = arith.constant 0 : i32
      %parallel_loop3A_385 = tpu.memref_slice %arg5[%parallel_loop3A_382, %parallel_loop3A_383, %parallel_loop3A_384] : memref<2x64x128xf32, #tpu.memory_space<vmem>> -> memref<1x64x128xf32, #tpu.memory_space<vmem>>
      %parallel_loop3A_386 = tpu.memref_squeeze %parallel_loop3A_385 : memref<1x64x128xf32, #tpu.memory_space<vmem>> -> memref<64x128xf32, #tpu.memory_space<vmem>>
      %parallel_loop3A_387 = tpu.vector_load_idx %parallel_loop3A_386[%parallel_loop3A_381, %parallel_loop3A_287] : memref<64x128xf32, #tpu.memory_space<vmem>>[vector<16xi32>, vector<16xi32>], vector<16xf32>,
      %parallel_loop3A_388 = arith.constant 0 : i32
      %parallel_loop3A_389 = arith.index_cast %parallel_loop3A_388 : i32 to index
      %parallel_loop3A_390 = arith.index_cast %parallel_loop3A_281 : i32 to index
      %parallel_loop3A_391 = arith.constant 96 : index
      %parallel_loop3A_392 = tpu.vector_load %arg6[%parallel_loop3A_389, %parallel_loop3A_390, %parallel_loop3A_391] {strides = array<i32>} : memref<2x64x128xf32, #tpu.memory_space<vmem>>, vector<16xf32>,
      tpu.vector_store %arg6[%parallel_loop3A_389, %parallel_loop3A_390, %parallel_loop3A_391], %parallel_loop3A_387 {strides = array<i32>} : memref<2x64x128xf32, #tpu.memory_space<vmem>>, vector<16xf32>,
      %parallel_loop3A_393 = tpu.iota {dimensions = array<i32: 0>} : vector<16xi32>
      %parallel_loop3A_394 = arith.constant 48 : i32
      %parallel_loop3A_395 = vector.broadcast %parallel_loop3A_394 : i32 to vector<16xi32>
      %parallel_loop3A_396 = arith.addi %parallel_loop3A_393, %parallel_loop3A_395 : vector<16xi32>
      %parallel_loop3A_397 = arith.constant 0 : i32
      %parallel_loop3A_398 = arith.constant 0 : i32
      %parallel_loop3A_399 = arith.constant 0 : i32
      %parallel_loop3A_400 = tpu.memref_slice %arg5[%parallel_loop3A_397, %parallel_loop3A_398, %parallel_loop3A_399] : memref<2x64x128xf32, #tpu.memory_space<vmem>> -> memref<1x64x128xf32, #tpu.memory_space<vmem>>
      %parallel_loop3A_401 = tpu.memref_squeeze %parallel_loop3A_400 : memref<1x64x128xf32, #tpu.memory_space<vmem>> -> memref<64x128xf32, #tpu.memory_space<vmem>>
      %parallel_loop3A_402 = tpu.vector_load_idx %parallel_loop3A_401[%parallel_loop3A_396, %parallel_loop3A_287] : memref<64x128xf32, #tpu.memory_space<vmem>>[vector<16xi32>, vector<16xi32>], vector<16xf32>,
      %parallel_loop3A_403 = arith.constant 0 : i32
      %parallel_loop3A_404 = arith.index_cast %parallel_loop3A_403 : i32 to index
      %parallel_loop3A_405 = arith.index_cast %parallel_loop3A_281 : i32 to index
      %parallel_loop3A_406 = arith.constant 112 : index
      %parallel_loop3A_407 = tpu.vector_load %arg6[%parallel_loop3A_404, %parallel_loop3A_405, %parallel_loop3A_406] {strides = array<i32>} : memref<2x64x128xf32, #tpu.memory_space<vmem>>, vector<16xf32>,
      tpu.vector_store %arg6[%parallel_loop3A_404, %parallel_loop3A_405, %parallel_loop3A_406], %parallel_loop3A_402 {strides = array<i32>} : memref<2x64x128xf32, #tpu.memory_space<vmem>>, vector<16xf32>,
    } {sc.loop_unroll_factor = 8 : i64, sc.parallel_access}
    %add3A_178 = arith.constant 242 : i32
    %add3A_179 = arith.addi %mul3A_2, %add3A_178 : i32
    %mul3A_180 = arith.constant 64 : i32
    %mul3A_181 = arith.muli %add3A_179, %mul3A_180 : i32
    %dma_start3A_182 = arith.constant 0 : i32
    %dma_start3A_183 = arith.constant 0 : i32
    %dma_start3A_184 = arith.constant 0 : i32
    %dma_start3A_185 = tpu.memref_slice %arg6[%dma_start3A_182, %dma_start3A_183, %dma_start3A_184] : memref<2x64x128xf32, #tpu.memory_space<vmem>> -> memref<1x64x128xf32, #tpu.memory_space<vmem>>
    %dma_start3A_186 = tpu.memref_squeeze %dma_start3A_185 : memref<1x64x128xf32, #tpu.memory_space<vmem>> -> memref<64x128xf32, #tpu.memory_space<vmem>>
    %dma_start3A_187 = arith.constant 0 : i32
    %dma_start3A_188 = tpu.memref_slice %arg4[%mul3A_181, %dma_start3A_187] : memref<500000x128xf32, #tpu.memory_space<hbm>> -> memref<64x128xf32, #tpu.memory_space<hbm>>
    %dma_start3A_189 = arith.constant 0 : i32
    %dma_start3A_190 = tpu.memref_slice %arg4[%mul3A_181, %dma_start3A_189] : memref<500000x128xf32, #tpu.memory_space<hbm>> -> memref<64x128xf32, #tpu.memory_space<hbm>>
    %dma_start3A_191 = arith.constant 0 : i32
    %dma_start3A_192 = arith.constant 0 : i32
    %dma_start3A_193 = tpu.memref_slice %arg6[%dma_start3A_182, %dma_start3A_191, %dma_start3A_192] : memref<2x64x128xf32, #tpu.memory_space<vmem>> -> memref<1x64x128xf32, #tpu.memory_space<vmem>>
    %dma_start3A_194 = tpu.memref_squeeze %dma_start3A_193 : memref<1x64x128xf32, #tpu.memory_space<vmem>> -> memref<64x128xf32, #tpu.memory_space<vmem>>
    tpu.enqueue_dma source(%dma_start3A_194 : memref<64x128xf32, #tpu.memory_space<vmem>>) target(%dma_start3A_190 : memref<64x128xf32, #tpu.memory_space<hbm>>) target_semaphore(%arg9 : memref<!tpu.dma_semaphore, #tpu.memory_space<semaphore_mem>>)
    %dma_wait3A_195 = arith.constant 1 : i32
    %dma_wait3A_196 = arith.constant 0 : i32
    %dma_wait3A_197 = arith.constant 0 : i32
    %dma_wait3A_198 = tpu.memref_slice %arg5[%dma_wait3A_195, %dma_wait3A_196, %dma_wait3A_197] : memref<2x64x128xf32, #tpu.memory_space<vmem>> -> memref<1x64x128xf32, #tpu.memory_space<vmem>>
    %dma_wait3A_199 = tpu.memref_squeeze %dma_wait3A_198 : memref<1x64x128xf32, #tpu.memory_space<vmem>> -> memref<64x128xf32, #tpu.memory_space<vmem>>
    %dma_wait3A_200 = arith.constant 0 : i32
    %dma_wait3A_201 = arith.constant 0 : i32
    %dma_wait3A_202 = tpu.memref_slice %arg2[%dma_wait3A_200, %dma_wait3A_201] : memref<64x1000001xf32, #tpu.memory_space<hbm>> -> memref<64x128xf32, #tpu.memory_space<hbm>>
    %dma_wait3A_203 = arith.constant 0 : i32
    %dma_wait3A_204 = arith.constant 0 : i32
    %dma_wait3A_205 = tpu.memref_slice %arg5[%dma_wait3A_195, %dma_wait3A_203, %dma_wait3A_204] : memref<2x64x128xf32, #tpu.memory_space<vmem>> -> memref<1x64x128xf32, #tpu.memory_space<vmem>>
    %dma_wait3A_206 = tpu.memref_squeeze %dma_wait3A_205 : memref<1x64x128xf32, #tpu.memory_space<vmem>> -> memref<64x128xf32, #tpu.memory_space<vmem>>
    %dma_wait3A_207 = arith.constant 0 : i32
    %dma_wait3A_208 = arith.constant 0 : i32
    %dma_wait3A_209 = tpu.memref_slice %arg2[%dma_wait3A_207, %dma_wait3A_208] : memref<64x1000001xf32, #tpu.memory_space<hbm>> -> memref<64x128xf32, #tpu.memory_space<hbm>>
    tpu.wait_dma2 semaphore(%arg8 : memref<!tpu.dma_semaphore, #tpu.memory_space<semaphore_mem>>) src(%dma_wait3A_209 : memref<64x128xf32, #tpu.memory_space<hbm>>) dst(%dma_wait3A_206 : memref<64x128xf32, #tpu.memory_space<vmem>>)
    %dma_wait3A_210 = arith.constant 1 : i32
    %dma_wait3A_211 = arith.constant 0 : i32
    %dma_wait3A_212 = arith.constant 0 : i32
    %dma_wait3A_213 = tpu.memref_slice %arg6[%dma_wait3A_210, %dma_wait3A_211, %dma_wait3A_212] : memref<2x64x128xf32, #tpu.memory_space<vmem>> -> memref<1x64x128xf32, #tpu.memory_space<vmem>>
    %dma_wait3A_214 = tpu.memref_squeeze %dma_wait3A_213 : memref<1x64x128xf32, #tpu.memory_space<vmem>> -> memref<64x128xf32, #tpu.memory_space<vmem>>
    %dma_wait3A_215 = arith.constant 0 : i32
    %dma_wait3A_216 = arith.constant 0 : i32
    %dma_wait3A_217 = tpu.memref_slice %arg4[%dma_wait3A_215, %dma_wait3A_216] : memref<500000x128xf32, #tpu.memory_space<hbm>> -> memref<64x128xf32, #tpu.memory_space<hbm>>
    %dma_wait3A_218 = arith.constant 0 : i32
    %dma_wait3A_219 = arith.constant 0 : i32
    %dma_wait3A_220 = tpu.memref_slice %arg4[%dma_wait3A_218, %dma_wait3A_219] : memref<500000x128xf32, #tpu.memory_space<hbm>> -> memref<64x128xf32, #tpu.memory_space<hbm>>
    %dma_wait3A_221 = arith.constant 0 : i32
    %dma_wait3A_222 = arith.constant 0 : i32
    %dma_wait3A_223 = tpu.memref_slice %arg6[%dma_wait3A_210, %dma_wait3A_221, %dma_wait3A_222] : memref<2x64x128xf32, #tpu.memory_space<vmem>> -> memref<1x64x128xf32, #tpu.memory_space<vmem>>
    %dma_wait3A_224 = tpu.memref_squeeze %dma_wait3A_223 : memref<1x64x128xf32, #tpu.memory_space<vmem>> -> memref<64x128xf32, #tpu.memory_space<vmem>>
    tpu.wait_dma2 semaphore(%arg10 : memref<!tpu.dma_semaphore, #tpu.memory_space<semaphore_mem>>) src(%dma_wait3A_224 : memref<64x128xf32, #tpu.memory_space<vmem>>) dst(%dma_wait3A_220 : memref<64x128xf32, #tpu.memory_space<hbm>>)
    %parallel_loop3A_225 = arith.constant 0 : i32
    %parallel_loop3A_226 = arith.constant 64 : i32
    %parallel_loop3A_227 = arith.constant 1 : i32
    scf.for %parallel_loop3A_281 = %parallel_loop3A_225 to %parallel_loop3A_226 step %parallel_loop3A_227  : i32 {
      %parallel_loop3A_282 = arith.constant 2 : i32
      %parallel_loop3A_283 = arith.muli %parallel_loop3A_282, %parallel_loop3A_281 : i32
      %parallel_loop3A_284 = vector.broadcast %parallel_loop3A_283 : i32 to vector<16xi32>
      %parallel_loop3A_285 = arith.constant 1 : i32
      %parallel_loop3A_286 = vector.broadcast %parallel_loop3A_285 : i32 to vector<16xi32>
      %parallel_loop3A_287 = arith.addi %parallel_loop3A_284, %parallel_loop3A_286 : vector<16xi32>
      %parallel_loop3A_288 = tpu.iota {dimensions = array<i32: 0>} : vector<16xi32>
      %parallel_loop3A_289 = arith.constant 0 : i32
      %parallel_loop3A_290 = vector.broadcast %parallel_loop3A_289 : i32 to vector<16xi32>
      %parallel_loop3A_291 = arith.addi %parallel_loop3A_288, %parallel_loop3A_290 : vector<16xi32>
      %parallel_loop3A_292 = arith.constant 1 : i32
      %parallel_loop3A_293 = arith.constant 0 : i32
      %parallel_loop3A_294 = arith.constant 0 : i32
      %parallel_loop3A_295 = tpu.memref_slice %arg5[%parallel_loop3A_292, %parallel_loop3A_293, %parallel_loop3A_294] : memref<2x64x128xf32, #tpu.memory_space<vmem>> -> memref<1x64x128xf32, #tpu.memory_space<vmem>>
      %parallel_loop3A_296 = tpu.memref_squeeze %parallel_loop3A_295 : memref<1x64x128xf32, #tpu.memory_space<vmem>> -> memref<64x128xf32, #tpu.memory_space<vmem>>
      %parallel_loop3A_297 = tpu.vector_load_idx %parallel_loop3A_296[%parallel_loop3A_291, %parallel_loop3A_284] : memref<64x128xf32, #tpu.memory_space<vmem>>[vector<16xi32>, vector<16xi32>], vector<16xf32>,
      %parallel_loop3A_298 = arith.constant 1 : i32
      %parallel_loop3A_299 = arith.index_cast %parallel_loop3A_298 : i32 to index
      %parallel_loop3A_300 = arith.index_cast %parallel_loop3A_281 : i32 to index
      %parallel_loop3A_301 = arith.constant 0 : index
      %parallel_loop3A_302 = tpu.vector_load %arg6[%parallel_loop3A_299, %parallel_loop3A_300, %parallel_loop3A_301] {strides = array<i32>} : memref<2x64x128xf32, #tpu.memory_space<vmem>>, vector<16xf32>,
      tpu.vector_store %arg6[%parallel_loop3A_299, %parallel_loop3A_300, %parallel_loop3A_301], %parallel_loop3A_297 {strides = array<i32>} : memref<2x64x128xf32, #tpu.memory_space<vmem>>, vector<16xf32>,
      %parallel_loop3A_303 = tpu.iota {dimensions = array<i32: 0>} : vector<16xi32>
      %parallel_loop3A_304 = arith.constant 16 : i32
      %parallel_loop3A_305 = vector.broadcast %parallel_loop3A_304 : i32 to vector<16xi32>
      %parallel_loop3A_306 = arith.addi %parallel_loop3A_303, %parallel_loop3A_305 : vector<16xi32>
      %parallel_loop3A_307 = arith.constant 1 : i32
      %parallel_loop3A_308 = arith.constant 0 : i32
      %parallel_loop3A_309 = arith.constant 0 : i32
      %parallel_loop3A_310 = tpu.memref_slice %arg5[%parallel_loop3A_307, %parallel_loop3A_308, %parallel_loop3A_309] : memref<2x64x128xf32, #tpu.memory_space<vmem>> -> memref<1x64x128xf32, #tpu.memory_space<vmem>>
      %parallel_loop3A_311 = tpu.memref_squeeze %parallel_loop3A_310 : memref<1x64x128xf32, #tpu.memory_space<vmem>> -> memref<64x128xf32, #tpu.memory_space<vmem>>
      %parallel_loop3A_312 = tpu.vector_load_idx %parallel_loop3A_311[%parallel_loop3A_306, %parallel_loop3A_284] : memref<64x128xf32, #tpu.memory_space<vmem>>[vector<16xi32>, vector<16xi32>], vector<16xf32>,
      %parallel_loop3A_313 = arith.constant 1 : i32
      %parallel_loop3A_314 = arith.index_cast %parallel_loop3A_313 : i32 to index
      %parallel_loop3A_315 = arith.index_cast %parallel_loop3A_281 : i32 to index
      %parallel_loop3A_316 = arith.constant 16 : index
      %parallel_loop3A_317 = tpu.vector_load %arg6[%parallel_loop3A_314, %parallel_loop3A_315, %parallel_loop3A_316] {strides = array<i32>} : memref<2x64x128xf32, #tpu.memory_space<vmem>>, vector<16xf32>,
      tpu.vector_store %arg6[%parallel_loop3A_314, %parallel_loop3A_315, %parallel_loop3A_316], %parallel_loop3A_312 {strides = array<i32>} : memref<2x64x128xf32, #tpu.memory_space<vmem>>, vector<16xf32>,
      %parallel_loop3A_318 = tpu.iota {dimensions = array<i32: 0>} : vector<16xi32>
      %parallel_loop3A_319 = arith.constant 32 : i32
      %parallel_loop3A_320 = vector.broadcast %parallel_loop3A_319 : i32 to vector<16xi32>
      %parallel_loop3A_321 = arith.addi %parallel_loop3A_318, %parallel_loop3A_320 : vector<16xi32>
      %parallel_loop3A_322 = arith.constant 1 : i32
      %parallel_loop3A_323 = arith.constant 0 : i32
      %parallel_loop3A_324 = arith.constant 0 : i32
      %parallel_loop3A_325 = tpu.memref_slice %arg5[%parallel_loop3A_322, %parallel_loop3A_323, %parallel_loop3A_324] : memref<2x64x128xf32, #tpu.memory_space<vmem>> -> memref<1x64x128xf32, #tpu.memory_space<vmem>>
      %parallel_loop3A_326 = tpu.memref_squeeze %parallel_loop3A_325 : memref<1x64x128xf32, #tpu.memory_space<vmem>> -> memref<64x128xf32, #tpu.memory_space<vmem>>
      %parallel_loop3A_327 = tpu.vector_load_idx %parallel_loop3A_326[%parallel_loop3A_321, %parallel_loop3A_284] : memref<64x128xf32, #tpu.memory_space<vmem>>[vector<16xi32>, vector<16xi32>], vector<16xf32>,
      %parallel_loop3A_328 = arith.constant 1 : i32
      %parallel_loop3A_329 = arith.index_cast %parallel_loop3A_328 : i32 to index
      %parallel_loop3A_330 = arith.index_cast %parallel_loop3A_281 : i32 to index
      %parallel_loop3A_331 = arith.constant 32 : index
      %parallel_loop3A_332 = tpu.vector_load %arg6[%parallel_loop3A_329, %parallel_loop3A_330, %parallel_loop3A_331] {strides = array<i32>} : memref<2x64x128xf32, #tpu.memory_space<vmem>>, vector<16xf32>,
      tpu.vector_store %arg6[%parallel_loop3A_329, %parallel_loop3A_330, %parallel_loop3A_331], %parallel_loop3A_327 {strides = array<i32>} : memref<2x64x128xf32, #tpu.memory_space<vmem>>, vector<16xf32>,
      %parallel_loop3A_333 = tpu.iota {dimensions = array<i32: 0>} : vector<16xi32>
      %parallel_loop3A_334 = arith.constant 48 : i32
      %parallel_loop3A_335 = vector.broadcast %parallel_loop3A_334 : i32 to vector<16xi32>
      %parallel_loop3A_336 = arith.addi %parallel_loop3A_333, %parallel_loop3A_335 : vector<16xi32>
      %parallel_loop3A_337 = arith.constant 1 : i32
      %parallel_loop3A_338 = arith.constant 0 : i32
      %parallel_loop3A_339 = arith.constant 0 : i32
      %parallel_loop3A_340 = tpu.memref_slice %arg5[%parallel_loop3A_337, %parallel_loop3A_338, %parallel_loop3A_339] : memref<2x64x128xf32, #tpu.memory_space<vmem>> -> memref<1x64x128xf32, #tpu.memory_space<vmem>>
      %parallel_loop3A_341 = tpu.memref_squeeze %parallel_loop3A_340 : memref<1x64x128xf32, #tpu.memory_space<vmem>> -> memref<64x128xf32, #tpu.memory_space<vmem>>
      %parallel_loop3A_342 = tpu.vector_load_idx %parallel_loop3A_341[%parallel_loop3A_336, %parallel_loop3A_284] : memref<64x128xf32, #tpu.memory_space<vmem>>[vector<16xi32>, vector<16xi32>], vector<16xf32>,
      %parallel_loop3A_343 = arith.constant 1 : i32
      %parallel_loop3A_344 = arith.index_cast %parallel_loop3A_343 : i32 to index
      %parallel_loop3A_345 = arith.index_cast %parallel_loop3A_281 : i32 to index
      %parallel_loop3A_346 = arith.constant 48 : index
      %parallel_loop3A_347 = tpu.vector_load %arg6[%parallel_loop3A_344, %parallel_loop3A_345, %parallel_loop3A_346] {strides = array<i32>} : memref<2x64x128xf32, #tpu.memory_space<vmem>>, vector<16xf32>,
      tpu.vector_store %arg6[%parallel_loop3A_344, %parallel_loop3A_345, %parallel_loop3A_346], %parallel_loop3A_342 {strides = array<i32>} : memref<2x64x128xf32, #tpu.memory_space<vmem>>, vector<16xf32>,
      %parallel_loop3A_348 = tpu.iota {dimensions = array<i32: 0>} : vector<16xi32>
      %parallel_loop3A_349 = arith.constant 0 : i32
      %parallel_loop3A_350 = vector.broadcast %parallel_loop3A_349 : i32 to vector<16xi32>
      %parallel_loop3A_351 = arith.addi %parallel_loop3A_348, %parallel_loop3A_350 : vector<16xi32>
      %parallel_loop3A_352 = arith.constant 1 : i32
      %parallel_loop3A_353 = arith.constant 0 : i32
      %parallel_loop3A_354 = arith.constant 0 : i32
      %parallel_loop3A_355 = tpu.memref_slice %arg5[%parallel_loop3A_352, %parallel_loop3A_353, %parallel_loop3A_354] : memref<2x64x128xf32, #tpu.memory_space<vmem>> -> memref<1x64x128xf32, #tpu.memory_space<vmem>>
      %parallel_loop3A_356 = tpu.memref_squeeze %parallel_loop3A_355 : memref<1x64x128xf32, #tpu.memory_space<vmem>> -> memref<64x128xf32, #tpu.memory_space<vmem>>
      %parallel_loop3A_357 = tpu.vector_load_idx %parallel_loop3A_356[%parallel_loop3A_351, %parallel_loop3A_287] : memref<64x128xf32, #tpu.memory_space<vmem>>[vector<16xi32>, vector<16xi32>], vector<16xf32>,
      %parallel_loop3A_358 = arith.constant 1 : i32
      %parallel_loop3A_359 = arith.index_cast %parallel_loop3A_358 : i32 to index
      %parallel_loop3A_360 = arith.index_cast %parallel_loop3A_281 : i32 to index
      %parallel_loop3A_361 = arith.constant 64 : index
      %parallel_loop3A_362 = tpu.vector_load %arg6[%parallel_loop3A_359, %parallel_loop3A_360, %parallel_loop3A_361] {strides = array<i32>} : memref<2x64x128xf32, #tpu.memory_space<vmem>>, vector<16xf32>,
      tpu.vector_store %arg6[%parallel_loop3A_359, %parallel_loop3A_360, %parallel_loop3A_361], %parallel_loop3A_357 {strides = array<i32>} : memref<2x64x128xf32, #tpu.memory_space<vmem>>, vector<16xf32>,
      %parallel_loop3A_363 = tpu.iota {dimensions = array<i32: 0>} : vector<16xi32>
      %parallel_loop3A_364 = arith.constant 16 : i32
      %parallel_loop3A_365 = vector.broadcast %parallel_loop3A_364 : i32 to vector<16xi32>
      %parallel_loop3A_366 = arith.addi %parallel_loop3A_363, %parallel_loop3A_365 : vector<16xi32>
      %parallel_loop3A_367 = arith.constant 1 : i32
      %parallel_loop3A_368 = arith.constant 0 : i32
      %parallel_loop3A_369 = arith.constant 0 : i32
      %parallel_loop3A_370 = tpu.memref_slice %arg5[%parallel_loop3A_367, %parallel_loop3A_368, %parallel_loop3A_369] : memref<2x64x128xf32, #tpu.memory_space<vmem>> -> memref<1x64x128xf32, #tpu.memory_space<vmem>>
      %parallel_loop3A_371 = tpu.memref_squeeze %parallel_loop3A_370 : memref<1x64x128xf32, #tpu.memory_space<vmem>> -> memref<64x128xf32, #tpu.memory_space<vmem>>
      %parallel_loop3A_372 = tpu.vector_load_idx %parallel_loop3A_371[%parallel_loop3A_366, %parallel_loop3A_287] : memref<64x128xf32, #tpu.memory_space<vmem>>[vector<16xi32>, vector<16xi32>], vector<16xf32>,
      %parallel_loop3A_373 = arith.constant 1 : i32
      %parallel_loop3A_374 = arith.index_cast %parallel_loop3A_373 : i32 to index
      %parallel_loop3A_375 = arith.index_cast %parallel_loop3A_281 : i32 to index
      %parallel_loop3A_376 = arith.constant 80 : index
      %parallel_loop3A_377 = tpu.vector_load %arg6[%parallel_loop3A_374, %parallel_loop3A_375, %parallel_loop3A_376] {strides = array<i32>} : memref<2x64x128xf32, #tpu.memory_space<vmem>>, vector<16xf32>,
      tpu.vector_store %arg6[%parallel_loop3A_374, %parallel_loop3A_375, %parallel_loop3A_376], %parallel_loop3A_372 {strides = array<i32>} : memref<2x64x128xf32, #tpu.memory_space<vmem>>, vector<16xf32>,
      %parallel_loop3A_378 = tpu.iota {dimensions = array<i32: 0>} : vector<16xi32>
      %parallel_loop3A_379 = arith.constant 32 : i32
      %parallel_loop3A_380 = vector.broadcast %parallel_loop3A_379 : i32 to vector<16xi32>
      %parallel_loop3A_381 = arith.addi %parallel_loop3A_378, %parallel_loop3A_380 : vector<16xi32>
      %parallel_loop3A_382 = arith.constant 1 : i32
      %parallel_loop3A_383 = arith.constant 0 : i32
      %parallel_loop3A_384 = arith.constant 0 : i32
      %parallel_loop3A_385 = tpu.memref_slice %arg5[%parallel_loop3A_382, %parallel_loop3A_383, %parallel_loop3A_384] : memref<2x64x128xf32, #tpu.memory_space<vmem>> -> memref<1x64x128xf32, #tpu.memory_space<vmem>>
      %parallel_loop3A_386 = tpu.memref_squeeze %parallel_loop3A_385 : memref<1x64x128xf32, #tpu.memory_space<vmem>> -> memref<64x128xf32, #tpu.memory_space<vmem>>
      %parallel_loop3A_387 = tpu.vector_load_idx %parallel_loop3A_386[%parallel_loop3A_381, %parallel_loop3A_287] : memref<64x128xf32, #tpu.memory_space<vmem>>[vector<16xi32>, vector<16xi32>], vector<16xf32>,
      %parallel_loop3A_388 = arith.constant 1 : i32
      %parallel_loop3A_389 = arith.index_cast %parallel_loop3A_388 : i32 to index
      %parallel_loop3A_390 = arith.index_cast %parallel_loop3A_281 : i32 to index
      %parallel_loop3A_391 = arith.constant 96 : index
      %parallel_loop3A_392 = tpu.vector_load %arg6[%parallel_loop3A_389, %parallel_loop3A_390, %parallel_loop3A_391] {strides = array<i32>} : memref<2x64x128xf32, #tpu.memory_space<vmem>>, vector<16xf32>,
      tpu.vector_store %arg6[%parallel_loop3A_389, %parallel_loop3A_390, %parallel_loop3A_391], %parallel_loop3A_387 {strides = array<i32>} : memref<2x64x128xf32, #tpu.memory_space<vmem>>, vector<16xf32>,
      %parallel_loop3A_393 = tpu.iota {dimensions = array<i32: 0>} : vector<16xi32>
      %parallel_loop3A_394 = arith.constant 48 : i32
      %parallel_loop3A_395 = vector.broadcast %parallel_loop3A_394 : i32 to vector<16xi32>
      %parallel_loop3A_396 = arith.addi %parallel_loop3A_393, %parallel_loop3A_395 : vector<16xi32>
      %parallel_loop3A_397 = arith.constant 1 : i32
      %parallel_loop3A_398 = arith.constant 0 : i32
      %parallel_loop3A_399 = arith.constant 0 : i32
      %parallel_loop3A_400 = tpu.memref_slice %arg5[%parallel_loop3A_397, %parallel_loop3A_398, %parallel_loop3A_399] : memref<2x64x128xf32, #tpu.memory_space<vmem>> -> memref<1x64x128xf32, #tpu.memory_space<vmem>>
      %parallel_loop3A_401 = tpu.memref_squeeze %parallel_loop3A_400 : memref<1x64x128xf32, #tpu.memory_space<vmem>> -> memref<64x128xf32, #tpu.memory_space<vmem>>
      %parallel_loop3A_402 = tpu.vector_load_idx %parallel_loop3A_401[%parallel_loop3A_396, %parallel_loop3A_287] : memref<64x128xf32, #tpu.memory_space<vmem>>[vector<16xi32>, vector<16xi32>], vector<16xf32>,
      %parallel_loop3A_403 = arith.constant 1 : i32
      %parallel_loop3A_404 = arith.index_cast %parallel_loop3A_403 : i32 to index
      %parallel_loop3A_405 = arith.index_cast %parallel_loop3A_281 : i32 to index
      %parallel_loop3A_406 = arith.constant 112 : index
      %parallel_loop3A_407 = tpu.vector_load %arg6[%parallel_loop3A_404, %parallel_loop3A_405, %parallel_loop3A_406] {strides = array<i32>} : memref<2x64x128xf32, #tpu.memory_space<vmem>>, vector<16xf32>,
      tpu.vector_store %arg6[%parallel_loop3A_404, %parallel_loop3A_405, %parallel_loop3A_406], %parallel_loop3A_402 {strides = array<i32>} : memref<2x64x128xf32, #tpu.memory_space<vmem>>, vector<16xf32>,
    } {sc.loop_unroll_factor = 8 : i64, sc.parallel_access}
    %add3A_228 = arith.constant 243 : i32
    %add3A_229 = arith.addi %mul3A_2, %add3A_228 : i32
    %mul3A_230 = arith.constant 64 : i32
    %mul3A_231 = arith.muli %add3A_229, %mul3A_230 : i32
    %dma_start3A_232 = arith.constant 1 : i32
    %dma_start3A_233 = arith.constant 0 : i32
    %dma_start3A_234 = arith.constant 0 : i32
    %dma_start3A_235 = tpu.memref_slice %arg6[%dma_start3A_232, %dma_start3A_233, %dma_start3A_234] : memref<2x64x128xf32, #tpu.memory_space<vmem>> -> memref<1x64x128xf32, #tpu.memory_space<vmem>>
    %dma_start3A_236 = tpu.memref_squeeze %dma_start3A_235 : memref<1x64x128xf32, #tpu.memory_space<vmem>> -> memref<64x128xf32, #tpu.memory_space<vmem>>
    %dma_start3A_237 = arith.constant 0 : i32
    %dma_start3A_238 = tpu.memref_slice %arg4[%mul3A_231, %dma_start3A_237] : memref<500000x128xf32, #tpu.memory_space<hbm>> -> memref<64x128xf32, #tpu.memory_space<hbm>>
    %dma_start3A_239 = arith.constant 0 : i32
    %dma_start3A_240 = tpu.memref_slice %arg4[%mul3A_231, %dma_start3A_239] : memref<500000x128xf32, #tpu.memory_space<hbm>> -> memref<64x128xf32, #tpu.memory_space<hbm>>
    %dma_start3A_241 = arith.constant 0 : i32
    %dma_start3A_242 = arith.constant 0 : i32
    %dma_start3A_243 = tpu.memref_slice %arg6[%dma_start3A_232, %dma_start3A_241, %dma_start3A_242] : memref<2x64x128xf32, #tpu.memory_space<vmem>> -> memref<1x64x128xf32, #tpu.memory_space<vmem>>
    %dma_start3A_244 = tpu.memref_squeeze %dma_start3A_243 : memref<1x64x128xf32, #tpu.memory_space<vmem>> -> memref<64x128xf32, #tpu.memory_space<vmem>>
    tpu.enqueue_dma source(%dma_start3A_244 : memref<64x128xf32, #tpu.memory_space<vmem>>) target(%dma_start3A_240 : memref<64x128xf32, #tpu.memory_space<hbm>>) target_semaphore(%arg10 : memref<!tpu.dma_semaphore, #tpu.memory_space<semaphore_mem>>)
    %dma_wait3A_245 = arith.constant 0 : i32
    %dma_wait3A_246 = arith.constant 0 : i32
    %dma_wait3A_247 = arith.constant 0 : i32
    %dma_wait3A_248 = tpu.memref_slice %arg6[%dma_wait3A_245, %dma_wait3A_246, %dma_wait3A_247] : memref<2x64x128xf32, #tpu.memory_space<vmem>> -> memref<1x64x128xf32, #tpu.memory_space<vmem>>
    %dma_wait3A_249 = tpu.memref_squeeze %dma_wait3A_248 : memref<1x64x128xf32, #tpu.memory_space<vmem>> -> memref<64x128xf32, #tpu.memory_space<vmem>>
    %dma_wait3A_250 = arith.constant 0 : i32
    %dma_wait3A_251 = arith.constant 0 : i32
    %dma_wait3A_252 = tpu.memref_slice %arg4[%dma_wait3A_250, %dma_wait3A_251] : memref<500000x128xf32, #tpu.memory_space<hbm>> -> memref<64x128xf32, #tpu.memory_space<hbm>>
    %dma_wait3A_253 = arith.constant 0 : i32
    %dma_wait3A_254 = arith.constant 0 : i32
    %dma_wait3A_255 = tpu.memref_slice %arg4[%dma_wait3A_253, %dma_wait3A_254] : memref<500000x128xf32, #tpu.memory_space<hbm>> -> memref<64x128xf32, #tpu.memory_space<hbm>>
    %dma_wait3A_256 = arith.constant 0 : i32
    %dma_wait3A_257 = arith.constant 0 : i32
    %dma_wait3A_258 = tpu.memref_slice %arg6[%dma_wait3A_245, %dma_wait3A_256, %dma_wait3A_257] : memref<2x64x128xf32, #tpu.memory_space<vmem>> -> memref<1x64x128xf32, #tpu.memory_space<vmem>>
    %dma_wait3A_259 = tpu.memref_squeeze %dma_wait3A_258 : memref<1x64x128xf32, #tpu.memory_space<vmem>> -> memref<64x128xf32, #tpu.memory_space<vmem>>
    tpu.wait_dma2 semaphore(%arg9 : memref<!tpu.dma_semaphore, #tpu.memory_space<semaphore_mem>>) src(%dma_wait3A_259 : memref<64x128xf32, #tpu.memory_space<vmem>>) dst(%dma_wait3A_255 : memref<64x128xf32, #tpu.memory_space<hbm>>)
    %dma_wait3A_260 = arith.constant 1 : i32
    %dma_wait3A_261 = arith.constant 0 : i32
    %dma_wait3A_262 = arith.constant 0 : i32
    %dma_wait3A_263 = tpu.memref_slice %arg6[%dma_wait3A_260, %dma_wait3A_261, %dma_wait3A_262] : memref<2x64x128xf32, #tpu.memory_space<vmem>> -> memref<1x64x128xf32, #tpu.memory_space<vmem>>
    %dma_wait3A_264 = tpu.memref_squeeze %dma_wait3A_263 : memref<1x64x128xf32, #tpu.memory_space<vmem>> -> memref<64x128xf32, #tpu.memory_space<vmem>>
    %dma_wait3A_265 = arith.constant 0 : i32
    %dma_wait3A_266 = arith.constant 0 : i32
    %dma_wait3A_267 = tpu.memref_slice %arg4[%dma_wait3A_265, %dma_wait3A_266] : memref<500000x128xf32, #tpu.memory_space<hbm>> -> memref<64x128xf32, #tpu.memory_space<hbm>>
    %dma_wait3A_268 = arith.constant 0 : i32
    %dma_wait3A_269 = arith.constant 0 : i32
    %dma_wait3A_270 = tpu.memref_slice %arg4[%dma_wait3A_268, %dma_wait3A_269] : memref<500000x128xf32, #tpu.memory_space<hbm>> -> memref<64x128xf32, #tpu.memory_space<hbm>>
    %dma_wait3A_271 = arith.constant 0 : i32
    %dma_wait3A_272 = arith.constant 0 : i32
    %dma_wait3A_273 = tpu.memref_slice %arg6[%dma_wait3A_260, %dma_wait3A_271, %dma_wait3A_272] : memref<2x64x128xf32, #tpu.memory_space<vmem>> -> memref<1x64x128xf32, #tpu.memory_space<vmem>>
    %dma_wait3A_274 = tpu.memref_squeeze %dma_wait3A_273 : memref<1x64x128xf32, #tpu.memory_space<vmem>> -> memref<64x128xf32, #tpu.memory_space<vmem>>
    tpu.wait_dma2 semaphore(%arg10 : memref<!tpu.dma_semaphore, #tpu.memory_space<semaphore_mem>>) src(%dma_wait3A_274 : memref<64x128xf32, #tpu.memory_space<vmem>>) dst(%dma_wait3A_270 : memref<64x128xf32, #tpu.memory_space<hbm>>)
    %lt3A = arith.constant 4 : i32
    %lt3A_275 = arith.cmpi slt, %add3A, %lt3A : i32
    %convert_element_type3A = arith.extui %lt3A_275 : i1 to i32
    %cond3A = arith.constant 0 : i32
    %cond3A_276 = arith.cmpi ne, %convert_element_type3A, %cond3A : i32
    scf.if %cond3A_276 {
      %add3A_281 = arith.constant 7808 : i32
      %add3A_282 = arith.addi %add3A_281, %add3A : i32
      %mul3A_283 = arith.constant 128 : i32
      %mul3A_284 = arith.muli %add3A_282, %mul3A_283 : i32
      %run_scoped3A = arith.constant 0 : i32
      "tpu.region"() ({
        %run_scoped3A_291 = tpu.sem_alloc : memref<!tpu.dma_semaphore, #tpu.memory_space<semaphore_mem>>
        %dma_start3A_292 = arith.constant 0 : i32
        %dma_start3A_293 = arith.constant 0 : i32
        %dma_start3A_294 = tpu.memref_slice %arg5[%run_scoped3A, %dma_start3A_292, %dma_start3A_293] : memref<2x64x128xf32, #tpu.memory_space<vmem>> -> memref<1x64x128xf32, #tpu.memory_space<vmem>>
        %dma_start3A_295 = tpu.memref_squeeze %dma_start3A_294 : memref<1x64x128xf32, #tpu.memory_space<vmem>> -> memref<64x128xf32, #tpu.memory_space<vmem>>
        %dma_start3A_296 = arith.constant 0 : i32
        %dma_start3A_297 = tpu.memref_slice %arg2[%dma_start3A_296, %mul3A_284] : memref<64x1000001xf32, #tpu.memory_space<hbm>> -> memref<64x128xf32, #tpu.memory_space<hbm>>
        %dma_start3A_298 = arith.constant 0 : i32
        %dma_start3A_299 = arith.constant 0 : i32
        %dma_start3A_300 = tpu.memref_slice %arg5[%run_scoped3A, %dma_start3A_298, %dma_start3A_299] : memref<2x64x128xf32, #tpu.memory_space<vmem>> -> memref<1x64x128xf32, #tpu.memory_space<vmem>>
        %dma_start3A_301 = tpu.memref_squeeze %dma_start3A_300 : memref<1x64x128xf32, #tpu.memory_space<vmem>> -> memref<64x128xf32, #tpu.memory_space<vmem>>
        %dma_start3A_302 = arith.constant 0 : i32
        %dma_start3A_303 = tpu.memref_slice %arg2[%dma_start3A_302, %mul3A_284] : memref<64x1000001xf32, #tpu.memory_space<hbm>> -> memref<64x128xf32, #tpu.memory_space<hbm>>
        tpu.enqueue_dma source(%dma_start3A_303 : memref<64x128xf32, #tpu.memory_space<hbm>>) target(%dma_start3A_301 : memref<64x128xf32, #tpu.memory_space<vmem>>) target_semaphore(%run_scoped3A_291 : memref<!tpu.dma_semaphore, #tpu.memory_space<semaphore_mem>>)
        %dma_wait3A_304 = arith.constant 0 : i32
        %dma_wait3A_305 = arith.constant 0 : i32
        %dma_wait3A_306 = tpu.memref_slice %arg5[%run_scoped3A, %dma_wait3A_304, %dma_wait3A_305] : memref<2x64x128xf32, #tpu.memory_space<vmem>> -> memref<1x64x128xf32, #tpu.memory_space<vmem>>
        %dma_wait3A_307 = tpu.memref_squeeze %dma_wait3A_306 : memref<1x64x128xf32, #tpu.memory_space<vmem>> -> memref<64x128xf32, #tpu.memory_space<vmem>>
        %dma_wait3A_308 = arith.constant 0 : i32
        %dma_wait3A_309 = tpu.memref_slice %arg2[%dma_wait3A_308, %mul3A_284] : memref<64x1000001xf32, #tpu.memory_space<hbm>> -> memref<64x128xf32, #tpu.memory_space<hbm>>
        %dma_wait3A_310 = arith.constant 0 : i32
        %dma_wait3A_311 = arith.constant 0 : i32
        %dma_wait3A_312 = tpu.memref_slice %arg5[%run_scoped3A, %dma_wait3A_310, %dma_wait3A_311] : memref<2x64x128xf32, #tpu.memory_space<vmem>> -> memref<1x64x128xf32, #tpu.memory_space<vmem>>
        %dma_wait3A_313 = tpu.memref_squeeze %dma_wait3A_312 : memref<1x64x128xf32, #tpu.memory_space<vmem>> -> memref<64x128xf32, #tpu.memory_space<vmem>>
        %dma_wait3A_314 = arith.constant 0 : i32
        %dma_wait3A_315 = tpu.memref_slice %arg2[%dma_wait3A_314, %mul3A_284] : memref<64x1000001xf32, #tpu.memory_space<hbm>> -> memref<64x128xf32, #tpu.memory_space<hbm>>
        tpu.wait_dma2 semaphore(%run_scoped3A_291 : memref<!tpu.dma_semaphore, #tpu.memory_space<semaphore_mem>>) src(%dma_wait3A_315 : memref<64x128xf32, #tpu.memory_space<hbm>>) dst(%dma_wait3A_313 : memref<64x128xf32, #tpu.memory_space<vmem>>)
        tpu.yield
      }) : () -> ()
      %parallel_loop3A_285 = arith.constant 0 : i32
      %parallel_loop3A_286 = arith.constant 64 : i32
      %parallel_loop3A_287 = arith.constant 1 : i32
      scf.for %parallel_loop3A_291 = %parallel_loop3A_285 to %parallel_loop3A_286 step %parallel_loop3A_287  : i32 {
        %parallel_loop3A_292 = arith.constant 2 : i32
        %parallel_loop3A_293 = arith.muli %parallel_loop3A_292, %parallel_loop3A_291 : i32
        %parallel_loop3A_294 = vector.broadcast %parallel_loop3A_293 : i32 to vector<16xi32>
        %parallel_loop3A_295 = arith.constant 1 : i32
        %parallel_loop3A_296 = vector.broadcast %parallel_loop3A_295 : i32 to vector<16xi32>
        %parallel_loop3A_297 = arith.addi %parallel_loop3A_294, %parallel_loop3A_296 : vector<16xi32>
        %parallel_loop3A_298 = tpu.iota {dimensions = array<i32: 0>} : vector<16xi32>
        %parallel_loop3A_299 = arith.constant 0 : i32
        %parallel_loop3A_300 = vector.broadcast %parallel_loop3A_299 : i32 to vector<16xi32>
        %parallel_loop3A_301 = arith.addi %parallel_loop3A_298, %parallel_loop3A_300 : vector<16xi32>
        %parallel_loop3A_302 = arith.constant 0 : i32
        %parallel_loop3A_303 = arith.constant 0 : i32
        %parallel_loop3A_304 = arith.constant 0 : i32
        %parallel_loop3A_305 = tpu.memref_slice %arg5[%parallel_loop3A_302, %parallel_loop3A_303, %parallel_loop3A_304] : memref<2x64x128xf32, #tpu.memory_space<vmem>> -> memref<1x64x128xf32, #tpu.memory_space<vmem>>
        %parallel_loop3A_306 = tpu.memref_squeeze %parallel_loop3A_305 : memref<1x64x128xf32, #tpu.memory_space<vmem>> -> memref<64x128xf32, #tpu.memory_space<vmem>>
        %parallel_loop3A_307 = tpu.vector_load_idx %parallel_loop3A_306[%parallel_loop3A_301, %parallel_loop3A_294] : memref<64x128xf32, #tpu.memory_space<vmem>>[vector<16xi32>, vector<16xi32>], vector<16xf32>,
        %parallel_loop3A_308 = arith.constant 0 : i32
        %parallel_loop3A_309 = arith.index_cast %parallel_loop3A_308 : i32 to index
        %parallel_loop3A_310 = arith.index_cast %parallel_loop3A_291 : i32 to index
        %parallel_loop3A_311 = arith.constant 0 : index
        %parallel_loop3A_312 = tpu.vector_load %arg6[%parallel_loop3A_309, %parallel_loop3A_310, %parallel_loop3A_311] {strides = array<i32>} : memref<2x64x128xf32, #tpu.memory_space<vmem>>, vector<16xf32>,
        tpu.vector_store %arg6[%parallel_loop3A_309, %parallel_loop3A_310, %parallel_loop3A_311], %parallel_loop3A_307 {strides = array<i32>} : memref<2x64x128xf32, #tpu.memory_space<vmem>>, vector<16xf32>,
        %parallel_loop3A_313 = tpu.iota {dimensions = array<i32: 0>} : vector<16xi32>
        %parallel_loop3A_314 = arith.constant 16 : i32
        %parallel_loop3A_315 = vector.broadcast %parallel_loop3A_314 : i32 to vector<16xi32>
        %parallel_loop3A_316 = arith.addi %parallel_loop3A_313, %parallel_loop3A_315 : vector<16xi32>
        %parallel_loop3A_317 = arith.constant 0 : i32
        %parallel_loop3A_318 = arith.constant 0 : i32
        %parallel_loop3A_319 = arith.constant 0 : i32
        %parallel_loop3A_320 = tpu.memref_slice %arg5[%parallel_loop3A_317, %parallel_loop3A_318, %parallel_loop3A_319] : memref<2x64x128xf32, #tpu.memory_space<vmem>> -> memref<1x64x128xf32, #tpu.memory_space<vmem>>
        %parallel_loop3A_321 = tpu.memref_squeeze %parallel_loop3A_320 : memref<1x64x128xf32, #tpu.memory_space<vmem>> -> memref<64x128xf32, #tpu.memory_space<vmem>>
        %parallel_loop3A_322 = tpu.vector_load_idx %parallel_loop3A_321[%parallel_loop3A_316, %parallel_loop3A_294] : memref<64x128xf32, #tpu.memory_space<vmem>>[vector<16xi32>, vector<16xi32>], vector<16xf32>,
        %parallel_loop3A_323 = arith.constant 0 : i32
        %parallel_loop3A_324 = arith.index_cast %parallel_loop3A_323 : i32 to index
        %parallel_loop3A_325 = arith.index_cast %parallel_loop3A_291 : i32 to index
        %parallel_loop3A_326 = arith.constant 16 : index
        %parallel_loop3A_327 = tpu.vector_load %arg6[%parallel_loop3A_324, %parallel_loop3A_325, %parallel_loop3A_326] {strides = array<i32>} : memref<2x64x128xf32, #tpu.memory_space<vmem>>, vector<16xf32>,
        tpu.vector_store %arg6[%parallel_loop3A_324, %parallel_loop3A_325, %parallel_loop3A_326], %parallel_loop3A_322 {strides = array<i32>} : memref<2x64x128xf32, #tpu.memory_space<vmem>>, vector<16xf32>,
        %parallel_loop3A_328 = tpu.iota {dimensions = array<i32: 0>} : vector<16xi32>
        %parallel_loop3A_329 = arith.constant 32 : i32
        %parallel_loop3A_330 = vector.broadcast %parallel_loop3A_329 : i32 to vector<16xi32>
        %parallel_loop3A_331 = arith.addi %parallel_loop3A_328, %parallel_loop3A_330 : vector<16xi32>
        %parallel_loop3A_332 = arith.constant 0 : i32
        %parallel_loop3A_333 = arith.constant 0 : i32
        %parallel_loop3A_334 = arith.constant 0 : i32
        %parallel_loop3A_335 = tpu.memref_slice %arg5[%parallel_loop3A_332, %parallel_loop3A_333, %parallel_loop3A_334] : memref<2x64x128xf32, #tpu.memory_space<vmem>> -> memref<1x64x128xf32, #tpu.memory_space<vmem>>
        %parallel_loop3A_336 = tpu.memref_squeeze %parallel_loop3A_335 : memref<1x64x128xf32, #tpu.memory_space<vmem>> -> memref<64x128xf32, #tpu.memory_space<vmem>>
        %parallel_loop3A_337 = tpu.vector_load_idx %parallel_loop3A_336[%parallel_loop3A_331, %parallel_loop3A_294] : memref<64x128xf32, #tpu.memory_space<vmem>>[vector<16xi32>, vector<16xi32>], vector<16xf32>,
        %parallel_loop3A_338 = arith.constant 0 : i32
        %parallel_loop3A_339 = arith.index_cast %parallel_loop3A_338 : i32 to index
        %parallel_loop3A_340 = arith.index_cast %parallel_loop3A_291 : i32 to index
        %parallel_loop3A_341 = arith.constant 32 : index
        %parallel_loop3A_342 = tpu.vector_load %arg6[%parallel_loop3A_339, %parallel_loop3A_340, %parallel_loop3A_341] {strides = array<i32>} : memref<2x64x128xf32, #tpu.memory_space<vmem>>, vector<16xf32>,
        tpu.vector_store %arg6[%parallel_loop3A_339, %parallel_loop3A_340, %parallel_loop3A_341], %parallel_loop3A_337 {strides = array<i32>} : memref<2x64x128xf32, #tpu.memory_space<vmem>>, vector<16xf32>,
        %parallel_loop3A_343 = tpu.iota {dimensions = array<i32: 0>} : vector<16xi32>
        %parallel_loop3A_344 = arith.constant 48 : i32
        %parallel_loop3A_345 = vector.broadcast %parallel_loop3A_344 : i32 to vector<16xi32>
        %parallel_loop3A_346 = arith.addi %parallel_loop3A_343, %parallel_loop3A_345 : vector<16xi32>
        %parallel_loop3A_347 = arith.constant 0 : i32
        %parallel_loop3A_348 = arith.constant 0 : i32
        %parallel_loop3A_349 = arith.constant 0 : i32
        %parallel_loop3A_350 = tpu.memref_slice %arg5[%parallel_loop3A_347, %parallel_loop3A_348, %parallel_loop3A_349] : memref<2x64x128xf32, #tpu.memory_space<vmem>> -> memref<1x64x128xf32, #tpu.memory_space<vmem>>
        %parallel_loop3A_351 = tpu.memref_squeeze %parallel_loop3A_350 : memref<1x64x128xf32, #tpu.memory_space<vmem>> -> memref<64x128xf32, #tpu.memory_space<vmem>>
        %parallel_loop3A_352 = tpu.vector_load_idx %parallel_loop3A_351[%parallel_loop3A_346, %parallel_loop3A_294] : memref<64x128xf32, #tpu.memory_space<vmem>>[vector<16xi32>, vector<16xi32>], vector<16xf32>,
        %parallel_loop3A_353 = arith.constant 0 : i32
        %parallel_loop3A_354 = arith.index_cast %parallel_loop3A_353 : i32 to index
        %parallel_loop3A_355 = arith.index_cast %parallel_loop3A_291 : i32 to index
        %parallel_loop3A_356 = arith.constant 48 : index
        %parallel_loop3A_357 = tpu.vector_load %arg6[%parallel_loop3A_354, %parallel_loop3A_355, %parallel_loop3A_356] {strides = array<i32>} : memref<2x64x128xf32, #tpu.memory_space<vmem>>, vector<16xf32>,
        tpu.vector_store %arg6[%parallel_loop3A_354, %parallel_loop3A_355, %parallel_loop3A_356], %parallel_loop3A_352 {strides = array<i32>} : memref<2x64x128xf32, #tpu.memory_space<vmem>>, vector<16xf32>,
        %parallel_loop3A_358 = tpu.iota {dimensions = array<i32: 0>} : vector<16xi32>
        %parallel_loop3A_359 = arith.constant 0 : i32
        %parallel_loop3A_360 = vector.broadcast %parallel_loop3A_359 : i32 to vector<16xi32>
        %parallel_loop3A_361 = arith.addi %parallel_loop3A_358, %parallel_loop3A_360 : vector<16xi32>
        %parallel_loop3A_362 = arith.constant 0 : i32
        %parallel_loop3A_363 = arith.constant 0 : i32
        %parallel_loop3A_364 = arith.constant 0 : i32
        %parallel_loop3A_365 = tpu.memref_slice %arg5[%parallel_loop3A_362, %parallel_loop3A_363, %parallel_loop3A_364] : memref<2x64x128xf32, #tpu.memory_space<vmem>> -> memref<1x64x128xf32, #tpu.memory_space<vmem>>
        %parallel_loop3A_366 = tpu.memref_squeeze %parallel_loop3A_365 : memref<1x64x128xf32, #tpu.memory_space<vmem>> -> memref<64x128xf32, #tpu.memory_space<vmem>>
        %parallel_loop3A_367 = tpu.vector_load_idx %parallel_loop3A_366[%parallel_loop3A_361, %parallel_loop3A_297] : memref<64x128xf32, #tpu.memory_space<vmem>>[vector<16xi32>, vector<16xi32>], vector<16xf32>,
        %parallel_loop3A_368 = arith.constant 0 : i32
        %parallel_loop3A_369 = arith.index_cast %parallel_loop3A_368 : i32 to index
        %parallel_loop3A_370 = arith.index_cast %parallel_loop3A_291 : i32 to index
        %parallel_loop3A_371 = arith.constant 64 : index
        %parallel_loop3A_372 = tpu.vector_load %arg6[%parallel_loop3A_369, %parallel_loop3A_370, %parallel_loop3A_371] {strides = array<i32>} : memref<2x64x128xf32, #tpu.memory_space<vmem>>, vector<16xf32>,
        tpu.vector_store %arg6[%parallel_loop3A_369, %parallel_loop3A_370, %parallel_loop3A_371], %parallel_loop3A_367 {strides = array<i32>} : memref<2x64x128xf32, #tpu.memory_space<vmem>>, vector<16xf32>,
        %parallel_loop3A_373 = tpu.iota {dimensions = array<i32: 0>} : vector<16xi32>
        %parallel_loop3A_374 = arith.constant 16 : i32
        %parallel_loop3A_375 = vector.broadcast %parallel_loop3A_374 : i32 to vector<16xi32>
        %parallel_loop3A_376 = arith.addi %parallel_loop3A_373, %parallel_loop3A_375 : vector<16xi32>
        %parallel_loop3A_377 = arith.constant 0 : i32
        %parallel_loop3A_378 = arith.constant 0 : i32
        %parallel_loop3A_379 = arith.constant 0 : i32
        %parallel_loop3A_380 = tpu.memref_slice %arg5[%parallel_loop3A_377, %parallel_loop3A_378, %parallel_loop3A_379] : memref<2x64x128xf32, #tpu.memory_space<vmem>> -> memref<1x64x128xf32, #tpu.memory_space<vmem>>
        %parallel_loop3A_381 = tpu.memref_squeeze %parallel_loop3A_380 : memref<1x64x128xf32, #tpu.memory_space<vmem>> -> memref<64x128xf32, #tpu.memory_space<vmem>>
        %parallel_loop3A_382 = tpu.vector_load_idx %parallel_loop3A_381[%parallel_loop3A_376, %parallel_loop3A_297] : memref<64x128xf32, #tpu.memory_space<vmem>>[vector<16xi32>, vector<16xi32>], vector<16xf32>,
        %parallel_loop3A_383 = arith.constant 0 : i32
        %parallel_loop3A_384 = arith.index_cast %parallel_loop3A_383 : i32 to index
        %parallel_loop3A_385 = arith.index_cast %parallel_loop3A_291 : i32 to index
        %parallel_loop3A_386 = arith.constant 80 : index
        %parallel_loop3A_387 = tpu.vector_load %arg6[%parallel_loop3A_384, %parallel_loop3A_385, %parallel_loop3A_386] {strides = array<i32>} : memref<2x64x128xf32, #tpu.memory_space<vmem>>, vector<16xf32>,
        tpu.vector_store %arg6[%parallel_loop3A_384, %parallel_loop3A_385, %parallel_loop3A_386], %parallel_loop3A_382 {strides = array<i32>} : memref<2x64x128xf32, #tpu.memory_space<vmem>>, vector<16xf32>,
        %parallel_loop3A_388 = tpu.iota {dimensions = array<i32: 0>} : vector<16xi32>
        %parallel_loop3A_389 = arith.constant 32 : i32
        %parallel_loop3A_390 = vector.broadcast %parallel_loop3A_389 : i32 to vector<16xi32>
        %parallel_loop3A_391 = arith.addi %parallel_loop3A_388, %parallel_loop3A_390 : vector<16xi32>
        %parallel_loop3A_392 = arith.constant 0 : i32
        %parallel_loop3A_393 = arith.constant 0 : i32
        %parallel_loop3A_394 = arith.constant 0 : i32
        %parallel_loop3A_395 = tpu.memref_slice %arg5[%parallel_loop3A_392, %parallel_loop3A_393, %parallel_loop3A_394] : memref<2x64x128xf32, #tpu.memory_space<vmem>> -> memref<1x64x128xf32, #tpu.memory_space<vmem>>
        %parallel_loop3A_396 = tpu.memref_squeeze %parallel_loop3A_395 : memref<1x64x128xf32, #tpu.memory_space<vmem>> -> memref<64x128xf32, #tpu.memory_space<vmem>>
        %parallel_loop3A_397 = tpu.vector_load_idx %parallel_loop3A_396[%parallel_loop3A_391, %parallel_loop3A_297] : memref<64x128xf32, #tpu.memory_space<vmem>>[vector<16xi32>, vector<16xi32>], vector<16xf32>,
        %parallel_loop3A_398 = arith.constant 0 : i32
        %parallel_loop3A_399 = arith.index_cast %parallel_loop3A_398 : i32 to index
        %parallel_loop3A_400 = arith.index_cast %parallel_loop3A_291 : i32 to index
        %parallel_loop3A_401 = arith.constant 96 : index
        %parallel_loop3A_402 = tpu.vector_load %arg6[%parallel_loop3A_399, %parallel_loop3A_400, %parallel_loop3A_401] {strides = array<i32>} : memref<2x64x128xf32, #tpu.memory_space<vmem>>, vector<16xf32>,
        tpu.vector_store %arg6[%parallel_loop3A_399, %parallel_loop3A_400, %parallel_loop3A_401], %parallel_loop3A_397 {strides = array<i32>} : memref<2x64x128xf32, #tpu.memory_space<vmem>>, vector<16xf32>,
        %parallel_loop3A_403 = tpu.iota {dimensions = array<i32: 0>} : vector<16xi32>
        %parallel_loop3A_404 = arith.constant 48 : i32
        %parallel_loop3A_405 = vector.broadcast %parallel_loop3A_404 : i32 to vector<16xi32>
        %parallel_loop3A_406 = arith.addi %parallel_loop3A_403, %parallel_loop3A_405 : vector<16xi32>
        %parallel_loop3A_407 = arith.constant 0 : i32
        %parallel_loop3A_408 = arith.constant 0 : i32
        %parallel_loop3A_409 = arith.constant 0 : i32
        %parallel_loop3A_410 = tpu.memref_slice %arg5[%parallel_loop3A_407, %parallel_loop3A_408, %parallel_loop3A_409] : memref<2x64x128xf32, #tpu.memory_space<vmem>> -> memref<1x64x128xf32, #tpu.memory_space<vmem>>
        %parallel_loop3A_411 = tpu.memref_squeeze %parallel_loop3A_410 : memref<1x64x128xf32, #tpu.memory_space<vmem>> -> memref<64x128xf32, #tpu.memory_space<vmem>>
        %parallel_loop3A_412 = tpu.vector_load_idx %parallel_loop3A_411[%parallel_loop3A_406, %parallel_loop3A_297] : memref<64x128xf32, #tpu.memory_space<vmem>>[vector<16xi32>, vector<16xi32>], vector<16xf32>,
        %parallel_loop3A_413 = arith.constant 0 : i32
        %parallel_loop3A_414 = arith.index_cast %parallel_loop3A_413 : i32 to index
        %parallel_loop3A_415 = arith.index_cast %parallel_loop3A_291 : i32 to index
        %parallel_loop3A_416 = arith.constant 112 : index
        %parallel_loop3A_417 = tpu.vector_load %arg6[%parallel_loop3A_414, %parallel_loop3A_415, %parallel_loop3A_416] {strides = array<i32>} : memref<2x64x128xf32, #tpu.memory_space<vmem>>, vector<16xf32>,
        tpu.vector_store %arg6[%parallel_loop3A_414, %parallel_loop3A_415, %parallel_loop3A_416], %parallel_loop3A_412 {strides = array<i32>} : memref<2x64x128xf32, #tpu.memory_space<vmem>>, vector<16xf32>,
      } {sc.loop_unroll_factor = 8 : i64, sc.parallel_access}
      %mul3A_288 = arith.constant 64 : i32
      %mul3A_289 = arith.muli %add3A_282, %mul3A_288 : i32
      %run_scoped3A_290 = arith.constant 0 : i32
      "tpu.region"() ({
        %run_scoped3A_291 = tpu.sem_alloc : memref<!tpu.dma_semaphore, #tpu.memory_space<semaphore_mem>>
        %dma_start3A_292 = arith.constant 0 : i32
        %dma_start3A_293 = arith.constant 0 : i32
        %dma_start3A_294 = tpu.memref_slice %arg6[%run_scoped3A_290, %dma_start3A_292, %dma_start3A_293] : memref<2x64x128xf32, #tpu.memory_space<vmem>> -> memref<1x64x128xf32, #tpu.memory_space<vmem>>
        %dma_start3A_295 = tpu.memref_squeeze %dma_start3A_294 : memref<1x64x128xf32, #tpu.memory_space<vmem>> -> memref<64x128xf32, #tpu.memory_space<vmem>>
        %dma_start3A_296 = arith.constant 0 : i32
        %dma_start3A_297 = tpu.memref_slice %arg4[%mul3A_289, %dma_start3A_296] : memref<500000x128xf32, #tpu.memory_space<hbm>> -> memref<64x128xf32, #tpu.memory_space<hbm>>
        %dma_start3A_298 = arith.constant 0 : i32
        %dma_start3A_299 = tpu.memref_slice %arg4[%mul3A_289, %dma_start3A_298] : memref<500000x128xf32, #tpu.memory_space<hbm>> -> memref<64x128xf32, #tpu.memory_space<hbm>>
        %dma_start3A_300 = arith.constant 0 : i32
        %dma_start3A_301 = arith.constant 0 : i32
        %dma_start3A_302 = tpu.memref_slice %arg6[%run_scoped3A_290, %dma_start3A_300, %dma_start3A_301] : memref<2x64x128xf32, #tpu.memory_space<vmem>> -> memref<1x64x128xf32, #tpu.memory_space<vmem>>
        %dma_start3A_303 = tpu.memref_squeeze %dma_start3A_302 : memref<1x64x128xf32, #tpu.memory_space<vmem>> -> memref<64x128xf32, #tpu.memory_space<vmem>>
        tpu.enqueue_dma source(%dma_start3A_303 : memref<64x128xf32, #tpu.memory_space<vmem>>) target(%dma_start3A_299 : memref<64x128xf32, #tpu.memory_space<hbm>>) target_semaphore(%run_scoped3A_291 : memref<!tpu.dma_semaphore, #tpu.memory_space<semaphore_mem>>)
        %dma_wait3A_304 = arith.constant 0 : i32
        %dma_wait3A_305 = arith.constant 0 : i32
        %dma_wait3A_306 = tpu.memref_slice %arg6[%run_scoped3A_290, %dma_wait3A_304, %dma_wait3A_305] : memref<2x64x128xf32, #tpu.memory_space<vmem>> -> memref<1x64x128xf32, #tpu.memory_space<vmem>>
        %dma_wait3A_307 = tpu.memref_squeeze %dma_wait3A_306 : memref<1x64x128xf32, #tpu.memory_space<vmem>> -> memref<64x128xf32, #tpu.memory_space<vmem>>
        %dma_wait3A_308 = arith.constant 0 : i32
        %dma_wait3A_309 = tpu.memref_slice %arg4[%mul3A_289, %dma_wait3A_308] : memref<500000x128xf32, #tpu.memory_space<hbm>> -> memref<64x128xf32, #tpu.memory_space<hbm>>
        %dma_wait3A_310 = arith.constant 0 : i32
        %dma_wait3A_311 = tpu.memref_slice %arg4[%mul3A_289, %dma_wait3A_310] : memref<500000x128xf32, #tpu.memory_space<hbm>> -> memref<64x128xf32, #tpu.memory_space<hbm>>
        %dma_wait3A_312 = arith.constant 0 : i32
        %dma_wait3A_313 = arith.constant 0 : i32
        %dma_wait3A_314 = tpu.memref_slice %arg6[%run_scoped3A_290, %dma_wait3A_312, %dma_wait3A_313] : memref<2x64x128xf32, #tpu.memory_space<vmem>> -> memref<1x64x128xf32, #tpu.memory_space<vmem>>
        %dma_wait3A_315 = tpu.memref_squeeze %dma_wait3A_314 : memref<1x64x128xf32, #tpu.memory_space<vmem>> -> memref<64x128xf32, #tpu.memory_space<vmem>>
        tpu.wait_dma2 semaphore(%run_scoped3A_291 : memref<!tpu.dma_semaphore, #tpu.memory_space<semaphore_mem>>) src(%dma_wait3A_315 : memref<64x128xf32, #tpu.memory_space<vmem>>) dst(%dma_wait3A_311 : memref<64x128xf32, #tpu.memory_space<hbm>>)
        tpu.yield
      }) : () -> ()
    } else {
    }
    %eq3A = arith.constant 31 : i32
    %eq3A_277 = arith.cmpi eq, %add3A, %eq3A : i32
    %convert_element_type3A_278 = arith.extui %eq3A_277 : i1 to i32
    %cond3A_279 = arith.constant 0 : i32
    %cond3A_280 = arith.cmpi ne, %convert_element_type3A_278, %cond3A_279 : i32
    scf.if %cond3A_280 {
      %run_scoped3A = arith.constant 0 : i32
      "tpu.region"() ({
        %run_scoped3A_285 = tpu.sem_alloc : memref<!tpu.dma_semaphore, #tpu.memory_space<semaphore_mem>>
        %dma_start3A_286 = arith.constant 0 : i32
        %dma_start3A_287 = arith.constant 0 : i32
        %dma_start3A_288 = tpu.memref_slice %arg5[%run_scoped3A, %dma_start3A_286, %dma_start3A_287] : memref<2x64x128xf32, #tpu.memory_space<vmem>> -> memref<1x64x128xf32, #tpu.memory_space<vmem>>
        %dma_start3A_289 = tpu.memref_squeeze %dma_start3A_288 : memref<1x64x128xf32, #tpu.memory_space<vmem>> -> memref<64x128xf32, #tpu.memory_space<vmem>>
        %dma_start3A_290 = arith.constant 0 : i32
        %dma_start3A_291 = arith.constant 0 : i32
        %dma_start3A_292 = tpu.memref_slice %arg5[%run_scoped3A, %dma_start3A_290, %dma_start3A_291] : memref<2x64x128xf32, #tpu.memory_space<vmem>> -> memref<1x64x128xf32, #tpu.memory_space<vmem>>
        %dma_start3A_293 = tpu.memref_squeeze %dma_start3A_292 : memref<1x64x128xf32, #tpu.memory_space<vmem>> -> memref<64x128xf32, #tpu.memory_space<vmem>>
        tpu.enqueue_dma source(%arg3 : memref<64x128xf32, #tpu.memory_space<hbm>>) target(%dma_start3A_293 : memref<64x128xf32, #tpu.memory_space<vmem>>) target_semaphore(%run_scoped3A_285 : memref<!tpu.dma_semaphore, #tpu.memory_space<semaphore_mem>>)
        %dma_wait3A_294 = arith.constant 0 : i32
        %dma_wait3A_295 = arith.constant 0 : i32
        %dma_wait3A_296 = tpu.memref_slice %arg5[%run_scoped3A, %dma_wait3A_294, %dma_wait3A_295] : memref<2x64x128xf32, #tpu.memory_space<vmem>> -> memref<1x64x128xf32, #tpu.memory_space<vmem>>
        %dma_wait3A_297 = tpu.memref_squeeze %dma_wait3A_296 : memref<1x64x128xf32, #tpu.memory_space<vmem>> -> memref<64x128xf32, #tpu.memory_space<vmem>>
        %dma_wait3A_298 = arith.constant 0 : i32
        %dma_wait3A_299 = arith.constant 0 : i32
        %dma_wait3A_300 = tpu.memref_slice %arg5[%run_scoped3A, %dma_wait3A_298, %dma_wait3A_299] : memref<2x64x128xf32, #tpu.memory_space<vmem>> -> memref<1x64x128xf32, #tpu.memory_space<vmem>>
        %dma_wait3A_301 = tpu.memref_squeeze %dma_wait3A_300 : memref<1x64x128xf32, #tpu.memory_space<vmem>> -> memref<64x128xf32, #tpu.memory_space<vmem>>
        tpu.wait_dma2 semaphore(%run_scoped3A_285 : memref<!tpu.dma_semaphore, #tpu.memory_space<semaphore_mem>>) src(%arg3 : memref<64x128xf32, #tpu.memory_space<hbm>>) dst(%dma_wait3A_301 : memref<64x128xf32, #tpu.memory_space<vmem>>)
        tpu.yield
      }) : () -> ()
      %parallel_loop3A_281 = arith.constant 0 : i32
      %parallel_loop3A_282 = arith.constant 32 : i32
      %parallel_loop3A_283 = arith.constant 1 : i32
      scf.for %parallel_loop3A_285 = %parallel_loop3A_281 to %parallel_loop3A_282 step %parallel_loop3A_283  : i32 {
        %parallel_loop3A_286 = arith.constant 2 : i32
        %parallel_loop3A_287 = arith.muli %parallel_loop3A_286, %parallel_loop3A_285 : i32
        %parallel_loop3A_288 = vector.broadcast %parallel_loop3A_287 : i32 to vector<16xi32>
        %parallel_loop3A_289 = arith.constant 1 : i32
        %parallel_loop3A_290 = vector.broadcast %parallel_loop3A_289 : i32 to vector<16xi32>
        %parallel_loop3A_291 = arith.addi %parallel_loop3A_288, %parallel_loop3A_290 : vector<16xi32>
        %parallel_loop3A_292 = tpu.iota {dimensions = array<i32: 0>} : vector<16xi32>
        %parallel_loop3A_293 = arith.constant 0 : i32
        %parallel_loop3A_294 = vector.broadcast %parallel_loop3A_293 : i32 to vector<16xi32>
        %parallel_loop3A_295 = arith.addi %parallel_loop3A_292, %parallel_loop3A_294 : vector<16xi32>
        %parallel_loop3A_296 = arith.constant 0 : i32
        %parallel_loop3A_297 = arith.constant 0 : i32
        %parallel_loop3A_298 = arith.constant 0 : i32
        %parallel_loop3A_299 = tpu.memref_slice %arg5[%parallel_loop3A_296, %parallel_loop3A_297, %parallel_loop3A_298] : memref<2x64x128xf32, #tpu.memory_space<vmem>> -> memref<1x64x128xf32, #tpu.memory_space<vmem>>
        %parallel_loop3A_300 = tpu.memref_squeeze %parallel_loop3A_299 : memref<1x64x128xf32, #tpu.memory_space<vmem>> -> memref<64x128xf32, #tpu.memory_space<vmem>>
        %parallel_loop3A_301 = tpu.vector_load_idx %parallel_loop3A_300[%parallel_loop3A_295, %parallel_loop3A_288] : memref<64x128xf32, #tpu.memory_space<vmem>>[vector<16xi32>, vector<16xi32>], vector<16xf32>,
        %parallel_loop3A_302 = arith.constant 0 : i32
        %parallel_loop3A_303 = arith.index_cast %parallel_loop3A_302 : i32 to index
        %parallel_loop3A_304 = arith.index_cast %parallel_loop3A_285 : i32 to index
        %parallel_loop3A_305 = arith.constant 0 : index
        %parallel_loop3A_306 = tpu.vector_load %arg6[%parallel_loop3A_303, %parallel_loop3A_304, %parallel_loop3A_305] {strides = array<i32>} : memref<2x64x128xf32, #tpu.memory_space<vmem>>, vector<16xf32>,
        tpu.vector_store %arg6[%parallel_loop3A_303, %parallel_loop3A_304, %parallel_loop3A_305], %parallel_loop3A_301 {strides = array<i32>} : memref<2x64x128xf32, #tpu.memory_space<vmem>>, vector<16xf32>,
        %parallel_loop3A_307 = tpu.iota {dimensions = array<i32: 0>} : vector<16xi32>
        %parallel_loop3A_308 = arith.constant 16 : i32
        %parallel_loop3A_309 = vector.broadcast %parallel_loop3A_308 : i32 to vector<16xi32>
        %parallel_loop3A_310 = arith.addi %parallel_loop3A_307, %parallel_loop3A_309 : vector<16xi32>
        %parallel_loop3A_311 = arith.constant 0 : i32
        %parallel_loop3A_312 = arith.constant 0 : i32
        %parallel_loop3A_313 = arith.constant 0 : i32
        %parallel_loop3A_314 = tpu.memref_slice %arg5[%parallel_loop3A_311, %parallel_loop3A_312, %parallel_loop3A_313] : memref<2x64x128xf32, #tpu.memory_space<vmem>> -> memref<1x64x128xf32, #tpu.memory_space<vmem>>
        %parallel_loop3A_315 = tpu.memref_squeeze %parallel_loop3A_314 : memref<1x64x128xf32, #tpu.memory_space<vmem>> -> memref<64x128xf32, #tpu.memory_space<vmem>>
        %parallel_loop3A_316 = tpu.vector_load_idx %parallel_loop3A_315[%parallel_loop3A_310, %parallel_loop3A_288] : memref<64x128xf32, #tpu.memory_space<vmem>>[vector<16xi32>, vector<16xi32>], vector<16xf32>,
        %parallel_loop3A_317 = arith.constant 0 : i32
        %parallel_loop3A_318 = arith.index_cast %parallel_loop3A_317 : i32 to index
        %parallel_loop3A_319 = arith.index_cast %parallel_loop3A_285 : i32 to index
        %parallel_loop3A_320 = arith.constant 16 : index
        %parallel_loop3A_321 = tpu.vector_load %arg6[%parallel_loop3A_318, %parallel_loop3A_319, %parallel_loop3A_320] {strides = array<i32>} : memref<2x64x128xf32, #tpu.memory_space<vmem>>, vector<16xf32>,
        tpu.vector_store %arg6[%parallel_loop3A_318, %parallel_loop3A_319, %parallel_loop3A_320], %parallel_loop3A_316 {strides = array<i32>} : memref<2x64x128xf32, #tpu.memory_space<vmem>>, vector<16xf32>,
        %parallel_loop3A_322 = tpu.iota {dimensions = array<i32: 0>} : vector<16xi32>
        %parallel_loop3A_323 = arith.constant 32 : i32
        %parallel_loop3A_324 = vector.broadcast %parallel_loop3A_323 : i32 to vector<16xi32>
        %parallel_loop3A_325 = arith.addi %parallel_loop3A_322, %parallel_loop3A_324 : vector<16xi32>
        %parallel_loop3A_326 = arith.constant 0 : i32
        %parallel_loop3A_327 = arith.constant 0 : i32
        %parallel_loop3A_328 = arith.constant 0 : i32
        %parallel_loop3A_329 = tpu.memref_slice %arg5[%parallel_loop3A_326, %parallel_loop3A_327, %parallel_loop3A_328] : memref<2x64x128xf32, #tpu.memory_space<vmem>> -> memref<1x64x128xf32, #tpu.memory_space<vmem>>
        %parallel_loop3A_330 = tpu.memref_squeeze %parallel_loop3A_329 : memref<1x64x128xf32, #tpu.memory_space<vmem>> -> memref<64x128xf32, #tpu.memory_space<vmem>>
        %parallel_loop3A_331 = tpu.vector_load_idx %parallel_loop3A_330[%parallel_loop3A_325, %parallel_loop3A_288] : memref<64x128xf32, #tpu.memory_space<vmem>>[vector<16xi32>, vector<16xi32>], vector<16xf32>,
        %parallel_loop3A_332 = arith.constant 0 : i32
        %parallel_loop3A_333 = arith.index_cast %parallel_loop3A_332 : i32 to index
        %parallel_loop3A_334 = arith.index_cast %parallel_loop3A_285 : i32 to index
        %parallel_loop3A_335 = arith.constant 32 : index
        %parallel_loop3A_336 = tpu.vector_load %arg6[%parallel_loop3A_333, %parallel_loop3A_334, %parallel_loop3A_335] {strides = array<i32>} : memref<2x64x128xf32, #tpu.memory_space<vmem>>, vector<16xf32>,
        tpu.vector_store %arg6[%parallel_loop3A_333, %parallel_loop3A_334, %parallel_loop3A_335], %parallel_loop3A_331 {strides = array<i32>} : memref<2x64x128xf32, #tpu.memory_space<vmem>>, vector<16xf32>,
        %parallel_loop3A_337 = tpu.iota {dimensions = array<i32: 0>} : vector<16xi32>
        %parallel_loop3A_338 = arith.constant 48 : i32
        %parallel_loop3A_339 = vector.broadcast %parallel_loop3A_338 : i32 to vector<16xi32>
        %parallel_loop3A_340 = arith.addi %parallel_loop3A_337, %parallel_loop3A_339 : vector<16xi32>
        %parallel_loop3A_341 = arith.constant 0 : i32
        %parallel_loop3A_342 = arith.constant 0 : i32
        %parallel_loop3A_343 = arith.constant 0 : i32
        %parallel_loop3A_344 = tpu.memref_slice %arg5[%parallel_loop3A_341, %parallel_loop3A_342, %parallel_loop3A_343] : memref<2x64x128xf32, #tpu.memory_space<vmem>> -> memref<1x64x128xf32, #tpu.memory_space<vmem>>
        %parallel_loop3A_345 = tpu.memref_squeeze %parallel_loop3A_344 : memref<1x64x128xf32, #tpu.memory_space<vmem>> -> memref<64x128xf32, #tpu.memory_space<vmem>>
        %parallel_loop3A_346 = tpu.vector_load_idx %parallel_loop3A_345[%parallel_loop3A_340, %parallel_loop3A_288] : memref<64x128xf32, #tpu.memory_space<vmem>>[vector<16xi32>, vector<16xi32>], vector<16xf32>,
        %parallel_loop3A_347 = arith.constant 0 : i32
        %parallel_loop3A_348 = arith.index_cast %parallel_loop3A_347 : i32 to index
        %parallel_loop3A_349 = arith.index_cast %parallel_loop3A_285 : i32 to index
        %parallel_loop3A_350 = arith.constant 48 : index
        %parallel_loop3A_351 = tpu.vector_load %arg6[%parallel_loop3A_348, %parallel_loop3A_349, %parallel_loop3A_350] {strides = array<i32>} : memref<2x64x128xf32, #tpu.memory_space<vmem>>, vector<16xf32>,
        tpu.vector_store %arg6[%parallel_loop3A_348, %parallel_loop3A_349, %parallel_loop3A_350], %parallel_loop3A_346 {strides = array<i32>} : memref<2x64x128xf32, #tpu.memory_space<vmem>>, vector<16xf32>,
        %parallel_loop3A_352 = tpu.iota {dimensions = array<i32: 0>} : vector<16xi32>
        %parallel_loop3A_353 = arith.constant 0 : i32
        %parallel_loop3A_354 = vector.broadcast %parallel_loop3A_353 : i32 to vector<16xi32>
        %parallel_loop3A_355 = arith.addi %parallel_loop3A_352, %parallel_loop3A_354 : vector<16xi32>
        %parallel_loop3A_356 = arith.constant 0 : i32
        %parallel_loop3A_357 = arith.constant 0 : i32
        %parallel_loop3A_358 = arith.constant 0 : i32
        %parallel_loop3A_359 = tpu.memref_slice %arg5[%parallel_loop3A_356, %parallel_loop3A_357, %parallel_loop3A_358] : memref<2x64x128xf32, #tpu.memory_space<vmem>> -> memref<1x64x128xf32, #tpu.memory_space<vmem>>
        %parallel_loop3A_360 = tpu.memref_squeeze %parallel_loop3A_359 : memref<1x64x128xf32, #tpu.memory_space<vmem>> -> memref<64x128xf32, #tpu.memory_space<vmem>>
        %parallel_loop3A_361 = tpu.vector_load_idx %parallel_loop3A_360[%parallel_loop3A_355, %parallel_loop3A_291] : memref<64x128xf32, #tpu.memory_space<vmem>>[vector<16xi32>, vector<16xi32>], vector<16xf32>,
        %parallel_loop3A_362 = arith.constant 0 : i32
        %parallel_loop3A_363 = arith.index_cast %parallel_loop3A_362 : i32 to index
        %parallel_loop3A_364 = arith.index_cast %parallel_loop3A_285 : i32 to index
        %parallel_loop3A_365 = arith.constant 64 : index
        %parallel_loop3A_366 = tpu.vector_load %arg6[%parallel_loop3A_363, %parallel_loop3A_364, %parallel_loop3A_365] {strides = array<i32>} : memref<2x64x128xf32, #tpu.memory_space<vmem>>, vector<16xf32>,
        tpu.vector_store %arg6[%parallel_loop3A_363, %parallel_loop3A_364, %parallel_loop3A_365], %parallel_loop3A_361 {strides = array<i32>} : memref<2x64x128xf32, #tpu.memory_space<vmem>>, vector<16xf32>,
        %parallel_loop3A_367 = tpu.iota {dimensions = array<i32: 0>} : vector<16xi32>
        %parallel_loop3A_368 = arith.constant 16 : i32
        %parallel_loop3A_369 = vector.broadcast %parallel_loop3A_368 : i32 to vector<16xi32>
        %parallel_loop3A_370 = arith.addi %parallel_loop3A_367, %parallel_loop3A_369 : vector<16xi32>
        %parallel_loop3A_371 = arith.constant 0 : i32
        %parallel_loop3A_372 = arith.constant 0 : i32
        %parallel_loop3A_373 = arith.constant 0 : i32
        %parallel_loop3A_374 = tpu.memref_slice %arg5[%parallel_loop3A_371, %parallel_loop3A_372, %parallel_loop3A_373] : memref<2x64x128xf32, #tpu.memory_space<vmem>> -> memref<1x64x128xf32, #tpu.memory_space<vmem>>
        %parallel_loop3A_375 = tpu.memref_squeeze %parallel_loop3A_374 : memref<1x64x128xf32, #tpu.memory_space<vmem>> -> memref<64x128xf32, #tpu.memory_space<vmem>>
        %parallel_loop3A_376 = tpu.vector_load_idx %parallel_loop3A_375[%parallel_loop3A_370, %parallel_loop3A_291] : memref<64x128xf32, #tpu.memory_space<vmem>>[vector<16xi32>, vector<16xi32>], vector<16xf32>,
        %parallel_loop3A_377 = arith.constant 0 : i32
        %parallel_loop3A_378 = arith.index_cast %parallel_loop3A_377 : i32 to index
        %parallel_loop3A_379 = arith.index_cast %parallel_loop3A_285 : i32 to index
        %parallel_loop3A_380 = arith.constant 80 : index
        %parallel_loop3A_381 = tpu.vector_load %arg6[%parallel_loop3A_378, %parallel_loop3A_379, %parallel_loop3A_380] {strides = array<i32>} : memref<2x64x128xf32, #tpu.memory_space<vmem>>, vector<16xf32>,
        tpu.vector_store %arg6[%parallel_loop3A_378, %parallel_loop3A_379, %parallel_loop3A_380], %parallel_loop3A_376 {strides = array<i32>} : memref<2x64x128xf32, #tpu.memory_space<vmem>>, vector<16xf32>,
        %parallel_loop3A_382 = tpu.iota {dimensions = array<i32: 0>} : vector<16xi32>
        %parallel_loop3A_383 = arith.constant 32 : i32
        %parallel_loop3A_384 = vector.broadcast %parallel_loop3A_383 : i32 to vector<16xi32>
        %parallel_loop3A_385 = arith.addi %parallel_loop3A_382, %parallel_loop3A_384 : vector<16xi32>
        %parallel_loop3A_386 = arith.constant 0 : i32
        %parallel_loop3A_387 = arith.constant 0 : i32
        %parallel_loop3A_388 = arith.constant 0 : i32
        %parallel_loop3A_389 = tpu.memref_slice %arg5[%parallel_loop3A_386, %parallel_loop3A_387, %parallel_loop3A_388] : memref<2x64x128xf32, #tpu.memory_space<vmem>> -> memref<1x64x128xf32, #tpu.memory_space<vmem>>
        %parallel_loop3A_390 = tpu.memref_squeeze %parallel_loop3A_389 : memref<1x64x128xf32, #tpu.memory_space<vmem>> -> memref<64x128xf32, #tpu.memory_space<vmem>>
        %parallel_loop3A_391 = tpu.vector_load_idx %parallel_loop3A_390[%parallel_loop3A_385, %parallel_loop3A_291] : memref<64x128xf32, #tpu.memory_space<vmem>>[vector<16xi32>, vector<16xi32>], vector<16xf32>,
        %parallel_loop3A_392 = arith.constant 0 : i32
        %parallel_loop3A_393 = arith.index_cast %parallel_loop3A_392 : i32 to index
        %parallel_loop3A_394 = arith.index_cast %parallel_loop3A_285 : i32 to index
        %parallel_loop3A_395 = arith.constant 96 : index
        %parallel_loop3A_396 = tpu.vector_load %arg6[%parallel_loop3A_393, %parallel_loop3A_394, %parallel_loop3A_395] {strides = array<i32>} : memref<2x64x128xf32, #tpu.memory_space<vmem>>, vector<16xf32>,
        tpu.vector_store %arg6[%parallel_loop3A_393, %parallel_loop3A_394, %parallel_loop3A_395], %parallel_loop3A_391 {strides = array<i32>} : memref<2x64x128xf32, #tpu.memory_space<vmem>>, vector<16xf32>,
        %parallel_loop3A_397 = tpu.iota {dimensions = array<i32: 0>} : vector<16xi32>
        %parallel_loop3A_398 = arith.constant 48 : i32
        %parallel_loop3A_399 = vector.broadcast %parallel_loop3A_398 : i32 to vector<16xi32>
        %parallel_loop3A_400 = arith.addi %parallel_loop3A_397, %parallel_loop3A_399 : vector<16xi32>
        %parallel_loop3A_401 = arith.constant 0 : i32
        %parallel_loop3A_402 = arith.constant 0 : i32
        %parallel_loop3A_403 = arith.constant 0 : i32
        %parallel_loop3A_404 = tpu.memref_slice %arg5[%parallel_loop3A_401, %parallel_loop3A_402, %parallel_loop3A_403] : memref<2x64x128xf32, #tpu.memory_space<vmem>> -> memref<1x64x128xf32, #tpu.memory_space<vmem>>
        %parallel_loop3A_405 = tpu.memref_squeeze %parallel_loop3A_404 : memref<1x64x128xf32, #tpu.memory_space<vmem>> -> memref<64x128xf32, #tpu.memory_space<vmem>>
        %parallel_loop3A_406 = tpu.vector_load_idx %parallel_loop3A_405[%parallel_loop3A_400, %parallel_loop3A_291] : memref<64x128xf32, #tpu.memory_space<vmem>>[vector<16xi32>, vector<16xi32>], vector<16xf32>,
        %parallel_loop3A_407 = arith.constant 0 : i32
        %parallel_loop3A_408 = arith.index_cast %parallel_loop3A_407 : i32 to index
        %parallel_loop3A_409 = arith.index_cast %parallel_loop3A_285 : i32 to index
        %parallel_loop3A_410 = arith.constant 112 : index
        %parallel_loop3A_411 = tpu.vector_load %arg6[%parallel_loop3A_408, %parallel_loop3A_409, %parallel_loop3A_410] {strides = array<i32>} : memref<2x64x128xf32, #tpu.memory_space<vmem>>, vector<16xf32>,
        tpu.vector_store %arg6[%parallel_loop3A_408, %parallel_loop3A_409, %parallel_loop3A_410], %parallel_loop3A_406 {strides = array<i32>} : memref<2x64x128xf32, #tpu.memory_space<vmem>>, vector<16xf32>,
      } {sc.loop_unroll_factor = 8 : i64, sc.parallel_access}
      %run_scoped3A_284 = arith.constant 0 : i32
      "tpu.region"() ({
        %run_scoped3A_285 = tpu.sem_alloc : memref<!tpu.dma_semaphore, #tpu.memory_space<semaphore_mem>>
        %dma_start3A_286 = arith.constant 0 : i32
        %dma_start3A_287 = arith.constant 0 : i32
        %dma_start3A_288 = tpu.memref_slice %arg6[%run_scoped3A_284, %dma_start3A_286, %dma_start3A_287] : memref<2x64x128xf32, #tpu.memory_space<vmem>> -> memref<1x32x128xf32, #tpu.memory_space<vmem>>
        %dma_start3A_289 = tpu.memref_squeeze %dma_start3A_288 : memref<1x32x128xf32, #tpu.memory_space<vmem>> -> memref<32x128xf32, #tpu.memory_space<vmem>>
        %dma_start3A_290 = arith.constant 499968 : i32
        %dma_start3A_291 = arith.constant 0 : i32
        %dma_start3A_292 = tpu.memref_slice %arg4[%dma_start3A_290, %dma_start3A_291] : memref<500000x128xf32, #tpu.memory_space<hbm>> -> memref<32x128xf32, #tpu.memory_space<hbm>>
        %dma_start3A_293 = arith.constant 499968 : i32
        %dma_start3A_294 = arith.constant 0 : i32
        %dma_start3A_295 = tpu.memref_slice %arg4[%dma_start3A_293, %dma_start3A_294] : memref<500000x128xf32, #tpu.memory_space<hbm>> -> memref<32x128xf32, #tpu.memory_space<hbm>>
        %dma_start3A_296 = arith.constant 0 : i32
        %dma_start3A_297 = arith.constant 0 : i32
        %dma_start3A_298 = tpu.memref_slice %arg6[%run_scoped3A_284, %dma_start3A_296, %dma_start3A_297] : memref<2x64x128xf32, #tpu.memory_space<vmem>> -> memref<1x32x128xf32, #tpu.memory_space<vmem>>
        %dma_start3A_299 = tpu.memref_squeeze %dma_start3A_298 : memref<1x32x128xf32, #tpu.memory_space<vmem>> -> memref<32x128xf32, #tpu.memory_space<vmem>>
        tpu.enqueue_dma source(%dma_start3A_299 : memref<32x128xf32, #tpu.memory_space<vmem>>) target(%dma_start3A_295 : memref<32x128xf32, #tpu.memory_space<hbm>>) target_semaphore(%run_scoped3A_285 : memref<!tpu.dma_semaphore, #tpu.memory_space<semaphore_mem>>)
        %dma_wait3A_300 = arith.constant 0 : i32
        %dma_wait3A_301 = arith.constant 0 : i32
        %dma_wait3A_302 = tpu.memref_slice %arg6[%run_scoped3A_284, %dma_wait3A_300, %dma_wait3A_301] : memref<2x64x128xf32, #tpu.memory_space<vmem>> -> memref<1x32x128xf32, #tpu.memory_space<vmem>>
        %dma_wait3A_303 = tpu.memref_squeeze %dma_wait3A_302 : memref<1x32x128xf32, #tpu.memory_space<vmem>> -> memref<32x128xf32, #tpu.memory_space<vmem>>
        %dma_wait3A_304 = arith.constant 499968 : i32
        %dma_wait3A_305 = arith.constant 0 : i32
        %dma_wait3A_306 = tpu.memref_slice %arg4[%dma_wait3A_304, %dma_wait3A_305] : memref<500000x128xf32, #tpu.memory_space<hbm>> -> memref<32x128xf32, #tpu.memory_space<hbm>>
        %dma_wait3A_307 = arith.constant 499968 : i32
        %dma_wait3A_308 = arith.constant 0 : i32
        %dma_wait3A_309 = tpu.memref_slice %arg4[%dma_wait3A_307, %dma_wait3A_308] : memref<500000x128xf32, #tpu.memory_space<hbm>> -> memref<32x128xf32, #tpu.memory_space<hbm>>
        %dma_wait3A_310 = arith.constant 0 : i32
        %dma_wait3A_311 = arith.constant 0 : i32
        %dma_wait3A_312 = tpu.memref_slice %arg6[%run_scoped3A_284, %dma_wait3A_310, %dma_wait3A_311] : memref<2x64x128xf32, #tpu.memory_space<vmem>> -> memref<1x32x128xf32, #tpu.memory_space<vmem>>
        %dma_wait3A_313 = tpu.memref_squeeze %dma_wait3A_312 : memref<1x32x128xf32, #tpu.memory_space<vmem>> -> memref<32x128xf32, #tpu.memory_space<vmem>>
        tpu.wait_dma2 semaphore(%run_scoped3A_285 : memref<!tpu.dma_semaphore, #tpu.memory_space<semaphore_mem>>) src(%dma_wait3A_313 : memref<32x128xf32, #tpu.memory_space<vmem>>) dst(%dma_wait3A_309 : memref<32x128xf32, #tpu.memory_space<hbm>>)
        tpu.yield
      }) : () -> ()
    } else {
    }
    return
  }
}

#map = affine_map<(d0, d1) -> (0, 0)>
module attributes {stable_mosaic.version = 14 : i64} {
  func.func @kb(%arg0: i32, %arg1: i32, %arg2: memref<1000000x64xf32, #tpu.memory_space<hbm>>, %arg3: memref<6400x128xi32, #tpu.memory_space<hbm>>, %arg4: memref<819200x128xf32, #tpu.memory_space<hbm>>, %arg5: memref<200x128xi32, #tpu.memory_space<vmem>>, %arg6: memref<2x640x64xf32, #tpu.memory_space<vmem>>, %arg7: memref<!tpu.dma_semaphore, #tpu.memory_space<semaphore_mem>>, %arg8: memref<!tpu.dma_semaphore, #tpu.memory_space<semaphore_mem>>, %arg9: memref<!tpu.dma_semaphore, #tpu.memory_space<semaphore_mem>>, %arg10: memref<!tpu.dma_semaphore, #tpu.memory_space<semaphore_mem>>) attributes {dimension_semantics = [#tpu.dimension_semantics<core_parallel>, #tpu.dimension_semantics<subcore_parallel>], iteration_bounds = array<i64: 2, 16>, scalar_prefetch = 0 : i64, scratch_operands = 6 : i64, tpu.core_type = #tpu.core_type<sc_vector_subcore>, window_params = [{transform_indices = #map}, {transform_indices = #map}, {transform_indices = #map}]} {
    %mul3A = arith.constant 2 : i32
    %mul3A_0 = arith.muli %arg1, %mul3A : i32
    %add3A = arith.addi %mul3A_0, %arg0 : i32
    %mul3A_1 = arith.constant 200 : i32
    %mul3A_2 = arith.muli %add3A, %mul3A_1 : i32
    "tpu.region"() ({
      %run_scoped3A = tpu.sem_alloc : memref<!tpu.dma_semaphore, #tpu.memory_space<semaphore_mem>>
      %dma_start3A_310 = arith.constant 0 : i32
      %dma_start3A_311 = tpu.memref_slice %arg3[%mul3A_2, %dma_start3A_310] : memref<6400x128xi32, #tpu.memory_space<hbm>> -> memref<200x128xi32, #tpu.memory_space<hbm>>
      %dma_start3A_312 = arith.constant 0 : i32
      %dma_start3A_313 = tpu.memref_slice %arg3[%mul3A_2, %dma_start3A_312] : memref<6400x128xi32, #tpu.memory_space<hbm>> -> memref<200x128xi32, #tpu.memory_space<hbm>>
      tpu.enqueue_dma source(%dma_start3A_313 : memref<200x128xi32, #tpu.memory_space<hbm>>) target(%arg5 : memref<200x128xi32, #tpu.memory_space<vmem>>) target_semaphore(%run_scoped3A : memref<!tpu.dma_semaphore, #tpu.memory_space<semaphore_mem>>)
      %dma_wait3A_314 = arith.constant 0 : i32
      %dma_wait3A_315 = tpu.memref_slice %arg3[%mul3A_2, %dma_wait3A_314] : memref<6400x128xi32, #tpu.memory_space<hbm>> -> memref<200x128xi32, #tpu.memory_space<hbm>>
      %dma_wait3A_316 = arith.constant 0 : i32
      %dma_wait3A_317 = tpu.memref_slice %arg3[%mul3A_2, %dma_wait3A_316] : memref<6400x128xi32, #tpu.memory_space<hbm>> -> memref<200x128xi32, #tpu.memory_space<hbm>>
      tpu.wait_dma2 semaphore(%run_scoped3A : memref<!tpu.dma_semaphore, #tpu.memory_space<semaphore_mem>>) src(%dma_wait3A_317 : memref<200x128xi32, #tpu.memory_space<hbm>>) dst(%arg5 : memref<200x128xi32, #tpu.memory_space<vmem>>)
      tpu.yield
    }) : () -> ()
    %dma_start3A = arith.constant 0 : i32
    %dma_start3A_3 = arith.constant 0 : i32
    %dma_start3A_4 = arith.constant 0 : i32
    %dma_start3A_5 = arith.constant 0 : i32
    %dma_start3A_6 = tpu.memref_slice %arg6[%dma_start3A_3, %dma_start3A_4, %dma_start3A_5] : memref<2x640x64xf32, #tpu.memory_space<vmem>> -> memref<1x128x64xf32, #tpu.memory_space<vmem>>
    %dma_start3A_7 = tpu.memref_squeeze %dma_start3A_6 : memref<1x128x64xf32, #tpu.memory_space<vmem>> -> memref<128x64xf32, #tpu.memory_space<vmem>>
    %dma_start3A_8 = arith.constant 0 : i32
    %dma_start3A_9 = tpu.memref_slice %arg5[%dma_start3A, %dma_start3A_8] : memref<200x128xi32, #tpu.memory_space<vmem>> -> memref<1x128xi32, #tpu.memory_space<vmem>>
    %dma_start3A_10 = tpu.memref_squeeze %dma_start3A_9 : memref<1x128xi32, #tpu.memory_space<vmem>> -> memref<128xi32, #tpu.memory_space<vmem>>
    %dma_start3A_11 = arith.constant 0 : i32
    %dma_start3A_12 = arith.constant 0 : i32
    %dma_start3A_13 = tpu.memref_slice %arg2[%dma_start3A_11, %dma_start3A_12] : memref<1000000x64xf32, #tpu.memory_space<hbm>> -> memref<1000000x64xf32, #tpu.memory_space<hbm>>
    tpu.enqueue_indirect_dma source(%dma_start3A_13 : memref<1000000x64xf32, #tpu.memory_space<hbm>>) target(%dma_start3A_7 : memref<128x64xf32, #tpu.memory_space<vmem>>) offsets(%dma_start3A_10 : memref<128xi32, #tpu.memory_space<vmem>>) semaphore(%arg7 : memref<!tpu.dma_semaphore, #tpu.memory_space<semaphore_mem>>)
    %dma_start3A_14 = arith.constant 1 : i32
    %dma_start3A_15 = arith.constant 0 : i32
    %dma_start3A_16 = arith.constant 128 : i32
    %dma_start3A_17 = arith.constant 0 : i32
    %dma_start3A_18 = tpu.memref_slice %arg6[%dma_start3A_15, %dma_start3A_16, %dma_start3A_17] : memref<2x640x64xf32, #tpu.memory_space<vmem>> -> memref<1x128x64xf32, #tpu.memory_space<vmem>>
    %dma_start3A_19 = tpu.memref_squeeze %dma_start3A_18 : memref<1x128x64xf32, #tpu.memory_space<vmem>> -> memref<128x64xf32, #tpu.memory_space<vmem>>
    %dma_start3A_20 = arith.constant 0 : i32
    %dma_start3A_21 = tpu.memref_slice %arg5[%dma_start3A_14, %dma_start3A_20] : memref<200x128xi32, #tpu.memory_space<vmem>> -> memref<1x128xi32, #tpu.memory_space<vmem>>
    %dma_start3A_22 = tpu.memref_squeeze %dma_start3A_21 : memref<1x128xi32, #tpu.memory_space<vmem>> -> memref<128xi32, #tpu.memory_space<vmem>>
    %dma_start3A_23 = arith.constant 0 : i32
    %dma_start3A_24 = arith.constant 0 : i32
    %dma_start3A_25 = tpu.memref_slice %arg2[%dma_start3A_23, %dma_start3A_24] : memref<1000000x64xf32, #tpu.memory_space<hbm>> -> memref<1000000x64xf32, #tpu.memory_space<hbm>>
    tpu.enqueue_indirect_dma source(%dma_start3A_25 : memref<1000000x64xf32, #tpu.memory_space<hbm>>) target(%dma_start3A_19 : memref<128x64xf32, #tpu.memory_space<vmem>>) offsets(%dma_start3A_22 : memref<128xi32, #tpu.memory_space<vmem>>) semaphore(%arg7 : memref<!tpu.dma_semaphore, #tpu.memory_space<semaphore_mem>>)
    %dma_start3A_26 = arith.constant 2 : i32
    %dma_start3A_27 = arith.constant 0 : i32
    %dma_start3A_28 = arith.constant 256 : i32
    %dma_start3A_29 = arith.constant 0 : i32
    %dma_start3A_30 = tpu.memref_slice %arg6[%dma_start3A_27, %dma_start3A_28, %dma_start3A_29] : memref<2x640x64xf32, #tpu.memory_space<vmem>> -> memref<1x128x64xf32, #tpu.memory_space<vmem>>
    %dma_start3A_31 = tpu.memref_squeeze %dma_start3A_30 : memref<1x128x64xf32, #tpu.memory_space<vmem>> -> memref<128x64xf32, #tpu.memory_space<vmem>>
    %dma_start3A_32 = arith.constant 0 : i32
    %dma_start3A_33 = tpu.memref_slice %arg5[%dma_start3A_26, %dma_start3A_32] : memref<200x128xi32, #tpu.memory_space<vmem>> -> memref<1x128xi32, #tpu.memory_space<vmem>>
    %dma_start3A_34 = tpu.memref_squeeze %dma_start3A_33 : memref<1x128xi32, #tpu.memory_space<vmem>> -> memref<128xi32, #tpu.memory_space<vmem>>
    %dma_start3A_35 = arith.constant 0 : i32
    %dma_start3A_36 = arith.constant 0 : i32
    %dma_start3A_37 = tpu.memref_slice %arg2[%dma_start3A_35, %dma_start3A_36] : memref<1000000x64xf32, #tpu.memory_space<hbm>> -> memref<1000000x64xf32, #tpu.memory_space<hbm>>
    tpu.enqueue_indirect_dma source(%dma_start3A_37 : memref<1000000x64xf32, #tpu.memory_space<hbm>>) target(%dma_start3A_31 : memref<128x64xf32, #tpu.memory_space<vmem>>) offsets(%dma_start3A_34 : memref<128xi32, #tpu.memory_space<vmem>>) semaphore(%arg7 : memref<!tpu.dma_semaphore, #tpu.memory_space<semaphore_mem>>)
    %dma_start3A_38 = arith.constant 3 : i32
    %dma_start3A_39 = arith.constant 0 : i32
    %dma_start3A_40 = arith.constant 384 : i32
    %dma_start3A_41 = arith.constant 0 : i32
    %dma_start3A_42 = tpu.memref_slice %arg6[%dma_start3A_39, %dma_start3A_40, %dma_start3A_41] : memref<2x640x64xf32, #tpu.memory_space<vmem>> -> memref<1x128x64xf32, #tpu.memory_space<vmem>>
    %dma_start3A_43 = tpu.memref_squeeze %dma_start3A_42 : memref<1x128x64xf32, #tpu.memory_space<vmem>> -> memref<128x64xf32, #tpu.memory_space<vmem>>
    %dma_start3A_44 = arith.constant 0 : i32
    %dma_start3A_45 = tpu.memref_slice %arg5[%dma_start3A_38, %dma_start3A_44] : memref<200x128xi32, #tpu.memory_space<vmem>> -> memref<1x128xi32, #tpu.memory_space<vmem>>
    %dma_start3A_46 = tpu.memref_squeeze %dma_start3A_45 : memref<1x128xi32, #tpu.memory_space<vmem>> -> memref<128xi32, #tpu.memory_space<vmem>>
    %dma_start3A_47 = arith.constant 0 : i32
    %dma_start3A_48 = arith.constant 0 : i32
    %dma_start3A_49 = tpu.memref_slice %arg2[%dma_start3A_47, %dma_start3A_48] : memref<1000000x64xf32, #tpu.memory_space<hbm>> -> memref<1000000x64xf32, #tpu.memory_space<hbm>>
    tpu.enqueue_indirect_dma source(%dma_start3A_49 : memref<1000000x64xf32, #tpu.memory_space<hbm>>) target(%dma_start3A_43 : memref<128x64xf32, #tpu.memory_space<vmem>>) offsets(%dma_start3A_46 : memref<128xi32, #tpu.memory_space<vmem>>) semaphore(%arg7 : memref<!tpu.dma_semaphore, #tpu.memory_space<semaphore_mem>>)
    %dma_start3A_50 = arith.constant 4 : i32
    %dma_start3A_51 = arith.constant 0 : i32
    %dma_start3A_52 = arith.constant 512 : i32
    %dma_start3A_53 = arith.constant 0 : i32
    %dma_start3A_54 = tpu.memref_slice %arg6[%dma_start3A_51, %dma_start3A_52, %dma_start3A_53] : memref<2x640x64xf32, #tpu.memory_space<vmem>> -> memref<1x128x64xf32, #tpu.memory_space<vmem>>
    %dma_start3A_55 = tpu.memref_squeeze %dma_start3A_54 : memref<1x128x64xf32, #tpu.memory_space<vmem>> -> memref<128x64xf32, #tpu.memory_space<vmem>>
    %dma_start3A_56 = arith.constant 0 : i32
    %dma_start3A_57 = tpu.memref_slice %arg5[%dma_start3A_50, %dma_start3A_56] : memref<200x128xi32, #tpu.memory_space<vmem>> -> memref<1x128xi32, #tpu.memory_space<vmem>>
    %dma_start3A_58 = tpu.memref_squeeze %dma_start3A_57 : memref<1x128xi32, #tpu.memory_space<vmem>> -> memref<128xi32, #tpu.memory_space<vmem>>
    %dma_start3A_59 = arith.constant 0 : i32
    %dma_start3A_60 = arith.constant 0 : i32
    %dma_start3A_61 = tpu.memref_slice %arg2[%dma_start3A_59, %dma_start3A_60] : memref<1000000x64xf32, #tpu.memory_space<hbm>> -> memref<1000000x64xf32, #tpu.memory_space<hbm>>
    tpu.enqueue_indirect_dma source(%dma_start3A_61 : memref<1000000x64xf32, #tpu.memory_space<hbm>>) target(%dma_start3A_55 : memref<128x64xf32, #tpu.memory_space<vmem>>) offsets(%dma_start3A_58 : memref<128xi32, #tpu.memory_space<vmem>>) semaphore(%arg7 : memref<!tpu.dma_semaphore, #tpu.memory_space<semaphore_mem>>)
    %dma_start3A_62 = arith.constant 5 : i32
    %dma_start3A_63 = arith.constant 1 : i32
    %dma_start3A_64 = arith.constant 0 : i32
    %dma_start3A_65 = arith.constant 0 : i32
    %dma_start3A_66 = tpu.memref_slice %arg6[%dma_start3A_63, %dma_start3A_64, %dma_start3A_65] : memref<2x640x64xf32, #tpu.memory_space<vmem>> -> memref<1x128x64xf32, #tpu.memory_space<vmem>>
    %dma_start3A_67 = tpu.memref_squeeze %dma_start3A_66 : memref<1x128x64xf32, #tpu.memory_space<vmem>> -> memref<128x64xf32, #tpu.memory_space<vmem>>
    %dma_start3A_68 = arith.constant 0 : i32
    %dma_start3A_69 = tpu.memref_slice %arg5[%dma_start3A_62, %dma_start3A_68] : memref<200x128xi32, #tpu.memory_space<vmem>> -> memref<1x128xi32, #tpu.memory_space<vmem>>
    %dma_start3A_70 = tpu.memref_squeeze %dma_start3A_69 : memref<1x128xi32, #tpu.memory_space<vmem>> -> memref<128xi32, #tpu.memory_space<vmem>>
    %dma_start3A_71 = arith.constant 0 : i32
    %dma_start3A_72 = arith.constant 0 : i32
    %dma_start3A_73 = tpu.memref_slice %arg2[%dma_start3A_71, %dma_start3A_72] : memref<1000000x64xf32, #tpu.memory_space<hbm>> -> memref<1000000x64xf32, #tpu.memory_space<hbm>>
    tpu.enqueue_indirect_dma source(%dma_start3A_73 : memref<1000000x64xf32, #tpu.memory_space<hbm>>) target(%dma_start3A_67 : memref<128x64xf32, #tpu.memory_space<vmem>>) offsets(%dma_start3A_70 : memref<128xi32, #tpu.memory_space<vmem>>) semaphore(%arg8 : memref<!tpu.dma_semaphore, #tpu.memory_space<semaphore_mem>>)
    %dma_start3A_74 = arith.constant 6 : i32
    %dma_start3A_75 = arith.constant 1 : i32
    %dma_start3A_76 = arith.constant 128 : i32
    %dma_start3A_77 = arith.constant 0 : i32
    %dma_start3A_78 = tpu.memref_slice %arg6[%dma_start3A_75, %dma_start3A_76, %dma_start3A_77] : memref<2x640x64xf32, #tpu.memory_space<vmem>> -> memref<1x128x64xf32, #tpu.memory_space<vmem>>
    %dma_start3A_79 = tpu.memref_squeeze %dma_start3A_78 : memref<1x128x64xf32, #tpu.memory_space<vmem>> -> memref<128x64xf32, #tpu.memory_space<vmem>>
    %dma_start3A_80 = arith.constant 0 : i32
    %dma_start3A_81 = tpu.memref_slice %arg5[%dma_start3A_74, %dma_start3A_80] : memref<200x128xi32, #tpu.memory_space<vmem>> -> memref<1x128xi32, #tpu.memory_space<vmem>>
    %dma_start3A_82 = tpu.memref_squeeze %dma_start3A_81 : memref<1x128xi32, #tpu.memory_space<vmem>> -> memref<128xi32, #tpu.memory_space<vmem>>
    %dma_start3A_83 = arith.constant 0 : i32
    %dma_start3A_84 = arith.constant 0 : i32
    %dma_start3A_85 = tpu.memref_slice %arg2[%dma_start3A_83, %dma_start3A_84] : memref<1000000x64xf32, #tpu.memory_space<hbm>> -> memref<1000000x64xf32, #tpu.memory_space<hbm>>
    tpu.enqueue_indirect_dma source(%dma_start3A_85 : memref<1000000x64xf32, #tpu.memory_space<hbm>>) target(%dma_start3A_79 : memref<128x64xf32, #tpu.memory_space<vmem>>) offsets(%dma_start3A_82 : memref<128xi32, #tpu.memory_space<vmem>>) semaphore(%arg8 : memref<!tpu.dma_semaphore, #tpu.memory_space<semaphore_mem>>)
    %dma_start3A_86 = arith.constant 7 : i32
    %dma_start3A_87 = arith.constant 1 : i32
    %dma_start3A_88 = arith.constant 256 : i32
    %dma_start3A_89 = arith.constant 0 : i32
    %dma_start3A_90 = tpu.memref_slice %arg6[%dma_start3A_87, %dma_start3A_88, %dma_start3A_89] : memref<2x640x64xf32, #tpu.memory_space<vmem>> -> memref<1x128x64xf32, #tpu.memory_space<vmem>>
    %dma_start3A_91 = tpu.memref_squeeze %dma_start3A_90 : memref<1x128x64xf32, #tpu.memory_space<vmem>> -> memref<128x64xf32, #tpu.memory_space<vmem>>
    %dma_start3A_92 = arith.constant 0 : i32
    %dma_start3A_93 = tpu.memref_slice %arg5[%dma_start3A_86, %dma_start3A_92] : memref<200x128xi32, #tpu.memory_space<vmem>> -> memref<1x128xi32, #tpu.memory_space<vmem>>
    %dma_start3A_94 = tpu.memref_squeeze %dma_start3A_93 : memref<1x128xi32, #tpu.memory_space<vmem>> -> memref<128xi32, #tpu.memory_space<vmem>>
    %dma_start3A_95 = arith.constant 0 : i32
    %dma_start3A_96 = arith.constant 0 : i32
    %dma_start3A_97 = tpu.memref_slice %arg2[%dma_start3A_95, %dma_start3A_96] : memref<1000000x64xf32, #tpu.memory_space<hbm>> -> memref<1000000x64xf32, #tpu.memory_space<hbm>>
    tpu.enqueue_indirect_dma source(%dma_start3A_97 : memref<1000000x64xf32, #tpu.memory_space<hbm>>) target(%dma_start3A_91 : memref<128x64xf32, #tpu.memory_space<vmem>>) offsets(%dma_start3A_94 : memref<128xi32, #tpu.memory_space<vmem>>) semaphore(%arg8 : memref<!tpu.dma_semaphore, #tpu.memory_space<semaphore_mem>>)
    %dma_start3A_98 = arith.constant 8 : i32
    %dma_start3A_99 = arith.constant 1 : i32
    %dma_start3A_100 = arith.constant 384 : i32
    %dma_start3A_101 = arith.constant 0 : i32
    %dma_start3A_102 = tpu.memref_slice %arg6[%dma_start3A_99, %dma_start3A_100, %dma_start3A_101] : memref<2x640x64xf32, #tpu.memory_space<vmem>> -> memref<1x128x64xf32, #tpu.memory_space<vmem>>
    %dma_start3A_103 = tpu.memref_squeeze %dma_start3A_102 : memref<1x128x64xf32, #tpu.memory_space<vmem>> -> memref<128x64xf32, #tpu.memory_space<vmem>>
    %dma_start3A_104 = arith.constant 0 : i32
    %dma_start3A_105 = tpu.memref_slice %arg5[%dma_start3A_98, %dma_start3A_104] : memref<200x128xi32, #tpu.memory_space<vmem>> -> memref<1x128xi32, #tpu.memory_space<vmem>>
    %dma_start3A_106 = tpu.memref_squeeze %dma_start3A_105 : memref<1x128xi32, #tpu.memory_space<vmem>> -> memref<128xi32, #tpu.memory_space<vmem>>
    %dma_start3A_107 = arith.constant 0 : i32
    %dma_start3A_108 = arith.constant 0 : i32
    %dma_start3A_109 = tpu.memref_slice %arg2[%dma_start3A_107, %dma_start3A_108] : memref<1000000x64xf32, #tpu.memory_space<hbm>> -> memref<1000000x64xf32, #tpu.memory_space<hbm>>
    tpu.enqueue_indirect_dma source(%dma_start3A_109 : memref<1000000x64xf32, #tpu.memory_space<hbm>>) target(%dma_start3A_103 : memref<128x64xf32, #tpu.memory_space<vmem>>) offsets(%dma_start3A_106 : memref<128xi32, #tpu.memory_space<vmem>>) semaphore(%arg8 : memref<!tpu.dma_semaphore, #tpu.memory_space<semaphore_mem>>)
    %dma_start3A_110 = arith.constant 9 : i32
    %dma_start3A_111 = arith.constant 1 : i32
    %dma_start3A_112 = arith.constant 512 : i32
    %dma_start3A_113 = arith.constant 0 : i32
    %dma_start3A_114 = tpu.memref_slice %arg6[%dma_start3A_111, %dma_start3A_112, %dma_start3A_113] : memref<2x640x64xf32, #tpu.memory_space<vmem>> -> memref<1x128x64xf32, #tpu.memory_space<vmem>>
    %dma_start3A_115 = tpu.memref_squeeze %dma_start3A_114 : memref<1x128x64xf32, #tpu.memory_space<vmem>> -> memref<128x64xf32, #tpu.memory_space<vmem>>
    %dma_start3A_116 = arith.constant 0 : i32
    %dma_start3A_117 = tpu.memref_slice %arg5[%dma_start3A_110, %dma_start3A_116] : memref<200x128xi32, #tpu.memory_space<vmem>> -> memref<1x128xi32, #tpu.memory_space<vmem>>
    %dma_start3A_118 = tpu.memref_squeeze %dma_start3A_117 : memref<1x128xi32, #tpu.memory_space<vmem>> -> memref<128xi32, #tpu.memory_space<vmem>>
    %dma_start3A_119 = arith.constant 0 : i32
    %dma_start3A_120 = arith.constant 0 : i32
    %dma_start3A_121 = tpu.memref_slice %arg2[%dma_start3A_119, %dma_start3A_120] : memref<1000000x64xf32, #tpu.memory_space<hbm>> -> memref<1000000x64xf32, #tpu.memory_space<hbm>>
    tpu.enqueue_indirect_dma source(%dma_start3A_121 : memref<1000000x64xf32, #tpu.memory_space<hbm>>) target(%dma_start3A_115 : memref<128x64xf32, #tpu.memory_space<vmem>>) offsets(%dma_start3A_118 : memref<128xi32, #tpu.memory_space<vmem>>) semaphore(%arg8 : memref<!tpu.dma_semaphore, #tpu.memory_space<semaphore_mem>>)
    %scan3A = arith.constant 0 : i32
    %scan3A_122 = arith.constant 0 : i32
    %scan3A_123 = arith.constant 19 : i32
    %scan3A_124 = arith.addi %scan3A_122, %scan3A_123 : i32
    %scan3A_125 = arith.constant 1 : i32
    scf.for %scan3A_310 = %scan3A_122 to %scan3A_124 step %scan3A_125  : i32 {
      %mul3A_311 = arith.constant 2 : i32
      %mul3A_312 = arith.muli %mul3A_311, %scan3A_310 : i32
      %dma_wait3A_313 = arith.constant 0 : i32
      %dma_wait3A_314 = arith.constant 0 : i32
      %dma_wait3A_315 = arith.constant 0 : i32
      %dma_wait3A_316 = arith.constant 0 : i32
      %dma_wait3A_317 = tpu.memref_slice %arg6[%dma_wait3A_314, %dma_wait3A_315, %dma_wait3A_316] : memref<2x640x64xf32, #tpu.memory_space<vmem>> -> memref<1x128x64xf32, #tpu.memory_space<vmem>>
      %dma_wait3A_318 = tpu.memref_squeeze %dma_wait3A_317 : memref<1x128x64xf32, #tpu.memory_space<vmem>> -> memref<128x64xf32, #tpu.memory_space<vmem>>
      %dma_wait3A_319 = arith.constant 0 : i32
      %dma_wait3A_320 = tpu.memref_slice %arg5[%dma_wait3A_313, %dma_wait3A_319] : memref<200x128xi32, #tpu.memory_space<vmem>> -> memref<1x128xi32, #tpu.memory_space<vmem>>
      %dma_wait3A_321 = tpu.memref_squeeze %dma_wait3A_320 : memref<1x128xi32, #tpu.memory_space<vmem>> -> memref<128xi32, #tpu.memory_space<vmem>>
      %dma_wait3A_322 = arith.constant 0 : i32
      %dma_wait3A_323 = arith.constant 0 : i32
      %dma_wait3A_324 = tpu.memref_slice %arg2[%dma_wait3A_322, %dma_wait3A_323] : memref<1000000x64xf32, #tpu.memory_space<hbm>> -> memref<1000000x64xf32, #tpu.memory_space<hbm>>
      tpu.wait_indirect_dma semaphore(%arg7 : memref<!tpu.dma_semaphore, #tpu.memory_space<semaphore_mem>>) src(%dma_wait3A_324 : memref<1000000x64xf32, #tpu.memory_space<hbm>>) dst(%dma_wait3A_318 : memref<128x64xf32, #tpu.memory_space<vmem>>)
      %dma_wait3A_325 = arith.constant 0 : i32
      %dma_wait3A_326 = arith.constant 0 : i32
      %dma_wait3A_327 = arith.constant 0 : i32
      %dma_wait3A_328 = arith.constant 0 : i32
      %dma_wait3A_329 = tpu.memref_slice %arg6[%dma_wait3A_326, %dma_wait3A_327, %dma_wait3A_328] : memref<2x640x64xf32, #tpu.memory_space<vmem>> -> memref<1x128x64xf32, #tpu.memory_space<vmem>>
      %dma_wait3A_330 = tpu.memref_squeeze %dma_wait3A_329 : memref<1x128x64xf32, #tpu.memory_space<vmem>> -> memref<128x64xf32, #tpu.memory_space<vmem>>
      %dma_wait3A_331 = arith.constant 0 : i32
      %dma_wait3A_332 = tpu.memref_slice %arg5[%dma_wait3A_325, %dma_wait3A_331] : memref<200x128xi32, #tpu.memory_space<vmem>> -> memref<1x128xi32, #tpu.memory_space<vmem>>
      %dma_wait3A_333 = tpu.memref_squeeze %dma_wait3A_332 : memref<1x128xi32, #tpu.memory_space<vmem>> -> memref<128xi32, #tpu.memory_space<vmem>>
      %dma_wait3A_334 = arith.constant 0 : i32
      %dma_wait3A_335 = arith.constant 0 : i32
      %dma_wait3A_336 = tpu.memref_slice %arg2[%dma_wait3A_334, %dma_wait3A_335] : memref<1000000x64xf32, #tpu.memory_space<hbm>> -> memref<1000000x64xf32, #tpu.memory_space<hbm>>
      tpu.wait_indirect_dma semaphore(%arg7 : memref<!tpu.dma_semaphore, #tpu.memory_space<semaphore_mem>>) src(%dma_wait3A_336 : memref<1000000x64xf32, #tpu.memory_space<hbm>>) dst(%dma_wait3A_330 : memref<128x64xf32, #tpu.memory_space<vmem>>)
      %dma_wait3A_337 = arith.constant 0 : i32
      %dma_wait3A_338 = arith.constant 0 : i32
      %dma_wait3A_339 = arith.constant 0 : i32
      %dma_wait3A_340 = arith.constant 0 : i32
      %dma_wait3A_341 = tpu.memref_slice %arg6[%dma_wait3A_338, %dma_wait3A_339, %dma_wait3A_340] : memref<2x640x64xf32, #tpu.memory_space<vmem>> -> memref<1x128x64xf32, #tpu.memory_space<vmem>>
      %dma_wait3A_342 = tpu.memref_squeeze %dma_wait3A_341 : memref<1x128x64xf32, #tpu.memory_space<vmem>> -> memref<128x64xf32, #tpu.memory_space<vmem>>
      %dma_wait3A_343 = arith.constant 0 : i32
      %dma_wait3A_344 = tpu.memref_slice %arg5[%dma_wait3A_337, %dma_wait3A_343] : memref<200x128xi32, #tpu.memory_space<vmem>> -> memref<1x128xi32, #tpu.memory_space<vmem>>
      %dma_wait3A_345 = tpu.memref_squeeze %dma_wait3A_344 : memref<1x128xi32, #tpu.memory_space<vmem>> -> memref<128xi32, #tpu.memory_space<vmem>>
      %dma_wait3A_346 = arith.constant 0 : i32
      %dma_wait3A_347 = arith.constant 0 : i32
      %dma_wait3A_348 = tpu.memref_slice %arg2[%dma_wait3A_346, %dma_wait3A_347] : memref<1000000x64xf32, #tpu.memory_space<hbm>> -> memref<1000000x64xf32, #tpu.memory_space<hbm>>
      tpu.wait_indirect_dma semaphore(%arg7 : memref<!tpu.dma_semaphore, #tpu.memory_space<semaphore_mem>>) src(%dma_wait3A_348 : memref<1000000x64xf32, #tpu.memory_space<hbm>>) dst(%dma_wait3A_342 : memref<128x64xf32, #tpu.memory_space<vmem>>)
      %dma_wait3A_349 = arith.constant 0 : i32
      %dma_wait3A_350 = arith.constant 0 : i32
      %dma_wait3A_351 = arith.constant 0 : i32
      %dma_wait3A_352 = arith.constant 0 : i32
      %dma_wait3A_353 = tpu.memref_slice %arg6[%dma_wait3A_350, %dma_wait3A_351, %dma_wait3A_352] : memref<2x640x64xf32, #tpu.memory_space<vmem>> -> memref<1x128x64xf32, #tpu.memory_space<vmem>>
      %dma_wait3A_354 = tpu.memref_squeeze %dma_wait3A_353 : memref<1x128x64xf32, #tpu.memory_space<vmem>> -> memref<128x64xf32, #tpu.memory_space<vmem>>
      %dma_wait3A_355 = arith.constant 0 : i32
      %dma_wait3A_356 = tpu.memref_slice %arg5[%dma_wait3A_349, %dma_wait3A_355] : memref<200x128xi32, #tpu.memory_space<vmem>> -> memref<1x128xi32, #tpu.memory_space<vmem>>
      %dma_wait3A_357 = tpu.memref_squeeze %dma_wait3A_356 : memref<1x128xi32, #tpu.memory_space<vmem>> -> memref<128xi32, #tpu.memory_space<vmem>>
      %dma_wait3A_358 = arith.constant 0 : i32
      %dma_wait3A_359 = arith.constant 0 : i32
      %dma_wait3A_360 = tpu.memref_slice %arg2[%dma_wait3A_358, %dma_wait3A_359] : memref<1000000x64xf32, #tpu.memory_space<hbm>> -> memref<1000000x64xf32, #tpu.memory_space<hbm>>
      tpu.wait_indirect_dma semaphore(%arg7 : memref<!tpu.dma_semaphore, #tpu.memory_space<semaphore_mem>>) src(%dma_wait3A_360 : memref<1000000x64xf32, #tpu.memory_space<hbm>>) dst(%dma_wait3A_354 : memref<128x64xf32, #tpu.memory_space<vmem>>)
      %dma_wait3A_361 = arith.constant 0 : i32
      %dma_wait3A_362 = arith.constant 0 : i32
      %dma_wait3A_363 = arith.constant 0 : i32
      %dma_wait3A_364 = arith.constant 0 : i32
      %dma_wait3A_365 = tpu.memref_slice %arg6[%dma_wait3A_362, %dma_wait3A_363, %dma_wait3A_364] : memref<2x640x64xf32, #tpu.memory_space<vmem>> -> memref<1x128x64xf32, #tpu.memory_space<vmem>>
      %dma_wait3A_366 = tpu.memref_squeeze %dma_wait3A_365 : memref<1x128x64xf32, #tpu.memory_space<vmem>> -> memref<128x64xf32, #tpu.memory_space<vmem>>
      %dma_wait3A_367 = arith.constant 0 : i32
      %dma_wait3A_368 = tpu.memref_slice %arg5[%dma_wait3A_361, %dma_wait3A_367] : memref<200x128xi32, #tpu.memory_space<vmem>> -> memref<1x128xi32, #tpu.memory_space<vmem>>
      %dma_wait3A_369 = tpu.memref_squeeze %dma_wait3A_368 : memref<1x128xi32, #tpu.memory_space<vmem>> -> memref<128xi32, #tpu.memory_space<vmem>>
      %dma_wait3A_370 = arith.constant 0 : i32
      %dma_wait3A_371 = arith.constant 0 : i32
      %dma_wait3A_372 = tpu.memref_slice %arg2[%dma_wait3A_370, %dma_wait3A_371] : memref<1000000x64xf32, #tpu.memory_space<hbm>> -> memref<1000000x64xf32, #tpu.memory_space<hbm>>
      tpu.wait_indirect_dma semaphore(%arg7 : memref<!tpu.dma_semaphore, #tpu.memory_space<semaphore_mem>>) src(%dma_wait3A_372 : memref<1000000x64xf32, #tpu.memory_space<hbm>>) dst(%dma_wait3A_366 : memref<128x64xf32, #tpu.memory_space<vmem>>)
      %add3A_373 = arith.constant 0 : i32
      %add3A_374 = arith.addi %mul3A_312, %add3A_373 : i32
      %mul3A_375 = arith.constant 5 : i32
      %mul3A_376 = arith.muli %add3A_374, %mul3A_375 : i32
      %add3A_377 = arith.addi %mul3A_2, %mul3A_376 : i32
      %mul3A_378 = arith.constant 128 : i32
      %mul3A_379 = arith.muli %add3A_377, %mul3A_378 : i32
      %dma_start3A_380 = arith.constant 0 : i32
      %dma_start3A_381 = arith.constant 0 : i32
      %dma_start3A_382 = arith.constant 0 : i32
      %dma_start3A_383 = tpu.memref_slice %arg6[%dma_start3A_380, %dma_start3A_381, %dma_start3A_382] : memref<2x640x64xf32, #tpu.memory_space<vmem>> -> memref<1x640x64xf32, #tpu.memory_space<vmem>>
      %dma_start3A_384 = tpu.memref_squeeze %dma_start3A_383 : memref<1x640x64xf32, #tpu.memory_space<vmem>> -> memref<640x64xf32, #tpu.memory_space<vmem>>
      %dma_start3A_385 = arith.constant 0 : i32
      %dma_start3A_386 = tpu.memref_slice %arg4[%mul3A_379, %dma_start3A_385] : memref<819200x128xf32, #tpu.memory_space<hbm>> -> memref<640x64xf32, #tpu.memory_space<hbm>>
      %dma_start3A_387 = arith.constant 0 : i32
      %dma_start3A_388 = tpu.memref_slice %arg4[%mul3A_379, %dma_start3A_387] : memref<819200x128xf32, #tpu.memory_space<hbm>> -> memref<640x64xf32, #tpu.memory_space<hbm>>
      %dma_start3A_389 = arith.constant 0 : i32
      %dma_start3A_390 = arith.constant 0 : i32
      %dma_start3A_391 = tpu.memref_slice %arg6[%dma_start3A_380, %dma_start3A_389, %dma_start3A_390] : memref<2x640x64xf32, #tpu.memory_space<vmem>> -> memref<1x640x64xf32, #tpu.memory_space<vmem>>
      %dma_start3A_392 = tpu.memref_squeeze %dma_start3A_391 : memref<1x640x64xf32, #tpu.memory_space<vmem>> -> memref<640x64xf32, #tpu.memory_space<vmem>>
      tpu.enqueue_dma source(%dma_start3A_392 : memref<640x64xf32, #tpu.memory_space<vmem>>) target(%dma_start3A_388 : memref<640x64xf32, #tpu.memory_space<hbm>>) target_semaphore(%arg9 : memref<!tpu.dma_semaphore, #tpu.memory_space<semaphore_mem>>)
      %dma_wait3A_393 = arith.constant 0 : i32
      %dma_wait3A_394 = arith.constant 1 : i32
      %dma_wait3A_395 = arith.constant 0 : i32
      %dma_wait3A_396 = arith.constant 0 : i32
      %dma_wait3A_397 = tpu.memref_slice %arg6[%dma_wait3A_394, %dma_wait3A_395, %dma_wait3A_396] : memref<2x640x64xf32, #tpu.memory_space<vmem>> -> memref<1x128x64xf32, #tpu.memory_space<vmem>>
      %dma_wait3A_398 = tpu.memref_squeeze %dma_wait3A_397 : memref<1x128x64xf32, #tpu.memory_space<vmem>> -> memref<128x64xf32, #tpu.memory_space<vmem>>
      %dma_wait3A_399 = arith.constant 0 : i32
      %dma_wait3A_400 = tpu.memref_slice %arg5[%dma_wait3A_393, %dma_wait3A_399] : memref<200x128xi32, #tpu.memory_space<vmem>> -> memref<1x128xi32, #tpu.memory_space<vmem>>
      %dma_wait3A_401 = tpu.memref_squeeze %dma_wait3A_400 : memref<1x128xi32, #tpu.memory_space<vmem>> -> memref<128xi32, #tpu.memory_space<vmem>>
      %dma_wait3A_402 = arith.constant 0 : i32
      %dma_wait3A_403 = arith.constant 0 : i32
      %dma_wait3A_404 = tpu.memref_slice %arg2[%dma_wait3A_402, %dma_wait3A_403] : memref<1000000x64xf32, #tpu.memory_space<hbm>> -> memref<1000000x64xf32, #tpu.memory_space<hbm>>
      tpu.wait_indirect_dma semaphore(%arg8 : memref<!tpu.dma_semaphore, #tpu.memory_space<semaphore_mem>>) src(%dma_wait3A_404 : memref<1000000x64xf32, #tpu.memory_space<hbm>>) dst(%dma_wait3A_398 : memref<128x64xf32, #tpu.memory_space<vmem>>)
      %dma_wait3A_405 = arith.constant 0 : i32
      %dma_wait3A_406 = arith.constant 1 : i32
      %dma_wait3A_407 = arith.constant 0 : i32
      %dma_wait3A_408 = arith.constant 0 : i32
      %dma_wait3A_409 = tpu.memref_slice %arg6[%dma_wait3A_406, %dma_wait3A_407, %dma_wait3A_408] : memref<2x640x64xf32, #tpu.memory_space<vmem>> -> memref<1x128x64xf32, #tpu.memory_space<vmem>>
      %dma_wait3A_410 = tpu.memref_squeeze %dma_wait3A_409 : memref<1x128x64xf32, #tpu.memory_space<vmem>> -> memref<128x64xf32, #tpu.memory_space<vmem>>
      %dma_wait3A_411 = arith.constant 0 : i32
      %dma_wait3A_412 = tpu.memref_slice %arg5[%dma_wait3A_405, %dma_wait3A_411] : memref<200x128xi32, #tpu.memory_space<vmem>> -> memref<1x128xi32, #tpu.memory_space<vmem>>
      %dma_wait3A_413 = tpu.memref_squeeze %dma_wait3A_412 : memref<1x128xi32, #tpu.memory_space<vmem>> -> memref<128xi32, #tpu.memory_space<vmem>>
      %dma_wait3A_414 = arith.constant 0 : i32
      %dma_wait3A_415 = arith.constant 0 : i32
      %dma_wait3A_416 = tpu.memref_slice %arg2[%dma_wait3A_414, %dma_wait3A_415] : memref<1000000x64xf32, #tpu.memory_space<hbm>> -> memref<1000000x64xf32, #tpu.memory_space<hbm>>
      tpu.wait_indirect_dma semaphore(%arg8 : memref<!tpu.dma_semaphore, #tpu.memory_space<semaphore_mem>>) src(%dma_wait3A_416 : memref<1000000x64xf32, #tpu.memory_space<hbm>>) dst(%dma_wait3A_410 : memref<128x64xf32, #tpu.memory_space<vmem>>)
      %dma_wait3A_417 = arith.constant 0 : i32
      %dma_wait3A_418 = arith.constant 1 : i32
      %dma_wait3A_419 = arith.constant 0 : i32
      %dma_wait3A_420 = arith.constant 0 : i32
      %dma_wait3A_421 = tpu.memref_slice %arg6[%dma_wait3A_418, %dma_wait3A_419, %dma_wait3A_420] : memref<2x640x64xf32, #tpu.memory_space<vmem>> -> memref<1x128x64xf32, #tpu.memory_space<vmem>>
      %dma_wait3A_422 = tpu.memref_squeeze %dma_wait3A_421 : memref<1x128x64xf32, #tpu.memory_space<vmem>> -> memref<128x64xf32, #tpu.memory_space<vmem>>
      %dma_wait3A_423 = arith.constant 0 : i32
      %dma_wait3A_424 = tpu.memref_slice %arg5[%dma_wait3A_417, %dma_wait3A_423] : memref<200x128xi32, #tpu.memory_space<vmem>> -> memref<1x128xi32, #tpu.memory_space<vmem>>
      %dma_wait3A_425 = tpu.memref_squeeze %dma_wait3A_424 : memref<1x128xi32, #tpu.memory_space<vmem>> -> memref<128xi32, #tpu.memory_space<vmem>>
      %dma_wait3A_426 = arith.constant 0 : i32
      %dma_wait3A_427 = arith.constant 0 : i32
      %dma_wait3A_428 = tpu.memref_slice %arg2[%dma_wait3A_426, %dma_wait3A_427] : memref<1000000x64xf32, #tpu.memory_space<hbm>> -> memref<1000000x64xf32, #tpu.memory_space<hbm>>
      tpu.wait_indirect_dma semaphore(%arg8 : memref<!tpu.dma_semaphore, #tpu.memory_space<semaphore_mem>>) src(%dma_wait3A_428 : memref<1000000x64xf32, #tpu.memory_space<hbm>>) dst(%dma_wait3A_422 : memref<128x64xf32, #tpu.memory_space<vmem>>)
      %dma_wait3A_429 = arith.constant 0 : i32
      %dma_wait3A_430 = arith.constant 1 : i32
      %dma_wait3A_431 = arith.constant 0 : i32
      %dma_wait3A_432 = arith.constant 0 : i32
      %dma_wait3A_433 = tpu.memref_slice %arg6[%dma_wait3A_430, %dma_wait3A_431, %dma_wait3A_432] : memref<2x640x64xf32, #tpu.memory_space<vmem>> -> memref<1x128x64xf32, #tpu.memory_space<vmem>>
      %dma_wait3A_434 = tpu.memref_squeeze %dma_wait3A_433 : memref<1x128x64xf32, #tpu.memory_space<vmem>> -> memref<128x64xf32, #tpu.memory_space<vmem>>
      %dma_wait3A_435 = arith.constant 0 : i32
      %dma_wait3A_436 = tpu.memref_slice %arg5[%dma_wait3A_429, %dma_wait3A_435] : memref<200x128xi32, #tpu.memory_space<vmem>> -> memref<1x128xi32, #tpu.memory_space<vmem>>
      %dma_wait3A_437 = tpu.memref_squeeze %dma_wait3A_436 : memref<1x128xi32, #tpu.memory_space<vmem>> -> memref<128xi32, #tpu.memory_space<vmem>>
      %dma_wait3A_438 = arith.constant 0 : i32
      %dma_wait3A_439 = arith.constant 0 : i32
      %dma_wait3A_440 = tpu.memref_slice %arg2[%dma_wait3A_438, %dma_wait3A_439] : memref<1000000x64xf32, #tpu.memory_space<hbm>> -> memref<1000000x64xf32, #tpu.memory_space<hbm>>
      tpu.wait_indirect_dma semaphore(%arg8 : memref<!tpu.dma_semaphore, #tpu.memory_space<semaphore_mem>>) src(%dma_wait3A_440 : memref<1000000x64xf32, #tpu.memory_space<hbm>>) dst(%dma_wait3A_434 : memref<128x64xf32, #tpu.memory_space<vmem>>)
      %dma_wait3A_441 = arith.constant 0 : i32
      %dma_wait3A_442 = arith.constant 1 : i32
      %dma_wait3A_443 = arith.constant 0 : i32
      %dma_wait3A_444 = arith.constant 0 : i32
      %dma_wait3A_445 = tpu.memref_slice %arg6[%dma_wait3A_442, %dma_wait3A_443, %dma_wait3A_444] : memref<2x640x64xf32, #tpu.memory_space<vmem>> -> memref<1x128x64xf32, #tpu.memory_space<vmem>>
      %dma_wait3A_446 = tpu.memref_squeeze %dma_wait3A_445 : memref<1x128x64xf32, #tpu.memory_space<vmem>> -> memref<128x64xf32, #tpu.memory_space<vmem>>
      %dma_wait3A_447 = arith.constant 0 : i32
      %dma_wait3A_448 = tpu.memref_slice %arg5[%dma_wait3A_441, %dma_wait3A_447] : memref<200x128xi32, #tpu.memory_space<vmem>> -> memref<1x128xi32, #tpu.memory_space<vmem>>
      %dma_wait3A_449 = tpu.memref_squeeze %dma_wait3A_448 : memref<1x128xi32, #tpu.memory_space<vmem>> -> memref<128xi32, #tpu.memory_space<vmem>>
      %dma_wait3A_450 = arith.constant 0 : i32
      %dma_wait3A_451 = arith.constant 0 : i32
      %dma_wait3A_452 = tpu.memref_slice %arg2[%dma_wait3A_450, %dma_wait3A_451] : memref<1000000x64xf32, #tpu.memory_space<hbm>> -> memref<1000000x64xf32, #tpu.memory_space<hbm>>
      tpu.wait_indirect_dma semaphore(%arg8 : memref<!tpu.dma_semaphore, #tpu.memory_space<semaphore_mem>>) src(%dma_wait3A_452 : memref<1000000x64xf32, #tpu.memory_space<hbm>>) dst(%dma_wait3A_446 : memref<128x64xf32, #tpu.memory_space<vmem>>)
      %add3A_453 = arith.constant 1 : i32
      %add3A_454 = arith.addi %mul3A_312, %add3A_453 : i32
      %mul3A_455 = arith.constant 5 : i32
      %mul3A_456 = arith.muli %add3A_454, %mul3A_455 : i32
      %add3A_457 = arith.addi %mul3A_2, %mul3A_456 : i32
      %mul3A_458 = arith.constant 128 : i32
      %mul3A_459 = arith.muli %add3A_457, %mul3A_458 : i32
      %dma_start3A_460 = arith.constant 1 : i32
      %dma_start3A_461 = arith.constant 0 : i32
      %dma_start3A_462 = arith.constant 0 : i32
      %dma_start3A_463 = tpu.memref_slice %arg6[%dma_start3A_460, %dma_start3A_461, %dma_start3A_462] : memref<2x640x64xf32, #tpu.memory_space<vmem>> -> memref<1x640x64xf32, #tpu.memory_space<vmem>>
      %dma_start3A_464 = tpu.memref_squeeze %dma_start3A_463 : memref<1x640x64xf32, #tpu.memory_space<vmem>> -> memref<640x64xf32, #tpu.memory_space<vmem>>
      %dma_start3A_465 = arith.constant 0 : i32
      %dma_start3A_466 = tpu.memref_slice %arg4[%mul3A_459, %dma_start3A_465] : memref<819200x128xf32, #tpu.memory_space<hbm>> -> memref<640x64xf32, #tpu.memory_space<hbm>>
      %dma_start3A_467 = arith.constant 0 : i32
      %dma_start3A_468 = tpu.memref_slice %arg4[%mul3A_459, %dma_start3A_467] : memref<819200x128xf32, #tpu.memory_space<hbm>> -> memref<640x64xf32, #tpu.memory_space<hbm>>
      %dma_start3A_469 = arith.constant 0 : i32
      %dma_start3A_470 = arith.constant 0 : i32
      %dma_start3A_471 = tpu.memref_slice %arg6[%dma_start3A_460, %dma_start3A_469, %dma_start3A_470] : memref<2x640x64xf32, #tpu.memory_space<vmem>> -> memref<1x640x64xf32, #tpu.memory_space<vmem>>
      %dma_start3A_472 = tpu.memref_squeeze %dma_start3A_471 : memref<1x640x64xf32, #tpu.memory_space<vmem>> -> memref<640x64xf32, #tpu.memory_space<vmem>>
      tpu.enqueue_dma source(%dma_start3A_472 : memref<640x64xf32, #tpu.memory_space<vmem>>) target(%dma_start3A_468 : memref<640x64xf32, #tpu.memory_space<hbm>>) target_semaphore(%arg10 : memref<!tpu.dma_semaphore, #tpu.memory_space<semaphore_mem>>)
      %dma_wait3A_473 = arith.constant 0 : i32
      %dma_wait3A_474 = arith.constant 0 : i32
      %dma_wait3A_475 = arith.constant 0 : i32
      %dma_wait3A_476 = tpu.memref_slice %arg6[%dma_wait3A_473, %dma_wait3A_474, %dma_wait3A_475] : memref<2x640x64xf32, #tpu.memory_space<vmem>> -> memref<1x640x64xf32, #tpu.memory_space<vmem>>
      %dma_wait3A_477 = tpu.memref_squeeze %dma_wait3A_476 : memref<1x640x64xf32, #tpu.memory_space<vmem>> -> memref<640x64xf32, #tpu.memory_space<vmem>>
      %dma_wait3A_478 = arith.constant 0 : i32
      %dma_wait3A_479 = arith.constant 0 : i32
      %dma_wait3A_480 = tpu.memref_slice %arg4[%dma_wait3A_478, %dma_wait3A_479] : memref<819200x128xf32, #tpu.memory_space<hbm>> -> memref<640x64xf32, #tpu.memory_space<hbm>>
      %dma_wait3A_481 = arith.constant 0 : i32
      %dma_wait3A_482 = arith.constant 0 : i32
      %dma_wait3A_483 = tpu.memref_slice %arg4[%dma_wait3A_481, %dma_wait3A_482] : memref<819200x128xf32, #tpu.memory_space<hbm>> -> memref<640x64xf32, #tpu.memory_space<hbm>>
      %dma_wait3A_484 = arith.constant 0 : i32
      %dma_wait3A_485 = arith.constant 0 : i32
      %dma_wait3A_486 = tpu.memref_slice %arg6[%dma_wait3A_473, %dma_wait3A_484, %dma_wait3A_485] : memref<2x640x64xf32, #tpu.memory_space<vmem>> -> memref<1x640x64xf32, #tpu.memory_space<vmem>>
      %dma_wait3A_487 = tpu.memref_squeeze %dma_wait3A_486 : memref<1x640x64xf32, #tpu.memory_space<vmem>> -> memref<640x64xf32, #tpu.memory_space<vmem>>
      tpu.wait_dma2 semaphore(%arg9 : memref<!tpu.dma_semaphore, #tpu.memory_space<semaphore_mem>>) src(%dma_wait3A_487 : memref<640x64xf32, #tpu.memory_space<vmem>>) dst(%dma_wait3A_483 : memref<640x64xf32, #tpu.memory_space<hbm>>)
      %add3A_488 = arith.constant 2 : i32
      %add3A_489 = arith.addi %mul3A_312, %add3A_488 : i32
      %add3A_490 = arith.constant 0 : i32
      %add3A_491 = arith.addi %add3A_489, %add3A_490 : i32
      %mul3A_492 = arith.constant 5 : i32
      %mul3A_493 = arith.muli %add3A_491, %mul3A_492 : i32
      %add3A_494 = arith.constant 0 : i32
      %add3A_495 = arith.addi %mul3A_493, %add3A_494 : i32
      %dma_start3A_496 = arith.constant 0 : i32
      %dma_start3A_497 = arith.constant 0 : i32
      %dma_start3A_498 = arith.constant 0 : i32
      %dma_start3A_499 = tpu.memref_slice %arg6[%dma_start3A_496, %dma_start3A_497, %dma_start3A_498] : memref<2x640x64xf32, #tpu.memory_space<vmem>> -> memref<1x128x64xf32, #tpu.memory_space<vmem>>
      %dma_start3A_500 = tpu.memref_squeeze %dma_start3A_499 : memref<1x128x64xf32, #tpu.memory_space<vmem>> -> memref<128x64xf32, #tpu.memory_space<vmem>>
      %dma_start3A_501 = arith.constant 0 : i32
      %dma_start3A_502 = tpu.memref_slice %arg5[%add3A_495, %dma_start3A_501] : memref<200x128xi32, #tpu.memory_space<vmem>> -> memref<1x128xi32, #tpu.memory_space<vmem>>
      %dma_start3A_503 = tpu.memref_squeeze %dma_start3A_502 : memref<1x128xi32, #tpu.memory_space<vmem>> -> memref<128xi32, #tpu.memory_space<vmem>>
      %dma_start3A_504 = arith.constant 0 : i32
      %dma_start3A_505 = arith.constant 0 : i32
      %dma_start3A_506 = tpu.memref_slice %arg2[%dma_start3A_504, %dma_start3A_505] : memref<1000000x64xf32, #tpu.memory_space<hbm>> -> memref<1000000x64xf32, #tpu.memory_space<hbm>>
      tpu.enqueue_indirect_dma source(%dma_start3A_506 : memref<1000000x64xf32, #tpu.memory_space<hbm>>) target(%dma_start3A_500 : memref<128x64xf32, #tpu.memory_space<vmem>>) offsets(%dma_start3A_503 : memref<128xi32, #tpu.memory_space<vmem>>) semaphore(%arg7 : memref<!tpu.dma_semaphore, #tpu.memory_space<semaphore_mem>>)
      %mul3A_507 = arith.constant 5 : i32
      %mul3A_508 = arith.muli %add3A_491, %mul3A_507 : i32
      %add3A_509 = arith.constant 1 : i32
      %add3A_510 = arith.addi %mul3A_508, %add3A_509 : i32
      %dma_start3A_511 = arith.constant 0 : i32
      %dma_start3A_512 = arith.constant 128 : i32
      %dma_start3A_513 = arith.constant 0 : i32
      %dma_start3A_514 = tpu.memref_slice %arg6[%dma_start3A_511, %dma_start3A_512, %dma_start3A_513] : memref<2x640x64xf32, #tpu.memory_space<vmem>> -> memref<1x128x64xf32, #tpu.memory_space<vmem>>
      %dma_start3A_515 = tpu.memref_squeeze %dma_start3A_514 : memref<1x128x64xf32, #tpu.memory_space<vmem>> -> memref<128x64xf32, #tpu.memory_space<vmem>>
      %dma_start3A_516 = arith.constant 0 : i32
      %dma_start3A_517 = tpu.memref_slice %arg5[%add3A_510, %dma_start3A_516] : memref<200x128xi32, #tpu.memory_space<vmem>> -> memref<1x128xi32, #tpu.memory_space<vmem>>
      %dma_start3A_518 = tpu.memref_squeeze %dma_start3A_517 : memref<1x128xi32, #tpu.memory_space<vmem>> -> memref<128xi32, #tpu.memory_space<vmem>>
      %dma_start3A_519 = arith.constant 0 : i32
      %dma_start3A_520 = arith.constant 0 : i32
      %dma_start3A_521 = tpu.memref_slice %arg2[%dma_start3A_519, %dma_start3A_520] : memref<1000000x64xf32, #tpu.memory_space<hbm>> -> memref<1000000x64xf32, #tpu.memory_space<hbm>>
      tpu.enqueue_indirect_dma source(%dma_start3A_521 : memref<1000000x64xf32, #tpu.memory_space<hbm>>) target(%dma_start3A_515 : memref<128x64xf32, #tpu.memory_space<vmem>>) offsets(%dma_start3A_518 : memref<128xi32, #tpu.memory_space<vmem>>) semaphore(%arg7 : memref<!tpu.dma_semaphore, #tpu.memory_space<semaphore_mem>>)
      %mul3A_522 = arith.constant 5 : i32
      %mul3A_523 = arith.muli %add3A_491, %mul3A_522 : i32
      %add3A_524 = arith.constant 2 : i32
      %add3A_525 = arith.addi %mul3A_523, %add3A_524 : i32
      %dma_start3A_526 = arith.constant 0 : i32
      %dma_start3A_527 = arith.constant 256 : i32
      %dma_start3A_528 = arith.constant 0 : i32
      %dma_start3A_529 = tpu.memref_slice %arg6[%dma_start3A_526, %dma_start3A_527, %dma_start3A_528] : memref<2x640x64xf32, #tpu.memory_space<vmem>> -> memref<1x128x64xf32, #tpu.memory_space<vmem>>
      %dma_start3A_530 = tpu.memref_squeeze %dma_start3A_529 : memref<1x128x64xf32, #tpu.memory_space<vmem>> -> memref<128x64xf32, #tpu.memory_space<vmem>>
      %dma_start3A_531 = arith.constant 0 : i32
      %dma_start3A_532 = tpu.memref_slice %arg5[%add3A_525, %dma_start3A_531] : memref<200x128xi32, #tpu.memory_space<vmem>> -> memref<1x128xi32, #tpu.memory_space<vmem>>
      %dma_start3A_533 = tpu.memref_squeeze %dma_start3A_532 : memref<1x128xi32, #tpu.memory_space<vmem>> -> memref<128xi32, #tpu.memory_space<vmem>>
      %dma_start3A_534 = arith.constant 0 : i32
      %dma_start3A_535 = arith.constant 0 : i32
      %dma_start3A_536 = tpu.memref_slice %arg2[%dma_start3A_534, %dma_start3A_535] : memref<1000000x64xf32, #tpu.memory_space<hbm>> -> memref<1000000x64xf32, #tpu.memory_space<hbm>>
      tpu.enqueue_indirect_dma source(%dma_start3A_536 : memref<1000000x64xf32, #tpu.memory_space<hbm>>) target(%dma_start3A_530 : memref<128x64xf32, #tpu.memory_space<vmem>>) offsets(%dma_start3A_533 : memref<128xi32, #tpu.memory_space<vmem>>) semaphore(%arg7 : memref<!tpu.dma_semaphore, #tpu.memory_space<semaphore_mem>>)
      %mul3A_537 = arith.constant 5 : i32
      %mul3A_538 = arith.muli %add3A_491, %mul3A_537 : i32
      %add3A_539 = arith.constant 3 : i32
      %add3A_540 = arith.addi %mul3A_538, %add3A_539 : i32
      %dma_start3A_541 = arith.constant 0 : i32
      %dma_start3A_542 = arith.constant 384 : i32
      %dma_start3A_543 = arith.constant 0 : i32
      %dma_start3A_544 = tpu.memref_slice %arg6[%dma_start3A_541, %dma_start3A_542, %dma_start3A_543] : memref<2x640x64xf32, #tpu.memory_space<vmem>> -> memref<1x128x64xf32, #tpu.memory_space<vmem>>
      %dma_start3A_545 = tpu.memref_squeeze %dma_start3A_544 : memref<1x128x64xf32, #tpu.memory_space<vmem>> -> memref<128x64xf32, #tpu.memory_space<vmem>>
      %dma_start3A_546 = arith.constant 0 : i32
      %dma_start3A_547 = tpu.memref_slice %arg5[%add3A_540, %dma_start3A_546] : memref<200x128xi32, #tpu.memory_space<vmem>> -> memref<1x128xi32, #tpu.memory_space<vmem>>
      %dma_start3A_548 = tpu.memref_squeeze %dma_start3A_547 : memref<1x128xi32, #tpu.memory_space<vmem>> -> memref<128xi32, #tpu.memory_space<vmem>>
      %dma_start3A_549 = arith.constant 0 : i32
      %dma_start3A_550 = arith.constant 0 : i32
      %dma_start3A_551 = tpu.memref_slice %arg2[%dma_start3A_549, %dma_start3A_550] : memref<1000000x64xf32, #tpu.memory_space<hbm>> -> memref<1000000x64xf32, #tpu.memory_space<hbm>>
      tpu.enqueue_indirect_dma source(%dma_start3A_551 : memref<1000000x64xf32, #tpu.memory_space<hbm>>) target(%dma_start3A_545 : memref<128x64xf32, #tpu.memory_space<vmem>>) offsets(%dma_start3A_548 : memref<128xi32, #tpu.memory_space<vmem>>) semaphore(%arg7 : memref<!tpu.dma_semaphore, #tpu.memory_space<semaphore_mem>>)
      %mul3A_552 = arith.constant 5 : i32
      %mul3A_553 = arith.muli %add3A_491, %mul3A_552 : i32
      %add3A_554 = arith.constant 4 : i32
      %add3A_555 = arith.addi %mul3A_553, %add3A_554 : i32
      %dma_start3A_556 = arith.constant 0 : i32
      %dma_start3A_557 = arith.constant 512 : i32
      %dma_start3A_558 = arith.constant 0 : i32
      %dma_start3A_559 = tpu.memref_slice %arg6[%dma_start3A_556, %dma_start3A_557, %dma_start3A_558] : memref<2x640x64xf32, #tpu.memory_space<vmem>> -> memref<1x128x64xf32, #tpu.memory_space<vmem>>
      %dma_start3A_560 = tpu.memref_squeeze %dma_start3A_559 : memref<1x128x64xf32, #tpu.memory_space<vmem>> -> memref<128x64xf32, #tpu.memory_space<vmem>>
      %dma_start3A_561 = arith.constant 0 : i32
      %dma_start3A_562 = tpu.memref_slice %arg5[%add3A_555, %dma_start3A_561] : memref<200x128xi32, #tpu.memory_space<vmem>> -> memref<1x128xi32, #tpu.memory_space<vmem>>
      %dma_start3A_563 = tpu.memref_squeeze %dma_start3A_562 : memref<1x128xi32, #tpu.memory_space<vmem>> -> memref<128xi32, #tpu.memory_space<vmem>>
      %dma_start3A_564 = arith.constant 0 : i32
      %dma_start3A_565 = arith.constant 0 : i32
      %dma_start3A_566 = tpu.memref_slice %arg2[%dma_start3A_564, %dma_start3A_565] : memref<1000000x64xf32, #tpu.memory_space<hbm>> -> memref<1000000x64xf32, #tpu.memory_space<hbm>>
      tpu.enqueue_indirect_dma source(%dma_start3A_566 : memref<1000000x64xf32, #tpu.memory_space<hbm>>) target(%dma_start3A_560 : memref<128x64xf32, #tpu.memory_space<vmem>>) offsets(%dma_start3A_563 : memref<128xi32, #tpu.memory_space<vmem>>) semaphore(%arg7 : memref<!tpu.dma_semaphore, #tpu.memory_space<semaphore_mem>>)
      %dma_wait3A_567 = arith.constant 1 : i32
      %dma_wait3A_568 = arith.constant 0 : i32
      %dma_wait3A_569 = arith.constant 0 : i32
      %dma_wait3A_570 = tpu.memref_slice %arg6[%dma_wait3A_567, %dma_wait3A_568, %dma_wait3A_569] : memref<2x640x64xf32, #tpu.memory_space<vmem>> -> memref<1x640x64xf32, #tpu.memory_space<vmem>>
      %dma_wait3A_571 = tpu.memref_squeeze %dma_wait3A_570 : memref<1x640x64xf32, #tpu.memory_space<vmem>> -> memref<640x64xf32, #tpu.memory_space<vmem>>
      %dma_wait3A_572 = arith.constant 0 : i32
      %dma_wait3A_573 = arith.constant 0 : i32
      %dma_wait3A_574 = tpu.memref_slice %arg4[%dma_wait3A_572, %dma_wait3A_573] : memref<819200x128xf32, #tpu.memory_space<hbm>> -> memref<640x64xf32, #tpu.memory_space<hbm>>
      %dma_wait3A_575 = arith.constant 0 : i32
      %dma_wait3A_576 = arith.constant 0 : i32
      %dma_wait3A_577 = tpu.memref_slice %arg4[%dma_wait3A_575, %dma_wait3A_576] : memref<819200x128xf32, #tpu.memory_space<hbm>> -> memref<640x64xf32, #tpu.memory_space<hbm>>
      %dma_wait3A_578 = arith.constant 0 : i32
      %dma_wait3A_579 = arith.constant 0 : i32
      %dma_wait3A_580 = tpu.memref_slice %arg6[%dma_wait3A_567, %dma_wait3A_578, %dma_wait3A_579] : memref<2x640x64xf32, #tpu.memory_space<vmem>> -> memref<1x640x64xf32, #tpu.memory_space<vmem>>
      %dma_wait3A_581 = tpu.memref_squeeze %dma_wait3A_580 : memref<1x640x64xf32, #tpu.memory_space<vmem>> -> memref<640x64xf32, #tpu.memory_space<vmem>>
      tpu.wait_dma2 semaphore(%arg10 : memref<!tpu.dma_semaphore, #tpu.memory_space<semaphore_mem>>) src(%dma_wait3A_581 : memref<640x64xf32, #tpu.memory_space<vmem>>) dst(%dma_wait3A_577 : memref<640x64xf32, #tpu.memory_space<hbm>>)
      %add3A_582 = arith.constant 2 : i32
      %add3A_583 = arith.addi %mul3A_312, %add3A_582 : i32
      %add3A_584 = arith.constant 1 : i32
      %add3A_585 = arith.addi %add3A_583, %add3A_584 : i32
      %mul3A_586 = arith.constant 5 : i32
      %mul3A_587 = arith.muli %add3A_585, %mul3A_586 : i32
      %add3A_588 = arith.constant 0 : i32
      %add3A_589 = arith.addi %mul3A_587, %add3A_588 : i32
      %dma_start3A_590 = arith.constant 1 : i32
      %dma_start3A_591 = arith.constant 0 : i32
      %dma_start3A_592 = arith.constant 0 : i32
      %dma_start3A_593 = tpu.memref_slice %arg6[%dma_start3A_590, %dma_start3A_591, %dma_start3A_592] : memref<2x640x64xf32, #tpu.memory_space<vmem>> -> memref<1x128x64xf32, #tpu.memory_space<vmem>>
      %dma_start3A_594 = tpu.memref_squeeze %dma_start3A_593 : memref<1x128x64xf32, #tpu.memory_space<vmem>> -> memref<128x64xf32, #tpu.memory_space<vmem>>
      %dma_start3A_595 = arith.constant 0 : i32
      %dma_start3A_596 = tpu.memref_slice %arg5[%add3A_589, %dma_start3A_595] : memref<200x128xi32, #tpu.memory_space<vmem>> -> memref<1x128xi32, #tpu.memory_space<vmem>>
      %dma_start3A_597 = tpu.memref_squeeze %dma_start3A_596 : memref<1x128xi32, #tpu.memory_space<vmem>> -> memref<128xi32, #tpu.memory_space<vmem>>
      %dma_start3A_598 = arith.constant 0 : i32
      %dma_start3A_599 = arith.constant 0 : i32
      %dma_start3A_600 = tpu.memref_slice %arg2[%dma_start3A_598, %dma_start3A_599] : memref<1000000x64xf32, #tpu.memory_space<hbm>> -> memref<1000000x64xf32, #tpu.memory_space<hbm>>
      tpu.enqueue_indirect_dma source(%dma_start3A_600 : memref<1000000x64xf32, #tpu.memory_space<hbm>>) target(%dma_start3A_594 : memref<128x64xf32, #tpu.memory_space<vmem>>) offsets(%dma_start3A_597 : memref<128xi32, #tpu.memory_space<vmem>>) semaphore(%arg8 : memref<!tpu.dma_semaphore, #tpu.memory_space<semaphore_mem>>)
      %mul3A_601 = arith.constant 5 : i32
      %mul3A_602 = arith.muli %add3A_585, %mul3A_601 : i32
      %add3A_603 = arith.constant 1 : i32
      %add3A_604 = arith.addi %mul3A_602, %add3A_603 : i32
      %dma_start3A_605 = arith.constant 1 : i32
      %dma_start3A_606 = arith.constant 128 : i32
      %dma_start3A_607 = arith.constant 0 : i32
      %dma_start3A_608 = tpu.memref_slice %arg6[%dma_start3A_605, %dma_start3A_606, %dma_start3A_607] : memref<2x640x64xf32, #tpu.memory_space<vmem>> -> memref<1x128x64xf32, #tpu.memory_space<vmem>>
      %dma_start3A_609 = tpu.memref_squeeze %dma_start3A_608 : memref<1x128x64xf32, #tpu.memory_space<vmem>> -> memref<128x64xf32, #tpu.memory_space<vmem>>
      %dma_start3A_610 = arith.constant 0 : i32
      %dma_start3A_611 = tpu.memref_slice %arg5[%add3A_604, %dma_start3A_610] : memref<200x128xi32, #tpu.memory_space<vmem>> -> memref<1x128xi32, #tpu.memory_space<vmem>>
      %dma_start3A_612 = tpu.memref_squeeze %dma_start3A_611 : memref<1x128xi32, #tpu.memory_space<vmem>> -> memref<128xi32, #tpu.memory_space<vmem>>
      %dma_start3A_613 = arith.constant 0 : i32
      %dma_start3A_614 = arith.constant 0 : i32
      %dma_start3A_615 = tpu.memref_slice %arg2[%dma_start3A_613, %dma_start3A_614] : memref<1000000x64xf32, #tpu.memory_space<hbm>> -> memref<1000000x64xf32, #tpu.memory_space<hbm>>
      tpu.enqueue_indirect_dma source(%dma_start3A_615 : memref<1000000x64xf32, #tpu.memory_space<hbm>>) target(%dma_start3A_609 : memref<128x64xf32, #tpu.memory_space<vmem>>) offsets(%dma_start3A_612 : memref<128xi32, #tpu.memory_space<vmem>>) semaphore(%arg8 : memref<!tpu.dma_semaphore, #tpu.memory_space<semaphore_mem>>)
      %mul3A_616 = arith.constant 5 : i32
      %mul3A_617 = arith.muli %add3A_585, %mul3A_616 : i32
      %add3A_618 = arith.constant 2 : i32
      %add3A_619 = arith.addi %mul3A_617, %add3A_618 : i32
      %dma_start3A_620 = arith.constant 1 : i32
      %dma_start3A_621 = arith.constant 256 : i32
      %dma_start3A_622 = arith.constant 0 : i32
      %dma_start3A_623 = tpu.memref_slice %arg6[%dma_start3A_620, %dma_start3A_621, %dma_start3A_622] : memref<2x640x64xf32, #tpu.memory_space<vmem>> -> memref<1x128x64xf32, #tpu.memory_space<vmem>>
      %dma_start3A_624 = tpu.memref_squeeze %dma_start3A_623 : memref<1x128x64xf32, #tpu.memory_space<vmem>> -> memref<128x64xf32, #tpu.memory_space<vmem>>
      %dma_start3A_625 = arith.constant 0 : i32
      %dma_start3A_626 = tpu.memref_slice %arg5[%add3A_619, %dma_start3A_625] : memref<200x128xi32, #tpu.memory_space<vmem>> -> memref<1x128xi32, #tpu.memory_space<vmem>>
      %dma_start3A_627 = tpu.memref_squeeze %dma_start3A_626 : memref<1x128xi32, #tpu.memory_space<vmem>> -> memref<128xi32, #tpu.memory_space<vmem>>
      %dma_start3A_628 = arith.constant 0 : i32
      %dma_start3A_629 = arith.constant 0 : i32
      %dma_start3A_630 = tpu.memref_slice %arg2[%dma_start3A_628, %dma_start3A_629] : memref<1000000x64xf32, #tpu.memory_space<hbm>> -> memref<1000000x64xf32, #tpu.memory_space<hbm>>
      tpu.enqueue_indirect_dma source(%dma_start3A_630 : memref<1000000x64xf32, #tpu.memory_space<hbm>>) target(%dma_start3A_624 : memref<128x64xf32, #tpu.memory_space<vmem>>) offsets(%dma_start3A_627 : memref<128xi32, #tpu.memory_space<vmem>>) semaphore(%arg8 : memref<!tpu.dma_semaphore, #tpu.memory_space<semaphore_mem>>)
      %mul3A_631 = arith.constant 5 : i32
      %mul3A_632 = arith.muli %add3A_585, %mul3A_631 : i32
      %add3A_633 = arith.constant 3 : i32
      %add3A_634 = arith.addi %mul3A_632, %add3A_633 : i32
      %dma_start3A_635 = arith.constant 1 : i32
      %dma_start3A_636 = arith.constant 384 : i32
      %dma_start3A_637 = arith.constant 0 : i32
      %dma_start3A_638 = tpu.memref_slice %arg6[%dma_start3A_635, %dma_start3A_636, %dma_start3A_637] : memref<2x640x64xf32, #tpu.memory_space<vmem>> -> memref<1x128x64xf32, #tpu.memory_space<vmem>>
      %dma_start3A_639 = tpu.memref_squeeze %dma_start3A_638 : memref<1x128x64xf32, #tpu.memory_space<vmem>> -> memref<128x64xf32, #tpu.memory_space<vmem>>
      %dma_start3A_640 = arith.constant 0 : i32
      %dma_start3A_641 = tpu.memref_slice %arg5[%add3A_634, %dma_start3A_640] : memref<200x128xi32, #tpu.memory_space<vmem>> -> memref<1x128xi32, #tpu.memory_space<vmem>>
      %dma_start3A_642 = tpu.memref_squeeze %dma_start3A_641 : memref<1x128xi32, #tpu.memory_space<vmem>> -> memref<128xi32, #tpu.memory_space<vmem>>
      %dma_start3A_643 = arith.constant 0 : i32
      %dma_start3A_644 = arith.constant 0 : i32
      %dma_start3A_645 = tpu.memref_slice %arg2[%dma_start3A_643, %dma_start3A_644] : memref<1000000x64xf32, #tpu.memory_space<hbm>> -> memref<1000000x64xf32, #tpu.memory_space<hbm>>
      tpu.enqueue_indirect_dma source(%dma_start3A_645 : memref<1000000x64xf32, #tpu.memory_space<hbm>>) target(%dma_start3A_639 : memref<128x64xf32, #tpu.memory_space<vmem>>) offsets(%dma_start3A_642 : memref<128xi32, #tpu.memory_space<vmem>>) semaphore(%arg8 : memref<!tpu.dma_semaphore, #tpu.memory_space<semaphore_mem>>)
      %mul3A_646 = arith.constant 5 : i32
      %mul3A_647 = arith.muli %add3A_585, %mul3A_646 : i32
      %add3A_648 = arith.constant 4 : i32
      %add3A_649 = arith.addi %mul3A_647, %add3A_648 : i32
      %dma_start3A_650 = arith.constant 1 : i32
      %dma_start3A_651 = arith.constant 512 : i32
      %dma_start3A_652 = arith.constant 0 : i32
      %dma_start3A_653 = tpu.memref_slice %arg6[%dma_start3A_650, %dma_start3A_651, %dma_start3A_652] : memref<2x640x64xf32, #tpu.memory_space<vmem>> -> memref<1x128x64xf32, #tpu.memory_space<vmem>>
      %dma_start3A_654 = tpu.memref_squeeze %dma_start3A_653 : memref<1x128x64xf32, #tpu.memory_space<vmem>> -> memref<128x64xf32, #tpu.memory_space<vmem>>
      %dma_start3A_655 = arith.constant 0 : i32
      %dma_start3A_656 = tpu.memref_slice %arg5[%add3A_649, %dma_start3A_655] : memref<200x128xi32, #tpu.memory_space<vmem>> -> memref<1x128xi32, #tpu.memory_space<vmem>>
      %dma_start3A_657 = tpu.memref_squeeze %dma_start3A_656 : memref<1x128xi32, #tpu.memory_space<vmem>> -> memref<128xi32, #tpu.memory_space<vmem>>
      %dma_start3A_658 = arith.constant 0 : i32
      %dma_start3A_659 = arith.constant 0 : i32
      %dma_start3A_660 = tpu.memref_slice %arg2[%dma_start3A_658, %dma_start3A_659] : memref<1000000x64xf32, #tpu.memory_space<hbm>> -> memref<1000000x64xf32, #tpu.memory_space<hbm>>
      tpu.enqueue_indirect_dma source(%dma_start3A_660 : memref<1000000x64xf32, #tpu.memory_space<hbm>>) target(%dma_start3A_654 : memref<128x64xf32, #tpu.memory_space<vmem>>) offsets(%dma_start3A_657 : memref<128xi32, #tpu.memory_space<vmem>>) semaphore(%arg8 : memref<!tpu.dma_semaphore, #tpu.memory_space<semaphore_mem>>)
    }
    %scan3A_126 = arith.constant 19 : i32
    %dma_wait3A = arith.constant 0 : i32
    %dma_wait3A_127 = arith.constant 0 : i32
    %dma_wait3A_128 = arith.constant 0 : i32
    %dma_wait3A_129 = arith.constant 0 : i32
    %dma_wait3A_130 = tpu.memref_slice %arg6[%dma_wait3A_127, %dma_wait3A_128, %dma_wait3A_129] : memref<2x640x64xf32, #tpu.memory_space<vmem>> -> memref<1x128x64xf32, #tpu.memory_space<vmem>>
    %dma_wait3A_131 = tpu.memref_squeeze %dma_wait3A_130 : memref<1x128x64xf32, #tpu.memory_space<vmem>> -> memref<128x64xf32, #tpu.memory_space<vmem>>
    %dma_wait3A_132 = arith.constant 0 : i32
    %dma_wait3A_133 = tpu.memref_slice %arg5[%dma_wait3A, %dma_wait3A_132] : memref<200x128xi32, #tpu.memory_space<vmem>> -> memref<1x128xi32, #tpu.memory_space<vmem>>
    %dma_wait3A_134 = tpu.memref_squeeze %dma_wait3A_133 : memref<1x128xi32, #tpu.memory_space<vmem>> -> memref<128xi32, #tpu.memory_space<vmem>>
    %dma_wait3A_135 = arith.constant 0 : i32
    %dma_wait3A_136 = arith.constant 0 : i32
    %dma_wait3A_137 = tpu.memref_slice %arg2[%dma_wait3A_135, %dma_wait3A_136] : memref<1000000x64xf32, #tpu.memory_space<hbm>> -> memref<1000000x64xf32, #tpu.memory_space<hbm>>
    tpu.wait_indirect_dma semaphore(%arg7 : memref<!tpu.dma_semaphore, #tpu.memory_space<semaphore_mem>>) src(%dma_wait3A_137 : memref<1000000x64xf32, #tpu.memory_space<hbm>>) dst(%dma_wait3A_131 : memref<128x64xf32, #tpu.memory_space<vmem>>)
    %dma_wait3A_138 = arith.constant 0 : i32
    %dma_wait3A_139 = arith.constant 0 : i32
    %dma_wait3A_140 = arith.constant 0 : i32
    %dma_wait3A_141 = arith.constant 0 : i32
    %dma_wait3A_142 = tpu.memref_slice %arg6[%dma_wait3A_139, %dma_wait3A_140, %dma_wait3A_141] : memref<2x640x64xf32, #tpu.memory_space<vmem>> -> memref<1x128x64xf32, #tpu.memory_space<vmem>>
    %dma_wait3A_143 = tpu.memref_squeeze %dma_wait3A_142 : memref<1x128x64xf32, #tpu.memory_space<vmem>> -> memref<128x64xf32, #tpu.memory_space<vmem>>
    %dma_wait3A_144 = arith.constant 0 : i32
    %dma_wait3A_145 = tpu.memref_slice %arg5[%dma_wait3A_138, %dma_wait3A_144] : memref<200x128xi32, #tpu.memory_space<vmem>> -> memref<1x128xi32, #tpu.memory_space<vmem>>
    %dma_wait3A_146 = tpu.memref_squeeze %dma_wait3A_145 : memref<1x128xi32, #tpu.memory_space<vmem>> -> memref<128xi32, #tpu.memory_space<vmem>>
    %dma_wait3A_147 = arith.constant 0 : i32
    %dma_wait3A_148 = arith.constant 0 : i32
    %dma_wait3A_149 = tpu.memref_slice %arg2[%dma_wait3A_147, %dma_wait3A_148] : memref<1000000x64xf32, #tpu.memory_space<hbm>> -> memref<1000000x64xf32, #tpu.memory_space<hbm>>
    tpu.wait_indirect_dma semaphore(%arg7 : memref<!tpu.dma_semaphore, #tpu.memory_space<semaphore_mem>>) src(%dma_wait3A_149 : memref<1000000x64xf32, #tpu.memory_space<hbm>>) dst(%dma_wait3A_143 : memref<128x64xf32, #tpu.memory_space<vmem>>)
    %dma_wait3A_150 = arith.constant 0 : i32
    %dma_wait3A_151 = arith.constant 0 : i32
    %dma_wait3A_152 = arith.constant 0 : i32
    %dma_wait3A_153 = arith.constant 0 : i32
    %dma_wait3A_154 = tpu.memref_slice %arg6[%dma_wait3A_151, %dma_wait3A_152, %dma_wait3A_153] : memref<2x640x64xf32, #tpu.memory_space<vmem>> -> memref<1x128x64xf32, #tpu.memory_space<vmem>>
    %dma_wait3A_155 = tpu.memref_squeeze %dma_wait3A_154 : memref<1x128x64xf32, #tpu.memory_space<vmem>> -> memref<128x64xf32, #tpu.memory_space<vmem>>
    %dma_wait3A_156 = arith.constant 0 : i32
    %dma_wait3A_157 = tpu.memref_slice %arg5[%dma_wait3A_150, %dma_wait3A_156] : memref<200x128xi32, #tpu.memory_space<vmem>> -> memref<1x128xi32, #tpu.memory_space<vmem>>
    %dma_wait3A_158 = tpu.memref_squeeze %dma_wait3A_157 : memref<1x128xi32, #tpu.memory_space<vmem>> -> memref<128xi32, #tpu.memory_space<vmem>>
    %dma_wait3A_159 = arith.constant 0 : i32
    %dma_wait3A_160 = arith.constant 0 : i32
    %dma_wait3A_161 = tpu.memref_slice %arg2[%dma_wait3A_159, %dma_wait3A_160] : memref<1000000x64xf32, #tpu.memory_space<hbm>> -> memref<1000000x64xf32, #tpu.memory_space<hbm>>
    tpu.wait_indirect_dma semaphore(%arg7 : memref<!tpu.dma_semaphore, #tpu.memory_space<semaphore_mem>>) src(%dma_wait3A_161 : memref<1000000x64xf32, #tpu.memory_space<hbm>>) dst(%dma_wait3A_155 : memref<128x64xf32, #tpu.memory_space<vmem>>)
    %dma_wait3A_162 = arith.constant 0 : i32
    %dma_wait3A_163 = arith.constant 0 : i32
    %dma_wait3A_164 = arith.constant 0 : i32
    %dma_wait3A_165 = arith.constant 0 : i32
    %dma_wait3A_166 = tpu.memref_slice %arg6[%dma_wait3A_163, %dma_wait3A_164, %dma_wait3A_165] : memref<2x640x64xf32, #tpu.memory_space<vmem>> -> memref<1x128x64xf32, #tpu.memory_space<vmem>>
    %dma_wait3A_167 = tpu.memref_squeeze %dma_wait3A_166 : memref<1x128x64xf32, #tpu.memory_space<vmem>> -> memref<128x64xf32, #tpu.memory_space<vmem>>
    %dma_wait3A_168 = arith.constant 0 : i32
    %dma_wait3A_169 = tpu.memref_slice %arg5[%dma_wait3A_162, %dma_wait3A_168] : memref<200x128xi32, #tpu.memory_space<vmem>> -> memref<1x128xi32, #tpu.memory_space<vmem>>
    %dma_wait3A_170 = tpu.memref_squeeze %dma_wait3A_169 : memref<1x128xi32, #tpu.memory_space<vmem>> -> memref<128xi32, #tpu.memory_space<vmem>>
    %dma_wait3A_171 = arith.constant 0 : i32
    %dma_wait3A_172 = arith.constant 0 : i32
    %dma_wait3A_173 = tpu.memref_slice %arg2[%dma_wait3A_171, %dma_wait3A_172] : memref<1000000x64xf32, #tpu.memory_space<hbm>> -> memref<1000000x64xf32, #tpu.memory_space<hbm>>
    tpu.wait_indirect_dma semaphore(%arg7 : memref<!tpu.dma_semaphore, #tpu.memory_space<semaphore_mem>>) src(%dma_wait3A_173 : memref<1000000x64xf32, #tpu.memory_space<hbm>>) dst(%dma_wait3A_167 : memref<128x64xf32, #tpu.memory_space<vmem>>)
    %dma_wait3A_174 = arith.constant 0 : i32
    %dma_wait3A_175 = arith.constant 0 : i32
    %dma_wait3A_176 = arith.constant 0 : i32
    %dma_wait3A_177 = arith.constant 0 : i32
    %dma_wait3A_178 = tpu.memref_slice %arg6[%dma_wait3A_175, %dma_wait3A_176, %dma_wait3A_177] : memref<2x640x64xf32, #tpu.memory_space<vmem>> -> memref<1x128x64xf32, #tpu.memory_space<vmem>>
    %dma_wait3A_179 = tpu.memref_squeeze %dma_wait3A_178 : memref<1x128x64xf32, #tpu.memory_space<vmem>> -> memref<128x64xf32, #tpu.memory_space<vmem>>
    %dma_wait3A_180 = arith.constant 0 : i32
    %dma_wait3A_181 = tpu.memref_slice %arg5[%dma_wait3A_174, %dma_wait3A_180] : memref<200x128xi32, #tpu.memory_space<vmem>> -> memref<1x128xi32, #tpu.memory_space<vmem>>
    %dma_wait3A_182 = tpu.memref_squeeze %dma_wait3A_181 : memref<1x128xi32, #tpu.memory_space<vmem>> -> memref<128xi32, #tpu.memory_space<vmem>>
    %dma_wait3A_183 = arith.constant 0 : i32
    %dma_wait3A_184 = arith.constant 0 : i32
    %dma_wait3A_185 = tpu.memref_slice %arg2[%dma_wait3A_183, %dma_wait3A_184] : memref<1000000x64xf32, #tpu.memory_space<hbm>> -> memref<1000000x64xf32, #tpu.memory_space<hbm>>
    tpu.wait_indirect_dma semaphore(%arg7 : memref<!tpu.dma_semaphore, #tpu.memory_space<semaphore_mem>>) src(%dma_wait3A_185 : memref<1000000x64xf32, #tpu.memory_space<hbm>>) dst(%dma_wait3A_179 : memref<128x64xf32, #tpu.memory_space<vmem>>)
    %add3A_186 = arith.constant 190 : i32
    %add3A_187 = arith.addi %mul3A_2, %add3A_186 : i32
    %mul3A_188 = arith.constant 128 : i32
    %mul3A_189 = arith.muli %add3A_187, %mul3A_188 : i32
    %dma_start3A_190 = arith.constant 0 : i32
    %dma_start3A_191 = arith.constant 0 : i32
    %dma_start3A_192 = arith.constant 0 : i32
    %dma_start3A_193 = tpu.memref_slice %arg6[%dma_start3A_190, %dma_start3A_191, %dma_start3A_192] : memref<2x640x64xf32, #tpu.memory_space<vmem>> -> memref<1x640x64xf32, #tpu.memory_space<vmem>>
    %dma_start3A_194 = tpu.memref_squeeze %dma_start3A_193 : memref<1x640x64xf32, #tpu.memory_space<vmem>> -> memref<640x64xf32, #tpu.memory_space<vmem>>
    %dma_start3A_195 = arith.constant 0 : i32
    %dma_start3A_196 = tpu.memref_slice %arg4[%mul3A_189, %dma_start3A_195] : memref<819200x128xf32, #tpu.memory_space<hbm>> -> memref<640x64xf32, #tpu.memory_space<hbm>>
    %dma_start3A_197 = arith.constant 0 : i32
    %dma_start3A_198 = tpu.memref_slice %arg4[%mul3A_189, %dma_start3A_197] : memref<819200x128xf32, #tpu.memory_space<hbm>> -> memref<640x64xf32, #tpu.memory_space<hbm>>
    %dma_start3A_199 = arith.constant 0 : i32
    %dma_start3A_200 = arith.constant 0 : i32
    %dma_start3A_201 = tpu.memref_slice %arg6[%dma_start3A_190, %dma_start3A_199, %dma_start3A_200] : memref<2x640x64xf32, #tpu.memory_space<vmem>> -> memref<1x640x64xf32, #tpu.memory_space<vmem>>
    %dma_start3A_202 = tpu.memref_squeeze %dma_start3A_201 : memref<1x640x64xf32, #tpu.memory_space<vmem>> -> memref<640x64xf32, #tpu.memory_space<vmem>>
    tpu.enqueue_dma source(%dma_start3A_202 : memref<640x64xf32, #tpu.memory_space<vmem>>) target(%dma_start3A_198 : memref<640x64xf32, #tpu.memory_space<hbm>>) target_semaphore(%arg9 : memref<!tpu.dma_semaphore, #tpu.memory_space<semaphore_mem>>)
    %dma_wait3A_203 = arith.constant 0 : i32
    %dma_wait3A_204 = arith.constant 1 : i32
    %dma_wait3A_205 = arith.constant 0 : i32
    %dma_wait3A_206 = arith.constant 0 : i32
    %dma_wait3A_207 = tpu.memref_slice %arg6[%dma_wait3A_204, %dma_wait3A_205, %dma_wait3A_206] : memref<2x640x64xf32, #tpu.memory_space<vmem>> -> memref<1x128x64xf32, #tpu.memory_space<vmem>>
    %dma_wait3A_208 = tpu.memref_squeeze %dma_wait3A_207 : memref<1x128x64xf32, #tpu.memory_space<vmem>> -> memref<128x64xf32, #tpu.memory_space<vmem>>
    %dma_wait3A_209 = arith.constant 0 : i32
    %dma_wait3A_210 = tpu.memref_slice %arg5[%dma_wait3A_203, %dma_wait3A_209] : memref<200x128xi32, #tpu.memory_space<vmem>> -> memref<1x128xi32, #tpu.memory_space<vmem>>
    %dma_wait3A_211 = tpu.memref_squeeze %dma_wait3A_210 : memref<1x128xi32, #tpu.memory_space<vmem>> -> memref<128xi32, #tpu.memory_space<vmem>>
    %dma_wait3A_212 = arith.constant 0 : i32
    %dma_wait3A_213 = arith.constant 0 : i32
    %dma_wait3A_214 = tpu.memref_slice %arg2[%dma_wait3A_212, %dma_wait3A_213] : memref<1000000x64xf32, #tpu.memory_space<hbm>> -> memref<1000000x64xf32, #tpu.memory_space<hbm>>
    tpu.wait_indirect_dma semaphore(%arg8 : memref<!tpu.dma_semaphore, #tpu.memory_space<semaphore_mem>>) src(%dma_wait3A_214 : memref<1000000x64xf32, #tpu.memory_space<hbm>>) dst(%dma_wait3A_208 : memref<128x64xf32, #tpu.memory_space<vmem>>)
    %dma_wait3A_215 = arith.constant 0 : i32
    %dma_wait3A_216 = arith.constant 1 : i32
    %dma_wait3A_217 = arith.constant 0 : i32
    %dma_wait3A_218 = arith.constant 0 : i32
    %dma_wait3A_219 = tpu.memref_slice %arg6[%dma_wait3A_216, %dma_wait3A_217, %dma_wait3A_218] : memref<2x640x64xf32, #tpu.memory_space<vmem>> -> memref<1x128x64xf32, #tpu.memory_space<vmem>>
    %dma_wait3A_220 = tpu.memref_squeeze %dma_wait3A_219 : memref<1x128x64xf32, #tpu.memory_space<vmem>> -> memref<128x64xf32, #tpu.memory_space<vmem>>
    %dma_wait3A_221 = arith.constant 0 : i32
    %dma_wait3A_222 = tpu.memref_slice %arg5[%dma_wait3A_215, %dma_wait3A_221] : memref<200x128xi32, #tpu.memory_space<vmem>> -> memref<1x128xi32, #tpu.memory_space<vmem>>
    %dma_wait3A_223 = tpu.memref_squeeze %dma_wait3A_222 : memref<1x128xi32, #tpu.memory_space<vmem>> -> memref<128xi32, #tpu.memory_space<vmem>>
    %dma_wait3A_224 = arith.constant 0 : i32
    %dma_wait3A_225 = arith.constant 0 : i32
    %dma_wait3A_226 = tpu.memref_slice %arg2[%dma_wait3A_224, %dma_wait3A_225] : memref<1000000x64xf32, #tpu.memory_space<hbm>> -> memref<1000000x64xf32, #tpu.memory_space<hbm>>
    tpu.wait_indirect_dma semaphore(%arg8 : memref<!tpu.dma_semaphore, #tpu.memory_space<semaphore_mem>>) src(%dma_wait3A_226 : memref<1000000x64xf32, #tpu.memory_space<hbm>>) dst(%dma_wait3A_220 : memref<128x64xf32, #tpu.memory_space<vmem>>)
    %dma_wait3A_227 = arith.constant 0 : i32
    %dma_wait3A_228 = arith.constant 1 : i32
    %dma_wait3A_229 = arith.constant 0 : i32
    %dma_wait3A_230 = arith.constant 0 : i32
    %dma_wait3A_231 = tpu.memref_slice %arg6[%dma_wait3A_228, %dma_wait3A_229, %dma_wait3A_230] : memref<2x640x64xf32, #tpu.memory_space<vmem>> -> memref<1x128x64xf32, #tpu.memory_space<vmem>>
    %dma_wait3A_232 = tpu.memref_squeeze %dma_wait3A_231 : memref<1x128x64xf32, #tpu.memory_space<vmem>> -> memref<128x64xf32, #tpu.memory_space<vmem>>
    %dma_wait3A_233 = arith.constant 0 : i32
    %dma_wait3A_234 = tpu.memref_slice %arg5[%dma_wait3A_227, %dma_wait3A_233] : memref<200x128xi32, #tpu.memory_space<vmem>> -> memref<1x128xi32, #tpu.memory_space<vmem>>
    %dma_wait3A_235 = tpu.memref_squeeze %dma_wait3A_234 : memref<1x128xi32, #tpu.memory_space<vmem>> -> memref<128xi32, #tpu.memory_space<vmem>>
    %dma_wait3A_236 = arith.constant 0 : i32
    %dma_wait3A_237 = arith.constant 0 : i32
    %dma_wait3A_238 = tpu.memref_slice %arg2[%dma_wait3A_236, %dma_wait3A_237] : memref<1000000x64xf32, #tpu.memory_space<hbm>> -> memref<1000000x64xf32, #tpu.memory_space<hbm>>
    tpu.wait_indirect_dma semaphore(%arg8 : memref<!tpu.dma_semaphore, #tpu.memory_space<semaphore_mem>>) src(%dma_wait3A_238 : memref<1000000x64xf32, #tpu.memory_space<hbm>>) dst(%dma_wait3A_232 : memref<128x64xf32, #tpu.memory_space<vmem>>)
    %dma_wait3A_239 = arith.constant 0 : i32
    %dma_wait3A_240 = arith.constant 1 : i32
    %dma_wait3A_241 = arith.constant 0 : i32
    %dma_wait3A_242 = arith.constant 0 : i32
    %dma_wait3A_243 = tpu.memref_slice %arg6[%dma_wait3A_240, %dma_wait3A_241, %dma_wait3A_242] : memref<2x640x64xf32, #tpu.memory_space<vmem>> -> memref<1x128x64xf32, #tpu.memory_space<vmem>>
    %dma_wait3A_244 = tpu.memref_squeeze %dma_wait3A_243 : memref<1x128x64xf32, #tpu.memory_space<vmem>> -> memref<128x64xf32, #tpu.memory_space<vmem>>
    %dma_wait3A_245 = arith.constant 0 : i32
    %dma_wait3A_246 = tpu.memref_slice %arg5[%dma_wait3A_239, %dma_wait3A_245] : memref<200x128xi32, #tpu.memory_space<vmem>> -> memref<1x128xi32, #tpu.memory_space<vmem>>
    %dma_wait3A_247 = tpu.memref_squeeze %dma_wait3A_246 : memref<1x128xi32, #tpu.memory_space<vmem>> -> memref<128xi32, #tpu.memory_space<vmem>>
    %dma_wait3A_248 = arith.constant 0 : i32
    %dma_wait3A_249 = arith.constant 0 : i32
    %dma_wait3A_250 = tpu.memref_slice %arg2[%dma_wait3A_248, %dma_wait3A_249] : memref<1000000x64xf32, #tpu.memory_space<hbm>> -> memref<1000000x64xf32, #tpu.memory_space<hbm>>
    tpu.wait_indirect_dma semaphore(%arg8 : memref<!tpu.dma_semaphore, #tpu.memory_space<semaphore_mem>>) src(%dma_wait3A_250 : memref<1000000x64xf32, #tpu.memory_space<hbm>>) dst(%dma_wait3A_244 : memref<128x64xf32, #tpu.memory_space<vmem>>)
    %dma_wait3A_251 = arith.constant 0 : i32
    %dma_wait3A_252 = arith.constant 1 : i32
    %dma_wait3A_253 = arith.constant 0 : i32
    %dma_wait3A_254 = arith.constant 0 : i32
    %dma_wait3A_255 = tpu.memref_slice %arg6[%dma_wait3A_252, %dma_wait3A_253, %dma_wait3A_254] : memref<2x640x64xf32, #tpu.memory_space<vmem>> -> memref<1x128x64xf32, #tpu.memory_space<vmem>>
    %dma_wait3A_256 = tpu.memref_squeeze %dma_wait3A_255 : memref<1x128x64xf32, #tpu.memory_space<vmem>> -> memref<128x64xf32, #tpu.memory_space<vmem>>
    %dma_wait3A_257 = arith.constant 0 : i32
    %dma_wait3A_258 = tpu.memref_slice %arg5[%dma_wait3A_251, %dma_wait3A_257] : memref<200x128xi32, #tpu.memory_space<vmem>> -> memref<1x128xi32, #tpu.memory_space<vmem>>
    %dma_wait3A_259 = tpu.memref_squeeze %dma_wait3A_258 : memref<1x128xi32, #tpu.memory_space<vmem>> -> memref<128xi32, #tpu.memory_space<vmem>>
    %dma_wait3A_260 = arith.constant 0 : i32
    %dma_wait3A_261 = arith.constant 0 : i32
    %dma_wait3A_262 = tpu.memref_slice %arg2[%dma_wait3A_260, %dma_wait3A_261] : memref<1000000x64xf32, #tpu.memory_space<hbm>> -> memref<1000000x64xf32, #tpu.memory_space<hbm>>
    tpu.wait_indirect_dma semaphore(%arg8 : memref<!tpu.dma_semaphore, #tpu.memory_space<semaphore_mem>>) src(%dma_wait3A_262 : memref<1000000x64xf32, #tpu.memory_space<hbm>>) dst(%dma_wait3A_256 : memref<128x64xf32, #tpu.memory_space<vmem>>)
    %add3A_263 = arith.constant 195 : i32
    %add3A_264 = arith.addi %mul3A_2, %add3A_263 : i32
    %mul3A_265 = arith.constant 128 : i32
    %mul3A_266 = arith.muli %add3A_264, %mul3A_265 : i32
    %dma_start3A_267 = arith.constant 1 : i32
    %dma_start3A_268 = arith.constant 0 : i32
    %dma_start3A_269 = arith.constant 0 : i32
    %dma_start3A_270 = tpu.memref_slice %arg6[%dma_start3A_267, %dma_start3A_268, %dma_start3A_269] : memref<2x640x64xf32, #tpu.memory_space<vmem>> -> memref<1x640x64xf32, #tpu.memory_space<vmem>>
    %dma_start3A_271 = tpu.memref_squeeze %dma_start3A_270 : memref<1x640x64xf32, #tpu.memory_space<vmem>> -> memref<640x64xf32, #tpu.memory_space<vmem>>
    %dma_start3A_272 = arith.constant 0 : i32
    %dma_start3A_273 = tpu.memref_slice %arg4[%mul3A_266, %dma_start3A_272] : memref<819200x128xf32, #tpu.memory_space<hbm>> -> memref<640x64xf32, #tpu.memory_space<hbm>>
    %dma_start3A_274 = arith.constant 0 : i32
    %dma_start3A_275 = tpu.memref_slice %arg4[%mul3A_266, %dma_start3A_274] : memref<819200x128xf32, #tpu.memory_space<hbm>> -> memref<640x64xf32, #tpu.memory_space<hbm>>
    %dma_start3A_276 = arith.constant 0 : i32
    %dma_start3A_277 = arith.constant 0 : i32
    %dma_start3A_278 = tpu.memref_slice %arg6[%dma_start3A_267, %dma_start3A_276, %dma_start3A_277] : memref<2x640x64xf32, #tpu.memory_space<vmem>> -> memref<1x640x64xf32, #tpu.memory_space<vmem>>
    %dma_start3A_279 = tpu.memref_squeeze %dma_start3A_278 : memref<1x640x64xf32, #tpu.memory_space<vmem>> -> memref<640x64xf32, #tpu.memory_space<vmem>>
    tpu.enqueue_dma source(%dma_start3A_279 : memref<640x64xf32, #tpu.memory_space<vmem>>) target(%dma_start3A_275 : memref<640x64xf32, #tpu.memory_space<hbm>>) target_semaphore(%arg10 : memref<!tpu.dma_semaphore, #tpu.memory_space<semaphore_mem>>)
    %dma_wait3A_280 = arith.constant 0 : i32
    %dma_wait3A_281 = arith.constant 0 : i32
    %dma_wait3A_282 = arith.constant 0 : i32
    %dma_wait3A_283 = tpu.memref_slice %arg6[%dma_wait3A_280, %dma_wait3A_281, %dma_wait3A_282] : memref<2x640x64xf32, #tpu.memory_space<vmem>> -> memref<1x640x64xf32, #tpu.memory_space<vmem>>
    %dma_wait3A_284 = tpu.memref_squeeze %dma_wait3A_283 : memref<1x640x64xf32, #tpu.memory_space<vmem>> -> memref<640x64xf32, #tpu.memory_space<vmem>>
    %dma_wait3A_285 = arith.constant 0 : i32
    %dma_wait3A_286 = arith.constant 0 : i32
    %dma_wait3A_287 = tpu.memref_slice %arg4[%dma_wait3A_285, %dma_wait3A_286] : memref<819200x128xf32, #tpu.memory_space<hbm>> -> memref<640x64xf32, #tpu.memory_space<hbm>>
    %dma_wait3A_288 = arith.constant 0 : i32
    %dma_wait3A_289 = arith.constant 0 : i32
    %dma_wait3A_290 = tpu.memref_slice %arg4[%dma_wait3A_288, %dma_wait3A_289] : memref<819200x128xf32, #tpu.memory_space<hbm>> -> memref<640x64xf32, #tpu.memory_space<hbm>>
    %dma_wait3A_291 = arith.constant 0 : i32
    %dma_wait3A_292 = arith.constant 0 : i32
    %dma_wait3A_293 = tpu.memref_slice %arg6[%dma_wait3A_280, %dma_wait3A_291, %dma_wait3A_292] : memref<2x640x64xf32, #tpu.memory_space<vmem>> -> memref<1x640x64xf32, #tpu.memory_space<vmem>>
    %dma_wait3A_294 = tpu.memref_squeeze %dma_wait3A_293 : memref<1x640x64xf32, #tpu.memory_space<vmem>> -> memref<640x64xf32, #tpu.memory_space<vmem>>
    tpu.wait_dma2 semaphore(%arg9 : memref<!tpu.dma_semaphore, #tpu.memory_space<semaphore_mem>>) src(%dma_wait3A_294 : memref<640x64xf32, #tpu.memory_space<vmem>>) dst(%dma_wait3A_290 : memref<640x64xf32, #tpu.memory_space<hbm>>)
    %dma_wait3A_295 = arith.constant 1 : i32
    %dma_wait3A_296 = arith.constant 0 : i32
    %dma_wait3A_297 = arith.constant 0 : i32
    %dma_wait3A_298 = tpu.memref_slice %arg6[%dma_wait3A_295, %dma_wait3A_296, %dma_wait3A_297] : memref<2x640x64xf32, #tpu.memory_space<vmem>> -> memref<1x640x64xf32, #tpu.memory_space<vmem>>
    %dma_wait3A_299 = tpu.memref_squeeze %dma_wait3A_298 : memref<1x640x64xf32, #tpu.memory_space<vmem>> -> memref<640x64xf32, #tpu.memory_space<vmem>>
    %dma_wait3A_300 = arith.constant 0 : i32
    %dma_wait3A_301 = arith.constant 0 : i32
    %dma_wait3A_302 = tpu.memref_slice %arg4[%dma_wait3A_300, %dma_wait3A_301] : memref<819200x128xf32, #tpu.memory_space<hbm>> -> memref<640x64xf32, #tpu.memory_space<hbm>>
    %dma_wait3A_303 = arith.constant 0 : i32
    %dma_wait3A_304 = arith.constant 0 : i32
    %dma_wait3A_305 = tpu.memref_slice %arg4[%dma_wait3A_303, %dma_wait3A_304] : memref<819200x128xf32, #tpu.memory_space<hbm>> -> memref<640x64xf32, #tpu.memory_space<hbm>>
    %dma_wait3A_306 = arith.constant 0 : i32
    %dma_wait3A_307 = arith.constant 0 : i32
    %dma_wait3A_308 = tpu.memref_slice %arg6[%dma_wait3A_295, %dma_wait3A_306, %dma_wait3A_307] : memref<2x640x64xf32, #tpu.memory_space<vmem>> -> memref<1x640x64xf32, #tpu.memory_space<vmem>>
    %dma_wait3A_309 = tpu.memref_squeeze %dma_wait3A_308 : memref<1x640x64xf32, #tpu.memory_space<vmem>> -> memref<640x64xf32, #tpu.memory_space<vmem>>
    tpu.wait_dma2 semaphore(%arg10 : memref<!tpu.dma_semaphore, #tpu.memory_space<semaphore_mem>>) src(%dma_wait3A_309 : memref<640x64xf32, #tpu.memory_space<vmem>>) dst(%dma_wait3A_305 : memref<640x64xf32, #tpu.memory_space<hbm>>)
    return
  }
}

</mosaic_0001>

<sc_bundles>
// kernel: kernel.4.cloned.1.call-start
scs
__scs_entry_jumppad:
0x0: {  	(pc) =	sbr.rel $0x88, $3  }
0x1: {  	(tag) =	ssettag $0x0;
	lr =	simm.s32 $0x1  }
0x2: {  	[smem:$0x3F9F] =	sst lr;
	_ =	strace $0xD0000000  }
0x3: {  	_ = 	snop  }
0x4: {  	_ = 	snop  }
0x5: {  	_ = 	snop  }
0x6: {  	_ = 	snop  }
0x7: {  	_ = 	snop  }
__scs_overlays_trampoline_lowered:
0x8: {  	[smem:$0x3FAE] =	sst s0  }
0x9: {  	[smem:$0x3FAF] =	sst s1  }
0xa: {  	[smem:$0x3FB0] =	sst s2  }
0xb: {  	[smem:$0x3FB1] =	sst s3  }
0xc: {  	[smem:$0x3FB2] =	sst s4  }
0xd: {  	[smem:$0x3FB3] =	sst s5  }
0xe: {  	[smem:$0x3FB4] =	sst s6  }
0xf: {  	[smem:$0x3FB5] =	sst s7  }
0x10: {  	[smem:$0x3FB6] =	sst s8  }
0x11: {  	[smem:$0x3FB7] =	sst s9;
	s0 =	simm.s32 @!p0 $0x0  }
0x12: {  	s1 =	sld [smem:$0x3F9D];
	s0 =	simm.s32 @p0 $0x1  }
0x13: {  	[smem:$0x3FB8] =	sst s0;
	s0 =	simm.s32 @!p1 $0x0  }
0x14: {  	s2 =	sld [smem:$0x3F9C];
	s0 =	simm.s32 @p1 $0x1  }
0x15: {  	[smem:$0x3FB9] =	sst s0;
	s0 =	simm.s32 @!p2 $0x0  }
0x16: {  	s3 =	sld [smem:$0x3FDB];
	s0 =	simm.s32 @p2 $0x1  }
0x17: {  	s4 =	simm.s32 $0x1BF5;
	[smem:$0x3FBB] =	sst s0  }
0x18: {  	s0 =	sld [smem:$0x3F9E];
	_ =	swait.ge [sflag:s4], $0x0  }
0x19: {  	s7 =	sld [smem:$0x3F9F]  }
0x1a: {  	s8 =	sadd.s32 $0xFFFFE003, lr  }
0x1b: {  	s9 =	sadd.s32 $0xFFFFFEF7, lr;
	s5 =	simm.s32 $0xFFFFFFFF;
	p2 =	slt.u32 s8, $0xFFFFF086  }
0x1c: {  	p1 =	slt.u32 s9, $0xF7A;
	s5 =	simm.s32 @!p2 $0x0  }
0x1d: {  	s5 =	simm.s32 @p1 $0x1;
	p0 =	seq.s32 s7, s2  }
0x1e: {  	s7 =	smul.u32 @!p0 $0xF7A, s2;
	p2 =	seq.s32 @!p0 s5, $0x0  }
0x1f: {  	s9 =	smul.u32 $0xF7A, s1;
	s8 =	simm.s32 @!p0 $0x1BF5;
	p2 =	por !p2, p0  }
0x20: {  	[sflag:s8] =	ssyncset.s32 @!p0 $0xFFFFF086;
	s6 =	sadd.s32 @!p0 s3, s7;
	s7 =	simm.s32 @!p0 $0x108  }
0x21: {  	s3 =	sadd.s32 s3, s9;
	s6 =	sadd.s32 @!p0 $0x88, s6;
	s7 =	simm.s32 @p2 $0x1082  }
0x22: {  	[simem:s7], [sflag:s8] =	dma.local @!p0 [hbm:s6], $0xF7A  }
0x23: {  	s9 =	sor.u32 $0xD0000000, s2;
	s6 =	simm.s32 $0x108;
	_ =	swait.ge @!p0 [sflag:s8], $0x0  }
0x24: {  	s3 =	sadd.s32 $0x88, s3;
	s6 =	simm.s32 @!p1 $0x1082;
	[sflag:s4] =	ssyncset.s32 $0xFFFFF086  }
0x25: {  	[simem:s6], [sflag:s4] =	dma.local [hbm:s3], $0xF7A  }
0x26: {  	[smem:$0x3F9F] =	sst s1;
	(tag) =	ssettag s2;
	_ =	strace s9  }
0x27: {  	s1 =	sld [smem:$0x3FAF]  }
0x28: {  	s2 =	sld [smem:$0x3FB0]  }
0x29: {  	s4 =	sld [smem:$0x3FB2]  }
0x2a: {  	p0 =	seq.s32 s5, $0x0;
	s5 =	sld [smem:$0x3FB3]  }
0x2b: {  	s6 =	sld [smem:$0x3FB4]  }
0x2c: {  	s7 =	sld [smem:$0x3FB5]  }
0x2d: {  	s3 =	simm.s32 $0x108;
	s8 =	sld [smem:$0x3FB6]  }
0x2e: {  	s3 =	simm.s32 @!p0 $0x1082;
	s9 =	sld [smem:$0x3FB7]  }
0x2f: {  	lr =	sadd.s32 s0, s3;
	s0 =	sld [smem:$0x3FAE]  }
0x30: {  	s3 =	sld [smem:$0x3FB1]  }
0x31: {  	[smem:$0x3FBA] =	sst s10  }
0x32: {  	s10 =	sld [smem:$0x3FB8];
	_ =	sdelay $0x3  }
0x33: {  	p0 =	seq.s32 s10, $0x1;
	s10 =	sld [smem:$0x3FBA];
	_ =	sdelay $0x3  }
0x34: {  	[smem:$0x3FBA] =	sst s10  }
0x35: {  	s10 =	sld [smem:$0x3FB9];
	_ =	sdelay $0x3  }
0x36: {  	p1 =	seq.s32 s10, $0x1;
	s10 =	sld [smem:$0x3FBA];
	_ =	sdelay $0x3  }
0x37: {  	[smem:$0x3FBA] =	sst s10  }
0x38: {  	s10 =	sld [smem:$0x3FBB]  }
0x39: {  	_ = 	snop;
	(pc) =	sbr.ind lr, $3  }
0x3a: {  	_ = 	snop  }
0x3b: {  	_ = 	snop  }
0x3c: {  	p2 =	seq.s32 s10, $0x1;
	s10 =	sld [smem:$0x3FBA]  }
0x3d: {  	_ =	shalt  }
0x3e: {  	_ =	shalt  }
0x3f: {  	_ =	shalt  }
0x40: {  	_ =	shalt  }
0x41: {  	_ =	shalt  }
0x42: {  	_ =	shalt  }
0x43: {  	_ =	shalt  }
0x44: {  	_ =	shalt  }
0x45: {  	_ =	shalt  }
0x46: {  	_ =	shalt  }
0x47: {  	_ =	shalt  }
0x48: {  	_ =	shalt  }
0x49: {  	_ =	shalt  }
0x4a: {  	_ =	shalt  }
0x4b: {  	_ =	shalt  }
0x4c: {  	_ =	shalt  }
0x4d: {  	_ =	shalt  }
0x4e: {  	_ =	shalt  }
0x4f: {  	_ =	shalt  }
0x50: {  	_ =	shalt  }
0x51: {  	_ =	shalt  }
0x52: {  	_ =	shalt  }
0x53: {  	_ =	shalt  }
0x54: {  	_ =	shalt  }
0x55: {  	_ =	shalt  }
0x56: {  	_ =	shalt  }
0x57: {  	_ =	shalt  }
0x58: {  	_ =	shalt  }
0x59: {  	_ =	shalt  }
0x5a: {  	_ =	shalt  }
0x5b: {  	_ =	shalt  }
0x5c: {  	_ =	shalt  }
0x5d: {  	_ =	shalt  }
0x5e: {  	_ =	shalt  }
0x5f: {  	_ =	shalt  }
0x60: {  	_ =	shalt  }
0x61: {  	_ =	shalt  }
0x62: {  	_ =	shalt  }
0x63: {  	_ =	shalt  }
0x64: {  	_ =	shalt  }
0x65: {  	_ =	shalt  }
0x66: {  	_ =	shalt  }
0x67: {  	_ =	shalt  }
0x68: {  	_ =	shalt  }
0x69: {  	_ =	shalt  }
0x6a: {  	_ =	shalt  }
0x6b: {  	_ =	shalt  }
0x6c: {  	_ =	shalt  }
0x6d: {  	_ =	shalt  }
0x6e: {  	_ =	shalt  }
0x6f: {  	_ =	shalt  }
0x70: {  	_ =	shalt  }
0x71: {  	_ =	shalt  }
0x72: {  	_ =	shalt  }
0x73: {  	_ =	shalt  }
0x74: {  	_ =	shalt  }
0x75: {  	_ =	shalt  }
0x76: {  	_ =	shalt  }
0x77: {  	_ =	shalt  }
0x78: {  	_ =	shalt  }
0x79: {  	_ =	shalt  }
0x7a: {  	_ =	shalt  }
0x7b: {  	_ =	shalt  }
0x7c: {  	_ =	shalt  }
0x7d: {  	_ =	shalt  }
0x7e: {  	_ =	shalt  }
0x7f: {  	_ =	shalt  }
0x80: {  	_ =	shalt  }
0x81: {  	_ =	shalt  }
0x82: {  	_ =	shalt  }
0x83: {  	_ =	shalt  }
0x84: {  	_ =	shalt  }
0x85: {  	_ =	shalt  }
0x86: {  	_ =	shalt  }
0x87: {  	_ =	shalt  }
.Lfunc_end0:
.L_simem_size_0:
called_computation.1_lowered:
.L_overlay_start_0:
0x88: {  	s2 =	sld [smem:$0x3FD9]  }
0x89: {  	s3 =	sld [smem:$0x3FFE];
	_ =	sdelay $0x1  }
0x8a: {  	s1 =	srdreg.scid  }
0x8b: {  	s0 =	sand.u32 $0x1, s1  }
0x8c: {  	s17 =	sshll.u32 s0, $0xA;
	s2 =	sadd.s32 s3, s2  }
0x8d: {  	s2 =	sadd.s32 s2, s17  }
0x8e: {  	[smem:$0x3FC6] =	sst s2  }
0x8f: {  	_ = 	snop  }
0x90: {  	s2 =	sld [smem:$0x3FC8];
	(tm) =	ssettm $0x1  }
0x91: {  	s18 =	sld [smem:$0x3FFB];
	_ =	sdelay $0x3  }
0x92: {  	_ =	strace s18  }
0x93: {  	s3 =	sld [smem:$0x3FFC];
	_ =	sdelay $0x3  }
0x94: {  	_ =	strace s3  }
0x95: {  	s3 =	sld [smem:$0x3FFD];
	_ =	sdelay $0x3  }
0x96: {  	_ =	strace s3  }
0x97: {  	_ =	strace $0x8FFFFFFF  }
0x98: {  	s19 =	sld [smem:$0x3FDB];
	_ =	sdelay $0x1  }
0x99: {  	s4 =	simm.s32 $_scs_section_size  }
0x9a: {  	s5 =	simm.s32 $_size__tile_overlayer_lowered;
	s6 =	simm.s32 $_tile_overlayer_lowered  }
0x9b: {  	s22 =	simm.s32 $0x1BFF;
	s21 =	sshll.u32 s6, $0x1;
	s3 =	sadd.s32 s4, s19  }
0x9c: {  	s7 =	simm.s32 $0x0;
	s20 =	sshll.u32 s5, $0x1;
	s5 =	sadd.s32 s21, s3  }
0x9d: {  	[timem:s7], [sflag:s22] =	dma.local [hbm:s5], s20  }
0x9e: {  	_ =	swait.ge [sflag:s22], s20  }
0x9f: {  	s4 =	ssub.s32 $0x0, s20;
	[sflag:s22] =	ssyncset.done $0x0  }
0xa0: {  	[sflag:s22] =	ssyncadd.s32 s4;
	_ =	sdelay $0x1  }
0xa1: {  	s23 =	simm.s32 $0x1B8B  }
0xa2: {  	_ =	swait.ge [sflag:s23], $0x1  }
0xa3: {  	[sflag:s23] =	ssyncset.done $0x0  }
0xa4: {  	s25 =	simm.s32 $0x1B8E;
	s24 =	sld [smem:$0x3FFE];
	[sflag:s23] =	ssyncadd.s32 $0xFFFFFFFF  }
0xa5: {  	s26 =	simm.s32 $execute0_lowered;
	[smem:$0x3FD2] =	sst s25  }
0xa6: {  	s5 =	sshll.u32 s26, $0x1;
	_ =	strace $0x80000046;
	[dreg:$0x1] =	wrdreg $0xFFFFFFFF  }
0xa7: {  	s28 =	simm.s32 $_size_execute0_lowered;
	s3 =	sadd.s32 s3, s5;
	[dreg:$0x0] =	wrdreg $0x0  }
0xa8: {  	s5 =	sshll.u32 s28, $0x1;
	[dreg:$0x2] =	wrdreg s3  }
0xa9: {  	[dreg:$0x3] =	wrdreg s5  }
0xaa: {  	[dreg:$0x4] =	wrdreg $0xC0  }
0xab: {  	_ =	task [dreg:s7], $0x5FFFF  }
0xac: {  	[dreg:$0x1] =	wrdreg $0xFFFFFFFF  }
0xad: {  	[dreg:$0x0] =	wrdreg $0x60  }
0xae: {  	[dreg:$0x2] =	wrdreg s2  }
0xaf: {  	[dreg:$0x3] =	wrdreg s24  }
0xb0: {  	[dreg:$0x4] =	wrdreg $0x9  }
0xb1: {  	_ =	task.clear_ibuf [dreg:s7], $0x5FFFF;
	_ =	strace $0x90000046  }
0xb2: {  	s29 =	simm.s32 $0x9;
	_ =	strace $0x80000048  }
0xb3: {  	_ =	swait.ge [sflag:s29], $0x1  }
0xb4: {  	[sflag:s29] =	ssyncadd.s32 $0xFFFFFFFF  }
0xb5: {  	_ =	strace $0x90000048  }
0xb6: {  	_ =	sfence  }
0xb7: {  	s30 =	sld [smem:$0x0];
	_ =	sdelay $0x2  }
0xb8: {  	s31 =	sshll.u32 s1, $0xD;
	s1 =	sshrl.u32 s1, $0x2  }
0xb9: {  	s3 =	sand.u32 $0x4000, s31;
	s1 =	sadd.s32 s1, s30  }
0xba: {  	s0 =	sor.u32 s3, s0;
	s1 =	sshll.u32 s1, $0x11  }
0xbb: {  	s0 =	sor.u32 s1, s0  }
0xbc: {  	s0 =	sadd.s32 $0x8F2B, s0  }
0xbd: {  	[sflag:s0] =	ssyncadd.remote.s32 $0x1  }
0xbe: {  	_ =	sfence.sel $0xFFFF  }
0xbf: {  	[dreg:$0x0] =	wrdreg $0xFFFFFFFF;
	(pc) =	sbr.abs _section_cstart, $3  }
0xc0: {  	[dreg:$0x1] =	wrdreg $0xFFFFFFFF  }
0xc1: {  	_ =	task.clear_ibuf [dreg:s7], $0x2FFFF;
	_ =	strace $0x9FFFFFFF  }
0xc2: {  	(tm) =	ssettm $0x7FFFFFFF  }
0xc3: {  	_ =	shalt  }
tec
execute0_lowered:
.L_overlay_start_1:
0x0: {  	(tag) =	ssettag $0x1  }
0x1: {  	s0 =	rddreg [dreg:$0x0]  }
0x2: {  	s1 =	rddreg [dreg:$0x1]  }
0x3: {  	s3 =	srdreg.scid;
	s11 =	stileid.u32  }
0x4: {  	s2 =	simm.s32 $0x0;
	s28 =	simm.s32 $0x4;
	s4 =	sand.u32 $0x1, s3  }
0x5: {  	s19 =	sshll.u32 s11, $0x1;
	[smem:$0x7FF] =	sst s2;
	s5 =	sadd.s32 $0xE00, s1  }
0x6: {  	s30 =	sadd.s32 $0x7A2200, s1;
	p1 =	sgt.u32 s11, $0x1;
	s6 =	sor.u32 s4, s19  }
0x7: {  	_ =	strace $0x80000047;
	[dreg:$0x3] =	wrdreg s5;
	s3 =	smul.u32 $0xF4, s6  }
0x8: {  	s5 =	sadd.s32 $0x1200, s1;
	s4 =	ssub.s32 $0x2, s4;
	s8 =	smul.u32 $0x7A00, s6  }
0x9: {  	[dreg:$0xe] =	wrdreg s30;
	s19 =	simm.s32 $0x400;
	s9 =	smul.u32 $0x3D000, s6  }
0xa: {  	s1 =	simm.s32 $0x0;
	s7 =	sshrl.u32 s4, $0x1;
	s21 =	smul.u32 $0x1E8000, s6  }
0xb: {  	s24 =	sor.u32 $0x1E80, s6;
	p0 =	sne.s32 s6, $0x1F;
	s9 =	sadd.s32 s5, s9  }
0xc: {  	s4 =	ssub.s32 s4, s7;
	s12 =	sadd.s32 s0, s8;
	[dreg:$0x6] =	wrdreg s9  }
0xd: {  	s10 =	sor.u32 $0x1, s3;
	s31 =	smax.u32 s4, $0x1;
	[dreg:$0x4] =	wrdreg s12  }
0xe: {  	s20 =	sshll.u32 s10, $0x7;
	s23 =	sadd.s32 $0x180, s12;
	[dreg:$0xf] =	wrdreg s31  }
0xf: {  	s9 =	sadd.s32 $0x100, s0;
	s7 =	sadd.s32 s0, s20;
	[dreg:$0x9] =	wrdreg s23  }
0x10: {  	s10 =	sshll.u32 s10, $0xA;
	s8 =	sadd.s32 s8, s9;
	[dreg:$0x5] =	wrdreg s7  }
0x11: {  	s26 =	sshll.u32 s24, $0x7;
	s22 =	sadd.s32 s5, s10;
	[dreg:$0x7] =	wrdreg s8  }
0x12: {  	v0 =	vlaneseq.u32;
	s0 =	sadd.s32 s0, s26;
	s20 =	simm.s32 $0x7A1400;
	[dreg:$0x8] =	wrdreg s22  }
.Ltmp0:
0x13: {  	v0 =	vmul.u32 $0x80, v0;
	s7 =	sshrl.u32 s21, $0x3;
	s8 =	sshll.u32 s24, $0xA;
	(pc) =	sbr.rel .LBB2_1-.Ltmp0, $4  }
0x14: {  	[dreg:$0xc] =	wrdreg s0;
	s7 =	sadd.s32 s5, s7;
	s29 =	sadd.s32 s5, s8  }
0x15: {  	v1 =	vor.u32 $0x800, v0;
	s26 =	simm.s32 $0x3;
	s25 =	sadd.s32 $0x3C800, s7;
	[dreg:$0xd] =	wrdreg s29  }
0x16: {  	v2 =	vor.u32 $0x1000, v0;
	v3 =	vor.u32 $0x1800, v0;
	v4 =	vor.u32 $0x1, v0;
	s21 =	simm.s32 $0x2000;
	s7 =	sadd.s32 $0x3CC00, s7;
	[dreg:$0xa] =	wrdreg s25  }
0x17: {  	v5 =	vor.u32 $0x801, v0;
	v6 =	vor.u32 $0x1001, v0;
	v7 =	vor.u32 $0x1801, v0;
	s22 =	simm.s32 $0x1;
	s24 =	simm.s32 $0x2;
	[dreg:$0xb] =	wrdreg s7  }
.LBB2_23:
0x18: {  	s1 =	sadd.s32 $0x1, s1;
	s0 =	rddreg [dreg:$0xf]  }
0x19: {  	p2 =	sne.s32 s1, s0  }
.Ltmp1:
0x1a: {  	_ = 	snop;
	(pc) =	sbr.rel @!p2 .LBB2_24-.Ltmp1, $1  }
0x1b: {  	_ =	sdelay $0x3  }
.LBB2_1:
0x1c: {  	[dreg:$0x10] =	wrdreg s1  }
0x1d: {  	s0 =	rddreg [dreg:$0x4];
	s6 =	simm.s32 $0xA  }
0x1e: {  	[tilespmem:s2], [sflag:$0x1] =	stream.strided.gather [hbm4b:s0+s19], $0x2000, s20, s19, $0x38;
	[tilespmem:$0x8000] =	vst v63  }
0x1f: {  	s30 =	rddreg [dreg:$0x5];
	v8 =	vor.u32 s6, v0  }
0x20: {  	[tilespmem:s21], [sflag:$0x2] =	stream.strided.gather [hbm4b:s30+s19], $0x2000, s20, s19, $0x38;
	[tilespmem:$0x8000] =	vst v63  }
0x21: {  	_ =	swait.ge [sflag:s22], $0x2000  }
0x22: {  	s8 =	simm.s32 $0x6;
	[sflag:s22] =	ssyncset.done $0x0  }
0x23: {  	v10 =	vor.u32 s8, v0;
	[sflag:s22] =	ssyncadd.s32 $0xFFFFE000  }
0x24: {  	v11 =	vor.u32 s2, v0;
	v8 =	vld.idx.msk [tilespmem:v8+s2+$0x0], $0xffff  }
0x25: {  	s1 =	simm.s32 $0xC;
	v9 =	vor.u32 s6, v1  }
0x26: {  	v12 =	vor.u32 s1, v0;
	_ =	sdelay $0x1  }
0x27: {  	s16 =	simm.s32 $0xE;
	s0 =	simm.s32 $0x4200;
	v10 =	vld.idx.msk [tilespmem:v10+s2+$0x0], $0xffff  }
0x28: {  	v15 =	vor.u32 s16, v0;
	v11 =	vld.idx.msk [tilespmem:v11+s2+$0x0], $0xffff;
	[tilespmem:s0+$0x80] =	vst v8  }
0x29: {  	v16 =	vor.u32 s2, v1;
	v9 =	vld.idx.msk [tilespmem:v9+s2+$0x0], $0xffff  }
0x2a: {  	v13 =	vor.u32 s6, v2;
	v12 =	vld.idx.msk [tilespmem:v12+s2+$0x0], $0xffff  }
0x2b: {  	v14 =	vor.u32 s8, v1  }
0x2c: {  	s4 =	simm.s32 $0x4;
	v17 =	vor.u32 s1, v1;
	[tilespmem:s0+$0xFFFFFF80] =	vst v10  }
0x2d: {  	s15 =	simm.s32 $0x2;
	v8 =	vor.u32 s4, v0;
	[tilespmem:s0+$0xFFFFFE00] =	vst v11;
	v11 =	vld.idx.msk [tilespmem:v15+s2+$0x0], $0xffff  }
0x2e: {  	s7 =	simm.s32 $0x8;
	v16 =	vld.idx.msk [tilespmem:v16+s2+$0x0], $0xffff;
	[tilespmem:s0+$0x90] =	vst v9;
	v9 =	vor.u32 s15, v0  }
0x2f: {  	[tilespmem:s0+$0x100] =	vst v12;
	v12 =	vor.u32 s7, v0;
	v10 =	vld.idx.msk [tilespmem:v13+s2+$0x0], $0xffff  }
0x30: {  	v18 =	vor.u32 s16, v1;
	v13 =	vld.idx.msk [tilespmem:v14+s2+$0x0], $0xffff  }
0x31: {  	v15 =	vor.u32 s8, v2;
	v17 =	vld.idx.msk [tilespmem:v17+s2+$0x0], $0xffff  }
0x32: {  	v8 =	vld.idx.msk [tilespmem:v8+s2+$0x0], $0xffff;
	v14 =	vor.u32 s6, v3  }
0x33: {  	v19 =	vor.u32 s2, v2;
	[tilespmem:s0+$0x180] =	vst v11;
	v9 =	vld.idx.msk [tilespmem:v9+s2+$0x0], $0xffff  }
0x34: {  	v12 =	vld.idx.msk [tilespmem:v12+s2+$0x0], $0xffff;
	[tilespmem:s0+$0xA0] =	vst v10;
	v10 =	vor.u32 s15, v1  }
0x35: {  	v18 =	vld.idx.msk [tilespmem:v18+s2+$0x0], $0xffff;
	[tilespmem:s0+$0xFFFFFF90] =	vst v13;
	v13 =	vor.u32 s4, v1  }
0x36: {  	v20 =	vor.u32 s16, v2;
	[tilespmem:s0+$0xFFFFFE10] =	vst v16;
	v11 =	vld.idx.msk [tilespmem:v15+s2+$0x0], $0xffff  }
0x37: {  	[tilespmem:s0+$0xFFFFFF00] =	vst v8;
	v14 =	vld.idx.msk [tilespmem:v14+s2+$0x0], $0xffff;
	v15 =	vor.u32 s8, v3  }
0x38: {  	v16 =	vor.u32 s6, v4;
	[tilespmem:s0+$0xFFFFFE80] =	vst v9;
	v9 =	vld.idx.msk [tilespmem:v19+s2+$0x0], $0xffff  }
0x39: {  	[tilespmem:s0+$0x0] =	vst v12;
	v19 =	vor.u32 s7, v1;
	v8 =	vld.idx.msk [tilespmem:v10+s2+$0x0], $0xffff  }
0x3a: {  	[tilespmem:s0+$0x190] =	vst v18;
	v10 =	vld.idx.msk [tilespmem:v13+s2+$0x0], $0xffff;
	v13 =	vor.u32 s2, v3  }
0x3b: {  	v12 =	vld.idx.msk [tilespmem:v20+s2+$0x0], $0xffff;
	[tilespmem:s0+$0xFFFFFFA0] =	vst v11;
	v11 =	vor.u32 s1, v2  }
0x3c: {  	[tilespmem:s0+$0xB0] =	vst v14;
	v14 =	vld.idx.msk [tilespmem:v15+s2+$0x0], $0xffff;
	v15 =	vor.u32 s4, v2  }
0x3d: {  	v18 =	vor.u32 s8, v4;
	v16 =	vld.idx.msk [tilespmem:v16+s2+$0x0], $0xffff  }
0x3e: {  	v20 =	vor.u32 s6, v5;
	v19 =	vld.idx.msk [tilespmem:v19+s2+$0x0], $0xffff;
	[tilespmem:s0+$0xFFFFFE20] =	vst v9  }
0x3f: {  	[tilespmem:s0+$0x110] =	vst v17;
	v17 =	vor.u32 s16, v3;
	v13 =	vld.idx.msk [tilespmem:v13+s2+$0x0], $0xffff  }
0x40: {  	v21 =	vor.u32 s7, v2;
	[tilespmem:s0+$0xFFFFFF10] =	vst v10;
	v11 =	vld.idx.msk [tilespmem:v11+s2+$0x0], $0xffff  }
0x41: {  	v10 =	vor.u32 s1, v3;
	v9 =	vld.idx.msk [tilespmem:v15+s2+$0x0], $0xffff;
	[tilespmem:s0+$0xFFFFFFB0] =	vst v14  }
0x42: {  	v14 =	vor.u32 s2, v4;
	[tilespmem:s0+$0xC0] =	vst v16;
	v15 =	vld.idx.msk [tilespmem:v18+s2+$0x0], $0xffff  }
0x43: {  	[tilespmem:s0+$0x1A0] =	vst v12;
	v18 =	vld.idx.msk [tilespmem:v20+s2+$0x0], $0xffff;
	v20 =	vor.u32 s8, v5  }
0x44: {  	v16 =	vor.u32 s15, v2;
	[tilespmem:s0+$0x10] =	vst v19;
	v19 =	vld.idx.msk [tilespmem:v17+s2+$0x0], $0xffff  }
0x45: {  	v22 =	vor.u32 s6, v6;
	v21 =	vld.idx.msk [tilespmem:v21+s2+$0x0], $0xffff;
	[tilespmem:s0+$0x120] =	vst v11  }
0x46: {  	v23 =	vor.u32 s16, v4;
	[tilespmem:s0+$0xFFFFFE30] =	vst v13;
	v13 =	vld.idx.msk [tilespmem:v10+s2+$0x0], $0xffff  }
0x47: {  	v11 =	vor.u32 s7, v3;
	v12 =	vld.idx.msk [tilespmem:v14+s2+$0x0], $0xffff;
	[tilespmem:s0+$0xFFFFFFC0] =	vst v15  }
0x48: {  	[tilespmem:s0+$0xFFFFFE90] =	vst v8;
	v15 =	vld.idx.msk [tilespmem:v20+s2+$0x0], $0xffff;
	v20 =	vor.u32 s4, v3  }
0x49: {  	v14 =	vld.idx.msk [tilespmem:v16+s2+$0x0], $0xffff;
	[tilespmem:s0+$0xD0] =	vst v18  }
0x4a: {  	s17 =	simm.s32 $0x0;
	v8 =	vor.u32 s6, v7;
	v17 =	vor.u32 s15, v3;
	v16 =	vld.idx.msk [tilespmem:v22+s2+$0x0], $0xffff;
	[tilespmem:s0+$0x1B0] =	vst v19  }
0x4b: {  	s11 =	simm.s32 $0x10;
	s31 =	simm.s32 $0x4600;
	s10 =	simm.s32 $0x0;
	v10 =	vor.u32 s7, v4;
	v18 =	vor.u32 s8, v6;
	[tilespmem:s0+$0x20] =	vst v21;
	v19 =	vld.idx.msk [tilespmem:v23+s2+$0x0], $0xffff  }
.LBB2_2:
0x4c: {  	v21 =	vor.u32 s11, v0;
	s13 =	sadd.s32 $0x2, s11;
	s18 =	sadd.s32 $0x8, s11;
	s14 =	sadd.s32 $0xC, s11;
	[tilespmem:s0+$0xFFFFFF20] =	vst v9;
	v22 =	vld.idx.msk [tilespmem:v11+s2+$0x0], $0xffff;
	v23 =	vor.u32 s16, v5  }
0x4d: {  	s6 =	sadd.s32 $0x4, s11;
	s12 =	sadd.s32 $0xA, s11;
	s29 =	sadd.s32 $0xE, s11;
	v11 =	vor.u32 s13, v0;
	v9 =	vor.u32 s18, v0;
	v24 =	vor.u32 s14, v0;
	v20 =	vld.idx.msk [tilespmem:v20+s2+$0x0], $0xffff  }
0x4e: {  	s25 =	sadd.s32 $0x6, s11;
	s17 =	sadd.s32 $0x8, s17;
	v25 =	vor.u32 s6, v0;
	v26 =	vor.u32 s12, v0;
	v27 =	vor.u32 s29, v0;
	[tilespmem:s0+$0xFFFFFEA0] =	vst v14  }
0x4f: {  	v28 =	vor.u32 s12, v7;
	p2 =	slt.u32 s17, $0x38;
	v14 =	vor.u32 s25, v0;
	v17 =	vld.idx.msk [tilespmem:v17+s2+$0x0], $0xffff;
	[tilespmem:s0+$0xFFFFFFD0] =	vst v15  }
0x50: {  	v29 =	vor.u32 s4, v4;
	v18 =	vld.idx.msk [tilespmem:v18+s2+$0x0], $0xffff;
	[tilespmem:s0+$0xE0] =	vst v16  }
0x51: {  	v30 =	vor.u32 s15, v4;
	v31 =	vld.idx.msk [tilespmem:v8+s2+$0x0], $0xffff;
	[tilespmem:s0+$0x1C0] =	vst v19;
	v8 =	vmov v28  }
0x52: {  	v19 =	vld.idx.msk [tilespmem:v21+s2+$0x0], $0xffff;
	v21 =	vor.u32 s8, v7;
	[tilespmem:s0+$0x30] =	vst v22;
	s8 =	smov.u32 s25  }
0x53: {  	v22 =	vor.u32 s11, v1;
	[tilespmem:s0+$0xFFFFFF30] =	vst v20;
	v20 =	vld.idx.msk [tilespmem:v23+s2+$0x0], $0xffff  }
0x54: {  	v15 =	vor.u32 s13, v1;
	[tilespmem:s0+$0xFFFFFE40] =	vst v12;
	v10 =	vld.idx.msk [tilespmem:v10+s2+$0x0], $0xffff  }
0x55: {  	v16 =	vor.u32 s29, v1;
	[tilespmem:s0+$0xFFFFFEB0] =	vst v17;
	v23 =	vld.idx.msk [tilespmem:v29+s2+$0x0], $0xffff  }
0x56: {  	v12 =	vor.u32 s18, v1;
	v28 =	vld.idx.msk [tilespmem:v30+s2+$0x0], $0xffff;
	[tilespmem:s0+$0xFFFFFFE0] =	vst v18;
	v18 =	vor.u32 s7, v5  }
0x57: {  	v29 =	vor.u32 s12, v1;
	v21 =	vld.idx.msk [tilespmem:v21+s2+$0x0], $0xffff;
	[tilespmem:s0+$0xF0] =	vst v31  }
0x58: {  	[tilespmem:s31+$0xFFFFFE00] =	vst v19;
	v19 =	vld.idx.msk [tilespmem:v26+s2+$0x0], $0xffff;
	v26 =	vor.u32 s4, v5  }
0x59: {  	v17 =	vor.u32 s6, v1;
	v30 =	vor.u32 s1, v4;
	v25 =	vld.idx.msk [tilespmem:v25+s2+$0x0], $0xffff;
	[tilespmem:s0+$0x1D0] =	vst v20  }
0x5a: {  	v31 =	vor.u32 s16, v6;
	v20 =	vor.u32 s8, v1;
	v27 =	vld.idx.msk [tilespmem:v27+s2+$0x0], $0xffff;
	[tilespmem:s0+$0x40] =	vst v10  }
0x5b: {  	v32 =	vor.u32 s11, v2;
	v10 =	vor.u32 s13, v2;
	[tilespmem:s0+$0xFFFFFF40] =	vst v23;
	v23 =	vld.idx.msk [tilespmem:v18+s2+$0x0], $0xffff  }
0x5c: {  	v18 =	vor.u32 s29, v2;
	v33 =	vld.idx.msk [tilespmem:v14+s2+$0x0], $0xffff;
	[tilespmem:s0+$0xFFFFFEC0] =	vst v28  }
0x5d: {  	v14 =	vor.u32 s18, v2;
	v28 =	vor.u32 s10, v5;
	v26 =	vld.idx.msk [tilespmem:v26+s2+$0x0], $0xffff;
	[tilespmem:s0+$0x130] =	vst v13  }
0x5e: {  	v34 =	vor.u32 s15, v5;
	[tilespmem:s31+$0x80] =	vst v19;
	v19 =	vor.u32 s12, v2;
	v30 =	vld.idx.msk [tilespmem:v30+s2+$0x0], $0xffff  }
0x5f: {  	v35 =	vor.u32 s14, v1;
	[tilespmem:s0+$0xFFFFFFF0] =	vst v21;
	v21 =	vor.u32 s7, v6;
	v31 =	vld.idx.msk [tilespmem:v31+s2+$0x0], $0xffff  }
0x60: {  	v13 =	vor.u32 s6, v2;
	v24 =	vld.idx.msk [tilespmem:v24+s2+$0x0], $0xffff;
	[tilespmem:s31+$0x180] =	vst v27;
	v27 =	vor.u32 s1, v5  }
0x61: {  	v36 =	vor.u32 s8, v2;
	v29 =	vld.idx.msk [tilespmem:v29+s2+$0x0], $0xffff;
	[tilespmem:s0+$0x50] =	vst v23;
	v23 =	vor.u32 s16, v7;
	s16 =	smov.u32 s29  }
0x62: {  	[tilespmem:s31+$0xFFFFFF00] =	vst v25;
	v25 =	vld.idx.msk [tilespmem:v28+s2+$0x0], $0xffff;
	v28 =	vor.u32 s4, v6  }
0x63: {  	v34 =	vld.idx.msk [tilespmem:v34+s2+$0x0], $0xffff;
	[tilespmem:s0+$0xFFFFFF50] =	vst v26  }
0x64: {  	v21 =	vld.idx.msk [tilespmem:v21+s2+$0x0], $0xffff;
	[tilespmem:s0+$0x140] =	vst v30  }
0x65: {  	v26 =	vor.u32 s10, v6;
	v27 =	vld.idx.msk [tilespmem:v27+s2+$0x0], $0xffff;
	[tilespmem:s0+$0x1E0] =	vst v31  }
0x66: {  	v30 =	vor.u32 s15, v6;
	[tilespmem:s31+$0xFFFFFF80] =	vst v33;
	v23 =	vld.idx.msk [tilespmem:v23+s2+$0x0], $0xffff  }
0x67: {  	[tilespmem:s31+$0x90] =	vst v29;
	v28 =	vld.idx.msk [tilespmem:v28+s2+$0x0], $0xffff  }
0x68: {  	v19 =	vld.idx.msk [tilespmem:v19+s2+$0x0], $0xffff;
	[tilespmem:s0+$0xFFFFFE50] =	vst v25;
	v25 =	vor.u32 s1, v6  }
0x69: {  	v29 =	vor.u32 s7, v7;
	s7 =	smov.u32 s18;
	v22 =	vld.idx.msk [tilespmem:v22+s2+$0x0], $0xffff;
	[tilespmem:s0+$0xFFFFFED0] =	vst v34  }
0x6a: {  	v26 =	vld.idx.msk [tilespmem:v26+s2+$0x0], $0xffff;
	[tilespmem:s0+$0x60] =	vst v21  }
0x6b: {  	v21 =	vld.idx.msk [tilespmem:v30+s2+$0x0], $0xffff;
	v30 =	vor.u32 s4, v7;
	[tilespmem:s0+$0x150] =	vst v27;
	s4 =	smov.u32 s6  }
0x6c: {  	v27 =	vor.u32 s12, v3;
	v20 =	vld.idx.msk [tilespmem:v20+s2+$0x0], $0xffff;
	[tilespmem:s0+$0x1F0] =	vst v23  }
0x6d: {  	[tilespmem:s31+$0x100] =	vst v24;
	v23 =	vld.idx.msk [tilespmem:v25+s2+$0x0], $0xffff  }
0x6e: {  	[tilespmem:s31+$0xA0] =	vst v19;
	v19 =	vld.idx.msk [tilespmem:v29+s2+$0x0], $0xffff  }
0x6f: {  	v25 =	vor.u32 s1, v7;
	s1 =	smov.u32 s14;
	v24 =	vld.idx.msk [tilespmem:v35+s2+$0x0], $0xffff;
	[tilespmem:s0+$0xFFFFFF60] =	vst v28  }
0x70: {  	v28 =	vor.u32 s15, v7;
	s15 =	smov.u32 s13;
	[tilespmem:s31+$0xFFFFFE10] =	vst v22;
	v22 =	vor.u32 s10, v7;
	v29 =	vld.idx.msk [tilespmem:v30+s2+$0x0], $0xffff;
	s10 =	smov.u32 s11  }
0x71: {  	v27 =	vld.idx.msk [tilespmem:v27+s2+$0x0], $0xffff;
	[tilespmem:s0+$0xFFFFFEE0] =	vst v21  }
0x72: {  	v11 =	vld.idx.msk [tilespmem:v11+s2+$0x0], $0xffff;
	[tilespmem:s31+$0xFFFFFF90] =	vst v20  }
0x73: {  	v20 =	vld.idx.msk [tilespmem:v36+s2+$0x0], $0xffff;
	[tilespmem:s0+$0x160] =	vst v23  }
0x74: {  	[tilespmem:s0+$0xFFFFFE60] =	vst v26;
	v21 =	vld.idx.msk [tilespmem:v25+s2+$0x0], $0xffff  }
0x75: {  	v22 =	vld.idx.msk [tilespmem:v22+s2+$0x0], $0xffff;
	[tilespmem:s0+$0x70] =	vst v19  }
0x76: {  	v19 =	vld.idx.msk [tilespmem:v28+s2+$0x0], $0xffff;
	[tilespmem:s0+$0xFFFFFF70] =	vst v29  }
0x77: {  	v23 =	vor.u32 s8, v3;
	[tilespmem:s31+$0xB0] =	vst v27;
	v16 =	vld.idx.msk [tilespmem:v16+s2+$0x0], $0xffff  }
0x78: {  	[tilespmem:s31+$0xFFFFFE80] =	vst v11;
	v9 =	vld.idx.msk [tilespmem:v9+s2+$0x0], $0xffff;
	v11 =	vor.u32 s12, v4  }
0x79: {  	v25 =	vld.idx.msk [tilespmem:v32+s2+$0x0], $0xffff;
	[tilespmem:s31+$0xFFFFFFA0] =	vst v20  }
0x7a: {  	v15 =	vld.idx.msk [tilespmem:v15+s2+$0x0], $0xffff;
	[tilespmem:s0+$0x170] =	vst v21  }
0x7b: {  	v20 =	vor.u32 s1, v2;
	v17 =	vld.idx.msk [tilespmem:v17+s2+$0x0], $0xffff;
	[tilespmem:s0+$0xFFFFFE70] =	vst v22  }
0x7c: {  	v21 =	vor.u32 s11, v3;
	v22 =	vld.idx.msk [tilespmem:v23+s2+$0x0], $0xffff;
	[tilespmem:s0+$0xFFFFFEF0] =	vst v19;
	s0 =	smov.u32 s31  }
0x7d: {  	v11 =	vld.idx.msk [tilespmem:v11+s2+$0x0], $0xffff;
	[tilespmem:s31+$0x190] =	vst v16  }
0x7e: {  	v16 =	vor.u32 s8, v4;
	[tilespmem:s31+$0x0] =	vst v9;
	v18 =	vld.idx.msk [tilespmem:v18+s2+$0x0], $0xffff  }
0x7f: {  	v19 =	vor.u32 s12, v5;
	v12 =	vld.idx.msk [tilespmem:v12+s2+$0x0], $0xffff;
	[tilespmem:s31+$0x110] =	vst v24  }
0x80: {  	v23 =	vor.u32 s16, v3;
	[tilespmem:s31+$0xFFFFFE20] =	vst v25;
	v20 =	vld.idx.msk [tilespmem:v20+s2+$0x0], $0xffff  }
0x81: {  	v21 =	vld.idx.msk [tilespmem:v21+s2+$0x0], $0xffff;
	[tilespmem:s31+$0xFFFFFF10] =	vst v17  }
0x82: {  	v9 =	vld.idx.msk [tilespmem:v13+s2+$0x0], $0xffff;
	[tilespmem:s31+$0xFFFFFFB0] =	vst v22;
	v13 =	vor.u32 s1, v3  }
0x83: {  	v17 =	vor.u32 s11, v4;
	v16 =	vld.idx.msk [tilespmem:v16+s2+$0x0], $0xffff;
	[tilespmem:s31+$0xC0] =	vst v11  }
0x84: {  	v19 =	vld.idx.msk [tilespmem:v19+s2+$0x0], $0xffff;
	[tilespmem:s31+$0x1A0] =	vst v18  }
0x85: {  	v18 =	vor.u32 s8, v5;
	[tilespmem:s31+$0x10] =	vst v12;
	v22 =	vld.idx.msk [tilespmem:v23+s2+$0x0], $0xffff  }
0x86: {  	v24 =	vor.u32 s12, v6;
	v23 =	vld.idx.msk [tilespmem:v14+s2+$0x0], $0xffff;
	[tilespmem:s31+$0x120] =	vst v20  }
0x87: {  	[tilespmem:s31+$0xFFFFFE30] =	vst v21;
	v13 =	vld.idx.msk [tilespmem:v13+s2+$0x0], $0xffff;
	v21 =	vor.u32 s16, v4  }
.Ltmp2:
0x88: {  	v11 =	vor.u32 s7, v3;
	v12 =	vld.idx.msk [tilespmem:v17+s2+$0x0], $0xffff;
	[tilespmem:s31+$0xFFFFFE90] =	vst v15;
	(pc) =	sbr.rel @p2 .LBB2_2-.Ltmp2, $4  }
0x89: {  	v20 =	vor.u32 s4, v3;
	v14 =	vld.idx.msk [tilespmem:v10+s2+$0x0], $0xffff;
	[tilespmem:s31+$0xFFFFFFC0] =	vst v16  }
0x8a: {  	v15 =	vld.idx.msk [tilespmem:v18+s2+$0x0], $0xffff;
	[tilespmem:s31+$0xD0] =	vst v19  }
0x8b: {  	v17 =	vor.u32 s15, v3;
	v16 =	vld.idx.msk [tilespmem:v24+s2+$0x0], $0xffff;
	[tilespmem:s31+$0x1B0] =	vst v22  }
0x8c: {  	s11 =	sadd.s32 $0x10, s11;
	v10 =	vor.u32 s7, v4;
	v18 =	vor.u32 s8, v6;
	s31 =	sadd.s32 $0x400, s31;
	[tilespmem:s0+$0x20] =	vst v23;
	v19 =	vld.idx.msk [tilespmem:v21+s2+$0x0], $0xffff  }
0x8d: {  	_ =	sdelay $0x2  }
0x8e: {  	[tilespmem:s0+$0xFFFFFF20] =	vst v9  }
0x8f: {  	v9 =	vld.idx.msk [tilespmem:v11+s2+$0x0], $0xffff;
	[tilespmem:s0+$0xFFFFFE40] =	vst v12  }
0x90: {  	v11 =	vld.idx.msk [tilespmem:v20+s2+$0x0], $0xffff;
	[tilespmem:s0+$0xFFFFFEA0] =	vst v14  }
0x91: {  	v14 =	vor.u32 s4, v4;
	[tilespmem:s0+$0xFFFFFFD0] =	vst v15  }
0x92: {  	v15 =	vld.idx.msk [tilespmem:v17+s2+$0x0], $0xffff;
	[tilespmem:s0+$0xE0] =	vst v16;
	v16 =	vor.u32 s1, v4  }
0x93: {  	[tilespmem:s0+$0x130] =	vst v13;
	v17 =	vor.u32 s16, v5;
	v18 =	vld.idx.msk [tilespmem:v18+s2+$0x0], $0xffff  }
0x94: {  	v8 =	vld.idx.msk [tilespmem:v8+s2+$0x0], $0xffff;
	[tilespmem:s0+$0x30] =	vst v9;
	v9 =	vor.u32 s15, v4  }
0x95: {  	[tilespmem:s0+$0xFFFFFF30] =	vst v11;
	v11 =	vor.u32 s8, v7;
	v10 =	vld.idx.msk [tilespmem:v10+s2+$0x0], $0xffff  }
0x96: {  	[tilespmem:s0+$0x1C0] =	vst v19;
	v12 =	vld.idx.msk [tilespmem:v14+s2+$0x0], $0xffff;
	v14 =	vor.u32 s7, v5  }
0x97: {  	v13 =	vor.u32 s4, v5;
	[tilespmem:s0+$0xFFFFFEB0] =	vst v15;
	v15 =	vld.idx.msk [tilespmem:v16+s2+$0x0], $0xffff  }
0x98: {  	v16 =	vld.idx.msk [tilespmem:v17+s2+$0x0], $0xffff;
	[tilespmem:s0+$0xFFFFFFE0] =	vst v18;
	v17 =	vor.u32 s1, v5  }
0x99: {  	[tilespmem:s0+$0xF0] =	vst v8;
	v8 =	vor.u32 s10, v5;
	v9 =	vld.idx.msk [tilespmem:v9+s2+$0x0], $0xffff  }
0x9a: {  	v11 =	vld.idx.msk [tilespmem:v11+s2+$0x0], $0xffff;
	[tilespmem:s0+$0x40] =	vst v10;
	v10 =	vor.u32 s15, v5  }
0x9b: {  	v18 =	vor.u32 s16, v6;
	[tilespmem:s0+$0xFFFFFF40] =	vst v12;
	v12 =	vld.idx.msk [tilespmem:v14+s2+$0x0], $0xffff  }
0x9c: {  	v14 =	vor.u32 s7, v6;
	v13 =	vld.idx.msk [tilespmem:v13+s2+$0x0], $0xffff;
	[tilespmem:s0+$0x140] =	vst v15  }
0x9d: {  	[tilespmem:s0+$0x1D0] =	vst v16;
	v15 =	vor.u32 s4, v6;
	v16 =	vld.idx.msk [tilespmem:v17+s2+$0x0], $0xffff  }
0x9e: {  	v8 =	vld.idx.msk [tilespmem:v8+s2+$0x0], $0xffff;
	[tilespmem:s0+$0xFFFFFEC0] =	vst v9;
	v9 =	vor.u32 s1, v6  }
0x9f: {  	[tilespmem:s0+$0xFFFFFFF0] =	vst v11;
	v10 =	vld.idx.msk [tilespmem:v10+s2+$0x0], $0xffff;
	v11 =	vor.u32 s10, v6  }
0xa0: {  	v17 =	vld.idx.msk [tilespmem:v18+s2+$0x0], $0xffff;
	[tilespmem:s0+$0x50] =	vst v12;
	v12 =	vor.u32 s15, v6  }
0xa1: {  	v18 =	vor.u32 s16, v7;
	[tilespmem:s0+$0xFFFFFF50] =	vst v13;
	v13 =	vld.idx.msk [tilespmem:v14+s2+$0x0], $0xffff  }
0xa2: {  	v14 =	vld.idx.msk [tilespmem:v15+s2+$0x0], $0xffff;
	v15 =	vor.u32 s7, v7;
	[tilespmem:s0+$0x150] =	vst v16  }
0xa3: {  	[tilespmem:s0+$0xFFFFFE50] =	vst v8;
	v8 =	vor.u32 s4, v7;
	v9 =	vld.idx.msk [tilespmem:v9+s2+$0x0], $0xffff  }
0xa4: {  	[tilespmem:s0+$0xFFFFFED0] =	vst v10;
	v10 =	vld.idx.msk [tilespmem:v11+s2+$0x0], $0xffff;
	v11 =	vor.u32 s1, v7  }
0xa5: {  	[tilespmem:s0+$0x1E0] =	vst v17;
	v16 =	vor.u32 s10, v7;
	v12 =	vld.idx.msk [tilespmem:v12+s2+$0x0], $0xffff  }
0xa6: {  	v17 =	vld.idx.msk [tilespmem:v18+s2+$0x0], $0xffff;
	[tilespmem:s0+$0x60] =	vst v13;
	v13 =	vor.u32 s15, v7  }
0xa7: {  	v15 =	vld.idx.msk [tilespmem:v15+s2+$0x0], $0xffff;
	[tilespmem:s0+$0xFFFFFF60] =	vst v14  }
0xa8: {  	v8 =	vld.idx.msk [tilespmem:v8+s2+$0x0], $0xffff;
	[tilespmem:s0+$0x160] =	vst v9  }
0xa9: {  	[tilespmem:s0+$0xFFFFFE60] =	vst v10;
	v9 =	vld.idx.msk [tilespmem:v11+s2+$0x0], $0xffff  }
0xaa: {  	[tilespmem:s0+$0xFFFFFEE0] =	vst v12;
	v10 =	vld.idx.msk [tilespmem:v16+s2+$0x0], $0xffff  }
0xab: {  	[tilespmem:s0+$0x1F0] =	vst v17;
	v11 =	vld.idx.msk [tilespmem:v13+s2+$0x0], $0xffff  }
0xac: {  	[tilespmem:s0+$0x70] =	vst v15  }
0xad: {  	[tilespmem:s0+$0xFFFFFF70] =	vst v8  }
0xae: {  	[tilespmem:s0+$0x170] =	vst v9  }
0xaf: {  	[tilespmem:s0+$0xFFFFFE70] =	vst v10  }
0xb0: {  	s30 =	simm.s32 $0x4000;
	[tilespmem:s0+$0xFFFFFEF0] =	vst v11  }
0xb1: {  	s6 =	simm.s32 $0xA;
	s1 =	simm.s32 $0x0;
	s0 =	rddreg [dreg:$0x6]  }
0xb2: {  	[hbm4b:s0+s1] =	stream.linear.scatter [tilespmem:s30], [sflag:$0x3], $0x2000, $0x38;
	[tilespmem:$0x8000] =	vst v63  }
0xb3: {  	v8 =	vor.u32 s6, v0;
	s31 =	rddreg [dreg:$0x7]  }
0xb4: {  	[tilespmem:s1], [sflag:$0x1] =	stream.strided.gather [hbm4b:s31+s19], $0x2000, s20, s19, $0x38;
	[tilespmem:$0x8000] =	vst v63  }
0xb5: {  	_ =	swait.ge [sflag:s24], $0x2000  }
0xb6: {  	s8 =	simm.s32 $0x6;
	[sflag:s24] =	ssyncset.done $0x0  }
0xb7: {  	v10 =	vor.u32 s8, v0;
	[sflag:s24] =	ssyncadd.s32 $0xFFFFE000  }
0xb8: {  	v11 =	vor.u32 s1, v0;
	v8 =	vld.idx.msk [tilespmem:v8+s21+$0x0], $0xffff  }
0xb9: {  	s4 =	simm.s32 $0xC;
	v9 =	vor.u32 s6, v1  }
0xba: {  	v12 =	vor.u32 s4, v0;
	_ =	sdelay $0x1  }
0xbb: {  	s17 =	simm.s32 $0xE;
	s0 =	simm.s32 $0x63F0;
	v10 =	vld.idx.msk [tilespmem:v10+s21+$0x0], $0xffff  }
0xbc: {  	v15 =	vor.u32 s17, v0;
	v11 =	vld.idx.msk [tilespmem:v11+s21+$0x0], $0xffff;
	[tilespmem:s0+$0xFFFFFE90] =	vst v8  }
0xbd: {  	v16 =	vor.u32 s1, v1;
	v9 =	vld.idx.msk [tilespmem:v9+s21+$0x0], $0xffff  }
0xbe: {  	v13 =	vor.u32 s6, v2;
	v12 =	vld.idx.msk [tilespmem:v12+s21+$0x0], $0xffff  }
0xbf: {  	v14 =	vor.u32 s8, v1  }
0xc0: {  	s15 =	simm.s32 $0x4;
	v17 =	vor.u32 s4, v1;
	[tilespmem:s0+$0xFFFFFD90] =	vst v10  }
0xc1: {  	s16 =	simm.s32 $0x2;
	v8 =	vor.u32 s15, v0;
	[tilespmem:s0+$0xFFFFFC10] =	vst v11;
	v11 =	vld.idx.msk [tilespmem:v15+s21+$0x0], $0xffff  }
0xc2: {  	s7 =	simm.s32 $0x8;
	v16 =	vld.idx.msk [tilespmem:v16+s21+$0x0], $0xffff;
	[tilespmem:s0+$0xFFFFFEA0] =	vst v9;
	v9 =	vor.u32 s16, v0  }
0xc3: {  	[tilespmem:s0+$0xFFFFFF10] =	vst v12;
	v12 =	vor.u32 s7, v0;
	v10 =	vld.idx.msk [tilespmem:v13+s21+$0x0], $0xffff  }
0xc4: {  	v18 =	vor.u32 s17, v1;
	v13 =	vld.idx.msk [tilespmem:v14+s21+$0x0], $0xffff  }
0xc5: {  	v15 =	vor.u32 s8, v2;
	v17 =	vld.idx.msk [tilespmem:v17+s21+$0x0], $0xffff  }
0xc6: {  	v8 =	vld.idx.msk [tilespmem:v8+s21+$0x0], $0xffff;
	v14 =	vor.u32 s6, v3  }
0xc7: {  	v19 =	vor.u32 s1, v2;
	[tilespmem:s0+$0xFFFFFF90] =	vst v11;
	v9 =	vld.idx.msk [tilespmem:v9+s21+$0x0], $0xffff  }
0xc8: {  	v12 =	vld.idx.msk [tilespmem:v12+s21+$0x0], $0xffff;
	[tilespmem:s0+$0xFFFFFEB0] =	vst v10;
	v10 =	vor.u32 s16, v1  }
0xc9: {  	v18 =	vld.idx.msk [tilespmem:v18+s21+$0x0], $0xffff;
	[tilespmem:s0+$0xFFFFFDA0] =	vst v13;
	v13 =	vor.u32 s15, v1  }
0xca: {  	v20 =	vor.u32 s17, v2;
	[tilespmem:s0+$0xFFFFFC20] =	vst v16;
	v11 =	vld.idx.msk [tilespmem:v15+s21+$0x0], $0xffff  }
0xcb: {  	[tilespmem:s0+$0xFFFFFD10] =	vst v8;
	v14 =	vld.idx.msk [tilespmem:v14+s21+$0x0], $0xffff;
	v15 =	vor.u32 s8, v3  }
0xcc: {  	v16 =	vor.u32 s6, v4;
	[tilespmem:s0+$0xFFFFFC90] =	vst v9;
	v9 =	vld.idx.msk [tilespmem:v19+s21+$0x0], $0xffff  }
0xcd: {  	[tilespmem:s0+$0xFFFFFE10] =	vst v12;
	v19 =	vor.u32 s7, v1;
	v8 =	vld.idx.msk [tilespmem:v10+s21+$0x0], $0xffff  }
0xce: {  	[tilespmem:s0+$0xFFFFFFA0] =	vst v18;
	v10 =	vld.idx.msk [tilespmem:v13+s21+$0x0], $0xffff;
	v13 =	vor.u32 s1, v3  }
0xcf: {  	v12 =	vld.idx.msk [tilespmem:v20+s21+$0x0], $0xffff;
	[tilespmem:s0+$0xFFFFFDB0] =	vst v11;
	v11 =	vor.u32 s4, v2  }
0xd0: {  	[tilespmem:s0+$0xFFFFFEC0] =	vst v14;
	v14 =	vld.idx.msk [tilespmem:v15+s21+$0x0], $0xffff;
	v15 =	vor.u32 s15, v2  }
0xd1: {  	v18 =	vor.u32 s8, v4;
	v16 =	vld.idx.msk [tilespmem:v16+s21+$0x0], $0xffff  }
0xd2: {  	v20 =	vor.u32 s6, v5;
	v19 =	vld.idx.msk [tilespmem:v19+s21+$0x0], $0xffff;
	[tilespmem:s0+$0xFFFFFC30] =	vst v9  }
0xd3: {  	[tilespmem:s0+$0xFFFFFF20] =	vst v17;
	v17 =	vor.u32 s17, v3;
	v13 =	vld.idx.msk [tilespmem:v13+s21+$0x0], $0xffff  }
0xd4: {  	v21 =	vor.u32 s7, v2;
	[tilespmem:s0+$0xFFFFFD20] =	vst v10;
	v11 =	vld.idx.msk [tilespmem:v11+s21+$0x0], $0xffff  }
0xd5: {  	v10 =	vor.u32 s4, v3;
	v9 =	vld.idx.msk [tilespmem:v15+s21+$0x0], $0xffff;
	[tilespmem:s0+$0xFFFFFDC0] =	vst v14  }
0xd6: {  	v14 =	vor.u32 s1, v4;
	[tilespmem:s0+$0xFFFFFED0] =	vst v16;
	v15 =	vld.idx.msk [tilespmem:v18+s21+$0x0], $0xffff  }
0xd7: {  	[tilespmem:s0+$0xFFFFFFB0] =	vst v12;
	v18 =	vld.idx.msk [tilespmem:v20+s21+$0x0], $0xffff;
	v20 =	vor.u32 s8, v5  }
0xd8: {  	v16 =	vor.u32 s16, v2;
	[tilespmem:s0+$0xFFFFFE20] =	vst v19;
	v19 =	vld.idx.msk [tilespmem:v17+s21+$0x0], $0xffff  }
0xd9: {  	v22 =	vor.u32 s6, v6;
	v21 =	vld.idx.msk [tilespmem:v21+s21+$0x0], $0xffff;
	[tilespmem:s0+$0xFFFFFF30] =	vst v11  }
0xda: {  	v23 =	vor.u32 s17, v4;
	[tilespmem:s0+$0xFFFFFC40] =	vst v13;
	v13 =	vld.idx.msk [tilespmem:v10+s21+$0x0], $0xffff  }
0xdb: {  	v11 =	vor.u32 s7, v3;
	v12 =	vld.idx.msk [tilespmem:v14+s21+$0x0], $0xffff;
	[tilespmem:s0+$0xFFFFFDD0] =	vst v15  }
0xdc: {  	[tilespmem:s0+$0xFFFFFCA0] =	vst v8;
	v15 =	vld.idx.msk [tilespmem:v20+s21+$0x0], $0xffff;
	v20 =	vor.u32 s15, v3  }
0xdd: {  	v14 =	vld.idx.msk [tilespmem:v16+s21+$0x0], $0xffff;
	[tilespmem:s0+$0xFFFFFEE0] =	vst v18  }
0xde: {  	v8 =	vor.u32 s6, v7;
	v17 =	vor.u32 s16, v3;
	v16 =	vld.idx.msk [tilespmem:v22+s21+$0x0], $0xffff;
	[tilespmem:s0+$0xFFFFFFC0] =	vst v19  }
0xdf: {  	s11 =	simm.s32 $0x10;
	s12 =	simm.s32 $0x67F0;
	s10 =	simm.s32 $0x0;
	v10 =	vor.u32 s7, v4;
	v18 =	vor.u32 s8, v6;
	[tilespmem:s0+$0xFFFFFE30] =	vst v21;
	v19 =	vld.idx.msk [tilespmem:v23+s21+$0x0], $0xffff  }
.LBB2_4:
0xe0: {  	v21 =	vor.u32 s11, v0;
	s14 =	sadd.s32 $0x2, s11;
	s29 =	sadd.s32 $0x8, s11;
	s18 =	sadd.s32 $0xC, s11;
	[tilespmem:s0+$0xFFFFFD30] =	vst v9;
	v22 =	vld.idx.msk [tilespmem:v11+s21+$0x0], $0xffff;
	v23 =	vor.u32 s17, v5  }
0xe1: {  	s6 =	sadd.s32 $0x4, s11;
	s13 =	sadd.s32 $0xA, s11;
	s30 =	sadd.s32 $0xE, s11;
	v11 =	vor.u32 s14, v0;
	v9 =	vor.u32 s29, v0;
	v24 =	vor.u32 s18, v0;
	v20 =	vld.idx.msk [tilespmem:v20+s21+$0x0], $0xffff  }
0xe2: {  	s25 =	sadd.s32 $0x6, s11;
	s10 =	sadd.s32 $0x8, s10;
	v25 =	vor.u32 s6, v0;
	v26 =	vor.u32 s13, v0;
	v27 =	vor.u32 s30, v0;
	[tilespmem:s0+$0xFFFFFCB0] =	vst v14  }
0xe3: {  	v28 =	vor.u32 s13, v7;
	p2 =	slt.u32 s10, $0x38;
	v14 =	vor.u32 s25, v0;
	v17 =	vld.idx.msk [tilespmem:v17+s21+$0x0], $0xffff;
	[tilespmem:s0+$0xFFFFFDE0] =	vst v15  }
0xe4: {  	v29 =	vor.u32 s15, v4;
	v18 =	vld.idx.msk [tilespmem:v18+s21+$0x0], $0xffff;
	[tilespmem:s0+$0xFFFFFEF0] =	vst v16  }
0xe5: {  	v30 =	vor.u32 s16, v4;
	v31 =	vld.idx.msk [tilespmem:v8+s21+$0x0], $0xffff;
	[tilespmem:s0+$0xFFFFFFD0] =	vst v19;
	v8 =	vmov v28  }
0xe6: {  	v19 =	vld.idx.msk [tilespmem:v21+s21+$0x0], $0xffff;
	v21 =	vor.u32 s8, v7;
	[tilespmem:s0+$0xFFFFFE40] =	vst v22;
	s8 =	smov.u32 s25  }
0xe7: {  	v22 =	vor.u32 s11, v1;
	[tilespmem:s0+$0xFFFFFD40] =	vst v20;
	v20 =	vld.idx.msk [tilespmem:v23+s21+$0x0], $0xffff  }
0xe8: {  	v15 =	vor.u32 s14, v1;
	[tilespmem:s0+$0xFFFFFC50] =	vst v12;
	v10 =	vld.idx.msk [tilespmem:v10+s21+$0x0], $0xffff  }
0xe9: {  	v16 =	vor.u32 s30, v1;
	[tilespmem:s0+$0xFFFFFCC0] =	vst v17;
	v23 =	vld.idx.msk [tilespmem:v29+s21+$0x0], $0xffff  }
0xea: {  	v12 =	vor.u32 s29, v1;
	v28 =	vld.idx.msk [tilespmem:v30+s21+$0x0], $0xffff;
	[tilespmem:s0+$0xFFFFFDF0] =	vst v18;
	v18 =	vor.u32 s7, v5  }
0xeb: {  	v29 =	vor.u32 s13, v1;
	v21 =	vld.idx.msk [tilespmem:v21+s21+$0x0], $0xffff;
	[tilespmem:s0+$0xFFFFFF00] =	vst v31  }
0xec: {  	[tilespmem:s12+$0xFFFFFC10] =	vst v19;
	v19 =	vld.idx.msk [tilespmem:v26+s21+$0x0], $0xffff;
	v26 =	vor.u32 s15, v5  }
0xed: {  	v17 =	vor.u32 s6, v1;
	v30 =	vor.u32 s4, v4;
	v25 =	vld.idx.msk [tilespmem:v25+s21+$0x0], $0xffff;
	[tilespmem:s0+$0xFFFFFFE0] =	vst v20  }
0xee: {  	v31 =	vor.u32 s17, v6;
	v20 =	vor.u32 s8, v1;
	v27 =	vld.idx.msk [tilespmem:v27+s21+$0x0], $0xffff;
	[tilespmem:s0+$0xFFFFFE50] =	vst v10  }
0xef: {  	v32 =	vor.u32 s11, v2;
	v10 =	vor.u32 s14, v2;
	[tilespmem:s0+$0xFFFFFD50] =	vst v23;
	v23 =	vld.idx.msk [tilespmem:v18+s21+$0x0], $0xffff  }
0xf0: {  	v18 =	vor.u32 s30, v2;
	v33 =	vld.idx.msk [tilespmem:v14+s21+$0x0], $0xffff;
	[tilespmem:s0+$0xFFFFFCD0] =	vst v28  }
0xf1: {  	v14 =	vor.u32 s29, v2;
	v28 =	vor.u32 s1, v5;
	v26 =	vld.idx.msk [tilespmem:v26+s21+$0x0], $0xffff;
	[tilespmem:s0+$0xFFFFFF40] =	vst v13  }
0xf2: {  	v34 =	vor.u32 s16, v5;
	[tilespmem:s12+$0xFFFFFE90] =	vst v19;
	v19 =	vor.u32 s13, v2;
	v30 =	vld.idx.msk [tilespmem:v30+s21+$0x0], $0xffff  }
0xf3: {  	v35 =	vor.u32 s18, v1;
	[tilespmem:s0+$0xFFFFFE00] =	vst v21;
	v21 =	vor.u32 s7, v6;
	v31 =	vld.idx.msk [tilespmem:v31+s21+$0x0], $0xffff  }
0xf4: {  	v13 =	vor.u32 s6, v2;
	v24 =	vld.idx.msk [tilespmem:v24+s21+$0x0], $0xffff;
	[tilespmem:s12+$0xFFFFFF90] =	vst v27;
	v27 =	vor.u32 s4, v5  }
0xf5: {  	v36 =	vor.u32 s8, v2;
	v29 =	vld.idx.msk [tilespmem:v29+s21+$0x0], $0xffff;
	[tilespmem:s0+$0xFFFFFE60] =	vst v23;
	v23 =	vor.u32 s17, v7;
	s17 =	smov.u32 s30  }
0xf6: {  	[tilespmem:s12+$0xFFFFFD10] =	vst v25;
	v25 =	vld.idx.msk [tilespmem:v28+s21+$0x0], $0xffff;
	v28 =	vor.u32 s15, v6  }
0xf7: {  	v34 =	vld.idx.msk [tilespmem:v34+s21+$0x0], $0xffff;
	[tilespmem:s0+$0xFFFFFD60] =	vst v26  }
0xf8: {  	v21 =	vld.idx.msk [tilespmem:v21+s21+$0x0], $0xffff;
	[tilespmem:s0+$0xFFFFFF50] =	vst v30  }
0xf9: {  	v26 =	vor.u32 s1, v6;
	v27 =	vld.idx.msk [tilespmem:v27+s21+$0x0], $0xffff;
	[tilespmem:s0+$0xFFFFFFF0] =	vst v31  }
0xfa: {  	v30 =	vor.u32 s16, v6;
	[tilespmem:s12+$0xFFFFFD90] =	vst v33;
	v23 =	vld.idx.msk [tilespmem:v23+s21+$0x0], $0xffff  }
0xfb: {  	[tilespmem:s12+$0xFFFFFEA0] =	vst v29;
	v28 =	vld.idx.msk [tilespmem:v28+s21+$0x0], $0xffff  }
0xfc: {  	v19 =	vld.idx.msk [tilespmem:v19+s21+$0x0], $0xffff;
	[tilespmem:s0+$0xFFFFFC60] =	vst v25;
	v25 =	vor.u32 s4, v6  }
0xfd: {  	v29 =	vor.u32 s7, v7;
	s7 =	smov.u32 s29;
	v22 =	vld.idx.msk [tilespmem:v22+s21+$0x0], $0xffff;
	[tilespmem:s0+$0xFFFFFCE0] =	vst v34  }
0xfe: {  	v26 =	vld.idx.msk [tilespmem:v26+s21+$0x0], $0xffff;
	[tilespmem:s0+$0xFFFFFE70] =	vst v21  }
0xff: {  	v21 =	vld.idx.msk [tilespmem:v30+s21+$0x0], $0xffff;
	v30 =	vor.u32 s15, v7;
	[tilespmem:s0+$0xFFFFFF60] =	vst v27;
	s15 =	smov.u32 s6  }
0x100: {  	v27 =	vor.u32 s13, v3;
	v20 =	vld.idx.msk [tilespmem:v20+s21+$0x0], $0xffff;
	[tilespmem:s0+$0x0] =	vst v23  }
0x101: {  	[tilespmem:s12+$0xFFFFFF10] =	vst v24;
	v23 =	vld.idx.msk [tilespmem:v25+s21+$0x0], $0xffff  }
0x102: {  	[tilespmem:s12+$0xFFFFFEB0] =	vst v19;
	v19 =	vld.idx.msk [tilespmem:v29+s21+$0x0], $0xffff  }
0x103: {  	v25 =	vor.u32 s4, v7;
	s4 =	smov.u32 s18;
	v24 =	vld.idx.msk [tilespmem:v35+s21+$0x0], $0xffff;
	[tilespmem:s0+$0xFFFFFD70] =	vst v28  }
0x104: {  	v28 =	vor.u32 s16, v7;
	s16 =	smov.u32 s14;
	[tilespmem:s12+$0xFFFFFC20] =	vst v22;
	v22 =	vor.u32 s1, v7;
	v29 =	vld.idx.msk [tilespmem:v30+s21+$0x0], $0xffff;
	s1 =	smov.u32 s11  }
0x105: {  	v27 =	vld.idx.msk [tilespmem:v27+s21+$0x0], $0xffff;
	[tilespmem:s0+$0xFFFFFCF0] =	vst v21  }
0x106: {  	v11 =	vld.idx.msk [tilespmem:v11+s21+$0x0], $0xffff;
	[tilespmem:s12+$0xFFFFFDA0] =	vst v20  }
0x107: {  	v20 =	vld.idx.msk [tilespmem:v36+s21+$0x0], $0xffff;
	[tilespmem:s0+$0xFFFFFF70] =	vst v23  }
0x108: {  	[tilespmem:s0+$0xFFFFFC70] =	vst v26;
	v21 =	vld.idx.msk [tilespmem:v25+s21+$0x0], $0xffff  }
0x109: {  	v22 =	vld.idx.msk [tilespmem:v22+s21+$0x0], $0xffff;
	[tilespmem:s0+$0xFFFFFE80] =	vst v19  }
0x10a: {  	v19 =	vld.idx.msk [tilespmem:v28+s21+$0x0], $0xffff;
	[tilespmem:s0+$0xFFFFFD80] =	vst v29  }
0x10b: {  	v23 =	vor.u32 s8, v3;
	[tilespmem:s12+$0xFFFFFEC0] =	vst v27;
	v16 =	vld.idx.msk [tilespmem:v16+s21+$0x0], $0xffff  }
0x10c: {  	[tilespmem:s12+$0xFFFFFC90] =	vst v11;
	v9 =	vld.idx.msk [tilespmem:v9+s21+$0x0], $0xffff;
	v11 =	vor.u32 s13, v4  }
0x10d: {  	v25 =	vld.idx.msk [tilespmem:v32+s21+$0x0], $0xffff;
	[tilespmem:s12+$0xFFFFFDB0] =	vst v20  }
0x10e: {  	v15 =	vld.idx.msk [tilespmem:v15+s21+$0x0], $0xffff;
	[tilespmem:s0+$0xFFFFFF80] =	vst v21  }
0x10f: {  	v20 =	vor.u32 s4, v2;
	v17 =	vld.idx.msk [tilespmem:v17+s21+$0x0], $0xffff;
	[tilespmem:s0+$0xFFFFFC80] =	vst v22  }
0x110: {  	v21 =	vor.u32 s11, v3;
	v22 =	vld.idx.msk [tilespmem:v23+s21+$0x0], $0xffff;
	[tilespmem:s0+$0xFFFFFD00] =	vst v19;
	s0 =	smov.u32 s12  }
0x111: {  	v11 =	vld.idx.msk [tilespmem:v11+s21+$0x0], $0xffff;
	[tilespmem:s12+$0xFFFFFFA0] =	vst v16  }
0x112: {  	v16 =	vor.u32 s8, v4;
	[tilespmem:s12+$0xFFFFFE10] =	vst v9;
	v18 =	vld.idx.msk [tilespmem:v18+s21+$0x0], $0xffff  }
0x113: {  	v19 =	vor.u32 s13, v5;
	v12 =	vld.idx.msk [tilespmem:v12+s21+$0x0], $0xffff;
	[tilespmem:s12+$0xFFFFFF20] =	vst v24  }
0x114: {  	v23 =	vor.u32 s17, v3;
	[tilespmem:s12+$0xFFFFFC30] =	vst v25;
	v20 =	vld.idx.msk [tilespmem:v20+s21+$0x0], $0xffff  }
0x115: {  	v21 =	vld.idx.msk [tilespmem:v21+s21+$0x0], $0xffff;
	[tilespmem:s12+$0xFFFFFD20] =	vst v17  }
0x116: {  	v9 =	vld.idx.msk [tilespmem:v13+s21+$0x0], $0xffff;
	[tilespmem:s12+$0xFFFFFDC0] =	vst v22;
	v13 =	vor.u32 s4, v3  }
0x117: {  	v17 =	vor.u32 s11, v4;
	v16 =	vld.idx.msk [tilespmem:v16+s21+$0x0], $0xffff;
	[tilespmem:s12+$0xFFFFFED0] =	vst v11  }
0x118: {  	v19 =	vld.idx.msk [tilespmem:v19+s21+$0x0], $0xffff;
	[tilespmem:s12+$0xFFFFFFB0] =	vst v18  }
0x119: {  	v18 =	vor.u32 s8, v5;
	[tilespmem:s12+$0xFFFFFE20] =	vst v12;
	v22 =	vld.idx.msk [tilespmem:v23+s21+$0x0], $0xffff  }
0x11a: {  	v24 =	vor.u32 s13, v6;
	v23 =	vld.idx.msk [tilespmem:v14+s21+$0x0], $0xffff;
	[tilespmem:s12+$0xFFFFFF30] =	vst v20  }
0x11b: {  	[tilespmem:s12+$0xFFFFFC40] =	vst v21;
	v13 =	vld.idx.msk [tilespmem:v13+s21+$0x0], $0xffff;
	v21 =	vor.u32 s17, v4  }
.Ltmp3:
0x11c: {  	v11 =	vor.u32 s7, v3;
	v12 =	vld.idx.msk [tilespmem:v17+s21+$0x0], $0xffff;
	[tilespmem:s12+$0xFFFFFCA0] =	vst v15;
	(pc) =	sbr.rel @p2 .LBB2_4-.Ltmp3, $4  }
0x11d: {  	v20 =	vor.u32 s15, v3;
	v14 =	vld.idx.msk [tilespmem:v10+s21+$0x0], $0xffff;
	[tilespmem:s12+$0xFFFFFDD0] =	vst v16  }
0x11e: {  	v15 =	vld.idx.msk [tilespmem:v18+s21+$0x0], $0xffff;
	[tilespmem:s12+$0xFFFFFEE0] =	vst v19  }
0x11f: {  	v17 =	vor.u32 s16, v3;
	v16 =	vld.idx.msk [tilespmem:v24+s21+$0x0], $0xffff;
	[tilespmem:s12+$0xFFFFFFC0] =	vst v22  }
0x120: {  	s11 =	sadd.s32 $0x10, s11;
	v10 =	vor.u32 s7, v4;
	v18 =	vor.u32 s8, v6;
	s12 =	sadd.s32 $0x400, s12;
	[tilespmem:s0+$0xFFFFFE30] =	vst v23;
	v19 =	vld.idx.msk [tilespmem:v21+s21+$0x0], $0xffff  }
0x121: {  	_ =	sdelay $0x1  }
0x122: {  	[tilespmem:s0+$0xFFFFFD30] =	vst v9  }
0x123: {  	[tilespmem:s0+$0xFFFFFC50] =	vst v12  }
0x124: {  	v31 =	vld.idx.msk [tilespmem:v11+s21+$0x0], $0xffff;
	v35 =	vor.u32 s4, v4;
	[tilespmem:s0+$0xFFFFFF40] =	vst v13  }
0x125: {  	v32 =	vld.idx.msk [tilespmem:v20+s21+$0x0], $0xffff;
	[tilespmem:s0+$0xFFFFFCB0] =	vst v14  }
0x126: {  	v33 =	vor.u32 s15, v4;
	[tilespmem:s0+$0xFFFFFDE0] =	vst v15;
	v34 =	vld.idx.msk [tilespmem:v17+s21+$0x0], $0xffff  }
0x127: {  	v36 =	vor.u32 s17, v5;
	[tilespmem:s0+$0xFFFFFEF0] =	vst v16;
	v18 =	vld.idx.msk [tilespmem:v18+s21+$0x0], $0xffff  }
0x128: {  	v37 =	vor.u32 s16, v4;
	[tilespmem:s0+$0xFFFFFFD0] =	vst v19;
	v8 =	vld.idx.msk [tilespmem:v8+s21+$0x0], $0xffff  }
0x129: {  	v38 =	vor.u32 s8, v7;
	[tilespmem:s0+$0xFFFFFE40] =	vst v31;
	v42 =	vld.idx.msk [tilespmem:v35+s21+$0x0], $0xffff  }
0x12a: {  	v44 =	vor.u32 s4, v5;
	[tilespmem:s0+$0xFFFFFD40] =	vst v32;
	v10 =	vld.idx.msk [tilespmem:v10+s21+$0x0], $0xffff  }
0x12b: {  	v40 =	vor.u32 s7, v5;
	v39 =	vld.idx.msk [tilespmem:v33+s21+$0x0], $0xffff;
	[tilespmem:s0+$0xFFFFFCC0] =	vst v34  }
0x12c: {  	v41 =	vor.u32 s15, v5;
	v43 =	vld.idx.msk [tilespmem:v36+s21+$0x0], $0xffff;
	[tilespmem:s0+$0xFFFFFDF0] =	vst v18  }
0x12d: {  	v9 =	vld.idx.msk [tilespmem:v37+s21+$0x0], $0xffff;
	[tilespmem:s0+$0xFFFFFF00] =	vst v8;
	v8 =	vor.u32 s1, v5  }
0x12e: {  	v45 =	vor.u32 s16, v5;
	v11 =	vld.idx.msk [tilespmem:v38+s21+$0x0], $0xffff;
	[tilespmem:s0+$0xFFFFFF50] =	vst v42  }
0x12f: {  	v46 =	vor.u32 s17, v6;
	[tilespmem:s0+$0xFFFFFE50] =	vst v10;
	v50 =	vld.idx.msk [tilespmem:v44+s21+$0x0], $0xffff  }
0x130: {  	v51 =	vor.u32 s4, v6;
	[tilespmem:s0+$0xFFFFFD50] =	vst v39;
	v47 =	vld.idx.msk [tilespmem:v40+s21+$0x0], $0xffff  }
0x131: {  	v48 =	vor.u32 s7, v6;
	[tilespmem:s0+$0xFFFFFFE0] =	vst v43;
	v13 =	vld.idx.msk [tilespmem:v41+s21+$0x0], $0xffff  }
0x132: {  	v49 =	vor.u32 s15, v6;
	[tilespmem:s0+$0xFFFFFCD0] =	vst v9;
	v8 =	vld.idx.msk [tilespmem:v8+s21+$0x0], $0xffff  }
0x133: {  	v52 =	vor.u32 s1, v6;
	[tilespmem:s0+$0xFFFFFE00] =	vst v11;
	v10 =	vld.idx.msk [tilespmem:v45+s21+$0x0], $0xffff  }
0x134: {  	v54 =	vor.u32 s16, v6;
	v53 =	vld.idx.msk [tilespmem:v46+s21+$0x0], $0xffff;
	[tilespmem:s0+$0xFFFFFF60] =	vst v50  }
0x135: {  	v55 =	vor.u32 s17, v7;
	[tilespmem:s0+$0xFFFFFE60] =	vst v47;
	v9 =	vld.idx.msk [tilespmem:v51+s21+$0x0], $0xffff  }
0x136: {  	v60 =	vor.u32 s4, v7;
	[tilespmem:s0+$0xFFFFFD60] =	vst v13;
	v56 =	vld.idx.msk [tilespmem:v48+s21+$0x0], $0xffff  }
0x137: {  	v58 =	vor.u32 s7, v7;
	v57 =	vld.idx.msk [tilespmem:v49+s21+$0x0], $0xffff;
	[tilespmem:s0+$0xFFFFFC60] =	vst v8  }
0x138: {  	v8 =	vor.u32 s15, v7;
	[tilespmem:s0+$0xFFFFFCE0] =	vst v10;
	v59 =	vld.idx.msk [tilespmem:v52+s21+$0x0], $0xffff  }
0x139: {  	v61 =	vor.u32 s1, v7;
	[tilespmem:s0+$0xFFFFFFF0] =	vst v53;
	v12 =	vld.idx.msk [tilespmem:v54+s21+$0x0], $0xffff  }
0x13a: {  	v62 =	vor.u32 s16, v7;
	v17 =	vld.idx.msk [tilespmem:v55+s21+$0x0], $0xffff;
	[tilespmem:s0+$0xFFFFFF70] =	vst v9  }
0x13b: {  	[tilespmem:s0+$0xFFFFFE70] =	vst v56;
	v9 =	vld.idx.msk [tilespmem:v60+s21+$0x0], $0xffff  }
0x13c: {  	v15 =	vld.idx.msk [tilespmem:v58+s21+$0x0], $0xffff;
	[tilespmem:s0+$0xFFFFFD70] =	vst v57  }
0x13d: {  	v8 =	vld.idx.msk [tilespmem:v8+s21+$0x0], $0xffff;
	[tilespmem:s0+$0xFFFFFC70] =	vst v59  }
0x13e: {  	[tilespmem:s0+$0xFFFFFCF0] =	vst v12;
	v10 =	vld.idx.msk [tilespmem:v61+s21+$0x0], $0xffff  }
0x13f: {  	[tilespmem:s0+$0x0] =	vst v17;
	v63 =	vld.idx.msk [tilespmem:v62+s21+$0x0], $0xffff  }
0x140: {  	[tilespmem:s0+$0xFFFFFF80] =	vst v9  }
0x141: {  	[tilespmem:s0+$0xFFFFFE80] =	vst v15  }
0x142: {  	[tilespmem:s0+$0xFFFFFD80] =	vst v8  }
0x143: {  	[tilespmem:s0+$0xFFFFFC80] =	vst v10  }
0x144: {  	[tilespmem:s0+$0xFFFFFD00] =	vst v63  }
0x145: {  	s29 =	simm.s32 $0x6000;
	s0 =	rddreg [dreg:$0x8]  }
0x146: {  	[hbm4b:s0+s2] =	stream.linear.scatter [tilespmem:s29], [sflag:$0x4], $0x2000, $0x38;
	[tilespmem:$0x8000] =	vst v63  }
0x147: {  	s31 =	simm.s32 $0x1;
	s30 =	rddreg [dreg:$0x9]  }
0x148: {  	[tilespmem:s21], [sflag:$0x2] =	stream.strided.gather [hbm4b:s30+s19], $0x2000, s20, s19, $0x38;
	[tilespmem:$0x8000] =	vst v63  }
.LBB2_6:
0x149: {  	_ =	swait.ge [sflag:s22], $0x2000;
	s6 =	simm.s32 $0xA  }
0x14a: {  	[sflag:s22] =	ssyncset.done $0x0;
	v8 =	vor.u32 s6, v0  }
0x14b: {  	[sflag:s22] =	ssyncadd.s32 $0xFFFFE000  }
0x14c: {  	_ =	swait.ge [sflag:s26], $0x2000  }
0x14d: {  	s8 =	simm.s32 $0x6;
	[sflag:s26] =	ssyncset.done $0x0  }
0x14e: {  	s0 =	simm.s32 $0x0;
	v10 =	vor.u32 s8, v0;
	[sflag:s26] =	ssyncadd.s32 $0xFFFFE000  }
0x14f: {  	v11 =	vor.u32 s0, v0;
	v8 =	vld.idx.msk [tilespmem:v8+s2+$0x0], $0xffff  }
0x150: {  	s4 =	simm.s32 $0xC;
	v9 =	vor.u32 s6, v1  }
0x151: {  	v12 =	vor.u32 s4, v0;
	_ =	sdelay $0x1  }
0x152: {  	s1 =	simm.s32 $0x4200;
	s17 =	simm.s32 $0xE;
	v10 =	vld.idx.msk [tilespmem:v10+s2+$0x0], $0xffff  }
0x153: {  	v15 =	vor.u32 s17, v0;
	v11 =	vld.idx.msk [tilespmem:v11+s2+$0x0], $0xffff;
	[tilespmem:s1+$0x80] =	vst v8  }
0x154: {  	v16 =	vor.u32 s0, v1;
	v9 =	vld.idx.msk [tilespmem:v9+s2+$0x0], $0xffff  }
0x155: {  	v13 =	vor.u32 s6, v2;
	v12 =	vld.idx.msk [tilespmem:v12+s2+$0x0], $0xffff  }
0x156: {  	v14 =	vor.u32 s8, v1  }
0x157: {  	s15 =	simm.s32 $0x4;
	v17 =	vor.u32 s4, v1;
	[tilespmem:s1+$0xFFFFFF80] =	vst v10  }
0x158: {  	s16 =	simm.s32 $0x2;
	v8 =	vor.u32 s15, v0;
	[tilespmem:s1+$0xFFFFFE00] =	vst v11;
	v11 =	vld.idx.msk [tilespmem:v15+s2+$0x0], $0xffff  }
0x159: {  	s7 =	simm.s32 $0x8;
	v16 =	vld.idx.msk [tilespmem:v16+s2+$0x0], $0xffff;
	[tilespmem:s1+$0x90] =	vst v9;
	v9 =	vor.u32 s16, v0  }
0x15a: {  	[tilespmem:s1+$0x100] =	vst v12;
	v12 =	vor.u32 s7, v0;
	v10 =	vld.idx.msk [tilespmem:v13+s2+$0x0], $0xffff  }
0x15b: {  	v18 =	vor.u32 s17, v1;
	v13 =	vld.idx.msk [tilespmem:v14+s2+$0x0], $0xffff  }
0x15c: {  	v15 =	vor.u32 s8, v2;
	v17 =	vld.idx.msk [tilespmem:v17+s2+$0x0], $0xffff  }
0x15d: {  	v8 =	vld.idx.msk [tilespmem:v8+s2+$0x0], $0xffff;
	v14 =	vor.u32 s6, v3  }
0x15e: {  	v19 =	vor.u32 s0, v2;
	[tilespmem:s1+$0x180] =	vst v11;
	v9 =	vld.idx.msk [tilespmem:v9+s2+$0x0], $0xffff  }
0x15f: {  	v12 =	vld.idx.msk [tilespmem:v12+s2+$0x0], $0xffff;
	[tilespmem:s1+$0xA0] =	vst v10;
	v10 =	vor.u32 s16, v1  }
0x160: {  	v18 =	vld.idx.msk [tilespmem:v18+s2+$0x0], $0xffff;
	[tilespmem:s1+$0xFFFFFF90] =	vst v13;
	v13 =	vor.u32 s15, v1  }
0x161: {  	v20 =	vor.u32 s17, v2;
	[tilespmem:s1+$0xFFFFFE10] =	vst v16;
	v11 =	vld.idx.msk [tilespmem:v15+s2+$0x0], $0xffff  }
0x162: {  	[tilespmem:s1+$0xFFFFFF00] =	vst v8;
	v14 =	vld.idx.msk [tilespmem:v14+s2+$0x0], $0xffff;
	v15 =	vor.u32 s8, v3  }
0x163: {  	v16 =	vor.u32 s6, v4;
	[tilespmem:s1+$0xFFFFFE80] =	vst v9;
	v9 =	vld.idx.msk [tilespmem:v19+s2+$0x0], $0xffff  }
0x164: {  	[tilespmem:s1+$0x0] =	vst v12;
	v19 =	vor.u32 s7, v1;
	v8 =	vld.idx.msk [tilespmem:v10+s2+$0x0], $0xffff  }
0x165: {  	[tilespmem:s1+$0x190] =	vst v18;
	v10 =	vld.idx.msk [tilespmem:v13+s2+$0x0], $0xffff;
	v13 =	vor.u32 s0, v3  }
0x166: {  	v12 =	vld.idx.msk [tilespmem:v20+s2+$0x0], $0xffff;
	[tilespmem:s1+$0xFFFFFFA0] =	vst v11;
	v11 =	vor.u32 s4, v2  }
0x167: {  	[tilespmem:s1+$0xB0] =	vst v14;
	v14 =	vld.idx.msk [tilespmem:v15+s2+$0x0], $0xffff;
	v15 =	vor.u32 s15, v2  }
0x168: {  	v18 =	vor.u32 s8, v4;
	v16 =	vld.idx.msk [tilespmem:v16+s2+$0x0], $0xffff  }
0x169: {  	v20 =	vor.u32 s6, v5;
	v19 =	vld.idx.msk [tilespmem:v19+s2+$0x0], $0xffff;
	[tilespmem:s1+$0xFFFFFE20] =	vst v9  }
0x16a: {  	[tilespmem:s1+$0x110] =	vst v17;
	v17 =	vor.u32 s17, v3;
	v13 =	vld.idx.msk [tilespmem:v13+s2+$0x0], $0xffff  }
0x16b: {  	v21 =	vor.u32 s7, v2;
	[tilespmem:s1+$0xFFFFFF10] =	vst v10;
	v11 =	vld.idx.msk [tilespmem:v11+s2+$0x0], $0xffff  }
0x16c: {  	v10 =	vor.u32 s4, v3;
	v9 =	vld.idx.msk [tilespmem:v15+s2+$0x0], $0xffff;
	[tilespmem:s1+$0xFFFFFFB0] =	vst v14  }
0x16d: {  	v14 =	vor.u32 s0, v4;
	[tilespmem:s1+$0xC0] =	vst v16;
	v15 =	vld.idx.msk [tilespmem:v18+s2+$0x0], $0xffff  }
0x16e: {  	[tilespmem:s1+$0x1A0] =	vst v12;
	v18 =	vld.idx.msk [tilespmem:v20+s2+$0x0], $0xffff;
	v20 =	vor.u32 s8, v5  }
0x16f: {  	v16 =	vor.u32 s16, v2;
	[tilespmem:s1+$0x10] =	vst v19;
	v19 =	vld.idx.msk [tilespmem:v17+s2+$0x0], $0xffff  }
0x170: {  	v22 =	vor.u32 s6, v6;
	v21 =	vld.idx.msk [tilespmem:v21+s2+$0x0], $0xffff;
	[tilespmem:s1+$0x120] =	vst v11  }
0x171: {  	v23 =	vor.u32 s17, v4;
	[tilespmem:s1+$0xFFFFFE30] =	vst v13;
	v13 =	vld.idx.msk [tilespmem:v10+s2+$0x0], $0xffff  }
0x172: {  	v11 =	vor.u32 s7, v3;
	v12 =	vld.idx.msk [tilespmem:v14+s2+$0x0], $0xffff;
	[tilespmem:s1+$0xFFFFFFC0] =	vst v15  }
0x173: {  	[tilespmem:s1+$0xFFFFFE90] =	vst v8;
	v15 =	vld.idx.msk [tilespmem:v20+s2+$0x0], $0xffff;
	v20 =	vor.u32 s15, v3  }
0x174: {  	v14 =	vld.idx.msk [tilespmem:v16+s2+$0x0], $0xffff;
	[tilespmem:s1+$0xD0] =	vst v18  }
0x175: {  	v8 =	vor.u32 s6, v7;
	v17 =	vor.u32 s16, v3;
	v16 =	vld.idx.msk [tilespmem:v22+s2+$0x0], $0xffff;
	[tilespmem:s1+$0x1B0] =	vst v19  }
0x176: {  	s10 =	simm.s32 $0x0;
	s11 =	simm.s32 $0x10;
	s12 =	simm.s32 $0x4600;
	v10 =	vor.u32 s7, v4;
	v18 =	vor.u32 s8, v6;
	[tilespmem:s1+$0x20] =	vst v21;
	v19 =	vld.idx.msk [tilespmem:v23+s2+$0x0], $0xffff  }
.LBB2_7:
0x177: {  	v21 =	vor.u32 s11, v0;
	s14 =	sadd.s32 $0x2, s11;
	s29 =	sadd.s32 $0x8, s11;
	s18 =	sadd.s32 $0xC, s11;
	[tilespmem:s1+$0xFFFFFF20] =	vst v9;
	v22 =	vld.idx.msk [tilespmem:v11+s2+$0x0], $0xffff;
	v23 =	vor.u32 s17, v5  }
0x178: {  	s6 =	sadd.s32 $0x4, s11;
	s13 =	sadd.s32 $0xA, s11;
	s30 =	sadd.s32 $0xE, s11;
	v11 =	vor.u32 s14, v0;
	v9 =	vor.u32 s29, v0;
	v24 =	vor.u32 s18, v0;
	v20 =	vld.idx.msk [tilespmem:v20+s2+$0x0], $0xffff  }
0x179: {  	s25 =	sadd.s32 $0x6, s11;
	s10 =	sadd.s32 $0x8, s10;
	v25 =	vor.u32 s6, v0;
	v26 =	vor.u32 s13, v0;
	v27 =	vor.u32 s30, v0;
	[tilespmem:s1+$0xFFFFFEA0] =	vst v14  }
0x17a: {  	v28 =	vor.u32 s13, v7;
	p2 =	slt.u32 s10, $0x38;
	v14 =	vor.u32 s25, v0;
	v17 =	vld.idx.msk [tilespmem:v17+s2+$0x0], $0xffff;
	[tilespmem:s1+$0xFFFFFFD0] =	vst v15  }
0x17b: {  	v29 =	vor.u32 s15, v4;
	v18 =	vld.idx.msk [tilespmem:v18+s2+$0x0], $0xffff;
	[tilespmem:s1+$0xE0] =	vst v16  }
0x17c: {  	v30 =	vor.u32 s16, v4;
	v31 =	vld.idx.msk [tilespmem:v8+s2+$0x0], $0xffff;
	[tilespmem:s1+$0x1C0] =	vst v19;
	v8 =	vmov v28  }
0x17d: {  	v19 =	vld.idx.msk [tilespmem:v21+s2+$0x0], $0xffff;
	v21 =	vor.u32 s8, v7;
	[tilespmem:s1+$0x30] =	vst v22;
	s8 =	smov.u32 s25  }
0x17e: {  	v22 =	vor.u32 s11, v1;
	[tilespmem:s1+$0xFFFFFF30] =	vst v20;
	v20 =	vld.idx.msk [tilespmem:v23+s2+$0x0], $0xffff  }
0x17f: {  	v15 =	vor.u32 s14, v1;
	[tilespmem:s1+$0xFFFFFE40] =	vst v12;
	v10 =	vld.idx.msk [tilespmem:v10+s2+$0x0], $0xffff  }
0x180: {  	v16 =	vor.u32 s30, v1;
	[tilespmem:s1+$0xFFFFFEB0] =	vst v17;
	v23 =	vld.idx.msk [tilespmem:v29+s2+$0x0], $0xffff  }
0x181: {  	v12 =	vor.u32 s29, v1;
	v28 =	vld.idx.msk [tilespmem:v30+s2+$0x0], $0xffff;
	[tilespmem:s1+$0xFFFFFFE0] =	vst v18;
	v18 =	vor.u32 s7, v5  }
0x182: {  	v29 =	vor.u32 s13, v1;
	v21 =	vld.idx.msk [tilespmem:v21+s2+$0x0], $0xffff;
	[tilespmem:s1+$0xF0] =	vst v31  }
0x183: {  	[tilespmem:s12+$0xFFFFFE00] =	vst v19;
	v19 =	vld.idx.msk [tilespmem:v26+s2+$0x0], $0xffff;
	v26 =	vor.u32 s15, v5  }
0x184: {  	v17 =	vor.u32 s6, v1;
	v30 =	vor.u32 s4, v4;
	v25 =	vld.idx.msk [tilespmem:v25+s2+$0x0], $0xffff;
	[tilespmem:s1+$0x1D0] =	vst v20  }
0x185: {  	v31 =	vor.u32 s17, v6;
	v20 =	vor.u32 s8, v1;
	v27 =	vld.idx.msk [tilespmem:v27+s2+$0x0], $0xffff;
	[tilespmem:s1+$0x40] =	vst v10  }
0x186: {  	v32 =	vor.u32 s11, v2;
	v10 =	vor.u32 s14, v2;
	[tilespmem:s1+$0xFFFFFF40] =	vst v23;
	v23 =	vld.idx.msk [tilespmem:v18+s2+$0x0], $0xffff  }
0x187: {  	v18 =	vor.u32 s30, v2;
	v33 =	vld.idx.msk [tilespmem:v14+s2+$0x0], $0xffff;
	[tilespmem:s1+$0xFFFFFEC0] =	vst v28  }
0x188: {  	v14 =	vor.u32 s29, v2;
	v28 =	vor.u32 s0, v5;
	v26 =	vld.idx.msk [tilespmem:v26+s2+$0x0], $0xffff;
	[tilespmem:s1+$0x130] =	vst v13  }
0x189: {  	v34 =	vor.u32 s16, v5;
	[tilespmem:s12+$0x80] =	vst v19;
	v19 =	vor.u32 s13, v2;
	v30 =	vld.idx.msk [tilespmem:v30+s2+$0x0], $0xffff  }
0x18a: {  	v35 =	vor.u32 s18, v1;
	[tilespmem:s1+$0xFFFFFFF0] =	vst v21;
	v21 =	vor.u32 s7, v6;
	v31 =	vld.idx.msk [tilespmem:v31+s2+$0x0], $0xffff  }
0x18b: {  	v13 =	vor.u32 s6, v2;
	v24 =	vld.idx.msk [tilespmem:v24+s2+$0x0], $0xffff;
	[tilespmem:s12+$0x180] =	vst v27;
	v27 =	vor.u32 s4, v5  }
0x18c: {  	v36 =	vor.u32 s8, v2;
	v29 =	vld.idx.msk [tilespmem:v29+s2+$0x0], $0xffff;
	[tilespmem:s1+$0x50] =	vst v23;
	v23 =	vor.u32 s17, v7;
	s17 =	smov.u32 s30  }
0x18d: {  	[tilespmem:s12+$0xFFFFFF00] =	vst v25;
	v25 =	vld.idx.msk [tilespmem:v28+s2+$0x0], $0xffff;
	v28 =	vor.u32 s15, v6  }
0x18e: {  	v34 =	vld.idx.msk [tilespmem:v34+s2+$0x0], $0xffff;
	[tilespmem:s1+$0xFFFFFF50] =	vst v26  }
0x18f: {  	v21 =	vld.idx.msk [tilespmem:v21+s2+$0x0], $0xffff;
	[tilespmem:s1+$0x140] =	vst v30  }
0x190: {  	v26 =	vor.u32 s0, v6;
	v27 =	vld.idx.msk [tilespmem:v27+s2+$0x0], $0xffff;
	[tilespmem:s1+$0x1E0] =	vst v31  }
0x191: {  	v30 =	vor.u32 s16, v6;
	[tilespmem:s12+$0xFFFFFF80] =	vst v33;
	v23 =	vld.idx.msk [tilespmem:v23+s2+$0x0], $0xffff  }
0x192: {  	[tilespmem:s12+$0x90] =	vst v29;
	v28 =	vld.idx.msk [tilespmem:v28+s2+$0x0], $0xffff  }
0x193: {  	v19 =	vld.idx.msk [tilespmem:v19+s2+$0x0], $0xffff;
	[tilespmem:s1+$0xFFFFFE50] =	vst v25;
	v25 =	vor.u32 s4, v6  }
0x194: {  	v29 =	vor.u32 s7, v7;
	s7 =	smov.u32 s29;
	v22 =	vld.idx.msk [tilespmem:v22+s2+$0x0], $0xffff;
	[tilespmem:s1+$0xFFFFFED0] =	vst v34  }
0x195: {  	v26 =	vld.idx.msk [tilespmem:v26+s2+$0x0], $0xffff;
	[tilespmem:s1+$0x60] =	vst v21  }
0x196: {  	v21 =	vld.idx.msk [tilespmem:v30+s2+$0x0], $0xffff;
	v30 =	vor.u32 s15, v7;
	[tilespmem:s1+$0x150] =	vst v27;
	s15 =	smov.u32 s6  }
0x197: {  	v27 =	vor.u32 s13, v3;
	v20 =	vld.idx.msk [tilespmem:v20+s2+$0x0], $0xffff;
	[tilespmem:s1+$0x1F0] =	vst v23  }
0x198: {  	[tilespmem:s12+$0x100] =	vst v24;
	v23 =	vld.idx.msk [tilespmem:v25+s2+$0x0], $0xffff  }
0x199: {  	[tilespmem:s12+$0xA0] =	vst v19;
	v19 =	vld.idx.msk [tilespmem:v29+s2+$0x0], $0xffff  }
0x19a: {  	v25 =	vor.u32 s4, v7;
	s4 =	smov.u32 s18;
	v24 =	vld.idx.msk [tilespmem:v35+s2+$0x0], $0xffff;
	[tilespmem:s1+$0xFFFFFF60] =	vst v28  }
0x19b: {  	v28 =	vor.u32 s16, v7;
	s16 =	smov.u32 s14;
	[tilespmem:s12+$0xFFFFFE10] =	vst v22;
	v22 =	vor.u32 s0, v7;
	v29 =	vld.idx.msk [tilespmem:v30+s2+$0x0], $0xffff;
	s0 =	smov.u32 s11  }
0x19c: {  	v27 =	vld.idx.msk [tilespmem:v27+s2+$0x0], $0xffff;
	[tilespmem:s1+$0xFFFFFEE0] =	vst v21  }
0x19d: {  	v11 =	vld.idx.msk [tilespmem:v11+s2+$0x0], $0xffff;
	[tilespmem:s12+$0xFFFFFF90] =	vst v20  }
0x19e: {  	v20 =	vld.idx.msk [tilespmem:v36+s2+$0x0], $0xffff;
	[tilespmem:s1+$0x160] =	vst v23  }
0x19f: {  	[tilespmem:s1+$0xFFFFFE60] =	vst v26;
	v21 =	vld.idx.msk [tilespmem:v25+s2+$0x0], $0xffff  }
0x1a0: {  	v22 =	vld.idx.msk [tilespmem:v22+s2+$0x0], $0xffff;
	[tilespmem:s1+$0x70] =	vst v19  }
0x1a1: {  	v19 =	vld.idx.msk [tilespmem:v28+s2+$0x0], $0xffff;
	[tilespmem:s1+$0xFFFFFF70] =	vst v29  }
0x1a2: {  	v23 =	vor.u32 s8, v3;
	[tilespmem:s12+$0xB0] =	vst v27;
	v16 =	vld.idx.msk [tilespmem:v16+s2+$0x0], $0xffff  }
0x1a3: {  	[tilespmem:s12+$0xFFFFFE80] =	vst v11;
	v9 =	vld.idx.msk [tilespmem:v9+s2+$0x0], $0xffff;
	v11 =	vor.u32 s13, v4  }
0x1a4: {  	v25 =	vld.idx.msk [tilespmem:v32+s2+$0x0], $0xffff;
	[tilespmem:s12+$0xFFFFFFA0] =	vst v20  }
0x1a5: {  	v15 =	vld.idx.msk [tilespmem:v15+s2+$0x0], $0xffff;
	[tilespmem:s1+$0x170] =	vst v21  }
0x1a6: {  	v20 =	vor.u32 s4, v2;
	v17 =	vld.idx.msk [tilespmem:v17+s2+$0x0], $0xffff;
	[tilespmem:s1+$0xFFFFFE70] =	vst v22  }
0x1a7: {  	v21 =	vor.u32 s11, v3;
	v22 =	vld.idx.msk [tilespmem:v23+s2+$0x0], $0xffff;
	[tilespmem:s1+$0xFFFFFEF0] =	vst v19;
	s1 =	smov.u32 s12  }
0x1a8: {  	v11 =	vld.idx.msk [tilespmem:v11+s2+$0x0], $0xffff;
	[tilespmem:s12+$0x190] =	vst v16  }
0x1a9: {  	v16 =	vor.u32 s8, v4;
	[tilespmem:s12+$0x0] =	vst v9;
	v18 =	vld.idx.msk [tilespmem:v18+s2+$0x0], $0xffff  }
0x1aa: {  	v19 =	vor.u32 s13, v5;
	v12 =	vld.idx.msk [tilespmem:v12+s2+$0x0], $0xffff;
	[tilespmem:s12+$0x110] =	vst v24  }
0x1ab: {  	v23 =	vor.u32 s17, v3;
	[tilespmem:s12+$0xFFFFFE20] =	vst v25;
	v20 =	vld.idx.msk [tilespmem:v20+s2+$0x0], $0xffff  }
0x1ac: {  	v21 =	vld.idx.msk [tilespmem:v21+s2+$0x0], $0xffff;
	[tilespmem:s12+$0xFFFFFF10] =	vst v17  }
0x1ad: {  	v9 =	vld.idx.msk [tilespmem:v13+s2+$0x0], $0xffff;
	[tilespmem:s12+$0xFFFFFFB0] =	vst v22;
	v13 =	vor.u32 s4, v3  }
0x1ae: {  	v17 =	vor.u32 s11, v4;
	v16 =	vld.idx.msk [tilespmem:v16+s2+$0x0], $0xffff;
	[tilespmem:s12+$0xC0] =	vst v11  }
0x1af: {  	v19 =	vld.idx.msk [tilespmem:v19+s2+$0x0], $0xffff;
	[tilespmem:s12+$0x1A0] =	vst v18  }
0x1b0: {  	v18 =	vor.u32 s8, v5;
	[tilespmem:s12+$0x10] =	vst v12;
	v22 =	vld.idx.msk [tilespmem:v23+s2+$0x0], $0xffff  }
0x1b1: {  	v24 =	vor.u32 s13, v6;
	v23 =	vld.idx.msk [tilespmem:v14+s2+$0x0], $0xffff;
	[tilespmem:s12+$0x120] =	vst v20  }
0x1b2: {  	[tilespmem:s12+$0xFFFFFE30] =	vst v21;
	v13 =	vld.idx.msk [tilespmem:v13+s2+$0x0], $0xffff;
	v21 =	vor.u32 s17, v4  }
.Ltmp4:
0x1b3: {  	v11 =	vor.u32 s7, v3;
	v12 =	vld.idx.msk [tilespmem:v17+s2+$0x0], $0xffff;
	[tilespmem:s12+$0xFFFFFE90] =	vst v15;
	(pc) =	sbr.rel @p2 .LBB2_7-.Ltmp4, $4  }
0x1b4: {  	v20 =	vor.u32 s15, v3;
	v14 =	vld.idx.msk [tilespmem:v10+s2+$0x0], $0xffff;
	[tilespmem:s12+$0xFFFFFFC0] =	vst v16  }
0x1b5: {  	v15 =	vld.idx.msk [tilespmem:v18+s2+$0x0], $0xffff;
	[tilespmem:s12+$0xD0] =	vst v19  }
0x1b6: {  	v17 =	vor.u32 s16, v3;
	v16 =	vld.idx.msk [tilespmem:v24+s2+$0x0], $0xffff;
	[tilespmem:s12+$0x1B0] =	vst v22  }
0x1b7: {  	s11 =	sadd.s32 $0x10, s11;
	v10 =	vor.u32 s7, v4;
	v18 =	vor.u32 s8, v6;
	s12 =	sadd.s32 $0x400, s12;
	[tilespmem:s1+$0x20] =	vst v23;
	v19 =	vld.idx.msk [tilespmem:v21+s2+$0x0], $0xffff  }
0x1b8: {  	_ =	sdelay $0x2  }
0x1b9: {  	[tilespmem:s1+$0xFFFFFF20] =	vst v9  }
0x1ba: {  	v9 =	vld.idx.msk [tilespmem:v11+s2+$0x0], $0xffff;
	[tilespmem:s1+$0xFFFFFE40] =	vst v12  }
0x1bb: {  	v11 =	vld.idx.msk [tilespmem:v20+s2+$0x0], $0xffff;
	[tilespmem:s1+$0xFFFFFEA0] =	vst v14  }
0x1bc: {  	v14 =	vor.u32 s15, v4;
	[tilespmem:s1+$0xFFFFFFD0] =	vst v15  }
0x1bd: {  	v15 =	vld.idx.msk [tilespmem:v17+s2+$0x0], $0xffff;
	[tilespmem:s1+$0xE0] =	vst v16;
	v16 =	vor.u32 s4, v4  }
0x1be: {  	[tilespmem:s1+$0x130] =	vst v13;
	v17 =	vor.u32 s17, v5;
	v18 =	vld.idx.msk [tilespmem:v18+s2+$0x0], $0xffff  }
0x1bf: {  	v8 =	vld.idx.msk [tilespmem:v8+s2+$0x0], $0xffff;
	[tilespmem:s1+$0x30] =	vst v9;
	v9 =	vor.u32 s16, v4  }
0x1c0: {  	[tilespmem:s1+$0xFFFFFF30] =	vst v11;
	v11 =	vor.u32 s8, v7;
	v10 =	vld.idx.msk [tilespmem:v10+s2+$0x0], $0xffff  }
0x1c1: {  	[tilespmem:s1+$0x1C0] =	vst v19;
	v12 =	vld.idx.msk [tilespmem:v14+s2+$0x0], $0xffff;
	v14 =	vor.u32 s7, v5  }
0x1c2: {  	v13 =	vor.u32 s15, v5;
	[tilespmem:s1+$0xFFFFFEB0] =	vst v15;
	v15 =	vld.idx.msk [tilespmem:v16+s2+$0x0], $0xffff  }
0x1c3: {  	v16 =	vld.idx.msk [tilespmem:v17+s2+$0x0], $0xffff;
	[tilespmem:s1+$0xFFFFFFE0] =	vst v18;
	v17 =	vor.u32 s4, v5  }
0x1c4: {  	[tilespmem:s1+$0xF0] =	vst v8;
	v8 =	vor.u32 s0, v5;
	v9 =	vld.idx.msk [tilespmem:v9+s2+$0x0], $0xffff  }
0x1c5: {  	v11 =	vld.idx.msk [tilespmem:v11+s2+$0x0], $0xffff;
	[tilespmem:s1+$0x40] =	vst v10;
	v10 =	vor.u32 s16, v5  }
0x1c6: {  	v18 =	vor.u32 s17, v6;
	[tilespmem:s1+$0xFFFFFF40] =	vst v12;
	v12 =	vld.idx.msk [tilespmem:v14+s2+$0x0], $0xffff  }
0x1c7: {  	v14 =	vor.u32 s7, v6;
	v13 =	vld.idx.msk [tilespmem:v13+s2+$0x0], $0xffff;
	[tilespmem:s1+$0x140] =	vst v15  }
0x1c8: {  	[tilespmem:s1+$0x1D0] =	vst v16;
	v15 =	vor.u32 s15, v6;
	v16 =	vld.idx.msk [tilespmem:v17+s2+$0x0], $0xffff  }
0x1c9: {  	v8 =	vld.idx.msk [tilespmem:v8+s2+$0x0], $0xffff;
	[tilespmem:s1+$0xFFFFFEC0] =	vst v9;
	v9 =	vor.u32 s4, v6  }
0x1ca: {  	[tilespmem:s1+$0xFFFFFFF0] =	vst v11;
	v10 =	vld.idx.msk [tilespmem:v10+s2+$0x0], $0xffff;
	v11 =	vor.u32 s0, v6  }
0x1cb: {  	v17 =	vld.idx.msk [tilespmem:v18+s2+$0x0], $0xffff;
	[tilespmem:s1+$0x50] =	vst v12;
	v12 =	vor.u32 s16, v6  }
0x1cc: {  	v18 =	vor.u32 s17, v7;
	[tilespmem:s1+$0xFFFFFF50] =	vst v13;
	v13 =	vld.idx.msk [tilespmem:v14+s2+$0x0], $0xffff  }
0x1cd: {  	v14 =	vld.idx.msk [tilespmem:v15+s2+$0x0], $0xffff;
	v15 =	vor.u32 s7, v7;
	[tilespmem:s1+$0x150] =	vst v16  }
0x1ce: {  	[tilespmem:s1+$0xFFFFFE50] =	vst v8;
	v8 =	vor.u32 s15, v7;
	v9 =	vld.idx.msk [tilespmem:v9+s2+$0x0], $0xffff  }
0x1cf: {  	[tilespmem:s1+$0xFFFFFED0] =	vst v10;
	v10 =	vld.idx.msk [tilespmem:v11+s2+$0x0], $0xffff;
	v11 =	vor.u32 s4, v7  }
0x1d0: {  	[tilespmem:s1+$0x1E0] =	vst v17;
	v16 =	vor.u32 s0, v7;
	v12 =	vld.idx.msk [tilespmem:v12+s2+$0x0], $0xffff  }
0x1d1: {  	v17 =	vld.idx.msk [tilespmem:v18+s2+$0x0], $0xffff;
	[tilespmem:s1+$0x60] =	vst v13;
	v13 =	vor.u32 s16, v7  }
0x1d2: {  	v15 =	vld.idx.msk [tilespmem:v15+s2+$0x0], $0xffff;
	[tilespmem:s1+$0xFFFFFF60] =	vst v14  }
0x1d3: {  	v8 =	vld.idx.msk [tilespmem:v8+s2+$0x0], $0xffff;
	[tilespmem:s1+$0x160] =	vst v9  }
0x1d4: {  	[tilespmem:s1+$0xFFFFFE60] =	vst v10;
	v9 =	vld.idx.msk [tilespmem:v11+s2+$0x0], $0xffff  }
0x1d5: {  	[tilespmem:s1+$0xFFFFFEE0] =	vst v12;
	v10 =	vld.idx.msk [tilespmem:v16+s2+$0x0], $0xffff  }
0x1d6: {  	[tilespmem:s1+$0x1F0] =	vst v17;
	v11 =	vld.idx.msk [tilespmem:v13+s2+$0x0], $0xffff  }
0x1d7: {  	s0 =	sshll.u32 s31, $0x1;
	[tilespmem:s1+$0x70] =	vst v15  }
0x1d8: {  	s6 =	sadd.s32 s3, s0;
	[tilespmem:s1+$0xFFFFFF70] =	vst v8  }
0x1d9: {  	s18 =	sshll.u32 s6, $0xA;
	[tilespmem:s1+$0x170] =	vst v9  }
0x1da: {  	s25 =	simm.s32 $0x4000;
	s4 =	sand.u32 $0x1FFFF800, s18;
	[tilespmem:s1+$0xFFFFFE70] =	vst v10  }
0x1db: {  	s29 =	sshll.u32 s6, $0x7;
	s23 =	sadd.s32 s5, s4;
	s4 =	simm.s32 $0x0;
	[tilespmem:s1+$0xFFFFFEF0] =	vst v11  }
0x1dc: {  	[hbm4b:s23+s4] =	stream.linear.scatter [tilespmem:s25], [sflag:$0x3], $0x2000, $0x38;
	[tilespmem:$0x8000] =	vst v63  }
0x1dd: {  	s1 =	sadd.s32 s29, s9  }
0x1de: {  	[tilespmem:s4], [sflag:$0x1] =	stream.strided.gather [hbm4b:s1+s19], $0x2000, s20, s19, $0x38;
	[tilespmem:$0x8000] =	vst v63  }
0x1df: {  	s30 =	simm.s32 $0xA;
	_ =	swait.ge [sflag:s24], $0x2000  }
0x1e0: {  	v8 =	vor.u32 s30, v0;
	[sflag:s24] =	ssyncset.done $0x0  }
0x1e1: {  	[sflag:s24] =	ssyncadd.s32 $0xFFFFE000  }
0x1e2: {  	_ =	swait.ge [sflag:s28], $0x2000  }
0x1e3: {  	s10 =	simm.s32 $0x6;
	[sflag:s28] =	ssyncset.done $0x0  }
0x1e4: {  	v10 =	vor.u32 s10, v0;
	[sflag:s28] =	ssyncadd.s32 $0xFFFFE000  }
0x1e5: {  	v11 =	vor.u32 s4, v0;
	v8 =	vld.idx.msk [tilespmem:v8+s21+$0x0], $0xffff  }
0x1e6: {  	s15 =	simm.s32 $0xC;
	v9 =	vor.u32 s30, v1  }
0x1e7: {  	v12 =	vor.u32 s15, v0;
	_ =	sdelay $0x1  }
0x1e8: {  	s7 =	simm.s32 $0xE;
	s1 =	simm.s32 $0x63F0;
	v10 =	vld.idx.msk [tilespmem:v10+s21+$0x0], $0xffff  }
0x1e9: {  	v15 =	vor.u32 s7, v0;
	v11 =	vld.idx.msk [tilespmem:v11+s21+$0x0], $0xffff;
	[tilespmem:s1+$0xFFFFFE90] =	vst v8  }
0x1ea: {  	v16 =	vor.u32 s4, v1;
	v9 =	vld.idx.msk [tilespmem:v9+s21+$0x0], $0xffff  }
0x1eb: {  	v13 =	vor.u32 s30, v2;
	v12 =	vld.idx.msk [tilespmem:v12+s21+$0x0], $0xffff  }
0x1ec: {  	v14 =	vor.u32 s10, v1  }
0x1ed: {  	s16 =	simm.s32 $0x4;
	v17 =	vor.u32 s15, v1;
	[tilespmem:s1+$0xFFFFFD90] =	vst v10  }
0x1ee: {  	s17 =	simm.s32 $0x2;
	v8 =	vor.u32 s16, v0;
	[tilespmem:s1+$0xFFFFFC10] =	vst v11;
	v11 =	vld.idx.msk [tilespmem:v15+s21+$0x0], $0xffff  }
0x1ef: {  	s8 =	simm.s32 $0x8;
	v16 =	vld.idx.msk [tilespmem:v16+s21+$0x0], $0xffff;
	[tilespmem:s1+$0xFFFFFEA0] =	vst v9;
	v9 =	vor.u32 s17, v0  }
0x1f0: {  	[tilespmem:s1+$0xFFFFFF10] =	vst v12;
	v12 =	vor.u32 s8, v0;
	v10 =	vld.idx.msk [tilespmem:v13+s21+$0x0], $0xffff  }
0x1f1: {  	v18 =	vor.u32 s7, v1;
	v13 =	vld.idx.msk [tilespmem:v14+s21+$0x0], $0xffff  }
0x1f2: {  	v15 =	vor.u32 s10, v2;
	v17 =	vld.idx.msk [tilespmem:v17+s21+$0x0], $0xffff  }
0x1f3: {  	v8 =	vld.idx.msk [tilespmem:v8+s21+$0x0], $0xffff;
	v14 =	vor.u32 s30, v3  }
0x1f4: {  	v19 =	vor.u32 s4, v2;
	[tilespmem:s1+$0xFFFFFF90] =	vst v11;
	v9 =	vld.idx.msk [tilespmem:v9+s21+$0x0], $0xffff  }
0x1f5: {  	v12 =	vld.idx.msk [tilespmem:v12+s21+$0x0], $0xffff;
	[tilespmem:s1+$0xFFFFFEB0] =	vst v10;
	v10 =	vor.u32 s17, v1  }
0x1f6: {  	v18 =	vld.idx.msk [tilespmem:v18+s21+$0x0], $0xffff;
	[tilespmem:s1+$0xFFFFFDA0] =	vst v13;
	v13 =	vor.u32 s16, v1  }
0x1f7: {  	v20 =	vor.u32 s7, v2;
	[tilespmem:s1+$0xFFFFFC20] =	vst v16;
	v11 =	vld.idx.msk [tilespmem:v15+s21+$0x0], $0xffff  }
0x1f8: {  	[tilespmem:s1+$0xFFFFFD10] =	vst v8;
	v14 =	vld.idx.msk [tilespmem:v14+s21+$0x0], $0xffff;
	v15 =	vor.u32 s10, v3  }
0x1f9: {  	v16 =	vor.u32 s30, v4;
	[tilespmem:s1+$0xFFFFFC90] =	vst v9;
	v9 =	vld.idx.msk [tilespmem:v19+s21+$0x0], $0xffff  }
0x1fa: {  	[tilespmem:s1+$0xFFFFFE10] =	vst v12;
	v19 =	vor.u32 s8, v1;
	v8 =	vld.idx.msk [tilespmem:v10+s21+$0x0], $0xffff  }
0x1fb: {  	[tilespmem:s1+$0xFFFFFFA0] =	vst v18;
	v10 =	vld.idx.msk [tilespmem:v13+s21+$0x0], $0xffff;
	v13 =	vor.u32 s4, v3  }
0x1fc: {  	v12 =	vld.idx.msk [tilespmem:v20+s21+$0x0], $0xffff;
	[tilespmem:s1+$0xFFFFFDB0] =	vst v11;
	v11 =	vor.u32 s15, v2  }
0x1fd: {  	[tilespmem:s1+$0xFFFFFEC0] =	vst v14;
	v14 =	vld.idx.msk [tilespmem:v15+s21+$0x0], $0xffff;
	v15 =	vor.u32 s16, v2  }
0x1fe: {  	v18 =	vor.u32 s10, v4;
	v16 =	vld.idx.msk [tilespmem:v16+s21+$0x0], $0xffff  }
0x1ff: {  	v20 =	vor.u32 s30, v5;
	v19 =	vld.idx.msk [tilespmem:v19+s21+$0x0], $0xffff;
	[tilespmem:s1+$0xFFFFFC30] =	vst v9  }
0x200: {  	[tilespmem:s1+$0xFFFFFF20] =	vst v17;
	v17 =	vor.u32 s7, v3;
	v13 =	vld.idx.msk [tilespmem:v13+s21+$0x0], $0xffff  }
0x201: {  	v21 =	vor.u32 s8, v2;
	[tilespmem:s1+$0xFFFFFD20] =	vst v10;
	v11 =	vld.idx.msk [tilespmem:v11+s21+$0x0], $0xffff  }
0x202: {  	v10 =	vor.u32 s15, v3;
	v9 =	vld.idx.msk [tilespmem:v15+s21+$0x0], $0xffff;
	[tilespmem:s1+$0xFFFFFDC0] =	vst v14  }
0x203: {  	v14 =	vor.u32 s4, v4;
	[tilespmem:s1+$0xFFFFFED0] =	vst v16;
	v15 =	vld.idx.msk [tilespmem:v18+s21+$0x0], $0xffff  }
0x204: {  	[tilespmem:s1+$0xFFFFFFB0] =	vst v12;
	v18 =	vld.idx.msk [tilespmem:v20+s21+$0x0], $0xffff;
	v20 =	vor.u32 s10, v5  }
0x205: {  	v16 =	vor.u32 s17, v2;
	[tilespmem:s1+$0xFFFFFE20] =	vst v19;
	v19 =	vld.idx.msk [tilespmem:v17+s21+$0x0], $0xffff  }
0x206: {  	v22 =	vor.u32 s30, v6;
	v21 =	vld.idx.msk [tilespmem:v21+s21+$0x0], $0xffff;
	[tilespmem:s1+$0xFFFFFF30] =	vst v11  }
0x207: {  	v23 =	vor.u32 s7, v4;
	[tilespmem:s1+$0xFFFFFC40] =	vst v13;
	v13 =	vld.idx.msk [tilespmem:v10+s21+$0x0], $0xffff  }
0x208: {  	v11 =	vor.u32 s8, v3;
	v12 =	vld.idx.msk [tilespmem:v14+s21+$0x0], $0xffff;
	[tilespmem:s1+$0xFFFFFDD0] =	vst v15  }
0x209: {  	[tilespmem:s1+$0xFFFFFCA0] =	vst v8;
	v15 =	vld.idx.msk [tilespmem:v20+s21+$0x0], $0xffff;
	v20 =	vor.u32 s16, v3  }
0x20a: {  	v14 =	vld.idx.msk [tilespmem:v16+s21+$0x0], $0xffff;
	[tilespmem:s1+$0xFFFFFEE0] =	vst v18  }
0x20b: {  	v8 =	vor.u32 s30, v7;
	v17 =	vor.u32 s17, v3;
	v16 =	vld.idx.msk [tilespmem:v22+s21+$0x0], $0xffff;
	[tilespmem:s1+$0xFFFFFFC0] =	vst v19  }
0x20c: {  	s11 =	simm.s32 $0x0;
	s12 =	simm.s32 $0x10;
	s13 =	simm.s32 $0x67F0;
	v10 =	vor.u32 s8, v4;
	v18 =	vor.u32 s10, v6;
	[tilespmem:s1+$0xFFFFFE30] =	vst v21;
	v19 =	vld.idx.msk [tilespmem:v23+s21+$0x0], $0xffff  }
.LBB2_9:
0x20d: {  	v21 =	vor.u32 s12, v0;
	s18 =	sadd.s32 $0x2, s12;
	s30 =	sadd.s32 $0x8, s12;
	s6 =	sadd.s32 $0xC, s12;
	[tilespmem:s1+$0xFFFFFD30] =	vst v9;
	v22 =	vld.idx.msk [tilespmem:v11+s21+$0x0], $0xffff;
	v23 =	vor.u32 s7, v5  }
0x20e: {  	s29 =	sadd.s32 $0x4, s12;
	s14 =	sadd.s32 $0xA, s12;
	s25 =	sadd.s32 $0xE, s12;
	v11 =	vor.u32 s18, v0;
	v9 =	vor.u32 s30, v0;
	v24 =	vor.u32 s6, v0;
	v20 =	vld.idx.msk [tilespmem:v20+s21+$0x0], $0xffff  }
0x20f: {  	s23 =	sadd.s32 $0x6, s12;
	s11 =	sadd.s32 $0x8, s11;
	v25 =	vor.u32 s29, v0;
	v26 =	vor.u32 s14, v0;
	v27 =	vor.u32 s25, v0;
	[tilespmem:s1+$0xFFFFFCB0] =	vst v14  }
0x210: {  	v28 =	vor.u32 s14, v7;
	p2 =	slt.u32 s11, $0x38;
	v14 =	vor.u32 s23, v0;
	v17 =	vld.idx.msk [tilespmem:v17+s21+$0x0], $0xffff;
	[tilespmem:s1+$0xFFFFFDE0] =	vst v15  }
0x211: {  	v29 =	vor.u32 s16, v4;
	v18 =	vld.idx.msk [tilespmem:v18+s21+$0x0], $0xffff;
	[tilespmem:s1+$0xFFFFFEF0] =	vst v16  }
0x212: {  	v30 =	vor.u32 s17, v4;
	v31 =	vld.idx.msk [tilespmem:v8+s21+$0x0], $0xffff;
	[tilespmem:s1+$0xFFFFFFD0] =	vst v19;
	v8 =	vmov v28  }
0x213: {  	v19 =	vld.idx.msk [tilespmem:v21+s21+$0x0], $0xffff;
	v21 =	vor.u32 s10, v7;
	[tilespmem:s1+$0xFFFFFE40] =	vst v22;
	s10 =	smov.u32 s23  }
0x214: {  	v22 =	vor.u32 s12, v1;
	[tilespmem:s1+$0xFFFFFD40] =	vst v20;
	v20 =	vld.idx.msk [tilespmem:v23+s21+$0x0], $0xffff  }
0x215: {  	v15 =	vor.u32 s18, v1;
	[tilespmem:s1+$0xFFFFFC50] =	vst v12;
	v10 =	vld.idx.msk [tilespmem:v10+s21+$0x0], $0xffff  }
0x216: {  	v16 =	vor.u32 s25, v1;
	[tilespmem:s1+$0xFFFFFCC0] =	vst v17;
	v23 =	vld.idx.msk [tilespmem:v29+s21+$0x0], $0xffff  }
0x217: {  	v12 =	vor.u32 s30, v1;
	v28 =	vld.idx.msk [tilespmem:v30+s21+$0x0], $0xffff;
	[tilespmem:s1+$0xFFFFFDF0] =	vst v18;
	v18 =	vor.u32 s8, v5  }
0x218: {  	v29 =	vor.u32 s14, v1;
	v21 =	vld.idx.msk [tilespmem:v21+s21+$0x0], $0xffff;
	[tilespmem:s1+$0xFFFFFF00] =	vst v31  }
0x219: {  	[tilespmem:s13+$0xFFFFFC10] =	vst v19;
	v19 =	vld.idx.msk [tilespmem:v26+s21+$0x0], $0xffff;
	v26 =	vor.u32 s16, v5  }
0x21a: {  	v17 =	vor.u32 s29, v1;
	v30 =	vor.u32 s15, v4;
	v25 =	vld.idx.msk [tilespmem:v25+s21+$0x0], $0xffff;
	[tilespmem:s1+$0xFFFFFFE0] =	vst v20  }
0x21b: {  	v31 =	vor.u32 s7, v6;
	v20 =	vor.u32 s10, v1;
	v27 =	vld.idx.msk [tilespmem:v27+s21+$0x0], $0xffff;
	[tilespmem:s1+$0xFFFFFE50] =	vst v10  }
0x21c: {  	v32 =	vor.u32 s12, v2;
	v10 =	vor.u32 s18, v2;
	[tilespmem:s1+$0xFFFFFD50] =	vst v23;
	v23 =	vld.idx.msk [tilespmem:v18+s21+$0x0], $0xffff  }
0x21d: {  	v18 =	vor.u32 s25, v2;
	v33 =	vld.idx.msk [tilespmem:v14+s21+$0x0], $0xffff;
	[tilespmem:s1+$0xFFFFFCD0] =	vst v28  }
0x21e: {  	v14 =	vor.u32 s30, v2;
	v28 =	vor.u32 s4, v5;
	v26 =	vld.idx.msk [tilespmem:v26+s21+$0x0], $0xffff;
	[tilespmem:s1+$0xFFFFFF40] =	vst v13  }
0x21f: {  	v34 =	vor.u32 s17, v5;
	[tilespmem:s13+$0xFFFFFE90] =	vst v19;
	v19 =	vor.u32 s14, v2;
	v30 =	vld.idx.msk [tilespmem:v30+s21+$0x0], $0xffff  }
0x220: {  	v35 =	vor.u32 s6, v1;
	[tilespmem:s1+$0xFFFFFE00] =	vst v21;
	v21 =	vor.u32 s8, v6;
	v31 =	vld.idx.msk [tilespmem:v31+s21+$0x0], $0xffff  }
0x221: {  	v13 =	vor.u32 s29, v2;
	v24 =	vld.idx.msk [tilespmem:v24+s21+$0x0], $0xffff;
	[tilespmem:s13+$0xFFFFFF90] =	vst v27;
	v27 =	vor.u32 s15, v5  }
0x222: {  	v36 =	vor.u32 s10, v2;
	v29 =	vld.idx.msk [tilespmem:v29+s21+$0x0], $0xffff;
	[tilespmem:s1+$0xFFFFFE60] =	vst v23;
	v23 =	vor.u32 s7, v7;
	s7 =	smov.u32 s25  }
0x223: {  	[tilespmem:s13+$0xFFFFFD10] =	vst v25;
	v25 =	vld.idx.msk [tilespmem:v28+s21+$0x0], $0xffff;
	v28 =	vor.u32 s16, v6  }
0x224: {  	v34 =	vld.idx.msk [tilespmem:v34+s21+$0x0], $0xffff;
	[tilespmem:s1+$0xFFFFFD60] =	vst v26  }
0x225: {  	v21 =	vld.idx.msk [tilespmem:v21+s21+$0x0], $0xffff;
	[tilespmem:s1+$0xFFFFFF50] =	vst v30  }
0x226: {  	v26 =	vor.u32 s4, v6;
	v27 =	vld.idx.msk [tilespmem:v27+s21+$0x0], $0xffff;
	[tilespmem:s1+$0xFFFFFFF0] =	vst v31  }
0x227: {  	v30 =	vor.u32 s17, v6;
	[tilespmem:s13+$0xFFFFFD90] =	vst v33;
	v23 =	vld.idx.msk [tilespmem:v23+s21+$0x0], $0xffff  }
0x228: {  	[tilespmem:s13+$0xFFFFFEA0] =	vst v29;
	v28 =	vld.idx.msk [tilespmem:v28+s21+$0x0], $0xffff  }
0x229: {  	v19 =	vld.idx.msk [tilespmem:v19+s21+$0x0], $0xffff;
	[tilespmem:s1+$0xFFFFFC60] =	vst v25;
	v25 =	vor.u32 s15, v6  }
0x22a: {  	v29 =	vor.u32 s8, v7;
	s8 =	smov.u32 s30;
	v22 =	vld.idx.msk [tilespmem:v22+s21+$0x0], $0xffff;
	[tilespmem:s1+$0xFFFFFCE0] =	vst v34  }
0x22b: {  	v26 =	vld.idx.msk [tilespmem:v26+s21+$0x0], $0xffff;
	[tilespmem:s1+$0xFFFFFE70] =	vst v21  }
0x22c: {  	v21 =	vld.idx.msk [tilespmem:v30+s21+$0x0], $0xffff;
	v30 =	vor.u32 s16, v7;
	[tilespmem:s1+$0xFFFFFF60] =	vst v27;
	s16 =	smov.u32 s29  }
0x22d: {  	v27 =	vor.u32 s14, v3;
	v20 =	vld.idx.msk [tilespmem:v20+s21+$0x0], $0xffff;
	[tilespmem:s1+$0x0] =	vst v23  }
0x22e: {  	[tilespmem:s13+$0xFFFFFF10] =	vst v24;
	v23 =	vld.idx.msk [tilespmem:v25+s21+$0x0], $0xffff  }
0x22f: {  	[tilespmem:s13+$0xFFFFFEB0] =	vst v19;
	v19 =	vld.idx.msk [tilespmem:v29+s21+$0x0], $0xffff  }
0x230: {  	v25 =	vor.u32 s15, v7;
	s15 =	smov.u32 s6;
	v24 =	vld.idx.msk [tilespmem:v35+s21+$0x0], $0xffff;
	[tilespmem:s1+$0xFFFFFD70] =	vst v28  }
0x231: {  	v28 =	vor.u32 s17, v7;
	s17 =	smov.u32 s18;
	[tilespmem:s13+$0xFFFFFC20] =	vst v22;
	v22 =	vor.u32 s4, v7;
	v29 =	vld.idx.msk [tilespmem:v30+s21+$0x0], $0xffff;
	s4 =	smov.u32 s12  }
0x232: {  	v27 =	vld.idx.msk [tilespmem:v27+s21+$0x0], $0xffff;
	[tilespmem:s1+$0xFFFFFCF0] =	vst v21  }
0x233: {  	v11 =	vld.idx.msk [tilespmem:v11+s21+$0x0], $0xffff;
	[tilespmem:s13+$0xFFFFFDA0] =	vst v20  }
0x234: {  	v20 =	vld.idx.msk [tilespmem:v36+s21+$0x0], $0xffff;
	[tilespmem:s1+$0xFFFFFF70] =	vst v23  }
0x235: {  	[tilespmem:s1+$0xFFFFFC70] =	vst v26;
	v21 =	vld.idx.msk [tilespmem:v25+s21+$0x0], $0xffff  }
0x236: {  	v22 =	vld.idx.msk [tilespmem:v22+s21+$0x0], $0xffff;
	[tilespmem:s1+$0xFFFFFE80] =	vst v19  }
0x237: {  	v19 =	vld.idx.msk [tilespmem:v28+s21+$0x0], $0xffff;
	[tilespmem:s1+$0xFFFFFD80] =	vst v29  }
0x238: {  	v23 =	vor.u32 s10, v3;
	[tilespmem:s13+$0xFFFFFEC0] =	vst v27;
	v16 =	vld.idx.msk [tilespmem:v16+s21+$0x0], $0xffff  }
0x239: {  	[tilespmem:s13+$0xFFFFFC90] =	vst v11;
	v9 =	vld.idx.msk [tilespmem:v9+s21+$0x0], $0xffff;
	v11 =	vor.u32 s14, v4  }
0x23a: {  	v25 =	vld.idx.msk [tilespmem:v32+s21+$0x0], $0xffff;
	[tilespmem:s13+$0xFFFFFDB0] =	vst v20  }
0x23b: {  	v15 =	vld.idx.msk [tilespmem:v15+s21+$0x0], $0xffff;
	[tilespmem:s1+$0xFFFFFF80] =	vst v21  }
0x23c: {  	v20 =	vor.u32 s15, v2;
	v17 =	vld.idx.msk [tilespmem:v17+s21+$0x0], $0xffff;
	[tilespmem:s1+$0xFFFFFC80] =	vst v22  }
0x23d: {  	v21 =	vor.u32 s12, v3;
	v22 =	vld.idx.msk [tilespmem:v23+s21+$0x0], $0xffff;
	[tilespmem:s1+$0xFFFFFD00] =	vst v19;
	s1 =	smov.u32 s13  }
0x23e: {  	v11 =	vld.idx.msk [tilespmem:v11+s21+$0x0], $0xffff;
	[tilespmem:s13+$0xFFFFFFA0] =	vst v16  }
0x23f: {  	v16 =	vor.u32 s10, v4;
	[tilespmem:s13+$0xFFFFFE10] =	vst v9;
	v18 =	vld.idx.msk [tilespmem:v18+s21+$0x0], $0xffff  }
0x240: {  	v19 =	vor.u32 s14, v5;
	v12 =	vld.idx.msk [tilespmem:v12+s21+$0x0], $0xffff;
	[tilespmem:s13+$0xFFFFFF20] =	vst v24  }
0x241: {  	v23 =	vor.u32 s7, v3;
	[tilespmem:s13+$0xFFFFFC30] =	vst v25;
	v20 =	vld.idx.msk [tilespmem:v20+s21+$0x0], $0xffff  }
0x242: {  	v21 =	vld.idx.msk [tilespmem:v21+s21+$0x0], $0xffff;
	[tilespmem:s13+$0xFFFFFD20] =	vst v17  }
0x243: {  	v9 =	vld.idx.msk [tilespmem:v13+s21+$0x0], $0xffff;
	[tilespmem:s13+$0xFFFFFDC0] =	vst v22;
	v13 =	vor.u32 s15, v3  }
0x244: {  	v17 =	vor.u32 s12, v4;
	v16 =	vld.idx.msk [tilespmem:v16+s21+$0x0], $0xffff;
	[tilespmem:s13+$0xFFFFFED0] =	vst v11  }
0x245: {  	v19 =	vld.idx.msk [tilespmem:v19+s21+$0x0], $0xffff;
	[tilespmem:s13+$0xFFFFFFB0] =	vst v18  }
0x246: {  	v18 =	vor.u32 s10, v5;
	[tilespmem:s13+$0xFFFFFE20] =	vst v12;
	v22 =	vld.idx.msk [tilespmem:v23+s21+$0x0], $0xffff  }
0x247: {  	v24 =	vor.u32 s14, v6;
	v23 =	vld.idx.msk [tilespmem:v14+s21+$0x0], $0xffff;
	[tilespmem:s13+$0xFFFFFF30] =	vst v20  }
0x248: {  	[tilespmem:s13+$0xFFFFFC40] =	vst v21;
	v13 =	vld.idx.msk [tilespmem:v13+s21+$0x0], $0xffff;
	v21 =	vor.u32 s7, v4  }
.Ltmp5:
0x249: {  	v11 =	vor.u32 s8, v3;
	v12 =	vld.idx.msk [tilespmem:v17+s21+$0x0], $0xffff;
	[tilespmem:s13+$0xFFFFFCA0] =	vst v15;
	(pc) =	sbr.rel @p2 .LBB2_9-.Ltmp5, $4  }
0x24a: {  	v20 =	vor.u32 s16, v3;
	v14 =	vld.idx.msk [tilespmem:v10+s21+$0x0], $0xffff;
	[tilespmem:s13+$0xFFFFFDD0] =	vst v16  }
0x24b: {  	v15 =	vld.idx.msk [tilespmem:v18+s21+$0x0], $0xffff;
	[tilespmem:s13+$0xFFFFFEE0] =	vst v19  }
0x24c: {  	v17 =	vor.u32 s17, v3;
	v16 =	vld.idx.msk [tilespmem:v24+s21+$0x0], $0xffff;
	[tilespmem:s13+$0xFFFFFFC0] =	vst v22  }
0x24d: {  	s12 =	sadd.s32 $0x10, s12;
	v10 =	vor.u32 s8, v4;
	v18 =	vor.u32 s10, v6;
	s13 =	sadd.s32 $0x400, s13;
	[tilespmem:s1+$0xFFFFFE30] =	vst v23;
	v19 =	vld.idx.msk [tilespmem:v21+s21+$0x0], $0xffff  }
0x24e: {  	_ =	sdelay $0x1  }
0x24f: {  	[tilespmem:s1+$0xFFFFFD30] =	vst v9  }
0x250: {  	[tilespmem:s1+$0xFFFFFC50] =	vst v12  }
0x251: {  	v31 =	vld.idx.msk [tilespmem:v11+s21+$0x0], $0xffff;
	v35 =	vor.u32 s15, v4;
	[tilespmem:s1+$0xFFFFFF40] =	vst v13  }
0x252: {  	v32 =	vld.idx.msk [tilespmem:v20+s21+$0x0], $0xffff;
	[tilespmem:s1+$0xFFFFFCB0] =	vst v14  }
0x253: {  	v33 =	vor.u32 s16, v4;
	[tilespmem:s1+$0xFFFFFDE0] =	vst v15;
	v34 =	vld.idx.msk [tilespmem:v17+s21+$0x0], $0xffff  }
0x254: {  	v36 =	vor.u32 s7, v5;
	[tilespmem:s1+$0xFFFFFEF0] =	vst v16;
	v18 =	vld.idx.msk [tilespmem:v18+s21+$0x0], $0xffff  }
0x255: {  	v37 =	vor.u32 s17, v4;
	[tilespmem:s1+$0xFFFFFFD0] =	vst v19;
	v8 =	vld.idx.msk [tilespmem:v8+s21+$0x0], $0xffff  }
0x256: {  	v38 =	vor.u32 s10, v7;
	[tilespmem:s1+$0xFFFFFE40] =	vst v31;
	v42 =	vld.idx.msk [tilespmem:v35+s21+$0x0], $0xffff  }
0x257: {  	v44 =	vor.u32 s15, v5;
	[tilespmem:s1+$0xFFFFFD40] =	vst v32;
	v10 =	vld.idx.msk [tilespmem:v10+s21+$0x0], $0xffff  }
0x258: {  	v40 =	vor.u32 s8, v5;
	v39 =	vld.idx.msk [tilespmem:v33+s21+$0x0], $0xffff;
	[tilespmem:s1+$0xFFFFFCC0] =	vst v34  }
0x259: {  	v41 =	vor.u32 s16, v5;
	v43 =	vld.idx.msk [tilespmem:v36+s21+$0x0], $0xffff;
	[tilespmem:s1+$0xFFFFFDF0] =	vst v18  }
0x25a: {  	v9 =	vld.idx.msk [tilespmem:v37+s21+$0x0], $0xffff;
	[tilespmem:s1+$0xFFFFFF00] =	vst v8;
	v8 =	vor.u32 s4, v5  }
0x25b: {  	v45 =	vor.u32 s17, v5;
	v11 =	vld.idx.msk [tilespmem:v38+s21+$0x0], $0xffff;
	[tilespmem:s1+$0xFFFFFF50] =	vst v42  }
0x25c: {  	v46 =	vor.u32 s7, v6;
	[tilespmem:s1+$0xFFFFFE50] =	vst v10;
	v50 =	vld.idx.msk [tilespmem:v44+s21+$0x0], $0xffff  }
0x25d: {  	v51 =	vor.u32 s15, v6;
	[tilespmem:s1+$0xFFFFFD50] =	vst v39;
	v47 =	vld.idx.msk [tilespmem:v40+s21+$0x0], $0xffff  }
0x25e: {  	v48 =	vor.u32 s8, v6;
	[tilespmem:s1+$0xFFFFFFE0] =	vst v43;
	v13 =	vld.idx.msk [tilespmem:v41+s21+$0x0], $0xffff  }
0x25f: {  	v49 =	vor.u32 s16, v6;
	[tilespmem:s1+$0xFFFFFCD0] =	vst v9;
	v8 =	vld.idx.msk [tilespmem:v8+s21+$0x0], $0xffff  }
0x260: {  	v52 =	vor.u32 s4, v6;
	[tilespmem:s1+$0xFFFFFE00] =	vst v11;
	v10 =	vld.idx.msk [tilespmem:v45+s21+$0x0], $0xffff  }
0x261: {  	v54 =	vor.u32 s17, v6;
	v53 =	vld.idx.msk [tilespmem:v46+s21+$0x0], $0xffff;
	[tilespmem:s1+$0xFFFFFF60] =	vst v50  }
0x262: {  	v55 =	vor.u32 s7, v7;
	[tilespmem:s1+$0xFFFFFE60] =	vst v47;
	v9 =	vld.idx.msk [tilespmem:v51+s21+$0x0], $0xffff  }
0x263: {  	v60 =	vor.u32 s15, v7;
	[tilespmem:s1+$0xFFFFFD60] =	vst v13;
	v56 =	vld.idx.msk [tilespmem:v48+s21+$0x0], $0xffff  }
0x264: {  	v58 =	vor.u32 s8, v7;
	v57 =	vld.idx.msk [tilespmem:v49+s21+$0x0], $0xffff;
	[tilespmem:s1+$0xFFFFFC60] =	vst v8  }
0x265: {  	v8 =	vor.u32 s16, v7;
	[tilespmem:s1+$0xFFFFFCE0] =	vst v10;
	v59 =	vld.idx.msk [tilespmem:v52+s21+$0x0], $0xffff  }
0x266: {  	v61 =	vor.u32 s4, v7;
	[tilespmem:s1+$0xFFFFFFF0] =	vst v53;
	v12 =	vld.idx.msk [tilespmem:v54+s21+$0x0], $0xffff  }
0x267: {  	v62 =	vor.u32 s17, v7;
	v17 =	vld.idx.msk [tilespmem:v55+s21+$0x0], $0xffff;
	[tilespmem:s1+$0xFFFFFF70] =	vst v9  }
0x268: {  	[tilespmem:s1+$0xFFFFFE70] =	vst v56;
	v9 =	vld.idx.msk [tilespmem:v60+s21+$0x0], $0xffff  }
0x269: {  	v15 =	vld.idx.msk [tilespmem:v58+s21+$0x0], $0xffff;
	[tilespmem:s1+$0xFFFFFD70] =	vst v57  }
0x26a: {  	v8 =	vld.idx.msk [tilespmem:v8+s21+$0x0], $0xffff;
	[tilespmem:s1+$0xFFFFFC70] =	vst v59  }
0x26b: {  	[tilespmem:s1+$0xFFFFFCF0] =	vst v12;
	v10 =	vld.idx.msk [tilespmem:v61+s21+$0x0], $0xffff  }
0x26c: {  	[tilespmem:s1+$0x0] =	vst v17;
	v63 =	vld.idx.msk [tilespmem:v62+s21+$0x0], $0xffff  }
0x26d: {  	s0 =	sadd.s32 s0, s3;
	[tilespmem:s1+$0xFFFFFF80] =	vst v9  }
0x26e: {  	s31 =	sadd.s32 $0x1, s31;
	s0 =	sadd.s32 $0x1, s0;
	[tilespmem:s1+$0xFFFFFE80] =	vst v15  }
0x26f: {  	p2 =	sne.s32 s31, $0x79;
	s25 =	sshll.u32 s0, $0xA;
	[tilespmem:s1+$0xFFFFFD80] =	vst v8  }
.Ltmp6:
0x270: {  	s4 =	sand.u32 $0x1FFFFC00, s25;
	[tilespmem:s1+$0xFFFFFC80] =	vst v10;
	(pc) =	sbr.rel @p2 .LBB2_6-.Ltmp6, $4  }
0x271: {  	s30 =	simm.s32 $0x6000;
	s0 =	sshll.u32 s0, $0x7;
	s29 =	sadd.s32 s5, s4;
	[tilespmem:s1+$0xFFFFFD00] =	vst v63  }
0x272: {  	[hbm4b:s29+s2] =	stream.linear.scatter [tilespmem:s30], [sflag:$0x4], $0x2000, $0x38;
	[tilespmem:$0x8000] =	vst v63  }
0x273: {  	s0 =	sadd.s32 s0, s9  }
0x274: {  	[tilespmem:s21], [sflag:$0x2] =	stream.strided.gather [hbm4b:s0+s19], $0x2000, s20, s19, $0x38;
	[tilespmem:$0x8000] =	vst v63  }
0x275: {  	_ =	swait.ge [sflag:s22], $0x2000;
	s6 =	simm.s32 $0xA  }
0x276: {  	[sflag:s22] =	ssyncset.done $0x0;
	v8 =	vor.u32 s6, v0  }
0x277: {  	[sflag:s22] =	ssyncadd.s32 $0xFFFFE000  }
0x278: {  	_ =	swait.ge [sflag:s26], $0x2000  }
0x279: {  	s17 =	simm.s32 $0x6;
	[sflag:s26] =	ssyncset.done $0x0  }
0x27a: {  	s1 =	simm.s32 $0x0;
	v10 =	vor.u32 s17, v0;
	[sflag:s26] =	ssyncadd.s32 $0xFFFFE000  }
0x27b: {  	v11 =	vor.u32 s1, v0;
	v8 =	vld.idx.msk [tilespmem:v8+s2+$0x0], $0xffff  }
0x27c: {  	s4 =	simm.s32 $0xC;
	v9 =	vor.u32 s6, v1  }
0x27d: {  	v12 =	vor.u32 s4, v0;
	_ =	sdelay $0x1  }
0x27e: {  	s0 =	simm.s32 $0x4200;
	s7 =	simm.s32 $0xE;
	v10 =	vld.idx.msk [tilespmem:v10+s2+$0x0], $0xffff  }
0x27f: {  	v15 =	vor.u32 s7, v0;
	v11 =	vld.idx.msk [tilespmem:v11+s2+$0x0], $0xffff;
	[tilespmem:s0+$0x80] =	vst v8  }
0x280: {  	v16 =	vor.u32 s1, v1;
	v9 =	vld.idx.msk [tilespmem:v9+s2+$0x0], $0xffff  }
0x281: {  	v13 =	vor.u32 s6, v2;
	v12 =	vld.idx.msk [tilespmem:v12+s2+$0x0], $0xffff  }
0x282: {  	v14 =	vor.u32 s17, v1  }
0x283: {  	s15 =	simm.s32 $0x4;
	v17 =	vor.u32 s4, v1;
	[tilespmem:s0+$0xFFFFFF80] =	vst v10  }
0x284: {  	s16 =	simm.s32 $0x2;
	v8 =	vor.u32 s15, v0;
	[tilespmem:s0+$0xFFFFFE00] =	vst v11;
	v11 =	vld.idx.msk [tilespmem:v15+s2+$0x0], $0xffff  }
0x285: {  	s8 =	simm.s32 $0x8;
	v16 =	vld.idx.msk [tilespmem:v16+s2+$0x0], $0xffff;
	[tilespmem:s0+$0x90] =	vst v9;
	v9 =	vor.u32 s16, v0  }
0x286: {  	[tilespmem:s0+$0x100] =	vst v12;
	v12 =	vor.u32 s8, v0;
	v10 =	vld.idx.msk [tilespmem:v13+s2+$0x0], $0xffff  }
0x287: {  	v18 =	vor.u32 s7, v1;
	v13 =	vld.idx.msk [tilespmem:v14+s2+$0x0], $0xffff  }
0x288: {  	v15 =	vor.u32 s17, v2;
	v17 =	vld.idx.msk [tilespmem:v17+s2+$0x0], $0xffff  }
0x289: {  	v8 =	vld.idx.msk [tilespmem:v8+s2+$0x0], $0xffff;
	v14 =	vor.u32 s6, v3  }
0x28a: {  	v19 =	vor.u32 s1, v2;
	[tilespmem:s0+$0x180] =	vst v11;
	v9 =	vld.idx.msk [tilespmem:v9+s2+$0x0], $0xffff  }
0x28b: {  	v12 =	vld.idx.msk [tilespmem:v12+s2+$0x0], $0xffff;
	[tilespmem:s0+$0xA0] =	vst v10;
	v10 =	vor.u32 s16, v1  }
0x28c: {  	v18 =	vld.idx.msk [tilespmem:v18+s2+$0x0], $0xffff;
	[tilespmem:s0+$0xFFFFFF90] =	vst v13;
	v13 =	vor.u32 s15, v1  }
0x28d: {  	v20 =	vor.u32 s7, v2;
	[tilespmem:s0+$0xFFFFFE10] =	vst v16;
	v11 =	vld.idx.msk [tilespmem:v15+s2+$0x0], $0xffff  }
0x28e: {  	[tilespmem:s0+$0xFFFFFF00] =	vst v8;
	v14 =	vld.idx.msk [tilespmem:v14+s2+$0x0], $0xffff;
	v15 =	vor.u32 s17, v3  }
0x28f: {  	v16 =	vor.u32 s6, v4;
	[tilespmem:s0+$0xFFFFFE80] =	vst v9;
	v9 =	vld.idx.msk [tilespmem:v19+s2+$0x0], $0xffff  }
0x290: {  	[tilespmem:s0+$0x0] =	vst v12;
	v19 =	vor.u32 s8, v1;
	v8 =	vld.idx.msk [tilespmem:v10+s2+$0x0], $0xffff  }
0x291: {  	[tilespmem:s0+$0x190] =	vst v18;
	v10 =	vld.idx.msk [tilespmem:v13+s2+$0x0], $0xffff;
	v13 =	vor.u32 s1, v3  }
0x292: {  	v12 =	vld.idx.msk [tilespmem:v20+s2+$0x0], $0xffff;
	[tilespmem:s0+$0xFFFFFFA0] =	vst v11;
	v11 =	vor.u32 s4, v2  }
0x293: {  	[tilespmem:s0+$0xB0] =	vst v14;
	v14 =	vld.idx.msk [tilespmem:v15+s2+$0x0], $0xffff;
	v15 =	vor.u32 s15, v2  }
0x294: {  	v18 =	vor.u32 s17, v4;
	v16 =	vld.idx.msk [tilespmem:v16+s2+$0x0], $0xffff  }
0x295: {  	v20 =	vor.u32 s6, v5;
	v19 =	vld.idx.msk [tilespmem:v19+s2+$0x0], $0xffff;
	[tilespmem:s0+$0xFFFFFE20] =	vst v9  }
0x296: {  	[tilespmem:s0+$0x110] =	vst v17;
	v17 =	vor.u32 s7, v3;
	v13 =	vld.idx.msk [tilespmem:v13+s2+$0x0], $0xffff  }
0x297: {  	v21 =	vor.u32 s8, v2;
	[tilespmem:s0+$0xFFFFFF10] =	vst v10;
	v11 =	vld.idx.msk [tilespmem:v11+s2+$0x0], $0xffff  }
0x298: {  	v10 =	vor.u32 s4, v3;
	v9 =	vld.idx.msk [tilespmem:v15+s2+$0x0], $0xffff;
	[tilespmem:s0+$0xFFFFFFB0] =	vst v14  }
0x299: {  	v14 =	vor.u32 s1, v4;
	[tilespmem:s0+$0xC0] =	vst v16;
	v15 =	vld.idx.msk [tilespmem:v18+s2+$0x0], $0xffff  }
0x29a: {  	[tilespmem:s0+$0x1A0] =	vst v12;
	v18 =	vld.idx.msk [tilespmem:v20+s2+$0x0], $0xffff;
	v20 =	vor.u32 s17, v5  }
0x29b: {  	v16 =	vor.u32 s16, v2;
	[tilespmem:s0+$0x10] =	vst v19;
	v19 =	vld.idx.msk [tilespmem:v17+s2+$0x0], $0xffff  }
0x29c: {  	v22 =	vor.u32 s6, v6;
	v21 =	vld.idx.msk [tilespmem:v21+s2+$0x0], $0xffff;
	[tilespmem:s0+$0x120] =	vst v11  }
0x29d: {  	v23 =	vor.u32 s7, v4;
	[tilespmem:s0+$0xFFFFFE30] =	vst v13;
	v13 =	vld.idx.msk [tilespmem:v10+s2+$0x0], $0xffff  }
0x29e: {  	v11 =	vor.u32 s8, v3;
	v12 =	vld.idx.msk [tilespmem:v14+s2+$0x0], $0xffff;
	[tilespmem:s0+$0xFFFFFFC0] =	vst v15  }
0x29f: {  	[tilespmem:s0+$0xFFFFFE90] =	vst v8;
	v15 =	vld.idx.msk [tilespmem:v20+s2+$0x0], $0xffff;
	v20 =	vor.u32 s15, v3  }
0x2a0: {  	v14 =	vld.idx.msk [tilespmem:v16+s2+$0x0], $0xffff;
	[tilespmem:s0+$0xD0] =	vst v18  }
0x2a1: {  	s10 =	simm.s32 $0x0;
	v8 =	vor.u32 s6, v7;
	v17 =	vor.u32 s16, v3;
	v16 =	vld.idx.msk [tilespmem:v22+s2+$0x0], $0xffff;
	[tilespmem:s0+$0x1B0] =	vst v19  }
0x2a2: {  	s11 =	simm.s32 $0x10;
	s12 =	simm.s32 $0x4600;
	s30 =	simm.s32 $0x5;
	v10 =	vor.u32 s8, v4;
	v18 =	vor.u32 s17, v6;
	[tilespmem:s0+$0x20] =	vst v21;
	v19 =	vld.idx.msk [tilespmem:v23+s2+$0x0], $0xffff  }
.LBB2_12:
0x2a3: {  	v21 =	vor.u32 s11, v0;
	s14 =	sadd.s32 $0x2, s11;
	s29 =	sadd.s32 $0x8, s11;
	s6 =	sadd.s32 $0xC, s11;
	[tilespmem:s0+$0xFFFFFF20] =	vst v9;
	v22 =	vld.idx.msk [tilespmem:v11+s2+$0x0], $0xffff;
	v23 =	vor.u32 s7, v5  }
0x2a4: {  	s18 =	sadd.s32 $0x4, s11;
	s13 =	sadd.s32 $0xA, s11;
	s25 =	sadd.s32 $0xE, s11;
	v11 =	vor.u32 s14, v0;
	v9 =	vor.u32 s29, v0;
	v24 =	vor.u32 s6, v0;
	v20 =	vld.idx.msk [tilespmem:v20+s2+$0x0], $0xffff  }
0x2a5: {  	s23 =	sadd.s32 $0x6, s11;
	s10 =	sadd.s32 $0x8, s10;
	v25 =	vor.u32 s18, v0;
	v26 =	vor.u32 s13, v0;
	v27 =	vor.u32 s25, v0;
	[tilespmem:s0+$0xFFFFFEA0] =	vst v14  }
0x2a6: {  	v28 =	vor.u32 s13, v7;
	p2 =	slt.u32 s10, $0x38;
	v14 =	vor.u32 s23, v0;
	v17 =	vld.idx.msk [tilespmem:v17+s2+$0x0], $0xffff;
	[tilespmem:s0+$0xFFFFFFD0] =	vst v15  }
0x2a7: {  	v29 =	vor.u32 s15, v4;
	v18 =	vld.idx.msk [tilespmem:v18+s2+$0x0], $0xffff;
	[tilespmem:s0+$0xE0] =	vst v16  }
0x2a8: {  	v30 =	vor.u32 s16, v4;
	v31 =	vld.idx.msk [tilespmem:v8+s2+$0x0], $0xffff;
	[tilespmem:s0+$0x1C0] =	vst v19;
	v8 =	vmov v28  }
0x2a9: {  	v19 =	vld.idx.msk [tilespmem:v21+s2+$0x0], $0xffff;
	v21 =	vor.u32 s17, v7;
	[tilespmem:s0+$0x30] =	vst v22;
	s17 =	smov.u32 s23  }
0x2aa: {  	v22 =	vor.u32 s11, v1;
	[tilespmem:s0+$0xFFFFFF30] =	vst v20;
	v20 =	vld.idx.msk [tilespmem:v23+s2+$0x0], $0xffff  }
0x2ab: {  	v15 =	vor.u32 s14, v1;
	[tilespmem:s0+$0xFFFFFE40] =	vst v12;
	v10 =	vld.idx.msk [tilespmem:v10+s2+$0x0], $0xffff  }
0x2ac: {  	v16 =	vor.u32 s25, v1;
	[tilespmem:s0+$0xFFFFFEB0] =	vst v17;
	v23 =	vld.idx.msk [tilespmem:v29+s2+$0x0], $0xffff  }
0x2ad: {  	v12 =	vor.u32 s29, v1;
	v28 =	vld.idx.msk [tilespmem:v30+s2+$0x0], $0xffff;
	[tilespmem:s0+$0xFFFFFFE0] =	vst v18;
	v18 =	vor.u32 s8, v5  }
0x2ae: {  	v29 =	vor.u32 s13, v1;
	v21 =	vld.idx.msk [tilespmem:v21+s2+$0x0], $0xffff;
	[tilespmem:s0+$0xF0] =	vst v31  }
0x2af: {  	[tilespmem:s12+$0xFFFFFE00] =	vst v19;
	v19 =	vld.idx.msk [tilespmem:v26+s2+$0x0], $0xffff;
	v26 =	vor.u32 s15, v5  }
0x2b0: {  	v17 =	vor.u32 s18, v1;
	v30 =	vor.u32 s4, v4;
	v25 =	vld.idx.msk [tilespmem:v25+s2+$0x0], $0xffff;
	[tilespmem:s0+$0x1D0] =	vst v20  }
0x2b1: {  	v31 =	vor.u32 s7, v6;
	v20 =	vor.u32 s17, v1;
	v27 =	vld.idx.msk [tilespmem:v27+s2+$0x0], $0xffff;
	[tilespmem:s0+$0x40] =	vst v10  }
0x2b2: {  	v32 =	vor.u32 s11, v2;
	v10 =	vor.u32 s14, v2;
	[tilespmem:s0+$0xFFFFFF40] =	vst v23;
	v23 =	vld.idx.msk [tilespmem:v18+s2+$0x0], $0xffff  }
0x2b3: {  	v18 =	vor.u32 s25, v2;
	v33 =	vld.idx.msk [tilespmem:v14+s2+$0x0], $0xffff;
	[tilespmem:s0+$0xFFFFFEC0] =	vst v28  }
0x2b4: {  	v14 =	vor.u32 s29, v2;
	v28 =	vor.u32 s1, v5;
	v26 =	vld.idx.msk [tilespmem:v26+s2+$0x0], $0xffff;
	[tilespmem:s0+$0x130] =	vst v13  }
0x2b5: {  	v34 =	vor.u32 s16, v5;
	[tilespmem:s12+$0x80] =	vst v19;
	v19 =	vor.u32 s13, v2;
	v30 =	vld.idx.msk [tilespmem:v30+s2+$0x0], $0xffff  }
0x2b6: {  	v35 =	vor.u32 s6, v1;
	[tilespmem:s0+$0xFFFFFFF0] =	vst v21;
	v21 =	vor.u32 s8, v6;
	v31 =	vld.idx.msk [tilespmem:v31+s2+$0x0], $0xffff  }
0x2b7: {  	v13 =	vor.u32 s18, v2;
	v24 =	vld.idx.msk [tilespmem:v24+s2+$0x0], $0xffff;
	[tilespmem:s12+$0x180] =	vst v27;
	v27 =	vor.u32 s4, v5  }
0x2b8: {  	v36 =	vor.u32 s17, v2;
	v29 =	vld.idx.msk [tilespmem:v29+s2+$0x0], $0xffff;
	[tilespmem:s0+$0x50] =	vst v23;
	v23 =	vor.u32 s7, v7;
	s7 =	smov.u32 s25  }
0x2b9: {  	[tilespmem:s12+$0xFFFFFF00] =	vst v25;
	v25 =	vld.idx.msk [tilespmem:v28+s2+$0x0], $0xffff;
	v28 =	vor.u32 s15, v6  }
0x2ba: {  	v34 =	vld.idx.msk [tilespmem:v34+s2+$0x0], $0xffff;
	[tilespmem:s0+$0xFFFFFF50] =	vst v26  }
0x2bb: {  	v21 =	vld.idx.msk [tilespmem:v21+s2+$0x0], $0xffff;
	[tilespmem:s0+$0x140] =	vst v30  }
0x2bc: {  	v26 =	vor.u32 s1, v6;
	v27 =	vld.idx.msk [tilespmem:v27+s2+$0x0], $0xffff;
	[tilespmem:s0+$0x1E0] =	vst v31  }
0x2bd: {  	v30 =	vor.u32 s16, v6;
	[tilespmem:s12+$0xFFFFFF80] =	vst v33;
	v23 =	vld.idx.msk [tilespmem:v23+s2+$0x0], $0xffff  }
0x2be: {  	[tilespmem:s12+$0x90] =	vst v29;
	v28 =	vld.idx.msk [tilespmem:v28+s2+$0x0], $0xffff  }
0x2bf: {  	v19 =	vld.idx.msk [tilespmem:v19+s2+$0x0], $0xffff;
	[tilespmem:s0+$0xFFFFFE50] =	vst v25;
	v25 =	vor.u32 s4, v6  }
0x2c0: {  	v29 =	vor.u32 s8, v7;
	s8 =	smov.u32 s29;
	v22 =	vld.idx.msk [tilespmem:v22+s2+$0x0], $0xffff;
	[tilespmem:s0+$0xFFFFFED0] =	vst v34  }
0x2c1: {  	v26 =	vld.idx.msk [tilespmem:v26+s2+$0x0], $0xffff;
	[tilespmem:s0+$0x60] =	vst v21  }
0x2c2: {  	v21 =	vld.idx.msk [tilespmem:v30+s2+$0x0], $0xffff;
	v30 =	vor.u32 s15, v7;
	[tilespmem:s0+$0x150] =	vst v27;
	s15 =	smov.u32 s18  }
0x2c3: {  	v27 =	vor.u32 s13, v3;
	v20 =	vld.idx.msk [tilespmem:v20+s2+$0x0], $0xffff;
	[tilespmem:s0+$0x1F0] =	vst v23  }
0x2c4: {  	[tilespmem:s12+$0x100] =	vst v24;
	v23 =	vld.idx.msk [tilespmem:v25+s2+$0x0], $0xffff  }
0x2c5: {  	[tilespmem:s12+$0xA0] =	vst v19;
	v19 =	vld.idx.msk [tilespmem:v29+s2+$0x0], $0xffff  }
0x2c6: {  	v25 =	vor.u32 s4, v7;
	s4 =	smov.u32 s6;
	v24 =	vld.idx.msk [tilespmem:v35+s2+$0x0], $0xffff;
	[tilespmem:s0+$0xFFFFFF60] =	vst v28  }
0x2c7: {  	v28 =	vor.u32 s16, v7;
	s16 =	smov.u32 s14;
	[tilespmem:s12+$0xFFFFFE10] =	vst v22;
	v22 =	vor.u32 s1, v7;
	v29 =	vld.idx.msk [tilespmem:v30+s2+$0x0], $0xffff;
	s1 =	smov.u32 s11  }
0x2c8: {  	v27 =	vld.idx.msk [tilespmem:v27+s2+$0x0], $0xffff;
	[tilespmem:s0+$0xFFFFFEE0] =	vst v21  }
0x2c9: {  	v11 =	vld.idx.msk [tilespmem:v11+s2+$0x0], $0xffff;
	[tilespmem:s12+$0xFFFFFF90] =	vst v20  }
0x2ca: {  	v20 =	vld.idx.msk [tilespmem:v36+s2+$0x0], $0xffff;
	[tilespmem:s0+$0x160] =	vst v23  }
0x2cb: {  	[tilespmem:s0+$0xFFFFFE60] =	vst v26;
	v21 =	vld.idx.msk [tilespmem:v25+s2+$0x0], $0xffff  }
0x2cc: {  	v22 =	vld.idx.msk [tilespmem:v22+s2+$0x0], $0xffff;
	[tilespmem:s0+$0x70] =	vst v19  }
0x2cd: {  	v19 =	vld.idx.msk [tilespmem:v28+s2+$0x0], $0xffff;
	[tilespmem:s0+$0xFFFFFF70] =	vst v29  }
0x2ce: {  	v23 =	vor.u32 s17, v3;
	[tilespmem:s12+$0xB0] =	vst v27;
	v16 =	vld.idx.msk [tilespmem:v16+s2+$0x0], $0xffff  }
0x2cf: {  	[tilespmem:s12+$0xFFFFFE80] =	vst v11;
	v9 =	vld.idx.msk [tilespmem:v9+s2+$0x0], $0xffff;
	v11 =	vor.u32 s13, v4  }
0x2d0: {  	v25 =	vld.idx.msk [tilespmem:v32+s2+$0x0], $0xffff;
	[tilespmem:s12+$0xFFFFFFA0] =	vst v20  }
0x2d1: {  	v15 =	vld.idx.msk [tilespmem:v15+s2+$0x0], $0xffff;
	[tilespmem:s0+$0x170] =	vst v21  }
0x2d2: {  	v20 =	vor.u32 s4, v2;
	v17 =	vld.idx.msk [tilespmem:v17+s2+$0x0], $0xffff;
	[tilespmem:s0+$0xFFFFFE70] =	vst v22  }
0x2d3: {  	v21 =	vor.u32 s11, v3;
	v22 =	vld.idx.msk [tilespmem:v23+s2+$0x0], $0xffff;
	[tilespmem:s0+$0xFFFFFEF0] =	vst v19;
	s0 =	smov.u32 s12  }
0x2d4: {  	v11 =	vld.idx.msk [tilespmem:v11+s2+$0x0], $0xffff;
	[tilespmem:s12+$0x190] =	vst v16  }
0x2d5: {  	v16 =	vor.u32 s17, v4;
	[tilespmem:s12+$0x0] =	vst v9;
	v18 =	vld.idx.msk [tilespmem:v18+s2+$0x0], $0xffff  }
0x2d6: {  	v19 =	vor.u32 s13, v5;
	v12 =	vld.idx.msk [tilespmem:v12+s2+$0x0], $0xffff;
	[tilespmem:s12+$0x110] =	vst v24  }
0x2d7: {  	v23 =	vor.u32 s7, v3;
	[tilespmem:s12+$0xFFFFFE20] =	vst v25;
	v20 =	vld.idx.msk [tilespmem:v20+s2+$0x0], $0xffff  }
0x2d8: {  	v21 =	vld.idx.msk [tilespmem:v21+s2+$0x0], $0xffff;
	[tilespmem:s12+$0xFFFFFF10] =	vst v17  }
0x2d9: {  	v9 =	vld.idx.msk [tilespmem:v13+s2+$0x0], $0xffff;
	[tilespmem:s12+$0xFFFFFFB0] =	vst v22;
	v13 =	vor.u32 s4, v3  }
0x2da: {  	v17 =	vor.u32 s11, v4;
	v16 =	vld.idx.msk [tilespmem:v16+s2+$0x0], $0xffff;
	[tilespmem:s12+$0xC0] =	vst v11  }
0x2db: {  	v19 =	vld.idx.msk [tilespmem:v19+s2+$0x0], $0xffff;
	[tilespmem:s12+$0x1A0] =	vst v18  }
0x2dc: {  	v18 =	vor.u32 s17, v5;
	[tilespmem:s12+$0x10] =	vst v12;
	v22 =	vld.idx.msk [tilespmem:v23+s2+$0x0], $0xffff  }
0x2dd: {  	v24 =	vor.u32 s13, v6;
	v23 =	vld.idx.msk [tilespmem:v14+s2+$0x0], $0xffff;
	[tilespmem:s12+$0x120] =	vst v20  }
0x2de: {  	[tilespmem:s12+$0xFFFFFE30] =	vst v21;
	v13 =	vld.idx.msk [tilespmem:v13+s2+$0x0], $0xffff;
	v21 =	vor.u32 s7, v4  }
.Ltmp7:
0x2df: {  	v11 =	vor.u32 s8, v3;
	v12 =	vld.idx.msk [tilespmem:v17+s2+$0x0], $0xffff;
	[tilespmem:s12+$0xFFFFFE90] =	vst v15;
	(pc) =	sbr.rel @p2 .LBB2_12-.Ltmp7, $4  }
0x2e0: {  	v20 =	vor.u32 s15, v3;
	v14 =	vld.idx.msk [tilespmem:v10+s2+$0x0], $0xffff;
	[tilespmem:s12+$0xFFFFFFC0] =	vst v16  }
0x2e1: {  	v15 =	vld.idx.msk [tilespmem:v18+s2+$0x0], $0xffff;
	[tilespmem:s12+$0xD0] =	vst v19  }
0x2e2: {  	v17 =	vor.u32 s16, v3;
	v16 =	vld.idx.msk [tilespmem:v24+s2+$0x0], $0xffff;
	[tilespmem:s12+$0x1B0] =	vst v22  }
0x2e3: {  	s11 =	sadd.s32 $0x10, s11;
	v10 =	vor.u32 s8, v4;
	v18 =	vor.u32 s17, v6;
	s12 =	sadd.s32 $0x400, s12;
	[tilespmem:s0+$0x20] =	vst v23;
	v19 =	vld.idx.msk [tilespmem:v21+s2+$0x0], $0xffff  }
0x2e4: {  	_ =	sdelay $0x2  }
0x2e5: {  	[tilespmem:s0+$0xFFFFFF20] =	vst v9  }
0x2e6: {  	v9 =	vld.idx.msk [tilespmem:v11+s2+$0x0], $0xffff;
	[tilespmem:s0+$0xFFFFFE40] =	vst v12  }
0x2e7: {  	v11 =	vld.idx.msk [tilespmem:v20+s2+$0x0], $0xffff;
	[tilespmem:s0+$0xFFFFFEA0] =	vst v14  }
0x2e8: {  	v14 =	vor.u32 s15, v4;
	[tilespmem:s0+$0xFFFFFFD0] =	vst v15  }
0x2e9: {  	v15 =	vld.idx.msk [tilespmem:v17+s2+$0x0], $0xffff;
	[tilespmem:s0+$0xE0] =	vst v16;
	v16 =	vor.u32 s4, v4  }
0x2ea: {  	[tilespmem:s0+$0x130] =	vst v13;
	v17 =	vor.u32 s7, v5;
	v18 =	vld.idx.msk [tilespmem:v18+s2+$0x0], $0xffff  }
0x2eb: {  	v8 =	vld.idx.msk [tilespmem:v8+s2+$0x0], $0xffff;
	[tilespmem:s0+$0x30] =	vst v9;
	v9 =	vor.u32 s16, v4  }
0x2ec: {  	[tilespmem:s0+$0xFFFFFF30] =	vst v11;
	v11 =	vor.u32 s17, v7;
	v10 =	vld.idx.msk [tilespmem:v10+s2+$0x0], $0xffff  }
0x2ed: {  	[tilespmem:s0+$0x1C0] =	vst v19;
	v12 =	vld.idx.msk [tilespmem:v14+s2+$0x0], $0xffff;
	v14 =	vor.u32 s8, v5  }
0x2ee: {  	v13 =	vor.u32 s15, v5;
	[tilespmem:s0+$0xFFFFFEB0] =	vst v15;
	v15 =	vld.idx.msk [tilespmem:v16+s2+$0x0], $0xffff  }
0x2ef: {  	v16 =	vld.idx.msk [tilespmem:v17+s2+$0x0], $0xffff;
	[tilespmem:s0+$0xFFFFFFE0] =	vst v18;
	v17 =	vor.u32 s4, v5  }
0x2f0: {  	[tilespmem:s0+$0xF0] =	vst v8;
	v8 =	vor.u32 s1, v5;
	v9 =	vld.idx.msk [tilespmem:v9+s2+$0x0], $0xffff  }
0x2f1: {  	v11 =	vld.idx.msk [tilespmem:v11+s2+$0x0], $0xffff;
	[tilespmem:s0+$0x40] =	vst v10;
	v10 =	vor.u32 s16, v5  }
0x2f2: {  	v18 =	vor.u32 s7, v6;
	[tilespmem:s0+$0xFFFFFF40] =	vst v12;
	v12 =	vld.idx.msk [tilespmem:v14+s2+$0x0], $0xffff  }
0x2f3: {  	v14 =	vor.u32 s8, v6;
	v13 =	vld.idx.msk [tilespmem:v13+s2+$0x0], $0xffff;
	[tilespmem:s0+$0x140] =	vst v15  }
0x2f4: {  	[tilespmem:s0+$0x1D0] =	vst v16;
	v15 =	vor.u32 s15, v6;
	v16 =	vld.idx.msk [tilespmem:v17+s2+$0x0], $0xffff  }
0x2f5: {  	v8 =	vld.idx.msk [tilespmem:v8+s2+$0x0], $0xffff;
	[tilespmem:s0+$0xFFFFFEC0] =	vst v9;
	v9 =	vor.u32 s4, v6  }
0x2f6: {  	[tilespmem:s0+$0xFFFFFFF0] =	vst v11;
	v10 =	vld.idx.msk [tilespmem:v10+s2+$0x0], $0xffff;
	v11 =	vor.u32 s1, v6  }
0x2f7: {  	v17 =	vld.idx.msk [tilespmem:v18+s2+$0x0], $0xffff;
	[tilespmem:s0+$0x50] =	vst v12;
	v12 =	vor.u32 s16, v6  }
0x2f8: {  	v18 =	vor.u32 s7, v7;
	[tilespmem:s0+$0xFFFFFF50] =	vst v13;
	v13 =	vld.idx.msk [tilespmem:v14+s2+$0x0], $0xffff  }
0x2f9: {  	v14 =	vld.idx.msk [tilespmem:v15+s2+$0x0], $0xffff;
	v15 =	vor.u32 s8, v7;
	[tilespmem:s0+$0x150] =	vst v16  }
0x2fa: {  	[tilespmem:s0+$0xFFFFFE50] =	vst v8;
	v8 =	vor.u32 s15, v7;
	v9 =	vld.idx.msk [tilespmem:v9+s2+$0x0], $0xffff  }
0x2fb: {  	[tilespmem:s0+$0xFFFFFED0] =	vst v10;
	v10 =	vld.idx.msk [tilespmem:v11+s2+$0x0], $0xffff;
	v11 =	vor.u32 s4, v7  }
0x2fc: {  	[tilespmem:s0+$0x1E0] =	vst v17;
	v16 =	vor.u32 s1, v7;
	v12 =	vld.idx.msk [tilespmem:v12+s2+$0x0], $0xffff  }
0x2fd: {  	v17 =	vld.idx.msk [tilespmem:v18+s2+$0x0], $0xffff;
	[tilespmem:s0+$0x60] =	vst v13;
	v13 =	vor.u32 s16, v7  }
0x2fe: {  	v15 =	vld.idx.msk [tilespmem:v15+s2+$0x0], $0xffff;
	[tilespmem:s0+$0xFFFFFF60] =	vst v14  }
0x2ff: {  	v8 =	vld.idx.msk [tilespmem:v8+s2+$0x0], $0xffff;
	[tilespmem:s0+$0x160] =	vst v9  }
0x300: {  	[tilespmem:s0+$0xFFFFFE60] =	vst v10;
	v9 =	vld.idx.msk [tilespmem:v11+s2+$0x0], $0xffff  }
0x301: {  	[tilespmem:s0+$0xFFFFFEE0] =	vst v12;
	v10 =	vld.idx.msk [tilespmem:v16+s2+$0x0], $0xffff  }
0x302: {  	[tilespmem:s0+$0x1F0] =	vst v17;
	v11 =	vld.idx.msk [tilespmem:v13+s2+$0x0], $0xffff  }
0x303: {  	[tilespmem:s0+$0x70] =	vst v15  }
0x304: {  	[tilespmem:s0+$0xFFFFFF70] =	vst v8  }
0x305: {  	[tilespmem:s0+$0x170] =	vst v9  }
0x306: {  	[tilespmem:s0+$0xFFFFFE70] =	vst v10  }
0x307: {  	[tilespmem:s0+$0xFFFFFEF0] =	vst v11  }
0x308: {  	s31 =	simm.s32 $0x4000;
	s1 =	simm.s32 $0x0;
	s0 =	rddreg [dreg:$0xa]  }
0x309: {  	[hbm4b:s0+s1] =	stream.linear.scatter [tilespmem:s31], [sflag:$0x3], $0x2000, $0x38;
	[tilespmem:$0x8000] =	vst v63  }
0x30a: {  	s6 =	simm.s32 $0xA;
	_ =	swait.ge [sflag:s24], $0x2000  }
0x30b: {  	v8 =	vor.u32 s6, v0;
	[sflag:s24] =	ssyncset.done $0x0  }
0x30c: {  	[sflag:s24] =	ssyncadd.s32 $0xFFFFE000  }
0x30d: {  	_ =	swait.ge [sflag:s28], $0x2000  }
0x30e: {  	s10 =	simm.s32 $0x6;
	[sflag:s28] =	ssyncset.done $0x0  }
0x30f: {  	v10 =	vor.u32 s10, v0;
	[sflag:s28] =	ssyncadd.s32 $0xFFFFE000  }
0x310: {  	v11 =	vor.u32 s1, v0;
	v8 =	vld.idx.msk [tilespmem:v8+s21+$0x0], $0xffff  }
0x311: {  	s4 =	simm.s32 $0xC;
	v9 =	vor.u32 s6, v1  }
0x312: {  	v12 =	vor.u32 s4, v0;
	_ =	sdelay $0x1  }
0x313: {  	s7 =	simm.s32 $0xE;
	s0 =	simm.s32 $0x63F0;
	v10 =	vld.idx.msk [tilespmem:v10+s21+$0x0], $0xffff  }
0x314: {  	v15 =	vor.u32 s7, v0;
	v11 =	vld.idx.msk [tilespmem:v11+s21+$0x0], $0xffff;
	[tilespmem:s0+$0xFFFFFE90] =	vst v8  }
0x315: {  	v16 =	vor.u32 s1, v1;
	v9 =	vld.idx.msk [tilespmem:v9+s21+$0x0], $0xffff  }
0x316: {  	v13 =	vor.u32 s6, v2;
	v12 =	vld.idx.msk [tilespmem:v12+s21+$0x0], $0xffff  }
0x317: {  	v14 =	vor.u32 s10, v1  }
0x318: {  	s15 =	simm.s32 $0x4;
	v17 =	vor.u32 s4, v1;
	[tilespmem:s0+$0xFFFFFD90] =	vst v10  }
0x319: {  	s16 =	simm.s32 $0x2;
	v8 =	vor.u32 s15, v0;
	[tilespmem:s0+$0xFFFFFC10] =	vst v11;
	v11 =	vld.idx.msk [tilespmem:v15+s21+$0x0], $0xffff  }
0x31a: {  	s8 =	simm.s32 $0x8;
	v16 =	vld.idx.msk [tilespmem:v16+s21+$0x0], $0xffff;
	[tilespmem:s0+$0xFFFFFEA0] =	vst v9;
	v9 =	vor.u32 s16, v0  }
0x31b: {  	[tilespmem:s0+$0xFFFFFF10] =	vst v12;
	v12 =	vor.u32 s8, v0;
	v10 =	vld.idx.msk [tilespmem:v13+s21+$0x0], $0xffff  }
0x31c: {  	v18 =	vor.u32 s7, v1;
	v13 =	vld.idx.msk [tilespmem:v14+s21+$0x0], $0xffff  }
0x31d: {  	v15 =	vor.u32 s10, v2;
	v17 =	vld.idx.msk [tilespmem:v17+s21+$0x0], $0xffff  }
0x31e: {  	v8 =	vld.idx.msk [tilespmem:v8+s21+$0x0], $0xffff;
	v14 =	vor.u32 s6, v3  }
0x31f: {  	v19 =	vor.u32 s1, v2;
	[tilespmem:s0+$0xFFFFFF90] =	vst v11;
	v9 =	vld.idx.msk [tilespmem:v9+s21+$0x0], $0xffff  }
0x320: {  	v12 =	vld.idx.msk [tilespmem:v12+s21+$0x0], $0xffff;
	[tilespmem:s0+$0xFFFFFEB0] =	vst v10;
	v10 =	vor.u32 s16, v1  }
0x321: {  	v18 =	vld.idx.msk [tilespmem:v18+s21+$0x0], $0xffff;
	[tilespmem:s0+$0xFFFFFDA0] =	vst v13;
	v13 =	vor.u32 s15, v1  }
0x322: {  	v20 =	vor.u32 s7, v2;
	[tilespmem:s0+$0xFFFFFC20] =	vst v16;
	v11 =	vld.idx.msk [tilespmem:v15+s21+$0x0], $0xffff  }
0x323: {  	[tilespmem:s0+$0xFFFFFD10] =	vst v8;
	v14 =	vld.idx.msk [tilespmem:v14+s21+$0x0], $0xffff;
	v15 =	vor.u32 s10, v3  }
0x324: {  	v16 =	vor.u32 s6, v4;
	[tilespmem:s0+$0xFFFFFC90] =	vst v9;
	v9 =	vld.idx.msk [tilespmem:v19+s21+$0x0], $0xffff  }
0x325: {  	[tilespmem:s0+$0xFFFFFE10] =	vst v12;
	v19 =	vor.u32 s8, v1;
	v8 =	vld.idx.msk [tilespmem:v10+s21+$0x0], $0xffff  }
0x326: {  	[tilespmem:s0+$0xFFFFFFA0] =	vst v18;
	v10 =	vld.idx.msk [tilespmem:v13+s21+$0x0], $0xffff;
	v13 =	vor.u32 s1, v3  }
0x327: {  	v12 =	vld.idx.msk [tilespmem:v20+s21+$0x0], $0xffff;
	[tilespmem:s0+$0xFFFFFDB0] =	vst v11;
	v11 =	vor.u32 s4, v2  }
0x328: {  	[tilespmem:s0+$0xFFFFFEC0] =	vst v14;
	v14 =	vld.idx.msk [tilespmem:v15+s21+$0x0], $0xffff;
	v15 =	vor.u32 s15, v2  }
0x329: {  	v18 =	vor.u32 s10, v4;
	v16 =	vld.idx.msk [tilespmem:v16+s21+$0x0], $0xffff  }
0x32a: {  	v20 =	vor.u32 s6, v5;
	v19 =	vld.idx.msk [tilespmem:v19+s21+$0x0], $0xffff;
	[tilespmem:s0+$0xFFFFFC30] =	vst v9  }
0x32b: {  	[tilespmem:s0+$0xFFFFFF20] =	vst v17;
	v17 =	vor.u32 s7, v3;
	v13 =	vld.idx.msk [tilespmem:v13+s21+$0x0], $0xffff  }
0x32c: {  	v21 =	vor.u32 s8, v2;
	[tilespmem:s0+$0xFFFFFD20] =	vst v10;
	v11 =	vld.idx.msk [tilespmem:v11+s21+$0x0], $0xffff  }
0x32d: {  	v10 =	vor.u32 s4, v3;
	v9 =	vld.idx.msk [tilespmem:v15+s21+$0x0], $0xffff;
	[tilespmem:s0+$0xFFFFFDC0] =	vst v14  }
0x32e: {  	v14 =	vor.u32 s1, v4;
	[tilespmem:s0+$0xFFFFFED0] =	vst v16;
	v15 =	vld.idx.msk [tilespmem:v18+s21+$0x0], $0xffff  }
0x32f: {  	[tilespmem:s0+$0xFFFFFFB0] =	vst v12;
	v18 =	vld.idx.msk [tilespmem:v20+s21+$0x0], $0xffff;
	v20 =	vor.u32 s10, v5  }
0x330: {  	v16 =	vor.u32 s16, v2;
	[tilespmem:s0+$0xFFFFFE20] =	vst v19;
	v19 =	vld.idx.msk [tilespmem:v17+s21+$0x0], $0xffff  }
0x331: {  	v22 =	vor.u32 s6, v6;
	v21 =	vld.idx.msk [tilespmem:v21+s21+$0x0], $0xffff;
	[tilespmem:s0+$0xFFFFFF30] =	vst v11  }
0x332: {  	v23 =	vor.u32 s7, v4;
	[tilespmem:s0+$0xFFFFFC40] =	vst v13;
	v13 =	vld.idx.msk [tilespmem:v10+s21+$0x0], $0xffff  }
0x333: {  	v11 =	vor.u32 s8, v3;
	v12 =	vld.idx.msk [tilespmem:v14+s21+$0x0], $0xffff;
	[tilespmem:s0+$0xFFFFFDD0] =	vst v15  }
0x334: {  	[tilespmem:s0+$0xFFFFFCA0] =	vst v8;
	v15 =	vld.idx.msk [tilespmem:v20+s21+$0x0], $0xffff;
	v20 =	vor.u32 s15, v3  }
0x335: {  	v14 =	vld.idx.msk [tilespmem:v16+s21+$0x0], $0xffff;
	[tilespmem:s0+$0xFFFFFEE0] =	vst v18  }
0x336: {  	v8 =	vor.u32 s6, v7;
	v17 =	vor.u32 s16, v3;
	v16 =	vld.idx.msk [tilespmem:v22+s21+$0x0], $0xffff;
	[tilespmem:s0+$0xFFFFFFC0] =	vst v19  }
0x337: {  	s11 =	simm.s32 $0x0;
	s12 =	simm.s32 $0x10;
	s13 =	simm.s32 $0x67F0;
	v10 =	vor.u32 s8, v4;
	v18 =	vor.u32 s10, v6;
	[tilespmem:s0+$0xFFFFFE30] =	vst v21;
	v19 =	vld.idx.msk [tilespmem:v23+s21+$0x0], $0xffff  }
.LBB2_14:
0x338: {  	v21 =	vor.u32 s12, v0;
	s17 =	sadd.s32 $0x2, s12;
	s29 =	sadd.s32 $0x8, s12;
	s6 =	sadd.s32 $0xC, s12;
	[tilespmem:s0+$0xFFFFFD30] =	vst v9;
	v22 =	vld.idx.msk [tilespmem:v11+s21+$0x0], $0xffff;
	v23 =	vor.u32 s7, v5  }
0x339: {  	s18 =	sadd.s32 $0x4, s12;
	s14 =	sadd.s32 $0xA, s12;
	s25 =	sadd.s32 $0xE, s12;
	v11 =	vor.u32 s17, v0;
	v9 =	vor.u32 s29, v0;
	v24 =	vor.u32 s6, v0;
	v20 =	vld.idx.msk [tilespmem:v20+s21+$0x0], $0xffff  }
0x33a: {  	s23 =	sadd.s32 $0x6, s12;
	s11 =	sadd.s32 $0x8, s11;
	v25 =	vor.u32 s18, v0;
	v26 =	vor.u32 s14, v0;
	v27 =	vor.u32 s25, v0;
	[tilespmem:s0+$0xFFFFFCB0] =	vst v14  }
0x33b: {  	v28 =	vor.u32 s14, v7;
	p2 =	slt.u32 s11, $0x38;
	v14 =	vor.u32 s23, v0;
	v17 =	vld.idx.msk [tilespmem:v17+s21+$0x0], $0xffff;
	[tilespmem:s0+$0xFFFFFDE0] =	vst v15  }
0x33c: {  	v29 =	vor.u32 s15, v4;
	v18 =	vld.idx.msk [tilespmem:v18+s21+$0x0], $0xffff;
	[tilespmem:s0+$0xFFFFFEF0] =	vst v16  }
0x33d: {  	v30 =	vor.u32 s16, v4;
	v31 =	vld.idx.msk [tilespmem:v8+s21+$0x0], $0xffff;
	[tilespmem:s0+$0xFFFFFFD0] =	vst v19;
	v8 =	vmov v28  }
0x33e: {  	v19 =	vld.idx.msk [tilespmem:v21+s21+$0x0], $0xffff;
	v21 =	vor.u32 s10, v7;
	[tilespmem:s0+$0xFFFFFE40] =	vst v22;
	s10 =	smov.u32 s23  }
0x33f: {  	v22 =	vor.u32 s12, v1;
	[tilespmem:s0+$0xFFFFFD40] =	vst v20;
	v20 =	vld.idx.msk [tilespmem:v23+s21+$0x0], $0xffff  }
0x340: {  	v15 =	vor.u32 s17, v1;
	[tilespmem:s0+$0xFFFFFC50] =	vst v12;
	v10 =	vld.idx.msk [tilespmem:v10+s21+$0x0], $0xffff  }
0x341: {  	v16 =	vor.u32 s25, v1;
	[tilespmem:s0+$0xFFFFFCC0] =	vst v17;
	v23 =	vld.idx.msk [tilespmem:v29+s21+$0x0], $0xffff  }
0x342: {  	v12 =	vor.u32 s29, v1;
	v28 =	vld.idx.msk [tilespmem:v30+s21+$0x0], $0xffff;
	[tilespmem:s0+$0xFFFFFDF0] =	vst v18;
	v18 =	vor.u32 s8, v5  }
0x343: {  	v29 =	vor.u32 s14, v1;
	v21 =	vld.idx.msk [tilespmem:v21+s21+$0x0], $0xffff;
	[tilespmem:s0+$0xFFFFFF00] =	vst v31  }
0x344: {  	[tilespmem:s13+$0xFFFFFC10] =	vst v19;
	v19 =	vld.idx.msk [tilespmem:v26+s21+$0x0], $0xffff;
	v26 =	vor.u32 s15, v5  }
0x345: {  	v17 =	vor.u32 s18, v1;
	v30 =	vor.u32 s4, v4;
	v25 =	vld.idx.msk [tilespmem:v25+s21+$0x0], $0xffff;
	[tilespmem:s0+$0xFFFFFFE0] =	vst v20  }
0x346: {  	v31 =	vor.u32 s7, v6;
	v20 =	vor.u32 s10, v1;
	v27 =	vld.idx.msk [tilespmem:v27+s21+$0x0], $0xffff;
	[tilespmem:s0+$0xFFFFFE50] =	vst v10  }
0x347: {  	v32 =	vor.u32 s12, v2;
	v10 =	vor.u32 s17, v2;
	[tilespmem:s0+$0xFFFFFD50] =	vst v23;
	v23 =	vld.idx.msk [tilespmem:v18+s21+$0x0], $0xffff  }
0x348: {  	v18 =	vor.u32 s25, v2;
	v33 =	vld.idx.msk [tilespmem:v14+s21+$0x0], $0xffff;
	[tilespmem:s0+$0xFFFFFCD0] =	vst v28  }
0x349: {  	v14 =	vor.u32 s29, v2;
	v28 =	vor.u32 s1, v5;
	v26 =	vld.idx.msk [tilespmem:v26+s21+$0x0], $0xffff;
	[tilespmem:s0+$0xFFFFFF40] =	vst v13  }
0x34a: {  	v34 =	vor.u32 s16, v5;
	[tilespmem:s13+$0xFFFFFE90] =	vst v19;
	v19 =	vor.u32 s14, v2;
	v30 =	vld.idx.msk [tilespmem:v30+s21+$0x0], $0xffff  }
0x34b: {  	v35 =	vor.u32 s6, v1;
	[tilespmem:s0+$0xFFFFFE00] =	vst v21;
	v21 =	vor.u32 s8, v6;
	v31 =	vld.idx.msk [tilespmem:v31+s21+$0x0], $0xffff  }
0x34c: {  	v13 =	vor.u32 s18, v2;
	v24 =	vld.idx.msk [tilespmem:v24+s21+$0x0], $0xffff;
	[tilespmem:s13+$0xFFFFFF90] =	vst v27;
	v27 =	vor.u32 s4, v5  }
0x34d: {  	v36 =	vor.u32 s10, v2;
	v29 =	vld.idx.msk [tilespmem:v29+s21+$0x0], $0xffff;
	[tilespmem:s0+$0xFFFFFE60] =	vst v23;
	v23 =	vor.u32 s7, v7;
	s7 =	smov.u32 s25  }
0x34e: {  	[tilespmem:s13+$0xFFFFFD10] =	vst v25;
	v25 =	vld.idx.msk [tilespmem:v28+s21+$0x0], $0xffff;
	v28 =	vor.u32 s15, v6  }
0x34f: {  	v34 =	vld.idx.msk [tilespmem:v34+s21+$0x0], $0xffff;
	[tilespmem:s0+$0xFFFFFD60] =	vst v26  }
0x350: {  	v21 =	vld.idx.msk [tilespmem:v21+s21+$0x0], $0xffff;
	[tilespmem:s0+$0xFFFFFF50] =	vst v30  }
0x351: {  	v26 =	vor.u32 s1, v6;
	v27 =	vld.idx.msk [tilespmem:v27+s21+$0x0], $0xffff;
	[tilespmem:s0+$0xFFFFFFF0] =	vst v31  }
0x352: {  	v30 =	vor.u32 s16, v6;
	[tilespmem:s13+$0xFFFFFD90] =	vst v33;
	v23 =	vld.idx.msk [tilespmem:v23+s21+$0x0], $0xffff  }
0x353: {  	[tilespmem:s13+$0xFFFFFEA0] =	vst v29;
	v28 =	vld.idx.msk [tilespmem:v28+s21+$0x0], $0xffff  }
0x354: {  	v19 =	vld.idx.msk [tilespmem:v19+s21+$0x0], $0xffff;
	[tilespmem:s0+$0xFFFFFC60] =	vst v25;
	v25 =	vor.u32 s4, v6  }
0x355: {  	v29 =	vor.u32 s8, v7;
	s8 =	smov.u32 s29;
	v22 =	vld.idx.msk [tilespmem:v22+s21+$0x0], $0xffff;
	[tilespmem:s0+$0xFFFFFCE0] =	vst v34  }
0x356: {  	v26 =	vld.idx.msk [tilespmem:v26+s21+$0x0], $0xffff;
	[tilespmem:s0+$0xFFFFFE70] =	vst v21  }
0x357: {  	v21 =	vld.idx.msk [tilespmem:v30+s21+$0x0], $0xffff;
	v30 =	vor.u32 s15, v7;
	[tilespmem:s0+$0xFFFFFF60] =	vst v27;
	s15 =	smov.u32 s18  }
0x358: {  	v27 =	vor.u32 s14, v3;
	v20 =	vld.idx.msk [tilespmem:v20+s21+$0x0], $0xffff;
	[tilespmem:s0+$0x0] =	vst v23  }
0x359: {  	[tilespmem:s13+$0xFFFFFF10] =	vst v24;
	v23 =	vld.idx.msk [tilespmem:v25+s21+$0x0], $0xffff  }
0x35a: {  	[tilespmem:s13+$0xFFFFFEB0] =	vst v19;
	v19 =	vld.idx.msk [tilespmem:v29+s21+$0x0], $0xffff  }
0x35b: {  	v25 =	vor.u32 s4, v7;
	s4 =	smov.u32 s6;
	v24 =	vld.idx.msk [tilespmem:v35+s21+$0x0], $0xffff;
	[tilespmem:s0+$0xFFFFFD70] =	vst v28  }
0x35c: {  	v28 =	vor.u32 s16, v7;
	s16 =	smov.u32 s17;
	[tilespmem:s13+$0xFFFFFC20] =	vst v22;
	v22 =	vor.u32 s1, v7;
	v29 =	vld.idx.msk [tilespmem:v30+s21+$0x0], $0xffff;
	s1 =	smov.u32 s12  }
0x35d: {  	v27 =	vld.idx.msk [tilespmem:v27+s21+$0x0], $0xffff;
	[tilespmem:s0+$0xFFFFFCF0] =	vst v21  }
0x35e: {  	v11 =	vld.idx.msk [tilespmem:v11+s21+$0x0], $0xffff;
	[tilespmem:s13+$0xFFFFFDA0] =	vst v20  }
0x35f: {  	v20 =	vld.idx.msk [tilespmem:v36+s21+$0x0], $0xffff;
	[tilespmem:s0+$0xFFFFFF70] =	vst v23  }
0x360: {  	[tilespmem:s0+$0xFFFFFC70] =	vst v26;
	v21 =	vld.idx.msk [tilespmem:v25+s21+$0x0], $0xffff  }
0x361: {  	v22 =	vld.idx.msk [tilespmem:v22+s21+$0x0], $0xffff;
	[tilespmem:s0+$0xFFFFFE80] =	vst v19  }
0x362: {  	v19 =	vld.idx.msk [tilespmem:v28+s21+$0x0], $0xffff;
	[tilespmem:s0+$0xFFFFFD80] =	vst v29  }
0x363: {  	v23 =	vor.u32 s10, v3;
	[tilespmem:s13+$0xFFFFFEC0] =	vst v27;
	v16 =	vld.idx.msk [tilespmem:v16+s21+$0x0], $0xffff  }
0x364: {  	[tilespmem:s13+$0xFFFFFC90] =	vst v11;
	v9 =	vld.idx.msk [tilespmem:v9+s21+$0x0], $0xffff;
	v11 =	vor.u32 s14, v4  }
0x365: {  	v25 =	vld.idx.msk [tilespmem:v32+s21+$0x0], $0xffff;
	[tilespmem:s13+$0xFFFFFDB0] =	vst v20  }
0x366: {  	v15 =	vld.idx.msk [tilespmem:v15+s21+$0x0], $0xffff;
	[tilespmem:s0+$0xFFFFFF80] =	vst v21  }
0x367: {  	v20 =	vor.u32 s4, v2;
	v17 =	vld.idx.msk [tilespmem:v17+s21+$0x0], $0xffff;
	[tilespmem:s0+$0xFFFFFC80] =	vst v22  }
0x368: {  	v21 =	vor.u32 s12, v3;
	v22 =	vld.idx.msk [tilespmem:v23+s21+$0x0], $0xffff;
	[tilespmem:s0+$0xFFFFFD00] =	vst v19;
	s0 =	smov.u32 s13  }
0x369: {  	v11 =	vld.idx.msk [tilespmem:v11+s21+$0x0], $0xffff;
	[tilespmem:s13+$0xFFFFFFA0] =	vst v16  }
0x36a: {  	v16 =	vor.u32 s10, v4;
	[tilespmem:s13+$0xFFFFFE10] =	vst v9;
	v18 =	vld.idx.msk [tilespmem:v18+s21+$0x0], $0xffff  }
0x36b: {  	v19 =	vor.u32 s14, v5;
	v12 =	vld.idx.msk [tilespmem:v12+s21+$0x0], $0xffff;
	[tilespmem:s13+$0xFFFFFF20] =	vst v24  }
0x36c: {  	v23 =	vor.u32 s7, v3;
	[tilespmem:s13+$0xFFFFFC30] =	vst v25;
	v20 =	vld.idx.msk [tilespmem:v20+s21+$0x0], $0xffff  }
0x36d: {  	v21 =	vld.idx.msk [tilespmem:v21+s21+$0x0], $0xffff;
	[tilespmem:s13+$0xFFFFFD20] =	vst v17  }
0x36e: {  	v9 =	vld.idx.msk [tilespmem:v13+s21+$0x0], $0xffff;
	[tilespmem:s13+$0xFFFFFDC0] =	vst v22;
	v13 =	vor.u32 s4, v3  }
0x36f: {  	v17 =	vor.u32 s12, v4;
	v16 =	vld.idx.msk [tilespmem:v16+s21+$0x0], $0xffff;
	[tilespmem:s13+$0xFFFFFED0] =	vst v11  }
0x370: {  	v19 =	vld.idx.msk [tilespmem:v19+s21+$0x0], $0xffff;
	[tilespmem:s13+$0xFFFFFFB0] =	vst v18  }
0x371: {  	v18 =	vor.u32 s10, v5;
	[tilespmem:s13+$0xFFFFFE20] =	vst v12;
	v22 =	vld.idx.msk [tilespmem:v23+s21+$0x0], $0xffff  }
0x372: {  	v24 =	vor.u32 s14, v6;
	v23 =	vld.idx.msk [tilespmem:v14+s21+$0x0], $0xffff;
	[tilespmem:s13+$0xFFFFFF30] =	vst v20  }
0x373: {  	[tilespmem:s13+$0xFFFFFC40] =	vst v21;
	v13 =	vld.idx.msk [tilespmem:v13+s21+$0x0], $0xffff;
	v21 =	vor.u32 s7, v4  }
.Ltmp8:
0x374: {  	v11 =	vor.u32 s8, v3;
	v12 =	vld.idx.msk [tilespmem:v17+s21+$0x0], $0xffff;
	[tilespmem:s13+$0xFFFFFCA0] =	vst v15;
	(pc) =	sbr.rel @p2 .LBB2_14-.Ltmp8, $4  }
0x375: {  	v20 =	vor.u32 s15, v3;
	v14 =	vld.idx.msk [tilespmem:v10+s21+$0x0], $0xffff;
	[tilespmem:s13+$0xFFFFFDD0] =	vst v16  }
0x376: {  	v15 =	vld.idx.msk [tilespmem:v18+s21+$0x0], $0xffff;
	[tilespmem:s13+$0xFFFFFEE0] =	vst v19  }
0x377: {  	v17 =	vor.u32 s16, v3;
	v16 =	vld.idx.msk [tilespmem:v24+s21+$0x0], $0xffff;
	[tilespmem:s13+$0xFFFFFFC0] =	vst v22  }
0x378: {  	s12 =	sadd.s32 $0x10, s12;
	v10 =	vor.u32 s8, v4;
	v18 =	vor.u32 s10, v6;
	s13 =	sadd.s32 $0x400, s13;
	[tilespmem:s0+$0xFFFFFE30] =	vst v23;
	v19 =	vld.idx.msk [tilespmem:v21+s21+$0x0], $0xffff  }
0x379: {  	_ =	sdelay $0x1  }
0x37a: {  	[tilespmem:s0+$0xFFFFFD30] =	vst v9  }
0x37b: {  	[tilespmem:s0+$0xFFFFFC50] =	vst v12  }
0x37c: {  	v31 =	vld.idx.msk [tilespmem:v11+s21+$0x0], $0xffff;
	v35 =	vor.u32 s4, v4;
	[tilespmem:s0+$0xFFFFFF40] =	vst v13  }
0x37d: {  	v32 =	vld.idx.msk [tilespmem:v20+s21+$0x0], $0xffff;
	[tilespmem:s0+$0xFFFFFCB0] =	vst v14  }
0x37e: {  	v33 =	vor.u32 s15, v4;
	[tilespmem:s0+$0xFFFFFDE0] =	vst v15;
	v34 =	vld.idx.msk [tilespmem:v17+s21+$0x0], $0xffff  }
0x37f: {  	v36 =	vor.u32 s7, v5;
	[tilespmem:s0+$0xFFFFFEF0] =	vst v16;
	v18 =	vld.idx.msk [tilespmem:v18+s21+$0x0], $0xffff  }
0x380: {  	v37 =	vor.u32 s16, v4;
	[tilespmem:s0+$0xFFFFFFD0] =	vst v19;
	v8 =	vld.idx.msk [tilespmem:v8+s21+$0x0], $0xffff  }
0x381: {  	v38 =	vor.u32 s10, v7;
	[tilespmem:s0+$0xFFFFFE40] =	vst v31;
	v42 =	vld.idx.msk [tilespmem:v35+s21+$0x0], $0xffff  }
0x382: {  	v44 =	vor.u32 s4, v5;
	[tilespmem:s0+$0xFFFFFD40] =	vst v32;
	v10 =	vld.idx.msk [tilespmem:v10+s21+$0x0], $0xffff  }
0x383: {  	v40 =	vor.u32 s8, v5;
	v39 =	vld.idx.msk [tilespmem:v33+s21+$0x0], $0xffff;
	[tilespmem:s0+$0xFFFFFCC0] =	vst v34  }
0x384: {  	v41 =	vor.u32 s15, v5;
	v43 =	vld.idx.msk [tilespmem:v36+s21+$0x0], $0xffff;
	[tilespmem:s0+$0xFFFFFDF0] =	vst v18  }
0x385: {  	v9 =	vld.idx.msk [tilespmem:v37+s21+$0x0], $0xffff;
	[tilespmem:s0+$0xFFFFFF00] =	vst v8;
	v8 =	vor.u32 s1, v5  }
0x386: {  	v45 =	vor.u32 s16, v5;
	v11 =	vld.idx.msk [tilespmem:v38+s21+$0x0], $0xffff;
	[tilespmem:s0+$0xFFFFFF50] =	vst v42  }
0x387: {  	v46 =	vor.u32 s7, v6;
	[tilespmem:s0+$0xFFFFFE50] =	vst v10;
	v50 =	vld.idx.msk [tilespmem:v44+s21+$0x0], $0xffff  }
0x388: {  	v51 =	vor.u32 s4, v6;
	[tilespmem:s0+$0xFFFFFD50] =	vst v39;
	v47 =	vld.idx.msk [tilespmem:v40+s21+$0x0], $0xffff  }
0x389: {  	v48 =	vor.u32 s8, v6;
	[tilespmem:s0+$0xFFFFFFE0] =	vst v43;
	v13 =	vld.idx.msk [tilespmem:v41+s21+$0x0], $0xffff  }
0x38a: {  	v49 =	vor.u32 s15, v6;
	[tilespmem:s0+$0xFFFFFCD0] =	vst v9;
	v8 =	vld.idx.msk [tilespmem:v8+s21+$0x0], $0xffff  }
0x38b: {  	v52 =	vor.u32 s1, v6;
	[tilespmem:s0+$0xFFFFFE00] =	vst v11;
	v10 =	vld.idx.msk [tilespmem:v45+s21+$0x0], $0xffff  }
0x38c: {  	v54 =	vor.u32 s16, v6;
	v53 =	vld.idx.msk [tilespmem:v46+s21+$0x0], $0xffff;
	[tilespmem:s0+$0xFFFFFF60] =	vst v50  }
0x38d: {  	v55 =	vor.u32 s7, v7;
	[tilespmem:s0+$0xFFFFFE60] =	vst v47;
	v9 =	vld.idx.msk [tilespmem:v51+s21+$0x0], $0xffff  }
0x38e: {  	v60 =	vor.u32 s4, v7;
	[tilespmem:s0+$0xFFFFFD60] =	vst v13;
	v56 =	vld.idx.msk [tilespmem:v48+s21+$0x0], $0xffff  }
0x38f: {  	v58 =	vor.u32 s8, v7;
	v57 =	vld.idx.msk [tilespmem:v49+s21+$0x0], $0xffff;
	[tilespmem:s0+$0xFFFFFC60] =	vst v8  }
0x390: {  	v8 =	vor.u32 s15, v7;
	[tilespmem:s0+$0xFFFFFCE0] =	vst v10;
	v59 =	vld.idx.msk [tilespmem:v52+s21+$0x0], $0xffff  }
0x391: {  	v61 =	vor.u32 s1, v7;
	[tilespmem:s0+$0xFFFFFFF0] =	vst v53;
	v12 =	vld.idx.msk [tilespmem:v54+s21+$0x0], $0xffff  }
0x392: {  	v62 =	vor.u32 s16, v7;
	v17 =	vld.idx.msk [tilespmem:v55+s21+$0x0], $0xffff;
	[tilespmem:s0+$0xFFFFFF70] =	vst v9  }
0x393: {  	[tilespmem:s0+$0xFFFFFE70] =	vst v56;
	v9 =	vld.idx.msk [tilespmem:v60+s21+$0x0], $0xffff  }
0x394: {  	v15 =	vld.idx.msk [tilespmem:v58+s21+$0x0], $0xffff;
	[tilespmem:s0+$0xFFFFFD70] =	vst v57  }
0x395: {  	v8 =	vld.idx.msk [tilespmem:v8+s21+$0x0], $0xffff;
	[tilespmem:s0+$0xFFFFFC70] =	vst v59  }
0x396: {  	[tilespmem:s0+$0xFFFFFCF0] =	vst v12;
	v10 =	vld.idx.msk [tilespmem:v61+s21+$0x0], $0xffff  }
0x397: {  	[tilespmem:s0+$0x0] =	vst v17;
	v63 =	vld.idx.msk [tilespmem:v62+s21+$0x0], $0xffff  }
0x398: {  	[tilespmem:s0+$0xFFFFFF80] =	vst v9  }
0x399: {  	[tilespmem:s0+$0xFFFFFE80] =	vst v15  }
0x39a: {  	[tilespmem:s0+$0xFFFFFD80] =	vst v8  }
0x39b: {  	[tilespmem:s0+$0xFFFFFC80] =	vst v10  }
0x39c: {  	[tilespmem:s0+$0xFFFFFD00] =	vst v63  }
0x39d: {  	s31 =	simm.s32 $0x6000;
	s0 =	rddreg [dreg:$0xb]  }
0x39e: {  	[hbm4b:s0+s2] =	stream.linear.scatter [tilespmem:s31], [sflag:$0x4], $0x2000, $0x38;
	[tilespmem:$0x8000] =	vst v63  }
0x39f: {  	_ =	swait.ge [sflag:s26], $0x2000  }
.Ltmp9:
0x3a0: {  	[sflag:s26] =	ssyncset.done $0x0;
	(pc) =	sbr.rel @p1 .LBB2_19-.Ltmp9, $4  }
0x3a1: {  	[sflag:s26] =	ssyncadd.s32 $0xFFFFE000  }
0x3a2: {  	_ =	swait.ge [sflag:s28], $0x2000  }
0x3a3: {  	[sflag:s28] =	ssyncset.done $0x0  }
0x3a4: {  	[sflag:s28] =	ssyncadd.s32 $0xFFFFE000  }
0x3a5: {  	s6 =	simm.s32 $0xA  }
0x3a6: {  	s1 =	simm.s32 $0x0;
	s0 =	rddreg [dreg:$0xc];
	v8 =	vor.u32 s6, v0  }
0x3a7: {  	[tilespmem:s1], [sflag:$0x5] =	stream.strided.gather [hbm4b:s0+s19], $0x2000, s20, s19, $0x38;
	[tilespmem:$0x8000] =	vst v63  }
0x3a8: {  	_ =	swait.ge [sflag:s30], $0x2000  }
0x3a9: {  	s10 =	simm.s32 $0x6;
	[sflag:s30] =	ssyncset.done $0x0  }
0x3aa: {  	v10 =	vor.u32 s10, v0;
	[sflag:s30] =	ssyncadd.s32 $0xFFFFE000  }
0x3ab: {  	v11 =	vor.u32 s1, v0;
	v8 =	vld.idx.msk [tilespmem:v8+s2+$0x0], $0xffff  }
0x3ac: {  	s4 =	simm.s32 $0xC;
	v9 =	vor.u32 s6, v1  }
0x3ad: {  	v12 =	vor.u32 s4, v0;
	_ =	sdelay $0x1  }
0x3ae: {  	s7 =	simm.s32 $0xE;
	s0 =	simm.s32 $0x4200;
	v10 =	vld.idx.msk [tilespmem:v10+s2+$0x0], $0xffff  }
0x3af: {  	v15 =	vor.u32 s7, v0;
	v11 =	vld.idx.msk [tilespmem:v11+s2+$0x0], $0xffff;
	[tilespmem:s0+$0x80] =	vst v8  }
0x3b0: {  	v16 =	vor.u32 s1, v1;
	v9 =	vld.idx.msk [tilespmem:v9+s2+$0x0], $0xffff  }
0x3b1: {  	v13 =	vor.u32 s6, v2;
	v12 =	vld.idx.msk [tilespmem:v12+s2+$0x0], $0xffff  }
0x3b2: {  	v14 =	vor.u32 s10, v1  }
0x3b3: {  	s15 =	simm.s32 $0x4;
	v17 =	vor.u32 s4, v1;
	[tilespmem:s0+$0xFFFFFF80] =	vst v10  }
0x3b4: {  	s16 =	simm.s32 $0x2;
	v8 =	vor.u32 s15, v0;
	[tilespmem:s0+$0xFFFFFE00] =	vst v11;
	v11 =	vld.idx.msk [tilespmem:v15+s2+$0x0], $0xffff  }
0x3b5: {  	s8 =	simm.s32 $0x8;
	v16 =	vld.idx.msk [tilespmem:v16+s2+$0x0], $0xffff;
	[tilespmem:s0+$0x90] =	vst v9;
	v9 =	vor.u32 s16, v0  }
0x3b6: {  	[tilespmem:s0+$0x100] =	vst v12;
	v12 =	vor.u32 s8, v0;
	v10 =	vld.idx.msk [tilespmem:v13+s2+$0x0], $0xffff  }
0x3b7: {  	v18 =	vor.u32 s7, v1;
	v13 =	vld.idx.msk [tilespmem:v14+s2+$0x0], $0xffff  }
0x3b8: {  	v15 =	vor.u32 s10, v2;
	v17 =	vld.idx.msk [tilespmem:v17+s2+$0x0], $0xffff  }
0x3b9: {  	v8 =	vld.idx.msk [tilespmem:v8+s2+$0x0], $0xffff;
	v14 =	vor.u32 s6, v3  }
0x3ba: {  	v19 =	vor.u32 s1, v2;
	[tilespmem:s0+$0x180] =	vst v11;
	v9 =	vld.idx.msk [tilespmem:v9+s2+$0x0], $0xffff  }
0x3bb: {  	v12 =	vld.idx.msk [tilespmem:v12+s2+$0x0], $0xffff;
	[tilespmem:s0+$0xA0] =	vst v10;
	v10 =	vor.u32 s16, v1  }
0x3bc: {  	v18 =	vld.idx.msk [tilespmem:v18+s2+$0x0], $0xffff;
	[tilespmem:s0+$0xFFFFFF90] =	vst v13;
	v13 =	vor.u32 s15, v1  }
0x3bd: {  	v20 =	vor.u32 s7, v2;
	[tilespmem:s0+$0xFFFFFE10] =	vst v16;
	v11 =	vld.idx.msk [tilespmem:v15+s2+$0x0], $0xffff  }
0x3be: {  	[tilespmem:s0+$0xFFFFFF00] =	vst v8;
	v14 =	vld.idx.msk [tilespmem:v14+s2+$0x0], $0xffff;
	v15 =	vor.u32 s10, v3  }
0x3bf: {  	v16 =	vor.u32 s6, v4;
	[tilespmem:s0+$0xFFFFFE80] =	vst v9;
	v9 =	vld.idx.msk [tilespmem:v19+s2+$0x0], $0xffff  }
0x3c0: {  	[tilespmem:s0+$0x0] =	vst v12;
	v19 =	vor.u32 s8, v1;
	v8 =	vld.idx.msk [tilespmem:v10+s2+$0x0], $0xffff  }
0x3c1: {  	[tilespmem:s0+$0x190] =	vst v18;
	v10 =	vld.idx.msk [tilespmem:v13+s2+$0x0], $0xffff;
	v13 =	vor.u32 s1, v3  }
0x3c2: {  	v12 =	vld.idx.msk [tilespmem:v20+s2+$0x0], $0xffff;
	[tilespmem:s0+$0xFFFFFFA0] =	vst v11;
	v11 =	vor.u32 s4, v2  }
0x3c3: {  	[tilespmem:s0+$0xB0] =	vst v14;
	v14 =	vld.idx.msk [tilespmem:v15+s2+$0x0], $0xffff;
	v15 =	vor.u32 s15, v2  }
0x3c4: {  	v18 =	vor.u32 s10, v4;
	v16 =	vld.idx.msk [tilespmem:v16+s2+$0x0], $0xffff  }
0x3c5: {  	v20 =	vor.u32 s6, v5;
	v19 =	vld.idx.msk [tilespmem:v19+s2+$0x0], $0xffff;
	[tilespmem:s0+$0xFFFFFE20] =	vst v9  }
0x3c6: {  	[tilespmem:s0+$0x110] =	vst v17;
	v17 =	vor.u32 s7, v3;
	v13 =	vld.idx.msk [tilespmem:v13+s2+$0x0], $0xffff  }
0x3c7: {  	v21 =	vor.u32 s8, v2;
	[tilespmem:s0+$0xFFFFFF10] =	vst v10;
	v11 =	vld.idx.msk [tilespmem:v11+s2+$0x0], $0xffff  }
0x3c8: {  	v10 =	vor.u32 s4, v3;
	v9 =	vld.idx.msk [tilespmem:v15+s2+$0x0], $0xffff;
	[tilespmem:s0+$0xFFFFFFB0] =	vst v14  }
0x3c9: {  	v14 =	vor.u32 s1, v4;
	[tilespmem:s0+$0xC0] =	vst v16;
	v15 =	vld.idx.msk [tilespmem:v18+s2+$0x0], $0xffff  }
0x3ca: {  	[tilespmem:s0+$0x1A0] =	vst v12;
	v18 =	vld.idx.msk [tilespmem:v20+s2+$0x0], $0xffff;
	v20 =	vor.u32 s10, v5  }
0x3cb: {  	v16 =	vor.u32 s16, v2;
	[tilespmem:s0+$0x10] =	vst v19;
	v19 =	vld.idx.msk [tilespmem:v17+s2+$0x0], $0xffff  }
0x3cc: {  	v22 =	vor.u32 s6, v6;
	v21 =	vld.idx.msk [tilespmem:v21+s2+$0x0], $0xffff;
	[tilespmem:s0+$0x120] =	vst v11  }
0x3cd: {  	v23 =	vor.u32 s7, v4;
	[tilespmem:s0+$0xFFFFFE30] =	vst v13;
	v13 =	vld.idx.msk [tilespmem:v10+s2+$0x0], $0xffff  }
0x3ce: {  	v11 =	vor.u32 s8, v3;
	v12 =	vld.idx.msk [tilespmem:v14+s2+$0x0], $0xffff;
	[tilespmem:s0+$0xFFFFFFC0] =	vst v15  }
0x3cf: {  	[tilespmem:s0+$0xFFFFFE90] =	vst v8;
	v15 =	vld.idx.msk [tilespmem:v20+s2+$0x0], $0xffff;
	v20 =	vor.u32 s15, v3  }
0x3d0: {  	v14 =	vld.idx.msk [tilespmem:v16+s2+$0x0], $0xffff;
	[tilespmem:s0+$0xD0] =	vst v18  }
0x3d1: {  	v8 =	vor.u32 s6, v7;
	v17 =	vor.u32 s16, v3;
	v16 =	vld.idx.msk [tilespmem:v22+s2+$0x0], $0xffff;
	[tilespmem:s0+$0x1B0] =	vst v19  }
0x3d2: {  	s11 =	simm.s32 $0x0;
	s12 =	simm.s32 $0x10;
	s13 =	simm.s32 $0x4600;
	v10 =	vor.u32 s8, v4;
	v18 =	vor.u32 s10, v6;
	[tilespmem:s0+$0x20] =	vst v21;
	v19 =	vld.idx.msk [tilespmem:v23+s2+$0x0], $0xffff  }
.LBB2_17:
0x3d3: {  	v21 =	vor.u32 s12, v0;
	s17 =	sadd.s32 $0x2, s12;
	s29 =	sadd.s32 $0x8, s12;
	s6 =	sadd.s32 $0xC, s12;
	[tilespmem:s0+$0xFFFFFF20] =	vst v9;
	v22 =	vld.idx.msk [tilespmem:v11+s2+$0x0], $0xffff;
	v23 =	vor.u32 s7, v5  }
0x3d4: {  	s18 =	sadd.s32 $0x4, s12;
	s14 =	sadd.s32 $0xA, s12;
	s25 =	sadd.s32 $0xE, s12;
	v11 =	vor.u32 s17, v0;
	v9 =	vor.u32 s29, v0;
	v24 =	vor.u32 s6, v0;
	v20 =	vld.idx.msk [tilespmem:v20+s2+$0x0], $0xffff  }
0x3d5: {  	s23 =	sadd.s32 $0x6, s12;
	s11 =	sadd.s32 $0x8, s11;
	v25 =	vor.u32 s18, v0;
	v26 =	vor.u32 s14, v0;
	v27 =	vor.u32 s25, v0;
	[tilespmem:s0+$0xFFFFFEA0] =	vst v14  }
0x3d6: {  	v28 =	vor.u32 s14, v7;
	p2 =	slt.u32 s11, $0x38;
	v14 =	vor.u32 s23, v0;
	v17 =	vld.idx.msk [tilespmem:v17+s2+$0x0], $0xffff;
	[tilespmem:s0+$0xFFFFFFD0] =	vst v15  }
0x3d7: {  	v29 =	vor.u32 s15, v4;
	v18 =	vld.idx.msk [tilespmem:v18+s2+$0x0], $0xffff;
	[tilespmem:s0+$0xE0] =	vst v16  }
0x3d8: {  	v30 =	vor.u32 s16, v4;
	v31 =	vld.idx.msk [tilespmem:v8+s2+$0x0], $0xffff;
	[tilespmem:s0+$0x1C0] =	vst v19;
	v8 =	vmov v28  }
0x3d9: {  	v19 =	vld.idx.msk [tilespmem:v21+s2+$0x0], $0xffff;
	v21 =	vor.u32 s10, v7;
	[tilespmem:s0+$0x30] =	vst v22;
	s10 =	smov.u32 s23  }
0x3da: {  	v22 =	vor.u32 s12, v1;
	[tilespmem:s0+$0xFFFFFF30] =	vst v20;
	v20 =	vld.idx.msk [tilespmem:v23+s2+$0x0], $0xffff  }
0x3db: {  	v15 =	vor.u32 s17, v1;
	[tilespmem:s0+$0xFFFFFE40] =	vst v12;
	v10 =	vld.idx.msk [tilespmem:v10+s2+$0x0], $0xffff  }
0x3dc: {  	v16 =	vor.u32 s25, v1;
	[tilespmem:s0+$0xFFFFFEB0] =	vst v17;
	v23 =	vld.idx.msk [tilespmem:v29+s2+$0x0], $0xffff  }
0x3dd: {  	v12 =	vor.u32 s29, v1;
	v28 =	vld.idx.msk [tilespmem:v30+s2+$0x0], $0xffff;
	[tilespmem:s0+$0xFFFFFFE0] =	vst v18;
	v18 =	vor.u32 s8, v5  }
0x3de: {  	v29 =	vor.u32 s14, v1;
	v21 =	vld.idx.msk [tilespmem:v21+s2+$0x0], $0xffff;
	[tilespmem:s0+$0xF0] =	vst v31  }
0x3df: {  	[tilespmem:s13+$0xFFFFFE00] =	vst v19;
	v19 =	vld.idx.msk [tilespmem:v26+s2+$0x0], $0xffff;
	v26 =	vor.u32 s15, v5  }
0x3e0: {  	v17 =	vor.u32 s18, v1;
	v30 =	vor.u32 s4, v4;
	v25 =	vld.idx.msk [tilespmem:v25+s2+$0x0], $0xffff;
	[tilespmem:s0+$0x1D0] =	vst v20  }
0x3e1: {  	v31 =	vor.u32 s7, v6;
	v20 =	vor.u32 s10, v1;
	v27 =	vld.idx.msk [tilespmem:v27+s2+$0x0], $0xffff;
	[tilespmem:s0+$0x40] =	vst v10  }
0x3e2: {  	v32 =	vor.u32 s12, v2;
	v10 =	vor.u32 s17, v2;
	[tilespmem:s0+$0xFFFFFF40] =	vst v23;
	v23 =	vld.idx.msk [tilespmem:v18+s2+$0x0], $0xffff  }
0x3e3: {  	v18 =	vor.u32 s25, v2;
	v33 =	vld.idx.msk [tilespmem:v14+s2+$0x0], $0xffff;
	[tilespmem:s0+$0xFFFFFEC0] =	vst v28  }
0x3e4: {  	v14 =	vor.u32 s29, v2;
	v28 =	vor.u32 s1, v5;
	v26 =	vld.idx.msk [tilespmem:v26+s2+$0x0], $0xffff;
	[tilespmem:s0+$0x130] =	vst v13  }
0x3e5: {  	v34 =	vor.u32 s16, v5;
	[tilespmem:s13+$0x80] =	vst v19;
	v19 =	vor.u32 s14, v2;
	v30 =	vld.idx.msk [tilespmem:v30+s2+$0x0], $0xffff  }
0x3e6: {  	v35 =	vor.u32 s6, v1;
	[tilespmem:s0+$0xFFFFFFF0] =	vst v21;
	v21 =	vor.u32 s8, v6;
	v31 =	vld.idx.msk [tilespmem:v31+s2+$0x0], $0xffff  }
0x3e7: {  	v13 =	vor.u32 s18, v2;
	v24 =	vld.idx.msk [tilespmem:v24+s2+$0x0], $0xffff;
	[tilespmem:s13+$0x180] =	vst v27;
	v27 =	vor.u32 s4, v5  }
0x3e8: {  	v36 =	vor.u32 s10, v2;
	v29 =	vld.idx.msk [tilespmem:v29+s2+$0x0], $0xffff;
	[tilespmem:s0+$0x50] =	vst v23;
	v23 =	vor.u32 s7, v7;
	s7 =	smov.u32 s25  }
0x3e9: {  	[tilespmem:s13+$0xFFFFFF00] =	vst v25;
	v25 =	vld.idx.msk [tilespmem:v28+s2+$0x0], $0xffff;
	v28 =	vor.u32 s15, v6  }
0x3ea: {  	v34 =	vld.idx.msk [tilespmem:v34+s2+$0x0], $0xffff;
	[tilespmem:s0+$0xFFFFFF50] =	vst v26  }
0x3eb: {  	v21 =	vld.idx.msk [tilespmem:v21+s2+$0x0], $0xffff;
	[tilespmem:s0+$0x140] =	vst v30  }
0x3ec: {  	v26 =	vor.u32 s1, v6;
	v27 =	vld.idx.msk [tilespmem:v27+s2+$0x0], $0xffff;
	[tilespmem:s0+$0x1E0] =	vst v31  }
0x3ed: {  	v30 =	vor.u32 s16, v6;
	[tilespmem:s13+$0xFFFFFF80] =	vst v33;
	v23 =	vld.idx.msk [tilespmem:v23+s2+$0x0], $0xffff  }
0x3ee: {  	[tilespmem:s13+$0x90] =	vst v29;
	v28 =	vld.idx.msk [tilespmem:v28+s2+$0x0], $0xffff  }
0x3ef: {  	v19 =	vld.idx.msk [tilespmem:v19+s2+$0x0], $0xffff;
	[tilespmem:s0+$0xFFFFFE50] =	vst v25;
	v25 =	vor.u32 s4, v6  }
0x3f0: {  	v29 =	vor.u32 s8, v7;
	s8 =	smov.u32 s29;
	v22 =	vld.idx.msk [tilespmem:v22+s2+$0x0], $0xffff;
	[tilespmem:s0+$0xFFFFFED0] =	vst v34  }
0x3f1: {  	v26 =	vld.idx.msk [tilespmem:v26+s2+$0x0], $0xffff;
	[tilespmem:s0+$0x60] =	vst v21  }
0x3f2: {  	v21 =	vld.idx.msk [tilespmem:v30+s2+$0x0], $0xffff;
	v30 =	vor.u32 s15, v7;
	[tilespmem:s0+$0x150] =	vst v27;
	s15 =	smov.u32 s18  }
0x3f3: {  	v27 =	vor.u32 s14, v3;
	v20 =	vld.idx.msk [tilespmem:v20+s2+$0x0], $0xffff;
	[tilespmem:s0+$0x1F0] =	vst v23  }
0x3f4: {  	[tilespmem:s13+$0x100] =	vst v24;
	v23 =	vld.idx.msk [tilespmem:v25+s2+$0x0], $0xffff  }
0x3f5: {  	[tilespmem:s13+$0xA0] =	vst v19;
	v19 =	vld.idx.msk [tilespmem:v29+s2+$0x0], $0xffff  }
0x3f6: {  	v25 =	vor.u32 s4, v7;
	s4 =	smov.u32 s6;
	v24 =	vld.idx.msk [tilespmem:v35+s2+$0x0], $0xffff;
	[tilespmem:s0+$0xFFFFFF60] =	vst v28  }
0x3f7: {  	v28 =	vor.u32 s16, v7;
	s16 =	smov.u32 s17;
	[tilespmem:s13+$0xFFFFFE10] =	vst v22;
	v22 =	vor.u32 s1, v7;
	v29 =	vld.idx.msk [tilespmem:v30+s2+$0x0], $0xffff;
	s1 =	smov.u32 s12  }
0x3f8: {  	v27 =	vld.idx.msk [tilespmem:v27+s2+$0x0], $0xffff;
	[tilespmem:s0+$0xFFFFFEE0] =	vst v21  }
0x3f9: {  	v11 =	vld.idx.msk [tilespmem:v11+s2+$0x0], $0xffff;
	[tilespmem:s13+$0xFFFFFF90] =	vst v20  }
0x3fa: {  	v20 =	vld.idx.msk [tilespmem:v36+s2+$0x0], $0xffff;
	[tilespmem:s0+$0x160] =	vst v23  }
0x3fb: {  	[tilespmem:s0+$0xFFFFFE60] =	vst v26;
	v21 =	vld.idx.msk [tilespmem:v25+s2+$0x0], $0xffff  }
0x3fc: {  	v22 =	vld.idx.msk [tilespmem:v22+s2+$0x0], $0xffff;
	[tilespmem:s0+$0x70] =	vst v19  }
0x3fd: {  	v19 =	vld.idx.msk [tilespmem:v28+s2+$0x0], $0xffff;
	[tilespmem:s0+$0xFFFFFF70] =	vst v29  }
0x3fe: {  	v23 =	vor.u32 s10, v3;
	[tilespmem:s13+$0xB0] =	vst v27;
	v16 =	vld.idx.msk [tilespmem:v16+s2+$0x0], $0xffff  }
0x3ff: {  	[tilespmem:s13+$0xFFFFFE80] =	vst v11;
	v9 =	vld.idx.msk [tilespmem:v9+s2+$0x0], $0xffff;
	v11 =	vor.u32 s14, v4  }
0x400: {  	v25 =	vld.idx.msk [tilespmem:v32+s2+$0x0], $0xffff;
	[tilespmem:s13+$0xFFFFFFA0] =	vst v20  }
0x401: {  	v15 =	vld.idx.msk [tilespmem:v15+s2+$0x0], $0xffff;
	[tilespmem:s0+$0x170] =	vst v21  }
0x402: {  	v20 =	vor.u32 s4, v2;
	v17 =	vld.idx.msk [tilespmem:v17+s2+$0x0], $0xffff;
	[tilespmem:s0+$0xFFFFFE70] =	vst v22  }
0x403: {  	v21 =	vor.u32 s12, v3;
	v22 =	vld.idx.msk [tilespmem:v23+s2+$0x0], $0xffff;
	[tilespmem:s0+$0xFFFFFEF0] =	vst v19;
	s0 =	smov.u32 s13  }
0x404: {  	v11 =	vld.idx.msk [tilespmem:v11+s2+$0x0], $0xffff;
	[tilespmem:s13+$0x190] =	vst v16  }
0x405: {  	v16 =	vor.u32 s10, v4;
	[tilespmem:s13+$0x0] =	vst v9;
	v18 =	vld.idx.msk [tilespmem:v18+s2+$0x0], $0xffff  }
0x406: {  	v19 =	vor.u32 s14, v5;
	v12 =	vld.idx.msk [tilespmem:v12+s2+$0x0], $0xffff;
	[tilespmem:s13+$0x110] =	vst v24  }
0x407: {  	v23 =	vor.u32 s7, v3;
	[tilespmem:s13+$0xFFFFFE20] =	vst v25;
	v20 =	vld.idx.msk [tilespmem:v20+s2+$0x0], $0xffff  }
0x408: {  	v21 =	vld.idx.msk [tilespmem:v21+s2+$0x0], $0xffff;
	[tilespmem:s13+$0xFFFFFF10] =	vst v17  }
0x409: {  	v9 =	vld.idx.msk [tilespmem:v13+s2+$0x0], $0xffff;
	[tilespmem:s13+$0xFFFFFFB0] =	vst v22;
	v13 =	vor.u32 s4, v3  }
0x40a: {  	v17 =	vor.u32 s12, v4;
	v16 =	vld.idx.msk [tilespmem:v16+s2+$0x0], $0xffff;
	[tilespmem:s13+$0xC0] =	vst v11  }
0x40b: {  	v19 =	vld.idx.msk [tilespmem:v19+s2+$0x0], $0xffff;
	[tilespmem:s13+$0x1A0] =	vst v18  }
0x40c: {  	v18 =	vor.u32 s10, v5;
	[tilespmem:s13+$0x10] =	vst v12;
	v22 =	vld.idx.msk [tilespmem:v23+s2+$0x0], $0xffff  }
0x40d: {  	v24 =	vor.u32 s14, v6;
	v23 =	vld.idx.msk [tilespmem:v14+s2+$0x0], $0xffff;
	[tilespmem:s13+$0x120] =	vst v20  }
0x40e: {  	[tilespmem:s13+$0xFFFFFE30] =	vst v21;
	v13 =	vld.idx.msk [tilespmem:v13+s2+$0x0], $0xffff;
	v21 =	vor.u32 s7, v4  }
.Ltmp10:
0x40f: {  	v11 =	vor.u32 s8, v3;
	v12 =	vld.idx.msk [tilespmem:v17+s2+$0x0], $0xffff;
	[tilespmem:s13+$0xFFFFFE90] =	vst v15;
	(pc) =	sbr.rel @p2 .LBB2_17-.Ltmp10, $4  }
0x410: {  	v20 =	vor.u32 s15, v3;
	v14 =	vld.idx.msk [tilespmem:v10+s2+$0x0], $0xffff;
	[tilespmem:s13+$0xFFFFFFC0] =	vst v16  }
0x411: {  	v15 =	vld.idx.msk [tilespmem:v18+s2+$0x0], $0xffff;
	[tilespmem:s13+$0xD0] =	vst v19  }
0x412: {  	v17 =	vor.u32 s16, v3;
	v16 =	vld.idx.msk [tilespmem:v24+s2+$0x0], $0xffff;
	[tilespmem:s13+$0x1B0] =	vst v22  }
0x413: {  	s12 =	sadd.s32 $0x10, s12;
	v10 =	vor.u32 s8, v4;
	v18 =	vor.u32 s10, v6;
	s13 =	sadd.s32 $0x400, s13;
	[tilespmem:s0+$0x20] =	vst v23;
	v19 =	vld.idx.msk [tilespmem:v21+s2+$0x0], $0xffff  }
0x414: {  	_ =	sdelay $0x1  }
0x415: {  	[tilespmem:s0+$0xFFFFFF20] =	vst v9  }
0x416: {  	[tilespmem:s0+$0xFFFFFE40] =	vst v12  }
0x417: {  	v31 =	vld.idx.msk [tilespmem:v11+s2+$0x0], $0xffff;
	v35 =	vor.u32 s4, v4;
	[tilespmem:s0+$0x130] =	vst v13  }
0x418: {  	v32 =	vld.idx.msk [tilespmem:v20+s2+$0x0], $0xffff;
	[tilespmem:s0+$0xFFFFFEA0] =	vst v14  }
0x419: {  	v33 =	vor.u32 s15, v4;
	[tilespmem:s0+$0xFFFFFFD0] =	vst v15;
	v34 =	vld.idx.msk [tilespmem:v17+s2+$0x0], $0xffff  }
0x41a: {  	v36 =	vor.u32 s7, v5;
	[tilespmem:s0+$0xE0] =	vst v16;
	v18 =	vld.idx.msk [tilespmem:v18+s2+$0x0], $0xffff  }
0x41b: {  	v37 =	vor.u32 s16, v4;
	[tilespmem:s0+$0x1C0] =	vst v19;
	v8 =	vld.idx.msk [tilespmem:v8+s2+$0x0], $0xffff  }
0x41c: {  	v38 =	vor.u32 s10, v7;
	[tilespmem:s0+$0x30] =	vst v31;
	v42 =	vld.idx.msk [tilespmem:v35+s2+$0x0], $0xffff  }
0x41d: {  	v44 =	vor.u32 s4, v5;
	[tilespmem:s0+$0xFFFFFF30] =	vst v32;
	v10 =	vld.idx.msk [tilespmem:v10+s2+$0x0], $0xffff  }
0x41e: {  	v40 =	vor.u32 s8, v5;
	v39 =	vld.idx.msk [tilespmem:v33+s2+$0x0], $0xffff;
	[tilespmem:s0+$0xFFFFFEB0] =	vst v34  }
0x41f: {  	v41 =	vor.u32 s15, v5;
	v43 =	vld.idx.msk [tilespmem:v36+s2+$0x0], $0xffff;
	[tilespmem:s0+$0xFFFFFFE0] =	vst v18  }
0x420: {  	v9 =	vld.idx.msk [tilespmem:v37+s2+$0x0], $0xffff;
	[tilespmem:s0+$0xF0] =	vst v8;
	v8 =	vor.u32 s1, v5  }
0x421: {  	v45 =	vor.u32 s16, v5;
	v11 =	vld.idx.msk [tilespmem:v38+s2+$0x0], $0xffff;
	[tilespmem:s0+$0x140] =	vst v42  }
0x422: {  	v46 =	vor.u32 s7, v6;
	[tilespmem:s0+$0x40] =	vst v10;
	v50 =	vld.idx.msk [tilespmem:v44+s2+$0x0], $0xffff  }
0x423: {  	v51 =	vor.u32 s4, v6;
	[tilespmem:s0+$0xFFFFFF40] =	vst v39;
	v47 =	vld.idx.msk [tilespmem:v40+s2+$0x0], $0xffff  }
0x424: {  	v48 =	vor.u32 s8, v6;
	[tilespmem:s0+$0x1D0] =	vst v43;
	v13 =	vld.idx.msk [tilespmem:v41+s2+$0x0], $0xffff  }
0x425: {  	v49 =	vor.u32 s15, v6;
	[tilespmem:s0+$0xFFFFFEC0] =	vst v9;
	v8 =	vld.idx.msk [tilespmem:v8+s2+$0x0], $0xffff  }
0x426: {  	v52 =	vor.u32 s1, v6;
	[tilespmem:s0+$0xFFFFFFF0] =	vst v11;
	v10 =	vld.idx.msk [tilespmem:v45+s2+$0x0], $0xffff  }
0x427: {  	v54 =	vor.u32 s16, v6;
	v53 =	vld.idx.msk [tilespmem:v46+s2+$0x0], $0xffff;
	[tilespmem:s0+$0x150] =	vst v50  }
0x428: {  	v55 =	vor.u32 s7, v7;
	[tilespmem:s0+$0x50] =	vst v47;
	v9 =	vld.idx.msk [tilespmem:v51+s2+$0x0], $0xffff  }
0x429: {  	v60 =	vor.u32 s4, v7;
	[tilespmem:s0+$0xFFFFFF50] =	vst v13;
	v56 =	vld.idx.msk [tilespmem:v48+s2+$0x0], $0xffff  }
0x42a: {  	v58 =	vor.u32 s8, v7;
	v57 =	vld.idx.msk [tilespmem:v49+s2+$0x0], $0xffff;
	[tilespmem:s0+$0xFFFFFE50] =	vst v8  }
0x42b: {  	v8 =	vor.u32 s15, v7;
	[tilespmem:s0+$0xFFFFFED0] =	vst v10;
	v59 =	vld.idx.msk [tilespmem:v52+s2+$0x0], $0xffff  }
0x42c: {  	v61 =	vor.u32 s1, v7;
	[tilespmem:s0+$0x1E0] =	vst v53;
	v12 =	vld.idx.msk [tilespmem:v54+s2+$0x0], $0xffff  }
0x42d: {  	v62 =	vor.u32 s16, v7;
	v17 =	vld.idx.msk [tilespmem:v55+s2+$0x0], $0xffff;
	[tilespmem:s0+$0x160] =	vst v9  }
0x42e: {  	[tilespmem:s0+$0x60] =	vst v56;
	v9 =	vld.idx.msk [tilespmem:v60+s2+$0x0], $0xffff  }
0x42f: {  	v15 =	vld.idx.msk [tilespmem:v58+s2+$0x0], $0xffff;
	[tilespmem:s0+$0xFFFFFF60] =	vst v57  }
0x430: {  	v8 =	vld.idx.msk [tilespmem:v8+s2+$0x0], $0xffff;
	[tilespmem:s0+$0xFFFFFE60] =	vst v59  }
0x431: {  	[tilespmem:s0+$0xFFFFFEE0] =	vst v12;
	v10 =	vld.idx.msk [tilespmem:v61+s2+$0x0], $0xffff  }
0x432: {  	[tilespmem:s0+$0x1F0] =	vst v17;
	v63 =	vld.idx.msk [tilespmem:v62+s2+$0x0], $0xffff  }
0x433: {  	[tilespmem:s0+$0x170] =	vst v9  }
0x434: {  	[tilespmem:s0+$0x70] =	vst v15  }
0x435: {  	[tilespmem:s0+$0xFFFFFF70] =	vst v8  }
0x436: {  	[tilespmem:s0+$0xFFFFFE70] =	vst v10  }
0x437: {  	[tilespmem:s0+$0xFFFFFEF0] =	vst v63  }
0x438: {  	s31 =	simm.s32 $0x4000;
	s0 =	rddreg [dreg:$0xd]  }
0x439: {  	[hbm4b:s0+s2] =	stream.linear.scatter [tilespmem:s31], [sflag:$0x5], $0x2000, $0x38;
	[tilespmem:$0x8000] =	vst v63  }
0x43a: {  	_ =	swait.ge [sflag:s30], $0x2000  }
0x43b: {  	[sflag:s30] =	ssyncset.done $0x0  }
0x43c: {  	[sflag:s30] =	ssyncadd.s32 $0xFFFFE000  }
.LBB2_19:
.Ltmp11:
0x43d: {  	(pc) =	sbr.rel @p0 .LBB2_23-.Ltmp11, $2  }
0x43e: {  	_ =	sdelay $0x2  }
0x43f: {  	s1 =	rddreg [dreg:$0x10]  }
0x440: {  	s6 =	simm.s32 $0xA  }
0x441: {  	s1 =	simm.s32 $0x0;
	s0 =	rddreg [dreg:$0x3];
	v8 =	vor.u32 s6, v0  }
0x442: {  	[tilespmem:s1], [sflag:$0x5] =	stream.linear.gather [hbm4b:s0+s1], $0x2000, $0x38;
	[tilespmem:$0x8000] =	vst v63  }
0x443: {  	_ =	swait.ge [sflag:s30], $0x2000  }
0x444: {  	s10 =	simm.s32 $0x6;
	[sflag:s30] =	ssyncset.done $0x0  }
0x445: {  	v10 =	vor.u32 s10, v0;
	[sflag:s30] =	ssyncadd.s32 $0xFFFFE000  }
0x446: {  	v11 =	vor.u32 s1, v0;
	v8 =	vld.idx.msk [tilespmem:v8+s2+$0x0], $0xffff  }
0x447: {  	s4 =	simm.s32 $0xC;
	v9 =	vor.u32 s6, v1  }
0x448: {  	v12 =	vor.u32 s4, v0;
	_ =	sdelay $0x1  }
0x449: {  	s7 =	simm.s32 $0xE;
	s0 =	simm.s32 $0x4200;
	v10 =	vld.idx.msk [tilespmem:v10+s2+$0x0], $0xffff  }
0x44a: {  	v15 =	vor.u32 s7, v0;
	v11 =	vld.idx.msk [tilespmem:v11+s2+$0x0], $0xffff;
	[tilespmem:s0+$0x80] =	vst v8  }
0x44b: {  	v16 =	vor.u32 s1, v1;
	v9 =	vld.idx.msk [tilespmem:v9+s2+$0x0], $0xffff  }
0x44c: {  	v13 =	vor.u32 s6, v2;
	v12 =	vld.idx.msk [tilespmem:v12+s2+$0x0], $0xffff  }
0x44d: {  	v14 =	vor.u32 s10, v1  }
0x44e: {  	s15 =	simm.s32 $0x4;
	v17 =	vor.u32 s4, v1;
	[tilespmem:s0+$0xFFFFFF80] =	vst v10  }
0x44f: {  	s16 =	simm.s32 $0x2;
	v8 =	vor.u32 s15, v0;
	[tilespmem:s0+$0xFFFFFE00] =	vst v11;
	v11 =	vld.idx.msk [tilespmem:v15+s2+$0x0], $0xffff  }
0x450: {  	s8 =	simm.s32 $0x8;
	v16 =	vld.idx.msk [tilespmem:v16+s2+$0x0], $0xffff;
	[tilespmem:s0+$0x90] =	vst v9;
	v9 =	vor.u32 s16, v0  }
0x451: {  	[tilespmem:s0+$0x100] =	vst v12;
	v12 =	vor.u32 s8, v0;
	v10 =	vld.idx.msk [tilespmem:v13+s2+$0x0], $0xffff  }
0x452: {  	v18 =	vor.u32 s7, v1;
	v13 =	vld.idx.msk [tilespmem:v14+s2+$0x0], $0xffff  }
0x453: {  	v15 =	vor.u32 s10, v2;
	v17 =	vld.idx.msk [tilespmem:v17+s2+$0x0], $0xffff  }
0x454: {  	v8 =	vld.idx.msk [tilespmem:v8+s2+$0x0], $0xffff;
	v14 =	vor.u32 s6, v3  }
0x455: {  	v19 =	vor.u32 s1, v2;
	[tilespmem:s0+$0x180] =	vst v11;
	v9 =	vld.idx.msk [tilespmem:v9+s2+$0x0], $0xffff  }
0x456: {  	v12 =	vld.idx.msk [tilespmem:v12+s2+$0x0], $0xffff;
	[tilespmem:s0+$0xA0] =	vst v10;
	v10 =	vor.u32 s16, v1  }
0x457: {  	v18 =	vld.idx.msk [tilespmem:v18+s2+$0x0], $0xffff;
	[tilespmem:s0+$0xFFFFFF90] =	vst v13;
	v13 =	vor.u32 s15, v1  }
0x458: {  	v20 =	vor.u32 s7, v2;
	[tilespmem:s0+$0xFFFFFE10] =	vst v16;
	v11 =	vld.idx.msk [tilespmem:v15+s2+$0x0], $0xffff  }
0x459: {  	[tilespmem:s0+$0xFFFFFF00] =	vst v8;
	v14 =	vld.idx.msk [tilespmem:v14+s2+$0x0], $0xffff;
	v15 =	vor.u32 s10, v3  }
0x45a: {  	v16 =	vor.u32 s6, v4;
	[tilespmem:s0+$0xFFFFFE80] =	vst v9;
	v9 =	vld.idx.msk [tilespmem:v19+s2+$0x0], $0xffff  }
0x45b: {  	[tilespmem:s0+$0x0] =	vst v12;
	v19 =	vor.u32 s8, v1;
	v8 =	vld.idx.msk [tilespmem:v10+s2+$0x0], $0xffff  }
0x45c: {  	[tilespmem:s0+$0x190] =	vst v18;
	v10 =	vld.idx.msk [tilespmem:v13+s2+$0x0], $0xffff;
	v13 =	vor.u32 s1, v3  }
0x45d: {  	v12 =	vld.idx.msk [tilespmem:v20+s2+$0x0], $0xffff;
	[tilespmem:s0+$0xFFFFFFA0] =	vst v11;
	v11 =	vor.u32 s4, v2  }
0x45e: {  	[tilespmem:s0+$0xB0] =	vst v14;
	v14 =	vld.idx.msk [tilespmem:v15+s2+$0x0], $0xffff;
	v15 =	vor.u32 s15, v2  }
0x45f: {  	v18 =	vor.u32 s10, v4;
	v16 =	vld.idx.msk [tilespmem:v16+s2+$0x0], $0xffff  }
0x460: {  	v20 =	vor.u32 s6, v5;
	v19 =	vld.idx.msk [tilespmem:v19+s2+$0x0], $0xffff;
	[tilespmem:s0+$0xFFFFFE20] =	vst v9  }
0x461: {  	[tilespmem:s0+$0x110] =	vst v17;
	v17 =	vor.u32 s7, v3;
	v13 =	vld.idx.msk [tilespmem:v13+s2+$0x0], $0xffff  }
0x462: {  	v21 =	vor.u32 s8, v2;
	[tilespmem:s0+$0xFFFFFF10] =	vst v10;
	v11 =	vld.idx.msk [tilespmem:v11+s2+$0x0], $0xffff  }
0x463: {  	v10 =	vor.u32 s4, v3;
	v9 =	vld.idx.msk [tilespmem:v15+s2+$0x0], $0xffff;
	[tilespmem:s0+$0xFFFFFFB0] =	vst v14  }
0x464: {  	v14 =	vor.u32 s1, v4;
	[tilespmem:s0+$0xC0] =	vst v16;
	v15 =	vld.idx.msk [tilespmem:v18+s2+$0x0], $0xffff  }
0x465: {  	[tilespmem:s0+$0x1A0] =	vst v12;
	v18 =	vld.idx.msk [tilespmem:v20+s2+$0x0], $0xffff;
	v20 =	vor.u32 s10, v5  }
0x466: {  	v16 =	vor.u32 s16, v2;
	[tilespmem:s0+$0x10] =	vst v19;
	v19 =	vld.idx.msk [tilespmem:v17+s2+$0x0], $0xffff  }
0x467: {  	v22 =	vor.u32 s6, v6;
	v21 =	vld.idx.msk [tilespmem:v21+s2+$0x0], $0xffff;
	[tilespmem:s0+$0x120] =	vst v11  }
0x468: {  	v23 =	vor.u32 s7, v4;
	[tilespmem:s0+$0xFFFFFE30] =	vst v13;
	v13 =	vld.idx.msk [tilespmem:v10+s2+$0x0], $0xffff  }
0x469: {  	v11 =	vor.u32 s8, v3;
	v12 =	vld.idx.msk [tilespmem:v14+s2+$0x0], $0xffff;
	[tilespmem:s0+$0xFFFFFFC0] =	vst v15  }
0x46a: {  	[tilespmem:s0+$0xFFFFFE90] =	vst v8;
	v15 =	vld.idx.msk [tilespmem:v20+s2+$0x0], $0xffff;
	v20 =	vor.u32 s15, v3  }
0x46b: {  	v14 =	vld.idx.msk [tilespmem:v16+s2+$0x0], $0xffff;
	[tilespmem:s0+$0xD0] =	vst v18  }
0x46c: {  	v8 =	vor.u32 s6, v7;
	v17 =	vor.u32 s16, v3;
	v16 =	vld.idx.msk [tilespmem:v22+s2+$0x0], $0xffff;
	[tilespmem:s0+$0x1B0] =	vst v19  }
0x46d: {  	s11 =	simm.s32 $0x0;
	s12 =	simm.s32 $0x10;
	s13 =	simm.s32 $0x4600;
	v10 =	vor.u32 s8, v4;
	v18 =	vor.u32 s10, v6;
	[tilespmem:s0+$0x20] =	vst v21;
	v19 =	vld.idx.msk [tilespmem:v23+s2+$0x0], $0xffff  }
.LBB2_21:
0x46e: {  	v21 =	vor.u32 s12, v0;
	s17 =	sadd.s32 $0x2, s12;
	s29 =	sadd.s32 $0x8, s12;
	s6 =	sadd.s32 $0xC, s12;
	[tilespmem:s0+$0xFFFFFF20] =	vst v9;
	v22 =	vld.idx.msk [tilespmem:v11+s2+$0x0], $0xffff;
	v23 =	vor.u32 s7, v5  }
0x46f: {  	s18 =	sadd.s32 $0x4, s12;
	s14 =	sadd.s32 $0xA, s12;
	s25 =	sadd.s32 $0xE, s12;
	v11 =	vor.u32 s17, v0;
	v9 =	vor.u32 s29, v0;
	v24 =	vor.u32 s6, v0;
	v20 =	vld.idx.msk [tilespmem:v20+s2+$0x0], $0xffff  }
0x470: {  	s23 =	sadd.s32 $0x6, s12;
	s11 =	sadd.s32 $0x8, s11;
	v25 =	vor.u32 s18, v0;
	v26 =	vor.u32 s14, v0;
	v27 =	vor.u32 s25, v0;
	[tilespmem:s0+$0xFFFFFEA0] =	vst v14  }
0x471: {  	v28 =	vor.u32 s14, v7;
	p2 =	slt.u32 s11, $0x18;
	v14 =	vor.u32 s23, v0;
	v17 =	vld.idx.msk [tilespmem:v17+s2+$0x0], $0xffff;
	[tilespmem:s0+$0xFFFFFFD0] =	vst v15  }
0x472: {  	v29 =	vor.u32 s15, v4;
	v18 =	vld.idx.msk [tilespmem:v18+s2+$0x0], $0xffff;
	[tilespmem:s0+$0xE0] =	vst v16  }
0x473: {  	v30 =	vor.u32 s16, v4;
	v31 =	vld.idx.msk [tilespmem:v8+s2+$0x0], $0xffff;
	[tilespmem:s0+$0x1C0] =	vst v19;
	v8 =	vmov v28  }
0x474: {  	v19 =	vld.idx.msk [tilespmem:v21+s2+$0x0], $0xffff;
	v21 =	vor.u32 s10, v7;
	[tilespmem:s0+$0x30] =	vst v22;
	s10 =	smov.u32 s23  }
0x475: {  	v22 =	vor.u32 s12, v1;
	[tilespmem:s0+$0xFFFFFF30] =	vst v20;
	v20 =	vld.idx.msk [tilespmem:v23+s2+$0x0], $0xffff  }
0x476: {  	v15 =	vor.u32 s17, v1;
	[tilespmem:s0+$0xFFFFFE40] =	vst v12;
	v10 =	vld.idx.msk [tilespmem:v10+s2+$0x0], $0xffff  }
0x477: {  	v16 =	vor.u32 s25, v1;
	[tilespmem:s0+$0xFFFFFEB0] =	vst v17;
	v23 =	vld.idx.msk [tilespmem:v29+s2+$0x0], $0xffff  }
0x478: {  	v12 =	vor.u32 s29, v1;
	v28 =	vld.idx.msk [tilespmem:v30+s2+$0x0], $0xffff;
	[tilespmem:s0+$0xFFFFFFE0] =	vst v18;
	v18 =	vor.u32 s8, v5  }
0x479: {  	v29 =	vor.u32 s14, v1;
	v21 =	vld.idx.msk [tilespmem:v21+s2+$0x0], $0xffff;
	[tilespmem:s0+$0xF0] =	vst v31  }
0x47a: {  	[tilespmem:s13+$0xFFFFFE00] =	vst v19;
	v19 =	vld.idx.msk [tilespmem:v26+s2+$0x0], $0xffff;
	v26 =	vor.u32 s15, v5  }
0x47b: {  	v17 =	vor.u32 s18, v1;
	v30 =	vor.u32 s4, v4;
	v25 =	vld.idx.msk [tilespmem:v25+s2+$0x0], $0xffff;
	[tilespmem:s0+$0x1D0] =	vst v20  }
0x47c: {  	v31 =	vor.u32 s7, v6;
	v20 =	vor.u32 s10, v1;
	v27 =	vld.idx.msk [tilespmem:v27+s2+$0x0], $0xffff;
	[tilespmem:s0+$0x40] =	vst v10  }
0x47d: {  	v32 =	vor.u32 s12, v2;
	v10 =	vor.u32 s17, v2;
	[tilespmem:s0+$0xFFFFFF40] =	vst v23;
	v23 =	vld.idx.msk [tilespmem:v18+s2+$0x0], $0xffff  }
0x47e: {  	v18 =	vor.u32 s25, v2;
	v33 =	vld.idx.msk [tilespmem:v14+s2+$0x0], $0xffff;
	[tilespmem:s0+$0xFFFFFEC0] =	vst v28  }
0x47f: {  	v14 =	vor.u32 s29, v2;
	v28 =	vor.u32 s1, v5;
	v26 =	vld.idx.msk [tilespmem:v26+s2+$0x0], $0xffff;
	[tilespmem:s0+$0x130] =	vst v13  }
0x480: {  	v34 =	vor.u32 s16, v5;
	[tilespmem:s13+$0x80] =	vst v19;
	v19 =	vor.u32 s14, v2;
	v30 =	vld.idx.msk [tilespmem:v30+s2+$0x0], $0xffff  }
0x481: {  	v35 =	vor.u32 s6, v1;
	[tilespmem:s0+$0xFFFFFFF0] =	vst v21;
	v21 =	vor.u32 s8, v6;
	v31 =	vld.idx.msk [tilespmem:v31+s2+$0x0], $0xffff  }
0x482: {  	v13 =	vor.u32 s18, v2;
	v24 =	vld.idx.msk [tilespmem:v24+s2+$0x0], $0xffff;
	[tilespmem:s13+$0x180] =	vst v27;
	v27 =	vor.u32 s4, v5  }
0x483: {  	v36 =	vor.u32 s10, v2;
	v29 =	vld.idx.msk [tilespmem:v29+s2+$0x0], $0xffff;
	[tilespmem:s0+$0x50] =	vst v23;
	v23 =	vor.u32 s7, v7;
	s7 =	smov.u32 s25  }
0x484: {  	[tilespmem:s13+$0xFFFFFF00] =	vst v25;
	v25 =	vld.idx.msk [tilespmem:v28+s2+$0x0], $0xffff;
	v28 =	vor.u32 s15, v6  }
0x485: {  	v34 =	vld.idx.msk [tilespmem:v34+s2+$0x0], $0xffff;
	[tilespmem:s0+$0xFFFFFF50] =	vst v26  }
0x486: {  	v21 =	vld.idx.msk [tilespmem:v21+s2+$0x0], $0xffff;
	[tilespmem:s0+$0x140] =	vst v30  }
0x487: {  	v26 =	vor.u32 s1, v6;
	v27 =	vld.idx.msk [tilespmem:v27+s2+$0x0], $0xffff;
	[tilespmem:s0+$0x1E0] =	vst v31  }
0x488: {  	v30 =	vor.u32 s16, v6;
	[tilespmem:s13+$0xFFFFFF80] =	vst v33;
	v23 =	vld.idx.msk [tilespmem:v23+s2+$0x0], $0xffff  }
0x489: {  	[tilespmem:s13+$0x90] =	vst v29;
	v28 =	vld.idx.msk [tilespmem:v28+s2+$0x0], $0xffff  }
0x48a: {  	v19 =	vld.idx.msk [tilespmem:v19+s2+$0x0], $0xffff;
	[tilespmem:s0+$0xFFFFFE50] =	vst v25;
	v25 =	vor.u32 s4, v6  }
0x48b: {  	v29 =	vor.u32 s8, v7;
	s8 =	smov.u32 s29;
	v22 =	vld.idx.msk [tilespmem:v22+s2+$0x0], $0xffff;
	[tilespmem:s0+$0xFFFFFED0] =	vst v34  }
0x48c: {  	v26 =	vld.idx.msk [tilespmem:v26+s2+$0x0], $0xffff;
	[tilespmem:s0+$0x60] =	vst v21  }
0x48d: {  	v21 =	vld.idx.msk [tilespmem:v30+s2+$0x0], $0xffff;
	v30 =	vor.u32 s15, v7;
	[tilespmem:s0+$0x150] =	vst v27;
	s15 =	smov.u32 s18  }
0x48e: {  	v27 =	vor.u32 s14, v3;
	v20 =	vld.idx.msk [tilespmem:v20+s2+$0x0], $0xffff;
	[tilespmem:s0+$0x1F0] =	vst v23  }
0x48f: {  	[tilespmem:s13+$0x100] =	vst v24;
	v23 =	vld.idx.msk [tilespmem:v25+s2+$0x0], $0xffff  }
0x490: {  	[tilespmem:s13+$0xA0] =	vst v19;
	v19 =	vld.idx.msk [tilespmem:v29+s2+$0x0], $0xffff  }
0x491: {  	v25 =	vor.u32 s4, v7;
	s4 =	smov.u32 s6;
	v24 =	vld.idx.msk [tilespmem:v35+s2+$0x0], $0xffff;
	[tilespmem:s0+$0xFFFFFF60] =	vst v28  }
0x492: {  	v28 =	vor.u32 s16, v7;
	s16 =	smov.u32 s17;
	[tilespmem:s13+$0xFFFFFE10] =	vst v22;
	v22 =	vor.u32 s1, v7;
	v29 =	vld.idx.msk [tilespmem:v30+s2+$0x0], $0xffff;
	s1 =	smov.u32 s12  }
0x493: {  	v27 =	vld.idx.msk [tilespmem:v27+s2+$0x0], $0xffff;
	[tilespmem:s0+$0xFFFFFEE0] =	vst v21  }
0x494: {  	v11 =	vld.idx.msk [tilespmem:v11+s2+$0x0], $0xffff;
	[tilespmem:s13+$0xFFFFFF90] =	vst v20  }
0x495: {  	v20 =	vld.idx.msk [tilespmem:v36+s2+$0x0], $0xffff;
	[tilespmem:s0+$0x160] =	vst v23  }
0x496: {  	[tilespmem:s0+$0xFFFFFE60] =	vst v26;
	v21 =	vld.idx.msk [tilespmem:v25+s2+$0x0], $0xffff  }
0x497: {  	v22 =	vld.idx.msk [tilespmem:v22+s2+$0x0], $0xffff;
	[tilespmem:s0+$0x70] =	vst v19  }
0x498: {  	v19 =	vld.idx.msk [tilespmem:v28+s2+$0x0], $0xffff;
	[tilespmem:s0+$0xFFFFFF70] =	vst v29  }
0x499: {  	v23 =	vor.u32 s10, v3;
	[tilespmem:s13+$0xB0] =	vst v27;
	v16 =	vld.idx.msk [tilespmem:v16+s2+$0x0], $0xffff  }
0x49a: {  	[tilespmem:s13+$0xFFFFFE80] =	vst v11;
	v9 =	vld.idx.msk [tilespmem:v9+s2+$0x0], $0xffff;
	v11 =	vor.u32 s14, v4  }
0x49b: {  	v25 =	vld.idx.msk [tilespmem:v32+s2+$0x0], $0xffff;
	[tilespmem:s13+$0xFFFFFFA0] =	vst v20  }
0x49c: {  	v15 =	vld.idx.msk [tilespmem:v15+s2+$0x0], $0xffff;
	[tilespmem:s0+$0x170] =	vst v21  }
0x49d: {  	v20 =	vor.u32 s4, v2;
	v17 =	vld.idx.msk [tilespmem:v17+s2+$0x0], $0xffff;
	[tilespmem:s0+$0xFFFFFE70] =	vst v22  }
0x49e: {  	v21 =	vor.u32 s12, v3;
	v22 =	vld.idx.msk [tilespmem:v23+s2+$0x0], $0xffff;
	[tilespmem:s0+$0xFFFFFEF0] =	vst v19;
	s0 =	smov.u32 s13  }
0x49f: {  	v11 =	vld.idx.msk [tilespmem:v11+s2+$0x0], $0xffff;
	[tilespmem:s13+$0x190] =	vst v16  }
0x4a0: {  	v16 =	vor.u32 s10, v4;
	[tilespmem:s13+$0x0] =	vst v9;
	v18 =	vld.idx.msk [tilespmem:v18+s2+$0x0], $0xffff  }
0x4a1: {  	v19 =	vor.u32 s14, v5;
	v12 =	vld.idx.msk [tilespmem:v12+s2+$0x0], $0xffff;
	[tilespmem:s13+$0x110] =	vst v24  }
0x4a2: {  	v23 =	vor.u32 s7, v3;
	[tilespmem:s13+$0xFFFFFE20] =	vst v25;
	v20 =	vld.idx.msk [tilespmem:v20+s2+$0x0], $0xffff  }
0x4a3: {  	v21 =	vld.idx.msk [tilespmem:v21+s2+$0x0], $0xffff;
	[tilespmem:s13+$0xFFFFFF10] =	vst v17  }
0x4a4: {  	v9 =	vld.idx.msk [tilespmem:v13+s2+$0x0], $0xffff;
	[tilespmem:s13+$0xFFFFFFB0] =	vst v22;
	v13 =	vor.u32 s4, v3  }
0x4a5: {  	v17 =	vor.u32 s12, v4;
	v16 =	vld.idx.msk [tilespmem:v16+s2+$0x0], $0xffff;
	[tilespmem:s13+$0xC0] =	vst v11  }
0x4a6: {  	v19 =	vld.idx.msk [tilespmem:v19+s2+$0x0], $0xffff;
	[tilespmem:s13+$0x1A0] =	vst v18  }
0x4a7: {  	v18 =	vor.u32 s10, v5;
	[tilespmem:s13+$0x10] =	vst v12;
	v22 =	vld.idx.msk [tilespmem:v23+s2+$0x0], $0xffff  }
0x4a8: {  	v24 =	vor.u32 s14, v6;
	v23 =	vld.idx.msk [tilespmem:v14+s2+$0x0], $0xffff;
	[tilespmem:s13+$0x120] =	vst v20  }
0x4a9: {  	[tilespmem:s13+$0xFFFFFE30] =	vst v21;
	v13 =	vld.idx.msk [tilespmem:v13+s2+$0x0], $0xffff;
	v21 =	vor.u32 s7, v4  }
.Ltmp12:
0x4aa: {  	v11 =	vor.u32 s8, v3;
	v12 =	vld.idx.msk [tilespmem:v17+s2+$0x0], $0xffff;
	[tilespmem:s13+$0xFFFFFE90] =	vst v15;
	(pc) =	sbr.rel @p2 .LBB2_21-.Ltmp12, $4  }
0x4ab: {  	v20 =	vor.u32 s15, v3;
	v14 =	vld.idx.msk [tilespmem:v10+s2+$0x0], $0xffff;
	[tilespmem:s13+$0xFFFFFFC0] =	vst v16  }
0x4ac: {  	v15 =	vld.idx.msk [tilespmem:v18+s2+$0x0], $0xffff;
	[tilespmem:s13+$0xD0] =	vst v19  }
0x4ad: {  	v17 =	vor.u32 s16, v3;
	v16 =	vld.idx.msk [tilespmem:v24+s2+$0x0], $0xffff;
	[tilespmem:s13+$0x1B0] =	vst v22  }
0x4ae: {  	s12 =	sadd.s32 $0x10, s12;
	v10 =	vor.u32 s8, v4;
	v18 =	vor.u32 s10, v6;
	s13 =	sadd.s32 $0x400, s13;
	[tilespmem:s0+$0x20] =	vst v23;
	v19 =	vld.idx.msk [tilespmem:v21+s2+$0x0], $0xffff  }
0x4af: {  	_ =	sdelay $0x1  }
0x4b0: {  	[tilespmem:s0+$0xFFFFFF20] =	vst v9  }
0x4b1: {  	[tilespmem:s0+$0xFFFFFE40] =	vst v12  }
0x4b2: {  	v31 =	vld.idx.msk [tilespmem:v11+s2+$0x0], $0xffff;
	v35 =	vor.u32 s4, v4;
	[tilespmem:s0+$0x130] =	vst v13  }
0x4b3: {  	v32 =	vld.idx.msk [tilespmem:v20+s2+$0x0], $0xffff;
	[tilespmem:s0+$0xFFFFFEA0] =	vst v14  }
0x4b4: {  	v33 =	vor.u32 s15, v4;
	[tilespmem:s0+$0xFFFFFFD0] =	vst v15;
	v34 =	vld.idx.msk [tilespmem:v17+s2+$0x0], $0xffff  }
0x4b5: {  	v36 =	vor.u32 s7, v5;
	[tilespmem:s0+$0xE0] =	vst v16;
	v18 =	vld.idx.msk [tilespmem:v18+s2+$0x0], $0xffff  }
0x4b6: {  	v37 =	vor.u32 s16, v4;
	[tilespmem:s0+$0x1C0] =	vst v19;
	v8 =	vld.idx.msk [tilespmem:v8+s2+$0x0], $0xffff  }
0x4b7: {  	v38 =	vor.u32 s10, v7;
	[tilespmem:s0+$0x30] =	vst v31;
	v42 =	vld.idx.msk [tilespmem:v35+s2+$0x0], $0xffff  }
0x4b8: {  	v44 =	vor.u32 s4, v5;
	[tilespmem:s0+$0xFFFFFF30] =	vst v32;
	v10 =	vld.idx.msk [tilespmem:v10+s2+$0x0], $0xffff  }
0x4b9: {  	v40 =	vor.u32 s8, v5;
	v39 =	vld.idx.msk [tilespmem:v33+s2+$0x0], $0xffff;
	[tilespmem:s0+$0xFFFFFEB0] =	vst v34  }
0x4ba: {  	v41 =	vor.u32 s15, v5;
	v43 =	vld.idx.msk [tilespmem:v36+s2+$0x0], $0xffff;
	[tilespmem:s0+$0xFFFFFFE0] =	vst v18  }
0x4bb: {  	v9 =	vld.idx.msk [tilespmem:v37+s2+$0x0], $0xffff;
	[tilespmem:s0+$0xF0] =	vst v8;
	v8 =	vor.u32 s1, v5  }
0x4bc: {  	v45 =	vor.u32 s16, v5;
	v11 =	vld.idx.msk [tilespmem:v38+s2+$0x0], $0xffff;
	[tilespmem:s0+$0x140] =	vst v42  }
0x4bd: {  	v46 =	vor.u32 s7, v6;
	[tilespmem:s0+$0x40] =	vst v10;
	v50 =	vld.idx.msk [tilespmem:v44+s2+$0x0], $0xffff  }
0x4be: {  	v51 =	vor.u32 s4, v6;
	[tilespmem:s0+$0xFFFFFF40] =	vst v39;
	v47 =	vld.idx.msk [tilespmem:v40+s2+$0x0], $0xffff  }
0x4bf: {  	v48 =	vor.u32 s8, v6;
	[tilespmem:s0+$0x1D0] =	vst v43;
	v13 =	vld.idx.msk [tilespmem:v41+s2+$0x0], $0xffff  }
0x4c0: {  	v49 =	vor.u32 s15, v6;
	[tilespmem:s0+$0xFFFFFEC0] =	vst v9;
	v8 =	vld.idx.msk [tilespmem:v8+s2+$0x0], $0xffff  }
0x4c1: {  	v52 =	vor.u32 s1, v6;
	[tilespmem:s0+$0xFFFFFFF0] =	vst v11;
	v10 =	vld.idx.msk [tilespmem:v45+s2+$0x0], $0xffff  }
0x4c2: {  	v54 =	vor.u32 s16, v6;
	v53 =	vld.idx.msk [tilespmem:v46+s2+$0x0], $0xffff;
	[tilespmem:s0+$0x150] =	vst v50  }
0x4c3: {  	v55 =	vor.u32 s7, v7;
	[tilespmem:s0+$0x50] =	vst v47;
	v9 =	vld.idx.msk [tilespmem:v51+s2+$0x0], $0xffff  }
0x4c4: {  	v60 =	vor.u32 s4, v7;
	[tilespmem:s0+$0xFFFFFF50] =	vst v13;
	v56 =	vld.idx.msk [tilespmem:v48+s2+$0x0], $0xffff  }
0x4c5: {  	v58 =	vor.u32 s8, v7;
	v57 =	vld.idx.msk [tilespmem:v49+s2+$0x0], $0xffff;
	[tilespmem:s0+$0xFFFFFE50] =	vst v8  }
0x4c6: {  	v8 =	vor.u32 s15, v7;
	[tilespmem:s0+$0xFFFFFED0] =	vst v10;
	v59 =	vld.idx.msk [tilespmem:v52+s2+$0x0], $0xffff  }
0x4c7: {  	v61 =	vor.u32 s1, v7;
	[tilespmem:s0+$0x1E0] =	vst v53;
	v12 =	vld.idx.msk [tilespmem:v54+s2+$0x0], $0xffff  }
0x4c8: {  	v62 =	vor.u32 s16, v7;
	v17 =	vld.idx.msk [tilespmem:v55+s2+$0x0], $0xffff;
	[tilespmem:s0+$0x160] =	vst v9  }
0x4c9: {  	[tilespmem:s0+$0x60] =	vst v56;
	v9 =	vld.idx.msk [tilespmem:v60+s2+$0x0], $0xffff  }
0x4ca: {  	v15 =	vld.idx.msk [tilespmem:v58+s2+$0x0], $0xffff;
	[tilespmem:s0+$0xFFFFFF60] =	vst v57  }
0x4cb: {  	v8 =	vld.idx.msk [tilespmem:v8+s2+$0x0], $0xffff;
	[tilespmem:s0+$0xFFFFFE60] =	vst v59  }
0x4cc: {  	[tilespmem:s0+$0xFFFFFEE0] =	vst v12;
	v10 =	vld.idx.msk [tilespmem:v61+s2+$0x0], $0xffff  }
0x4cd: {  	[tilespmem:s0+$0x1F0] =	vst v17;
	v63 =	vld.idx.msk [tilespmem:v62+s2+$0x0], $0xffff  }
0x4ce: {  	[tilespmem:s0+$0x170] =	vst v9  }
0x4cf: {  	[tilespmem:s0+$0x70] =	vst v15  }
0x4d0: {  	[tilespmem:s0+$0xFFFFFF70] =	vst v8  }
0x4d1: {  	[tilespmem:s0+$0xFFFFFE70] =	vst v10  }
0x4d2: {  	[tilespmem:s0+$0xFFFFFEF0] =	vst v63  }
.Ltmp13:
0x4d3: {  	s31 =	simm.s32 $0x4000;
	s0 =	rddreg [dreg:$0xe];
	(pc) =	sbr.rel .LBB2_23-.Ltmp13, $4  }
0x4d4: {  	[hbm4b:s0+s2] =	stream.linear.scatter [tilespmem:s31], [sflag:$0x5], $0x1000, $0x38;
	[tilespmem:$0x8000] =	vst v63  }
0x4d5: {  	_ =	swait.ge [sflag:s30], $0x1000  }
0x4d6: {  	[sflag:s30] =	ssyncset.done $0x0  }
0x4d7: {  	s1 =	rddreg [dreg:$0x10];
	[sflag:s30] =	ssyncadd.s32 $0xFFFFF000  }
.LBB2_24:
0x4d8: {  	_ =	sfence.sel $0x180000  }
0x4d9: {  	[bflag:$0x0] =	sbarrier.arrive $0xFFFF  }
0x4da: {  	_ =	strace $0x90000047  }
0x4db: {  	s0 =	stileid.u32;
	[bflag:$0x2] =	sbarrier.arrive $0xFFFF  }
0x4dc: {  	p0 =	sne.s32 s0, $0x0;
	s0 =	rddreg [dreg:$0x2]  }
0x4dd: {  	s0 =	sadd.s32 @!p0 $0x100000, s0  }
0x4de: {  	[sflag:s0] =	ssyncadd.tile.s32 @!p0 $0x1;
	_ =	shalt  }
.Lfunc_end2:
_tile_overlayer_lowered:
.L_overlay_start_2:
0x4df: {  	(tag) =	ssettag $0x2  }
0x4e0: {  	s0 =	rddreg [dreg:$0x0];
	s2 =	stileid.u32  }
0x4e1: {  	s1 =	rddreg [dreg:$0x1];
	p0 =	sne.s32 s2, $0x0  }
0x4e2: {  	s3 =	rddreg [dreg:$0x2];
	[bflag:$0x3] =	sbarrier.arrive $0xFFFF;
	s2 =	simm.s32 @!p0 $0x1C05  }
0x4e3: {  	[timem:s3], [sflag:s2] =	dma.local @!p0 [hbm:s0], s1  }
0x4e4: {  	s0 =	simm.s32 @!p0 $0x5  }
0x4e5: {  	_ =	swait.ge @!p0 [sflag:s0], s1  }
0x4e6: {  	s1 =	ssub.s32 @!p0 $0x0, s1;
	[sflag:s0] =	ssyncset.done @!p0 $0x0  }
0x4e7: {  	[sflag:s0] =	ssyncadd.s32 @!p0 s1  }
0x4e8: {  	[bflag:$0x3] =	sbarrier.arrive $0xFFFF  }
0x4e9: {  	_ =	shalt  }

// kernel: kernel.7.cloned.1.call-start
scs
__scs_entry_jumppad:
0x0: {  	(pc) =	sbr.rel $0x88, $3  }
0x1: {  	(tag) =	ssettag $0x0;
	lr =	simm.s32 $0x1  }
0x2: {  	[smem:$0x3F9F] =	sst lr;
	_ =	strace $0xD0000000  }
0x3: {  	_ = 	snop  }
0x4: {  	_ = 	snop  }
0x5: {  	_ = 	snop  }
0x6: {  	_ = 	snop  }
0x7: {  	_ = 	snop  }
__scs_overlays_trampoline_lowered:
0x8: {  	[smem:$0x3FAE] =	sst s0  }
0x9: {  	[smem:$0x3FAF] =	sst s1  }
0xa: {  	[smem:$0x3FB0] =	sst s2  }
0xb: {  	[smem:$0x3FB1] =	sst s3  }
0xc: {  	[smem:$0x3FB2] =	sst s4  }
0xd: {  	[smem:$0x3FB3] =	sst s5  }
0xe: {  	[smem:$0x3FB4] =	sst s6  }
0xf: {  	[smem:$0x3FB5] =	sst s7  }
0x10: {  	[smem:$0x3FB6] =	sst s8  }
0x11: {  	[smem:$0x3FB7] =	sst s9;
	s0 =	simm.s32 @!p0 $0x0  }
0x12: {  	s1 =	sld [smem:$0x3F9D];
	s0 =	simm.s32 @p0 $0x1  }
0x13: {  	[smem:$0x3FB8] =	sst s0;
	s0 =	simm.s32 @!p1 $0x0  }
0x14: {  	s2 =	sld [smem:$0x3F9C];
	s0 =	simm.s32 @p1 $0x1  }
0x15: {  	[smem:$0x3FB9] =	sst s0;
	s0 =	simm.s32 @!p2 $0x0  }
0x16: {  	s3 =	sld [smem:$0x3FDB];
	s0 =	simm.s32 @p2 $0x1  }
0x17: {  	s4 =	simm.s32 $0x1BF5;
	[smem:$0x3FBB] =	sst s0  }
0x18: {  	s0 =	sld [smem:$0x3F9E];
	_ =	swait.ge [sflag:s4], $0x0  }
0x19: {  	s7 =	sld [smem:$0x3F9F]  }
0x1a: {  	s8 =	sadd.s32 $0xFFFFE003, lr  }
0x1b: {  	s9 =	sadd.s32 $0xFFFFFEF7, lr;
	s5 =	simm.s32 $0xFFFFFFFF;
	p2 =	slt.u32 s8, $0xFFFFF086  }
0x1c: {  	p1 =	slt.u32 s9, $0xF7A;
	s5 =	simm.s32 @!p2 $0x0  }
0x1d: {  	s5 =	simm.s32 @p1 $0x1;
	p0 =	seq.s32 s7, s2  }
0x1e: {  	s7 =	smul.u32 @!p0 $0xF7A, s2;
	p2 =	seq.s32 @!p0 s5, $0x0  }
0x1f: {  	s9 =	smul.u32 $0xF7A, s1;
	s8 =	simm.s32 @!p0 $0x1BF5;
	p2 =	por !p2, p0  }
0x20: {  	[sflag:s8] =	ssyncset.s32 @!p0 $0xFFFFF086;
	s6 =	sadd.s32 @!p0 s3, s7;
	s7 =	simm.s32 @!p0 $0x108  }
0x21: {  	s3 =	sadd.s32 s3, s9;
	s6 =	sadd.s32 @!p0 $0x88, s6;
	s7 =	simm.s32 @p2 $0x1082  }
0x22: {  	[simem:s7], [sflag:s8] =	dma.local @!p0 [hbm:s6], $0xF7A  }
0x23: {  	s9 =	sor.u32 $0xD0000000, s2;
	s6 =	simm.s32 $0x108;
	_ =	swait.ge @!p0 [sflag:s8], $0x0  }
0x24: {  	s3 =	sadd.s32 $0x88, s3;
	s6 =	simm.s32 @!p1 $0x1082;
	[sflag:s4] =	ssyncset.s32 $0xFFFFF086  }
0x25: {  	[simem:s6], [sflag:s4] =	dma.local [hbm:s3], $0xF7A  }
0x26: {  	[smem:$0x3F9F] =	sst s1;
	(tag) =	ssettag s2;
	_ =	strace s9  }
0x27: {  	s1 =	sld [smem:$0x3FAF]  }
0x28: {  	s2 =	sld [smem:$0x3FB0]  }
0x29: {  	s4 =	sld [smem:$0x3FB2]  }
0x2a: {  	p0 =	seq.s32 s5, $0x0;
	s5 =	sld [smem:$0x3FB3]  }
0x2b: {  	s6 =	sld [smem:$0x3FB4]  }
0x2c: {  	s7 =	sld [smem:$0x3FB5]  }
0x2d: {  	s3 =	simm.s32 $0x108;
	s8 =	sld [smem:$0x3FB6]  }
0x2e: {  	s3 =	simm.s32 @!p0 $0x1082;
	s9 =	sld [smem:$0x3FB7]  }
0x2f: {  	lr =	sadd.s32 s0, s3;
	s0 =	sld [smem:$0x3FAE]  }
0x30: {  	s3 =	sld [smem:$0x3FB1]  }
0x31: {  	[smem:$0x3FBA] =	sst s10  }
0x32: {  	s10 =	sld [smem:$0x3FB8];
	_ =	sdelay $0x3  }
0x33: {  	p0 =	seq.s32 s10, $0x1;
	s10 =	sld [smem:$0x3FBA];
	_ =	sdelay $0x3  }
0x34: {  	[smem:$0x3FBA] =	sst s10  }
0x35: {  	s10 =	sld [smem:$0x3FB9];
	_ =	sdelay $0x3  }
0x36: {  	p1 =	seq.s32 s10, $0x1;
	s10 =	sld [smem:$0x3FBA];
	_ =	sdelay $0x3  }
0x37: {  	[smem:$0x3FBA] =	sst s10  }
0x38: {  	s10 =	sld [smem:$0x3FBB]  }
0x39: {  	_ = 	snop;
	(pc) =	sbr.ind lr, $3  }
0x3a: {  	_ = 	snop  }
0x3b: {  	_ = 	snop  }
0x3c: {  	p2 =	seq.s32 s10, $0x1;
	s10 =	sld [smem:$0x3FBA]  }
0x3d: {  	_ =	shalt  }
0x3e: {  	_ =	shalt  }
0x3f: {  	_ =	shalt  }
0x40: {  	_ =	shalt  }
0x41: {  	_ =	shalt  }
0x42: {  	_ =	shalt  }
0x43: {  	_ =	shalt  }
0x44: {  	_ =	shalt  }
0x45: {  	_ =	shalt  }
0x46: {  	_ =	shalt  }
0x47: {  	_ =	shalt  }
0x48: {  	_ =	shalt  }
0x49: {  	_ =	shalt  }
0x4a: {  	_ =	shalt  }
0x4b: {  	_ =	shalt  }
0x4c: {  	_ =	shalt  }
0x4d: {  	_ =	shalt  }
0x4e: {  	_ =	shalt  }
0x4f: {  	_ =	shalt  }
0x50: {  	_ =	shalt  }
0x51: {  	_ =	shalt  }
0x52: {  	_ =	shalt  }
0x53: {  	_ =	shalt  }
0x54: {  	_ =	shalt  }
0x55: {  	_ =	shalt  }
0x56: {  	_ =	shalt  }
0x57: {  	_ =	shalt  }
0x58: {  	_ =	shalt  }
0x59: {  	_ =	shalt  }
0x5a: {  	_ =	shalt  }
0x5b: {  	_ =	shalt  }
0x5c: {  	_ =	shalt  }
0x5d: {  	_ =	shalt  }
0x5e: {  	_ =	shalt  }
0x5f: {  	_ =	shalt  }
0x60: {  	_ =	shalt  }
0x61: {  	_ =	shalt  }
0x62: {  	_ =	shalt  }
0x63: {  	_ =	shalt  }
0x64: {  	_ =	shalt  }
0x65: {  	_ =	shalt  }
0x66: {  	_ =	shalt  }
0x67: {  	_ =	shalt  }
0x68: {  	_ =	shalt  }
0x69: {  	_ =	shalt  }
0x6a: {  	_ =	shalt  }
0x6b: {  	_ =	shalt  }
0x6c: {  	_ =	shalt  }
0x6d: {  	_ =	shalt  }
0x6e: {  	_ =	shalt  }
0x6f: {  	_ =	shalt  }
0x70: {  	_ =	shalt  }
0x71: {  	_ =	shalt  }
0x72: {  	_ =	shalt  }
0x73: {  	_ =	shalt  }
0x74: {  	_ =	shalt  }
0x75: {  	_ =	shalt  }
0x76: {  	_ =	shalt  }
0x77: {  	_ =	shalt  }
0x78: {  	_ =	shalt  }
0x79: {  	_ =	shalt  }
0x7a: {  	_ =	shalt  }
0x7b: {  	_ =	shalt  }
0x7c: {  	_ =	shalt  }
0x7d: {  	_ =	shalt  }
0x7e: {  	_ =	shalt  }
0x7f: {  	_ =	shalt  }
0x80: {  	_ =	shalt  }
0x81: {  	_ =	shalt  }
0x82: {  	_ =	shalt  }
0x83: {  	_ =	shalt  }
0x84: {  	_ =	shalt  }
0x85: {  	_ =	shalt  }
0x86: {  	_ =	shalt  }
0x87: {  	_ =	shalt  }
.Lfunc_end0:
.L_simem_size_0:
called_computation.2_lowered:
.L_overlay_start_0:
0x88: {  	s2 =	sld [smem:$0x3FD9]  }
0x89: {  	s3 =	sld [smem:$0x3FFE];
	_ =	sdelay $0x1  }
0x8a: {  	s1 =	srdreg.scid  }
0x8b: {  	s0 =	sand.u32 $0x1, s1  }
0x8c: {  	s17 =	sshll.u32 s0, $0xA;
	s2 =	sadd.s32 s3, s2  }
0x8d: {  	s2 =	sadd.s32 s2, s17  }
0x8e: {  	[smem:$0x3FC6] =	sst s2  }
0x8f: {  	_ = 	snop  }
0x90: {  	s2 =	sld [smem:$0x3FD0];
	(tm) =	ssettm $0x1  }
0x91: {  	s18 =	sld [smem:$0x3FFB];
	_ =	sdelay $0x3  }
0x92: {  	_ =	strace s18  }
0x93: {  	s3 =	sld [smem:$0x3FFC];
	_ =	sdelay $0x3  }
0x94: {  	_ =	strace s3  }
0x95: {  	s3 =	sld [smem:$0x3FFD];
	_ =	sdelay $0x3  }
0x96: {  	_ =	strace s3  }
0x97: {  	_ =	strace $0x8FFFFFFF  }
0x98: {  	s19 =	sld [smem:$0x3FDB];
	_ =	sdelay $0x1  }
0x99: {  	s4 =	simm.s32 $_scs_section_size  }
0x9a: {  	s5 =	simm.s32 $_size__tile_overlayer_lowered;
	s6 =	simm.s32 $_tile_overlayer_lowered  }
0x9b: {  	s22 =	simm.s32 $0x1BFF;
	s21 =	sshll.u32 s6, $0x1;
	s3 =	sadd.s32 s4, s19  }
0x9c: {  	s7 =	simm.s32 $0x0;
	s20 =	sshll.u32 s5, $0x1;
	s5 =	sadd.s32 s21, s3  }
0x9d: {  	[timem:s7], [sflag:s22] =	dma.local [hbm:s5], s20  }
0x9e: {  	_ =	swait.ge [sflag:s22], s20  }
0x9f: {  	s4 =	ssub.s32 $0x0, s20;
	[sflag:s22] =	ssyncset.done $0x0  }
0xa0: {  	[sflag:s22] =	ssyncadd.s32 s4;
	_ =	sdelay $0x1  }
0xa1: {  	s23 =	simm.s32 $0x1B8B  }
0xa2: {  	_ =	swait.ge [sflag:s23], $0x1  }
0xa3: {  	[sflag:s23] =	ssyncset.done $0x0  }
0xa4: {  	s25 =	simm.s32 $0x1B8E;
	s24 =	sld [smem:$0x3FFE];
	[sflag:s23] =	ssyncadd.s32 $0xFFFFFFFF  }
0xa5: {  	s26 =	simm.s32 $execute0_lowered;
	[smem:$0x3FD2] =	sst s25  }
0xa6: {  	s5 =	sshll.u32 s26, $0x1;
	_ =	strace $0x80000049;
	[dreg:$0x1] =	wrdreg $0xFFFFFFFF  }
0xa7: {  	s28 =	simm.s32 $_size_execute0_lowered;
	s3 =	sadd.s32 s3, s5;
	[dreg:$0x0] =	wrdreg $0x0  }
0xa8: {  	s5 =	sshll.u32 s28, $0x1;
	[dreg:$0x2] =	wrdreg s3  }
0xa9: {  	[dreg:$0x3] =	wrdreg s5  }
0xaa: {  	[dreg:$0x4] =	wrdreg $0xC0  }
0xab: {  	_ =	task [dreg:s7], $0x5FFFF  }
0xac: {  	[dreg:$0x1] =	wrdreg $0xFFFFFFFF  }
0xad: {  	[dreg:$0x0] =	wrdreg $0x60  }
0xae: {  	[dreg:$0x2] =	wrdreg s24  }
0xaf: {  	[dreg:$0x3] =	wrdreg s2  }
0xb0: {  	[dreg:$0x4] =	wrdreg $0x9  }
0xb1: {  	_ =	task.clear_ibuf [dreg:s7], $0x5FFFF;
	_ =	strace $0x90000049  }
0xb2: {  	s29 =	simm.s32 $0x9;
	_ =	strace $0x8000004B  }
0xb3: {  	_ =	swait.ge [sflag:s29], $0x1  }
0xb4: {  	[sflag:s29] =	ssyncadd.s32 $0xFFFFFFFF  }
0xb5: {  	_ =	strace $0x9000004B  }
0xb6: {  	_ =	sfence  }
0xb7: {  	s30 =	sld [smem:$0x0];
	_ =	sdelay $0x2  }
0xb8: {  	s31 =	sshll.u32 s1, $0xD;
	s1 =	sshrl.u32 s1, $0x2  }
0xb9: {  	s3 =	sand.u32 $0x4000, s31;
	s1 =	sadd.s32 s1, s30  }
0xba: {  	s0 =	sor.u32 s3, s0;
	s1 =	sshll.u32 s1, $0x11  }
0xbb: {  	s0 =	sor.u32 s1, s0  }
0xbc: {  	s0 =	sadd.s32 $0x8F2B, s0  }
0xbd: {  	[sflag:s0] =	ssyncadd.remote.s32 $0x1  }
0xbe: {  	_ =	sfence.sel $0xFFFF  }
0xbf: {  	[dreg:$0x0] =	wrdreg $0xFFFFFFFF;
	(pc) =	sbr.abs _section_cstart, $3  }
0xc0: {  	[dreg:$0x1] =	wrdreg $0xFFFFFFFF  }
0xc1: {  	_ =	task.clear_ibuf [dreg:s7], $0x2FFFF;
	_ =	strace $0x9FFFFFFF  }
0xc2: {  	(tm) =	ssettm $0x7FFFFFFF  }
0xc3: {  	_ =	shalt  }
tec
execute0_lowered:
.L_overlay_start_1:
0x0: {  	(tag) =	ssettag $0x1  }
0x1: {  	s0 =	srdreg.scid  }
0x2: {  	s11 =	stileid.u32;
	s1 =	rddreg [dreg:$0x0]  }
0x3: {  	s4 =	rddreg [dreg:$0x1];
	s12 =	simm.s32 $0x6400;
	s13 =	simm.s32 $0x8400  }
0x4: {  	s15 =	simm.s32 $0xA400;
	s17 =	simm.s32 $0xC400;
	s19 =	simm.s32 $0xE400  }
0x5: {  	s21 =	simm.s32 $0x10400;
	s23 =	simm.s32 $0x12400;
	s25 =	simm.s32 $0x14400  }
0x6: {  	s28 =	simm.s32 $0x16400;
	s30 =	simm.s32 $0x18400;
	s31 =	simm.s32 $0x1  }
0x7: {  	s14 =	simm.s32 $0x3;
	s16 =	simm.s32 $0x4;
	s8 =	smul.u32 $0x190, s11  }
0x8: {  	s0 =	sand.u32 $0x1, s0;
	s2 =	sshll.u32 s11, $0x1;
	s29 =	smul.u32 $0xC8000, s11  }
0x9: {  	s18 =	simm.s32 $0x0;
	s3 =	sor.u32 s0, s2;
	s10 =	smul.u32 $0xC8, s0  }
0xa: {  	s2 =	simm.s32 $0x0;
	s7 =	ssub.s32 $0x2, s0;
	s0 =	smul.u32 $0x64000, s0  }
0xb: {  	s11 =	simm.s32 $0x80;
	s5 =	smul.u32 $0xC80, s3;
	[smem:$0x7FF] =	sst s2  }
0xc: {  	s6 =	smul.u32 $0x320000, s3;
	s3 =	sadd.s32 $0x1200, s1;
	s9 =	sshrl.u32 s7, $0x1  }
0xd: {  	s1 =	sadd.s32 $0x7A2400, s1;
	_ =	strace $0x8000004A;
	s7 =	ssub.s32 s7, s9  }
0xe: {  	s8 =	sadd.s32 s10, s8;
	s10 =	simm.s32 $0x5;
	s6 =	sshrl.u32 s6, $0x3  }
0xf: {  	s4 =	sadd.s32 s4, s5;
	s8 =	sshll.u32 s8, $0xB;
	s7 =	smax.u32 s7, $0x1  }
0x10: {  	s6 =	sadd.s32 s1, s6;
	s8 =	sadd.s32 s8, s1;
	s1 =	sadd.s32 s29, s1  }
0x11: {  	s5 =	sadd.s32 $0x5F000, s6;
	s6 =	sadd.s32 $0x61800, s6;
	s8 =	sadd.s32 $0x2800, s8  }
0x12: {  	s9 =	sadd.s32 s0, s1;
	s1 =	simm.s32 $0x40;
	s0 =	simm.s32 $0x2  }
.LBB2_1:
0x13: {  	[tilespmem:s2], [sflag:$0x5] =	stream.linear.gather [hbm4b:s4+s2], $0x6400, $0x38;
	[tilespmem:$0x1A400] =	vst v63  }
0x14: {  	_ =	swait.ge [sflag:s10], $0x6400  }
0x15: {  	[sflag:s10] =	ssyncset.done $0x0  }
0x16: {  	[sflag:s10] =	ssyncadd.s32 $0xFFFF9C00  }
0x17: {  	[tilespmem:s12], [sflag:$0x1] =	stream.indirect.gather [hbm4b:s3+s11], $0x40, s2, s11, $0xb8;
	[tilespmem:$0x1A400] =	vst v63  }
0x18: {  	_ = 	snop  }
0x19: {  	[tilespmem:s13], [sflag:$0x1] =	stream.indirect.gather [hbm4b:s3+s11], $0x40, s11, s11, $0xb8;
	[tilespmem:$0x1A400] =	vst v63  }
0x1a: {  	s20 =	simm.s32 $0x100  }
0x1b: {  	[tilespmem:s15], [sflag:$0x1] =	stream.indirect.gather [hbm4b:s3+s11], $0x40, s20, s11, $0xb8;
	[tilespmem:$0x1A400] =	vst v63  }
0x1c: {  	s22 =	simm.s32 $0x180  }
0x1d: {  	[tilespmem:s17], [sflag:$0x1] =	stream.indirect.gather [hbm4b:s3+s11], $0x40, s22, s11, $0xb8;
	[tilespmem:$0x1A400] =	vst v63  }
0x1e: {  	s24 =	simm.s32 $0x200  }
0x1f: {  	[tilespmem:s19], [sflag:$0x1] =	stream.indirect.gather [hbm4b:s3+s11], $0x40, s24, s11, $0xb8;
	[tilespmem:$0x1A400] =	vst v63  }
0x20: {  	s26 =	simm.s32 $0x280  }
0x21: {  	[tilespmem:s21], [sflag:$0x2] =	stream.indirect.gather [hbm4b:s3+s11], $0x40, s26, s11, $0xb8;
	[tilespmem:$0x1A400] =	vst v63  }
0x22: {  	s29 =	simm.s32 $0x300  }
0x23: {  	[tilespmem:s23], [sflag:$0x2] =	stream.indirect.gather [hbm4b:s3+s11], $0x40, s29, s11, $0xb8;
	[tilespmem:$0x1A400] =	vst v63  }
0x24: {  	s22 =	simm.s32 $0x380  }
0x25: {  	[tilespmem:s25], [sflag:$0x2] =	stream.indirect.gather [hbm4b:s3+s11], $0x40, s22, s11, $0xb8;
	[tilespmem:$0x1A400] =	vst v63  }
0x26: {  	s24 =	simm.s32 $0x400  }
0x27: {  	[tilespmem:s28], [sflag:$0x2] =	stream.indirect.gather [hbm4b:s3+s11], $0x40, s24, s11, $0xb8;
	[tilespmem:$0x1A400] =	vst v63  }
0x28: {  	s26 =	simm.s32 $0x480  }
0x29: {  	[tilespmem:s30], [sflag:$0x2] =	stream.indirect.gather [hbm4b:s3+s11], $0x40, s26, s11, $0xb8;
	[tilespmem:$0x1A400] =	vst v63  }
0x2a: {  	_ =	swait.ge [sflag:s31], $0x2000  }
0x2b: {  	[sflag:s31] =	ssyncset.done $0x0  }
0x2c: {  	[sflag:s31] =	ssyncadd.s32 $0xFFFFE000  }
0x2d: {  	_ =	swait.ge [sflag:s31], $0x2000  }
0x2e: {  	[sflag:s31] =	ssyncset.done $0x0  }
0x2f: {  	[sflag:s31] =	ssyncadd.s32 $0xFFFFE000  }
0x30: {  	_ =	swait.ge [sflag:s31], $0x2000  }
0x31: {  	[sflag:s31] =	ssyncset.done $0x0  }
0x32: {  	[sflag:s31] =	ssyncadd.s32 $0xFFFFE000  }
0x33: {  	_ =	swait.ge [sflag:s31], $0x2000  }
0x34: {  	[sflag:s31] =	ssyncset.done $0x0  }
0x35: {  	[sflag:s31] =	ssyncadd.s32 $0xFFFFE000  }
0x36: {  	_ =	swait.ge [sflag:s31], $0x2000  }
0x37: {  	[sflag:s31] =	ssyncset.done $0x0  }
0x38: {  	[sflag:s31] =	ssyncadd.s32 $0xFFFFE000  }
0x39: {  	[hbm4b:s9+s1] =	stream.strided.scatter [tilespmem:s12], [sflag:$0x3], $0xA000, s11, s1, $0x38;
	[tilespmem:$0x1A400] =	vst v63  }
0x3a: {  	_ =	swait.ge [sflag:s0], $0x2000  }
0x3b: {  	[sflag:s0] =	ssyncset.done $0x0  }
0x3c: {  	[sflag:s0] =	ssyncadd.s32 $0xFFFFE000  }
0x3d: {  	_ =	swait.ge [sflag:s0], $0x2000  }
0x3e: {  	[sflag:s0] =	ssyncset.done $0x0  }
0x3f: {  	[sflag:s0] =	ssyncadd.s32 $0xFFFFE000  }
0x40: {  	_ =	swait.ge [sflag:s0], $0x2000  }
0x41: {  	[sflag:s0] =	ssyncset.done $0x0  }
0x42: {  	[sflag:s0] =	ssyncadd.s32 $0xFFFFE000  }
0x43: {  	_ =	swait.ge [sflag:s0], $0x2000  }
0x44: {  	[sflag:s0] =	ssyncset.done $0x0  }
0x45: {  	[sflag:s0] =	ssyncadd.s32 $0xFFFFE000  }
0x46: {  	_ =	swait.ge [sflag:s0], $0x2000  }
0x47: {  	[sflag:s0] =	ssyncset.done $0x0  }
0x48: {  	[sflag:s0] =	ssyncadd.s32 $0xFFFFE000  }
0x49: {  	[hbm4b:s8+s1] =	stream.strided.scatter [tilespmem:s21], [sflag:$0x4], $0xA000, s11, s1, $0x38;
	[tilespmem:$0x1A400] =	vst v63  }
0x4a: {  	_ =	swait.ge [sflag:s14], $0xA000  }
0x4b: {  	[sflag:s14] =	ssyncset.done $0x0  }
0x4c: {  	s29 =	simm.s32 $0x500;
	[sflag:s14] =	ssyncadd.s32 $0xFFFF6000  }
0x4d: {  	[tilespmem:s12], [sflag:$0x1] =	stream.indirect.gather [hbm4b:s3+s11], $0x40, s29, s11, $0xb8;
	[tilespmem:$0x1A400] =	vst v63  }
0x4e: {  	s22 =	simm.s32 $0x580  }
0x4f: {  	[tilespmem:s13], [sflag:$0x1] =	stream.indirect.gather [hbm4b:s3+s11], $0x40, s22, s11, $0xb8;
	[tilespmem:$0x1A400] =	vst v63  }
0x50: {  	s24 =	simm.s32 $0x600  }
0x51: {  	[tilespmem:s15], [sflag:$0x1] =	stream.indirect.gather [hbm4b:s3+s11], $0x40, s24, s11, $0xb8;
	[tilespmem:$0x1A400] =	vst v63  }
0x52: {  	s26 =	simm.s32 $0x680  }
0x53: {  	[tilespmem:s17], [sflag:$0x1] =	stream.indirect.gather [hbm4b:s3+s11], $0x40, s26, s11, $0xb8;
	[tilespmem:$0x1A400] =	vst v63  }
0x54: {  	s29 =	simm.s32 $0x700  }
0x55: {  	[tilespmem:s19], [sflag:$0x1] =	stream.indirect.gather [hbm4b:s3+s11], $0x40, s29, s11, $0xb8;
	[tilespmem:$0x1A400] =	vst v63  }
0x56: {  	_ =	swait.ge [sflag:s16], $0xA000  }
0x57: {  	[sflag:s16] =	ssyncset.done $0x0  }
0x58: {  	s22 =	simm.s32 $0x780;
	[sflag:s16] =	ssyncadd.s32 $0xFFFF6000  }
0x59: {  	[tilespmem:s21], [sflag:$0x2] =	stream.indirect.gather [hbm4b:s3+s11], $0x40, s22, s11, $0xb8;
	[tilespmem:$0x1A400] =	vst v63  }
0x5a: {  	s24 =	simm.s32 $0x800  }
0x5b: {  	[tilespmem:s23], [sflag:$0x2] =	stream.indirect.gather [hbm4b:s3+s11], $0x40, s24, s11, $0xb8;
	[tilespmem:$0x1A400] =	vst v63  }
0x5c: {  	s20 =	simm.s32 $0x1400;
	s26 =	simm.s32 $0x880;
	s29 =	simm.s32 $0x900  }
0x5d: {  	[tilespmem:s25], [sflag:$0x2] =	stream.indirect.gather [hbm4b:s3+s11], $0x40, s26, s11, $0xb8;
	[tilespmem:$0x1A400] =	vst v63  }
0x5e: {  	s22 =	sadd.s32 $0x5000, s8;
	s24 =	sadd.s32 $0x5000, s9;
	s26 =	simm.s32 $0x980  }
0x5f: {  	[tilespmem:s28], [sflag:$0x2] =	stream.indirect.gather [hbm4b:s3+s11], $0x40, s29, s11, $0xb8;
	[tilespmem:$0x1A400] =	vst v63  }
.LBB2_2:
0x60: {  	[tilespmem:s30], [sflag:$0x2] =	stream.indirect.gather [hbm4b:s3+s11], $0x40, s26, s11, $0xb8;
	[tilespmem:$0x1A400] =	vst v63  }
0x61: {  	s26 =	smov.u32 s20  }
0x62: {  	p0 =	sne.s32 s20, $0x16800;
	s20 =	sadd.s32 $0x1400, s20;
	_ =	swait.ge [sflag:s31], $0x2000  }
0x63: {  	[sflag:s31] =	ssyncset.done $0x0  }
0x64: {  	[sflag:s31] =	ssyncadd.s32 $0xFFFFE000  }
0x65: {  	_ =	swait.ge [sflag:s31], $0x2000  }
0x66: {  	[sflag:s31] =	ssyncset.done $0x0  }
0x67: {  	[sflag:s31] =	ssyncadd.s32 $0xFFFFE000  }
0x68: {  	_ =	swait.ge [sflag:s31], $0x2000  }
0x69: {  	[sflag:s31] =	ssyncset.done $0x0  }
0x6a: {  	[sflag:s31] =	ssyncadd.s32 $0xFFFFE000  }
0x6b: {  	_ =	swait.ge [sflag:s31], $0x2000  }
0x6c: {  	[sflag:s31] =	ssyncset.done $0x0  }
0x6d: {  	[sflag:s31] =	ssyncadd.s32 $0xFFFFE000  }
0x6e: {  	_ =	swait.ge [sflag:s31], $0x2000  }
0x6f: {  	[sflag:s31] =	ssyncset.done $0x0  }
0x70: {  	[sflag:s31] =	ssyncadd.s32 $0xFFFFE000  }
0x71: {  	[hbm4b:s24+s1] =	stream.strided.scatter [tilespmem:s12], [sflag:$0x3], $0xA000, s11, s1, $0x38;
	[tilespmem:$0x1A400] =	vst v63  }
0x72: {  	_ =	swait.ge [sflag:s0], $0x2000  }
0x73: {  	[sflag:s0] =	ssyncset.done $0x0  }
0x74: {  	[sflag:s0] =	ssyncadd.s32 $0xFFFFE000  }
0x75: {  	_ =	swait.ge [sflag:s0], $0x2000  }
0x76: {  	[sflag:s0] =	ssyncset.done $0x0  }
0x77: {  	[sflag:s0] =	ssyncadd.s32 $0xFFFFE000  }
0x78: {  	_ =	swait.ge [sflag:s0], $0x2000  }
0x79: {  	[sflag:s0] =	ssyncset.done $0x0  }
0x7a: {  	[sflag:s0] =	ssyncadd.s32 $0xFFFFE000  }
0x7b: {  	_ =	swait.ge [sflag:s0], $0x2000  }
0x7c: {  	[sflag:s0] =	ssyncset.done $0x0  }
0x7d: {  	[sflag:s0] =	ssyncadd.s32 $0xFFFFE000  }
0x7e: {  	_ =	swait.ge [sflag:s0], $0x2000  }
0x7f: {  	[sflag:s0] =	ssyncset.done $0x0  }
0x80: {  	[sflag:s0] =	ssyncadd.s32 $0xFFFFE000  }
0x81: {  	[hbm4b:s22+s1] =	stream.strided.scatter [tilespmem:s21], [sflag:$0x4], $0xA000, s11, s1, $0x38;
	[tilespmem:$0x1A400] =	vst v63  }
0x82: {  	_ =	swait.ge [sflag:s14], $0xA000  }
0x83: {  	s26 =	sshra.s32 s26, $0x2;
	[sflag:s14] =	ssyncset.done $0x0  }
0x84: {  	s29 =	sadd.s32 $0x500, s26;
	[sflag:s14] =	ssyncadd.s32 $0xFFFF6000  }
0x85: {  	[tilespmem:s12], [sflag:$0x1] =	stream.indirect.gather [hbm4b:s3+s11], $0x40, s29, s11, $0xb8;
	[tilespmem:$0x1A400] =	vst v63  }
0x86: {  	s29 =	sadd.s32 $0x580, s26  }
0x87: {  	[tilespmem:s13], [sflag:$0x1] =	stream.indirect.gather [hbm4b:s3+s11], $0x40, s29, s11, $0xb8;
	[tilespmem:$0x1A400] =	vst v63  }
0x88: {  	s29 =	sadd.s32 $0x600, s26  }
0x89: {  	[tilespmem:s15], [sflag:$0x1] =	stream.indirect.gather [hbm4b:s3+s11], $0x40, s29, s11, $0xb8;
	[tilespmem:$0x1A400] =	vst v63  }
0x8a: {  	s29 =	sadd.s32 $0x680, s26  }
0x8b: {  	[tilespmem:s17], [sflag:$0x1] =	stream.indirect.gather [hbm4b:s3+s11], $0x40, s29, s11, $0xb8;
	[tilespmem:$0x1A400] =	vst v63  }
0x8c: {  	s29 =	sadd.s32 $0x700, s26  }
0x8d: {  	[tilespmem:s19], [sflag:$0x1] =	stream.indirect.gather [hbm4b:s3+s11], $0x40, s29, s11, $0xb8;
	[tilespmem:$0x1A400] =	vst v63  }
0x8e: {  	_ =	swait.ge [sflag:s16], $0xA000  }
0x8f: {  	[sflag:s16] =	ssyncset.done $0x0  }
0x90: {  	s29 =	sadd.s32 $0x780, s26;
	[sflag:s16] =	ssyncadd.s32 $0xFFFF6000  }
0x91: {  	[tilespmem:s21], [sflag:$0x2] =	stream.indirect.gather [hbm4b:s3+s11], $0x40, s29, s11, $0xb8;
	[tilespmem:$0x1A400] =	vst v63  }
0x92: {  	s29 =	sadd.s32 $0x800, s26  }
0x93: {  	[tilespmem:s23], [sflag:$0x2] =	stream.indirect.gather [hbm4b:s3+s11], $0x40, s29, s11, $0xb8;
	[tilespmem:$0x1A400] =	vst v63  }
.Ltmp0:
0x94: {  	s29 =	sadd.s32 $0x880, s26;
	(pc) =	sbr.rel @p0 .LBB2_2-.Ltmp0, $4  }
0x95: {  	[tilespmem:s25], [sflag:$0x2] =	stream.indirect.gather [hbm4b:s3+s11], $0x40, s29, s11, $0xb8;
	[tilespmem:$0x1A400] =	vst v63  }
0x96: {  	s29 =	sadd.s32 $0x900, s26  }
0x97: {  	[tilespmem:s28], [sflag:$0x2] =	stream.indirect.gather [hbm4b:s3+s11], $0x40, s29, s11, $0xb8;
	[tilespmem:$0x1A400] =	vst v63  }
0x98: {  	s24 =	sadd.s32 $0x5000, s24;
	s22 =	sadd.s32 $0x5000, s22;
	s26 =	sadd.s32 $0x980, s26  }
0x99: {  	[tilespmem:s30], [sflag:$0x2] =	stream.indirect.gather [hbm4b:s3+s11], $0x40, s26, s11, $0xb8;
	[tilespmem:$0x1A400] =	vst v63  }
0x9a: {  	_ =	swait.ge [sflag:s31], $0x2000  }
0x9b: {  	[sflag:s31] =	ssyncset.done $0x0  }
0x9c: {  	[sflag:s31] =	ssyncadd.s32 $0xFFFFE000  }
0x9d: {  	_ =	swait.ge [sflag:s31], $0x2000  }
0x9e: {  	[sflag:s31] =	ssyncset.done $0x0  }
0x9f: {  	[sflag:s31] =	ssyncadd.s32 $0xFFFFE000  }
0xa0: {  	_ =	swait.ge [sflag:s31], $0x2000  }
0xa1: {  	[sflag:s31] =	ssyncset.done $0x0  }
0xa2: {  	[sflag:s31] =	ssyncadd.s32 $0xFFFFE000  }
0xa3: {  	_ =	swait.ge [sflag:s31], $0x2000  }
0xa4: {  	[sflag:s31] =	ssyncset.done $0x0  }
0xa5: {  	[sflag:s31] =	ssyncadd.s32 $0xFFFFE000  }
0xa6: {  	_ =	swait.ge [sflag:s31], $0x2000  }
0xa7: {  	[sflag:s31] =	ssyncset.done $0x0  }
0xa8: {  	[sflag:s31] =	ssyncadd.s32 $0xFFFFE000  }
0xa9: {  	[hbm4b:s5+s1] =	stream.strided.scatter [tilespmem:s12], [sflag:$0x3], $0xA000, s11, s1, $0x38;
	[tilespmem:$0x1A400] =	vst v63  }
0xaa: {  	_ =	swait.ge [sflag:s0], $0x2000  }
0xab: {  	[sflag:s0] =	ssyncset.done $0x0  }
0xac: {  	[sflag:s0] =	ssyncadd.s32 $0xFFFFE000  }
0xad: {  	_ =	swait.ge [sflag:s0], $0x2000  }
0xae: {  	[sflag:s0] =	ssyncset.done $0x0  }
0xaf: {  	[sflag:s0] =	ssyncadd.s32 $0xFFFFE000  }
0xb0: {  	_ =	swait.ge [sflag:s0], $0x2000  }
0xb1: {  	[sflag:s0] =	ssyncset.done $0x0  }
0xb2: {  	[sflag:s0] =	ssyncadd.s32 $0xFFFFE000  }
0xb3: {  	_ =	swait.ge [sflag:s0], $0x2000  }
0xb4: {  	[sflag:s0] =	ssyncset.done $0x0  }
0xb5: {  	[sflag:s0] =	ssyncadd.s32 $0xFFFFE000  }
0xb6: {  	_ =	swait.ge [sflag:s0], $0x2000  }
0xb7: {  	[sflag:s0] =	ssyncset.done $0x0  }
0xb8: {  	s18 =	sadd.s32 $0x1, s18;
	[sflag:s0] =	ssyncadd.s32 $0xFFFFE000  }
0xb9: {  	[hbm4b:s6+s1] =	stream.strided.scatter [tilespmem:s21], [sflag:$0x4], $0xA000, s11, s1, $0x38;
	[tilespmem:$0x1A400] =	vst v63  }
0xba: {  	p0 =	sne.s32 s18, s7;
	_ =	swait.ge [sflag:s14], $0xA000  }
.Ltmp1:
0xbb: {  	[sflag:s14] =	ssyncset.done $0x0;
	(pc) =	sbr.rel @p0 .LBB2_1-.Ltmp1, $4  }
0xbc: {  	[sflag:s14] =	ssyncadd.s32 $0xFFFF6000  }
0xbd: {  	_ =	swait.ge [sflag:s16], $0xA000  }
0xbe: {  	[sflag:s16] =	ssyncset.done $0x0  }
0xbf: {  	[sflag:s16] =	ssyncadd.s32 $0xFFFF6000  }
0xc0: {  	_ =	sfence.sel $0x180000  }
0xc1: {  	[bflag:$0x0] =	sbarrier.arrive $0xFFFF  }
0xc2: {  	_ =	strace $0x9000004A  }
0xc3: {  	s0 =	stileid.u32;
	[bflag:$0x2] =	sbarrier.arrive $0xFFFF  }
0xc4: {  	p0 =	sne.s32 s0, $0x0;
	s0 =	rddreg [dreg:$0x2]  }
0xc5: {  	s0 =	sadd.s32 @!p0 $0x100000, s0  }
0xc6: {  	[sflag:s0] =	ssyncadd.tile.s32 @!p0 $0x1;
	_ =	shalt  }
.Lfunc_end2:
_tile_overlayer_lowered:
.L_overlay_start_2:
0xc7: {  	(tag) =	ssettag $0x2  }
0xc8: {  	s0 =	rddreg [dreg:$0x0];
	s2 =	stileid.u32  }
0xc9: {  	s1 =	rddreg [dreg:$0x1];
	p0 =	sne.s32 s2, $0x0  }
0xca: {  	s3 =	rddreg [dreg:$0x2];
	[bflag:$0x3] =	sbarrier.arrive $0xFFFF;
	s2 =	simm.s32 @!p0 $0x1C05  }
0xcb: {  	[timem:s3], [sflag:s2] =	dma.local @!p0 [hbm:s0], s1  }
0xcc: {  	s0 =	simm.s32 @!p0 $0x5  }
0xcd: {  	_ =	swait.ge @!p0 [sflag:s0], s1  }
0xce: {  	s1 =	ssub.s32 @!p0 $0x0, s1;
	[sflag:s0] =	ssyncset.done @!p0 $0x0  }
0xcf: {  	[sflag:s0] =	ssyncadd.s32 @!p0 s1  }
0xd0: {  	[bflag:$0x3] =	sbarrier.arrive $0xFFFF  }
0xd1: {  	_ =	shalt  }

// kernel: sparse-core-data-format-call.cloned.1.call-start
scs
called_computation_lowered:
.L_overlay_start_0:
0x0: {  	s2 =	sld [smem:$0x3FD9]  }
0x1: {  	s3 =	sld [smem:$0x3FFE];
	_ =	sdelay $0x1  }
0x2: {  	s1 =	srdreg.scid  }
0x3: {  	s0 =	sand.u32 $0x1, s1  }
0x4: {  	s18 =	sshll.u32 s0, $0xA;
	s2 =	sadd.s32 s3, s2  }
0x5: {  	s2 =	sadd.s32 s2, s18  }
0x6: {  	[smem:$0x3FC6] =	sst s2  }
0x7: {  	_ = 	snop  }
0x8: {  	s2 =	sld [smem:$0x3FD0];
	(tm) =	ssettm $0x1  }
0x9: {  	s19 =	sld [smem:$0x3FFB];
	_ =	sdelay $0x3  }
0xa: {  	_ =	strace s19  }
0xb: {  	s3 =	sld [smem:$0x3FFC];
	_ =	sdelay $0x3  }
0xc: {  	_ =	strace s3  }
0xd: {  	s3 =	sld [smem:$0x3FFD];
	_ =	sdelay $0x3  }
0xe: {  	_ =	strace s3  }
0xf: {  	_ =	strace $0x8FFFFFFF  }
0x10: {  	s20 =	sld [smem:$0x3FDB];
	_ =	sdelay $0x1  }
0x11: {  	s4 =	simm.s32 $_scs_section_size  }
0x12: {  	s5 =	simm.s32 $_size__tile_overlayer_lowered;
	s6 =	simm.s32 $_tile_overlayer_lowered  }
0x13: {  	s23 =	simm.s32 $0x1BFF;
	s22 =	sshll.u32 s6, $0x1;
	s3 =	sadd.s32 s4, s20  }
0x14: {  	s7 =	simm.s32 $0x0;
	s21 =	sshll.u32 s5, $0x1;
	s5 =	sadd.s32 s22, s3  }
0x15: {  	[timem:s7], [sflag:s23] =	dma.local [hbm:s5], s21  }
0x16: {  	_ =	swait.ge [sflag:s23], s21  }
0x17: {  	s4 =	ssub.s32 $0x0, s21;
	[sflag:s23] =	ssyncset.done $0x0  }
0x18: {  	[sflag:s23] =	ssyncadd.s32 s4;
	_ =	sdelay $0x1  }
0x19: {  	s24 =	simm.s32 $0x1B8B  }
0x1a: {  	_ =	swait.ge [sflag:s24], $0x1  }
0x1b: {  	[sflag:s24] =	ssyncset.done $0x0  }
0x1c: {  	s26 =	simm.s32 $0x1B8E;
	s25 =	sld [smem:$0x3FFE];
	[sflag:s24] =	ssyncadd.s32 $0xFFFFFFFF  }
0x1d: {  	s27 =	simm.s32 $execute0_lowered;
	[smem:$0x3FD2] =	sst s26  }
0x1e: {  	s5 =	sshll.u32 s27, $0x1;
	_ =	strace $0x8000004C;
	[dreg:$0x1] =	wrdreg $0xFFFFFFFF  }
0x1f: {  	s28 =	simm.s32 $_size_execute0_lowered;
	s3 =	sadd.s32 s3, s5;
	[dreg:$0x0] =	wrdreg $0x0  }
0x20: {  	s5 =	sshll.u32 s28, $0x1;
	[dreg:$0x2] =	wrdreg s3  }
0x21: {  	[dreg:$0x3] =	wrdreg s5  }
0x22: {  	[dreg:$0x4] =	wrdreg $0xC0  }
0x23: {  	_ =	task [dreg:s7], $0x5FFFF  }
0x24: {  	[dreg:$0x1] =	wrdreg $0xFFFFFFFF  }
0x25: {  	[dreg:$0x0] =	wrdreg $0x60  }
0x26: {  	[dreg:$0x2] =	wrdreg s25  }
0x27: {  	[dreg:$0x3] =	wrdreg s2  }
0x28: {  	[dreg:$0x4] =	wrdreg $0x9  }
0x29: {  	_ =	task.clear_ibuf [dreg:s7], $0x5FFFF;
	_ =	strace $0x9000004C  }
0x2a: {  	s29 =	simm.s32 $0x9;
	_ =	strace $0x8000004E  }
0x2b: {  	_ =	swait.ge [sflag:s29], $0x1  }
0x2c: {  	[sflag:s29] =	ssyncadd.s32 $0xFFFFFFFF  }
0x2d: {  	_ =	strace $0x9000004E  }
0x2e: {  	_ =	sfence  }
0x2f: {  	s30 =	sld [smem:$0x0];
	_ =	sdelay $0x2  }
0x30: {  	s31 =	sshll.u32 s1, $0xD;
	s1 =	sshrl.u32 s1, $0x2  }
0x31: {  	s3 =	sand.u32 $0x4000, s31;
	s1 =	sadd.s32 s1, s30  }
0x32: {  	s0 =	sor.u32 s3, s0;
	s1 =	sshll.u32 s1, $0x11  }
0x33: {  	s0 =	sor.u32 s1, s0  }
0x34: {  	s0 =	sadd.s32 $0x8F2B, s0  }
0x35: {  	[sflag:s0] =	ssyncadd.remote.s32 $0x1  }
0x36: {  	_ =	sfence.sel $0xFFFF  }
0x37: {  	[dreg:$0x0] =	wrdreg $0xFFFFFFFF;
	(pc) =	sbr.abs _section_cstart, $3  }
0x38: {  	[dreg:$0x1] =	wrdreg $0xFFFFFFFF  }
0x39: {  	_ =	task.clear_ibuf [dreg:s7], $0x2FFFF;
	_ =	strace $0x9FFFFFFF  }
0x3a: {  	(tm) =	ssettm $0x7FFFFFFF  }
0x3b: {  	_ =	shalt  }
tec
execute0_lowered:
.L_overlay_start_1:
0x0: {  	(tag) =	ssettag $0x1  }
0x1: {  	s0 =	srdreg.scid  }
0x2: {  	s1 =	sshll.u32 s0, $0x4  }
0x3: {  	s0 =	stileid.u32;
	s1 =	sand.u32 $0x10, s1  }
0x4: {  	s1 =	sor.u32 s0, s1  }
0x5: {  	s6 =	rddreg [dreg:$0x0];
	s4 =	simm.s32 $0x1;
	s2 =	sshll.u32 s1, $0x7  }
0x6: {  	s7 =	simm.s32 $0x2;
	s12 =	simm.s32 $0x0;
	s1 =	ssub.s32 $0x1000, s2  }
0x7: {  	s8 =	simm.s32 $0x8000;
	s13 =	simm.s32 $0x0;
	s3 =	sand.u32 $0xF80, s1  }
0x8: {  	s9 =	simm.s32 $0x0;
	s5 =	sshrl.u32 s1, $0xC;
	p0 =	sne.s32 s3, $0x0  }
.Ltmp0:
0x9: {  	s1 =	rddreg [dreg:$0x2];
	s4 =	simm.s32 @!p0 $0x0;
	(pc) =	sbr.rel .LBB1_1-.Ltmp0, $4  }
0xa: {  	s11 =	simm.s32 $0x0;
	s3 =	rddreg [dreg:$0x1];
	s5 =	sadd.s32 s4, s5  }
0xb: {  	_ =	strace $0x8000004D;
	s4 =	simm.s32 $0x1;
	s5 =	smul.u32 $0xC8, s5  }
0xc: {  	s6 =	sadd.s32 $0x7A2400, s6;
	s10 =	smov.u32 s2;
	[sflag:s4] =	ssyncpa.u1 $0x0  }
0xd: {  	p0 =	por $0x0, $0x0;
	[sflag:s7] =	ssyncpa.u1 $0x0;
	s7 =	sor.u32 $0x1, s5  }
.LBB1_4:
0xe: {  	s16 =	sshll.u32 s13, $0x3;
	s17 =	sand.u32 $0x78, s13  }
0xf: {  	s30 =	sand.u32 $0x7E00, s13;
	s12 =	sshll.u32 s12, $0xF;
	s16 =	sand.u32 $0xC00, s16  }
0x10: {  	[tilespmem:s15+$0x810 ss:$0x81] =	vst.msk $0xffff, v2;
	s31 =	sand.u32 $0x7, s13;
	s16 =	sor.u32 s17, s16;
	s17 =	sadd.s32 s3, s30  }
0x11: {  	[tilespmem:s15+$0x1020 ss:$0x81] =	vst.msk $0xffff, v0;
	s13 =	sshll.u32 s31, $0x12;
	s12 =	sadd.s32 s12, s17;
	s16 =	sshrl.u32 s16, $0x3  }
0x12: {  	[tilespmem:s15+$0x0 ss:$0x81] =	vst.msk $0xffff, v1;
	s13 =	sor.u32 $0x400, s13;
	s12 =	sadd.s32 s16, s12  }
0x13: {  	[hbm4b:s12+s13] =	stream.strided.scatter [tilespmem:s14], [sflag:$0x2], $0x2000, s8, s13, $0x20;
	[tilespmem:$0x8080] =	vst v63  }
.LBB1_5:
0x14: {  	s14 =	sadd.s32 $0x1, s9  }
0x15: {  	s12 =	sadd.s32 $0x1000, s10;
	s16 =	smov.u32 s10;
	p2 =	sgt.s32 s14, $0xC7  }
0x16: {  	s16 =	smov.u32 @p2 s12  }
0x17: {  	s14 =	simm.s32 @p2 $0x0;
	p2 =	sgt.s32 s16, $0xFFF  }
0x18: {  	s16 =	smov.u32 @p2 s2;
	p2 =	sne.s32 s11, s7  }
.Ltmp1:
0x19: {  	p1 =	slt.u32 s11, $0x2;
	(pc) =	sbr.rel @!p2 .LBB1_6-.Ltmp1, $4  }
0x1a: {  	s15 =	simm.s32 @!p1 $0x2  }
0x1b: {  	s13 =	smov.u32 s10;
	p0 =	por !p0, !p0;
	_ =	swait.ge @!p1 [sflag:s15], $0x2000  }
0x1c: {  	s12 =	smov.u32 s9;
	[sflag:s15] =	ssyncset.done @!p1 $0x0;
	s9 =	smov.u32 s14  }
0x1d: {  	s11 =	sadd.s32 $0x1, s11;
	[sflag:s15] =	ssyncadd.s32 @!p1 $0xFFFFE000;
	s10 =	smov.u32 s16  }
.LBB1_1:
0x1e: {  	p1 =	sge.u32 s11, s5  }
0x1f: {  	s14 =	sand.u32 @!p1 $0x1FFFFFF, s9  }
0x20: {  	s15 =	smulhi.u32 @!p1 $0x147AE15, s14;
	_ =	sdelay $0x1  }
0x21: {  	s15 =	smul.u32 @!p1 $0xC8, s15  }
0x22: {  	s16 =	sxor.u32 @!p1 $0xFFFFFFFF, s11;
	s17 =	smul.u32 @!p1 $0xC80, s10  }
0x23: {  	s31 =	sadd.s32 $0xFFFFFFFF, s11;
	s16 =	sshll.u32 @!p1 s16, $0xD;
	s14 =	ssub.s32 @!p1 s14, s15  }
0x24: {  	s15 =	sand.u32 @!p1 $0x2000, s16;
	s16 =	sadd.s32 @!p1 s6, s17;
	s14 =	sshll.u32 @!p1 s14, $0x4  }
0x25: {  	s17 =	simm.s32 @!p1 $0x6400;
	s14 =	sadd.s32 @!p1 s14, s16;
	s16 =	simm.s32 @!p1 $0x40  }
0x26: {  	[tilespmem:s15], [sflag:$0x1] =	stream.strided.gather @!p1 [hbm4b:s14+s16], $0x2000, s17, s16, $0x38;
	[tilespmem:$0x8080] =	vst v63  }
0x27: {  	p1 =	sge.u32 s31, s5  }
.Ltmp2:
0x28: {  	_ = 	snop;
	(pc) =	sbr.rel @p1 .LBB1_5-.Ltmp2, $1  }
0x29: {  	_ =	sdelay $0x3  }
0x2a: {  	s14 =	simm.s32 $0x1  }
0x2b: {  	_ =	swait.ge [sflag:s4], $0x2000;
	s14 =	simm.s32 @!p0 $0x0  }
0x2c: {  	[sflag:s4] =	ssyncset.done $0x0;
	s15 =	sshll.u32 s14, $0xD  }
0x2d: {  	[sflag:s4] =	ssyncadd.s32 $0xFFFFE000;
	s18 =	sor.u32 $0x20, s15  }
0x2e: {  	s14 =	smul.u32 $0x8100, s14;
	v3 =	vld [tilespmem:s18+$0x10]  }
0x2f: {  	s30 =	sand.u32 $0x1, s11;
	v2 =	vld [tilespmem:s18+$0xFFFFFFF0]  }
0x30: {  	s15 =	smul.u32 $0x8100, s30;
	s14 =	sshrl.u32 s14, $0x2;
	v0 =	vld [tilespmem:s18+$0x0]  }
0x31: {  	v1 =	vld [tilespmem:s18+$0xFFFFFFE0];
	s16 =	sor.u32 $0x4000, s14  }
0x32: {  	s31 =	sshrl.u32 s15, $0x2;
	s15 =	sadd.s32 $0x0, s16  }
0x33: {  	s17 =	simm.s32 $0x4;
	s18 =	sadd.s32 $0x40, s18;
	s14 =	sor.u32 $0x4000, s31;
	[tilespmem:s15+$0x1830 ss:$0x81] =	vst.msk $0xffff, v3  }
.LBB1_3:
0x34: {  	v3 =	vld [tilespmem:s18+$0x10];
	p1 =	sne.s32 s17, $0x1FC;
	[tilespmem:s15+$0x810 ss:$0x81] =	vst.msk $0xffff, v2;
	s19 =	smov.u32 s17;
	s17 =	sadd.s32 $0x4, s17  }
.Ltmp3:
0x35: {  	v2 =	vld [tilespmem:s18+$0xFFFFFFF0];
	[tilespmem:s15+$0x1020 ss:$0x81] =	vst.msk $0xffff, v0;
	(pc) =	sbr.rel @p1 .LBB1_3-.Ltmp3, $4  }
0x36: {  	v0 =	vld [tilespmem:s18+$0x0];
	[tilespmem:s15+$0x0 ss:$0x81] =	vst.msk $0xffff, v1  }
0x37: {  	s15 =	sshra.s32 s19, $0x2;
	v1 =	vld [tilespmem:s18+$0xFFFFFFE0]  }
0x38: {  	s15 =	sadd.s32 s15, s16  }
0x39: {  	s18 =	sadd.s32 $0x40, s18;
	[tilespmem:s15+$0x1830 ss:$0x81] =	vst.msk $0xffff, v3  }
.Ltmp4:
0x3a: {  	_ = 	snop;
	(pc) =	sbr.rel .LBB1_4-.Ltmp4, $1  }
0x3b: {  	_ =	sdelay $0x3  }
.LBB1_6:
0x3c: {  	_ =	sfence.sel $0x180000  }
0x3d: {  	s2 =	simm.s32 $0x1;
	[bflag:$0x0] =	sbarrier.arrive $0xFFFF  }
0x3e: {  	s31 =	simm.s32 $0x2;
	[sflag:s2] =	ssyncpa.u1 $0x1  }
0x3f: {  	[sflag:s31] =	ssyncpa.u1 $0x1  }
0x40: {  	p0 =	sne.s32 s0, $0x0;
	_ =	strace $0x9000004D  }
0x41: {  	s0 =	sadd.s32 @!p0 $0x100000, s1;
	[bflag:$0x2] =	sbarrier.arrive $0xFFFF  }
0x42: {  	[sflag:s0] =	ssyncadd.tile.s32 @!p0 $0x1;
	_ =	shalt  }
.Lfunc_end1:
_tile_overlayer_lowered:
.L_overlay_start_2:
0x43: {  	(tag) =	ssettag $0x2  }
0x44: {  	s0 =	rddreg [dreg:$0x0];
	s2 =	stileid.u32  }
0x45: {  	s1 =	rddreg [dreg:$0x1];
	p0 =	sne.s32 s2, $0x0  }
0x46: {  	s3 =	rddreg [dreg:$0x2];
	[bflag:$0x3] =	sbarrier.arrive $0xFFFF;
	s2 =	simm.s32 @!p0 $0x1C01  }
0x47: {  	[timem:s3], [sflag:s2] =	dma.local @!p0 [hbm:s0], s1  }
0x48: {  	s0 =	simm.s32 @!p0 $0x1  }
0x49: {  	_ =	swait.ge @!p0 [sflag:s0], s1  }
0x4a: {  	s1 =	ssub.s32 @!p0 $0x0, s1;
	[sflag:s0] =	ssyncset.done @!p0 $0x0  }
0x4b: {  	[sflag:s0] =	ssyncadd.s32 @!p0 s1  }
0x4c: {  	[bflag:$0x3] =	sbarrier.arrive $0xFFFF  }
0x4d: {  	_ =	shalt  }

</sc_bundles>
